<compile_context>
chip_gen: v7x
topology: tpu7x:2x2x1
jax: 0.10.2.dev20260603
libtpu: 0.0.44.dev20260713+nightly
codegen_flags: <defaults>
</compile_context>

<pallas_src>
import functools

import jax
import jax.numpy as jnp
from jax import lax
from jax.experimental import pallas as pl
from jax.experimental.pallas import tpu as pltpu
from jax.experimental.pallas import tpu_sc as plsc

_NC, _NS, _LANES = 2, 16, 16
_NBUF = 5
_BB = 128


@jax.jit
def kernel(x, emb_table, pos_table):
    B, L = x.shape
    V, H = emb_table.shape
    x4 = (x.astype(jnp.int32).T.reshape(L // 8, 8, B // _BB, _BB)
          .transpose(0, 2, 1, 3))
    pos = pos_table[:L].astype(jnp.float32)
    out5 = _build(B, L, H)(x4, emb_table, pos)
    return out5.transpose(2, 4, 0, 1, 3).reshape(B, L, H)


@functools.lru_cache(maxsize=None)
def _build(B, L, H):
    NW = _NC * _NS
    assert B == _BB * NW, (B, NW)
    assert H % _LANES == 0 and _BB % _LANES == 0
    assert L % 8 == 0
    assert L >= 2 * _NBUF and (L - 1 - (_NBUF - 1)) % _NBUF == 0
    HG = H // 8
    mesh = plsc.VectorSubcoreMesh(core_axis_name="c", subcore_axis_name="s")

    scratch = [
        pltpu.VMEM((L, H), jnp.float32),
        pltpu.VMEM((_NBUF, _BB), jnp.int32),
        pltpu.VMEM((_NBUF, _BB, H), jnp.float32),
        pltpu.VMEM((_NBUF, HG, 8, _BB + 1), jnp.float32),
    ] + [pltpu.SemaphoreType.DMA] * (3 * _NBUF)

    @functools.partial(
        pl.kernel,
        out_type=jax.ShapeDtypeStruct((L, HG, B // _BB, 8, _BB),
                                      jnp.float32),
        mesh=mesh,
        scratch_types=scratch,
        compiler_params=pltpu.CompilerParams(use_tc_tiling_on_sc=False,
                                             needs_layout_passes=False,
                                             disable_bounds_checks=True),
    )
    def k(xt_hbm, emb_hbm, pos_hbm, out_hbm, pos_v, idx_v, rows_v, tr_v,
          *sems):
        sem_i = sems[0:_NBUF]
        sem_g = sems[_NBUF:2 * _NBUF]
        sem_s = sems[2 * _NBUF:3 * _NBUF]
        wid = lax.axis_index("s") * _NC + lax.axis_index("c")
        pltpu.sync_copy(pos_hbm, pos_v)

        iot = lax.iota(jnp.int32, _LANES)
        h1c = [(q * _LANES + iot) // 8 for q in range(H // _LANES)]
        h2c = [(q * _LANES + iot) % 8 for q in range(H // _LANES)]

        def fire_idx(l, s):
            pltpu.async_copy(xt_hbm.at[l // 8, wid, l % 8], idx_v.at[s],
                             sem_i[s])

        def wait_idx(s):
            pltpu.make_async_copy(xt_hbm.at[0, 0, 0], idx_v.at[s],
                                  sem_i[s]).wait()

        def fire_gather(s):
            pltpu.async_copy(emb_hbm.at[idx_v.at[s]], rows_v.at[s], sem_g[s])

        def wait_gather(s):
            pltpu.make_async_copy(out_hbm.at[0, :, 0], rows_v.at[s],
                                  sem_g[s]).wait()

        def fire_store(l, s):
            pltpu.async_copy(tr_v.at[s, :, :, pl.ds(0, _BB)],
                             out_hbm.at[l, :, wid], sem_s[s])

        def wait_store(s):
            pltpu.make_async_copy(tr_v.at[s, :, :, pl.ds(0, _BB)],
                                  out_hbm.at[0, :, 0], sem_s[s]).wait()

        def transpose_add(l, s):
            pos_q = [pos_v[l, pl.ds(q * _LANES, _LANES)]
                     for q in range(H // _LANES)]
            tr = tr_v.at[s]

            @plsc.parallel_loop(0, _BB, unroll=4)
            def body_t(t):
                tspl = jnp.broadcast_to(t, (_LANES,))
                for q in range(H // _LANES):
                    v = rows_v[s, t, pl.ds(q * _LANES, _LANES)] + pos_q[q]
                    plsc.store_scatter(tr, [h1c[q], h2c[q], tspl], v)

        for j in range(_NBUF - 1):
            fire_idx(j, j)
            wait_idx(j)
            fire_gather(j)

        def step(l, s, prefetch, first=False):
            sp = (s + _NBUF - 1) % _NBUF
            if prefetch:
                fire_idx(l + (_NBUF - 1), sp)
            wait_gather(s)
            transpose_add(l, s)
            fire_store(l, s)
            if prefetch:
                if not first:
                    wait_store(sp)
                wait_idx(sp)
                fire_gather(sp)

        step(0, 0, prefetch=True, first=True)

        n_main = L - 1 - (_NBUF - 1)

        def main_body(t, c):
            for u in range(_NBUF):
                l = 1 + t * _NBUF + u
                step(l, (1 + u) % _NBUF, prefetch=True)
            return c

        lax.fori_loop(0, n_main // _NBUF, main_body, 0)

        for l in range(L - (_NBUF - 1), L):
            step(l, l % _NBUF, prefetch=False)

        for s in range(_NBUF):
            wait_store(s)

    return k

# --- scband reference (transcript-rebuilt; emitter-appended) ---
"""Pipeline reference for scband-token-embedding-68813966016975 (READ-ONLY COPY).

The authoritative reference and input builder live on the scoring server;
editing this copy changes nothing except your own understanding.
"""

import jax, jax.numpy as jnp
import numpy as np

NUM_VOCAB = 100000
MAXLEN = 200
NUM_HID = 64
BATCH = 4096
SEQ = 200

def setup_inputs(seed: int = 0) -> dict:
    key = jax.random.key(seed)
    k1, k2, k3 = jax.random.split(key, 3)
    x = jax.random.randint(k1, (BATCH, SEQ), 0, NUM_VOCAB, dtype=jnp.int64 if jax.config.jax_enable_x64 else jnp.int32)
    emb_table = jax.random.normal(k2, (NUM_VOCAB, NUM_HID), dtype=jnp.float32) * 0.02
    pos_table = jax.random.normal(k3, (MAXLEN, NUM_HID), dtype=jnp.float32) * 0.02
    return {"x": x, "emb_table": emb_table, "pos_table": pos_table}

def reference(x, emb_table, pos_table):
    L = x.shape[-1]
    tok = jnp.take(emb_table, x, axis=0)  # [B, L, H] gather
    pos = jnp.take(pos_table, jnp.arange(L), axis=0)  # [L, H]
    return tok + pos

if __name__ == "__main__":
    import jax
    _d = setup_inputs()
    print(jax.jit(kernel)(*tuple(_d.values())))

</pallas_src>

<mosaic_0001>
#map = affine_map<(d0, d1) -> (0, 0, 0, 0)>
#map1 = affine_map<(d0, d1) -> (0, 0)>
#map2 = affine_map<(d0, d1) -> (0, 0, 0, 0, 0)>
module attributes {stable_mosaic.version = 14 : i64} {
  func.func @k(%arg0: i32, %arg1: i32, %arg2: memref<25x32x8x128xi32, #tpu.memory_space<hbm>>, %arg3: memref<100000x64xf32, #tpu.memory_space<hbm>>, %arg4: memref<200x64xf32, #tpu.memory_space<hbm>>, %arg5: memref<200x8x32x8x128xf32, #tpu.memory_space<hbm>>, %arg6: memref<200x64xf32, #tpu.memory_space<vmem>>, %arg7: memref<5x128xi32, #tpu.memory_space<vmem>>, %arg8: memref<5x128x64xf32, #tpu.memory_space<vmem>>, %arg9: memref<5x8x8x129xf32, #tpu.memory_space<vmem>>, %arg10: memref<!tpu.dma_semaphore, #tpu.memory_space<semaphore_mem>>, %arg11: memref<!tpu.dma_semaphore, #tpu.memory_space<semaphore_mem>>, %arg12: memref<!tpu.dma_semaphore, #tpu.memory_space<semaphore_mem>>, %arg13: memref<!tpu.dma_semaphore, #tpu.memory_space<semaphore_mem>>, %arg14: memref<!tpu.dma_semaphore, #tpu.memory_space<semaphore_mem>>, %arg15: memref<!tpu.dma_semaphore, #tpu.memory_space<semaphore_mem>>, %arg16: memref<!tpu.dma_semaphore, #tpu.memory_space<semaphore_mem>>, %arg17: memref<!tpu.dma_semaphore, #tpu.memory_space<semaphore_mem>>, %arg18: memref<!tpu.dma_semaphore, #tpu.memory_space<semaphore_mem>>, %arg19: memref<!tpu.dma_semaphore, #tpu.memory_space<semaphore_mem>>, %arg20: memref<!tpu.dma_semaphore, #tpu.memory_space<semaphore_mem>>, %arg21: memref<!tpu.dma_semaphore, #tpu.memory_space<semaphore_mem>>, %arg22: memref<!tpu.dma_semaphore, #tpu.memory_space<semaphore_mem>>, %arg23: memref<!tpu.dma_semaphore, #tpu.memory_space<semaphore_mem>>, %arg24: memref<!tpu.dma_semaphore, #tpu.memory_space<semaphore_mem>>) attributes {dimension_semantics = [#tpu.dimension_semantics<core_parallel>, #tpu.dimension_semantics<subcore_parallel>], iteration_bounds = array<i64: 2, 16>, scalar_prefetch = 0 : i64, scratch_operands = 19 : i64, tpu.core_type = #tpu.core_type<sc_vector_subcore>, window_params = [{transform_indices = #map}, {transform_indices = #map1}, {transform_indices = #map1}, {transform_indices = #map2}]} {
    %mul3A = arith.constant 2 : i32
    %mul3A_0 = arith.muli %arg1, %mul3A : i32
    %add3A = arith.addi %mul3A_0, %arg0 : i32
    "tpu.region"() ({
      %run_scoped3A = tpu.sem_alloc : memref<!tpu.dma_semaphore, #tpu.memory_space<semaphore_mem>>
      tpu.enqueue_dma source(%arg4 : memref<200x64xf32, #tpu.memory_space<hbm>>) target(%arg6 : memref<200x64xf32, #tpu.memory_space<vmem>>) target_semaphore(%run_scoped3A : memref<!tpu.dma_semaphore, #tpu.memory_space<semaphore_mem>>)
      tpu.wait_dma2 semaphore(%run_scoped3A : memref<!tpu.dma_semaphore, #tpu.memory_space<semaphore_mem>>) src(%arg4 : memref<200x64xf32, #tpu.memory_space<hbm>>) dst(%arg6 : memref<200x64xf32, #tpu.memory_space<vmem>>)
      tpu.yield
    }) : () -> ()
    %iota3A = tpu.iota {dimensions = array<i32: 0>} : vector<16xi32>
    %add3A_1 = arith.constant 0 : i32
    %add3A_2 = vector.broadcast %add3A_1 : i32 to vector<16xi32>
    %add3A_3 = arith.addi %add3A_2, %iota3A : vector<16xi32>
    %jit3A = arith.constant 8 : i32
    %div3A = vector.broadcast %jit3A : i32 to vector<16xi32>
    %div3A_4 = arith.divsi %add3A_3, %div3A : vector<16xi32>
    %sign3A = arith.constant 0 : i32
    %sign3A_5 = vector.broadcast %sign3A : i32 to vector<16xi32>
    %sign3A_6 = arith.cmpi sgt, %add3A_3, %sign3A_5 : vector<16xi32>
    %sign3A_7 = arith.extui %sign3A_6 : vector<16xi1> to vector<16xi32>
    %sign3A_8 = arith.constant 0 : i32
    %sign3A_9 = vector.broadcast %sign3A_8 : i32 to vector<16xi32>
    %sign3A_10 = arith.cmpi slt, %add3A_3, %sign3A_9 : vector<16xi32>
    %sign3A_11 = arith.extui %sign3A_10 : vector<16xi1> to vector<16xi32>
    %sign3A_12 = arith.subi %sign3A_7, %sign3A_11 : vector<16xi32>
    %sign3A_13 = arith.constant 0 : i32
    %sign3A_14 = arith.cmpi sgt, %jit3A, %sign3A_13 : i32
    %sign3A_15 = arith.extui %sign3A_14 : i1 to i32
    %sign3A_16 = arith.constant 0 : i32
    %sign3A_17 = arith.cmpi slt, %jit3A, %sign3A_16 : i32
    %sign3A_18 = arith.extui %sign3A_17 : i1 to i32
    %sign3A_19 = arith.subi %sign3A_15, %sign3A_18 : i32
    %ne3A = vector.broadcast %sign3A_19 : i32 to vector<16xi32>
    %ne3A_20 = arith.cmpi ne, %sign3A_12, %ne3A : vector<16xi32>
    %rem3A = vector.broadcast %jit3A : i32 to vector<16xi32>
    %rem3A_21 = arith.remsi %add3A_3, %rem3A : vector<16xi32>
    %ne3A_22 = arith.constant 0 : i32
    %ne3A_23 = vector.broadcast %ne3A_22 : i32 to vector<16xi32>
    %ne3A_24 = arith.cmpi ne, %rem3A_21, %ne3A_23 : vector<16xi32>
    %and3A = arith.andi %ne3A_20, %ne3A_24 : vector<16xi1>
    %sub3A = arith.constant 1 : i32
    %sub3A_25 = vector.broadcast %sub3A : i32 to vector<16xi32>
    %sub3A_26 = arith.subi %div3A_4, %sub3A_25 : vector<16xi32>
    %select_n3A = arith.select %and3A, %sub3A_26, %div3A_4 : vector<16xi1>, vector<16xi32>
    %add3A_27 = arith.constant 16 : i32
    %add3A_28 = vector.broadcast %add3A_27 : i32 to vector<16xi32>
    %add3A_29 = arith.addi %add3A_28, %iota3A : vector<16xi32>
    %jit3A_30 = arith.constant 8 : i32
    %div3A_31 = vector.broadcast %jit3A_30 : i32 to vector<16xi32>
    %div3A_32 = arith.divsi %add3A_29, %div3A_31 : vector<16xi32>
    %sign3A_33 = arith.constant 0 : i32
    %sign3A_34 = vector.broadcast %sign3A_33 : i32 to vector<16xi32>
    %sign3A_35 = arith.cmpi sgt, %add3A_29, %sign3A_34 : vector<16xi32>
    %sign3A_36 = arith.extui %sign3A_35 : vector<16xi1> to vector<16xi32>
    %sign3A_37 = arith.constant 0 : i32
    %sign3A_38 = vector.broadcast %sign3A_37 : i32 to vector<16xi32>
    %sign3A_39 = arith.cmpi slt, %add3A_29, %sign3A_38 : vector<16xi32>
    %sign3A_40 = arith.extui %sign3A_39 : vector<16xi1> to vector<16xi32>
    %sign3A_41 = arith.subi %sign3A_36, %sign3A_40 : vector<16xi32>
    %sign3A_42 = arith.constant 0 : i32
    %sign3A_43 = arith.cmpi sgt, %jit3A_30, %sign3A_42 : i32
    %sign3A_44 = arith.extui %sign3A_43 : i1 to i32
    %sign3A_45 = arith.constant 0 : i32
    %sign3A_46 = arith.cmpi slt, %jit3A_30, %sign3A_45 : i32
    %sign3A_47 = arith.extui %sign3A_46 : i1 to i32
    %sign3A_48 = arith.subi %sign3A_44, %sign3A_47 : i32
    %ne3A_49 = vector.broadcast %sign3A_48 : i32 to vector<16xi32>
    %ne3A_50 = arith.cmpi ne, %sign3A_41, %ne3A_49 : vector<16xi32>
    %rem3A_51 = vector.broadcast %jit3A_30 : i32 to vector<16xi32>
    %rem3A_52 = arith.remsi %add3A_29, %rem3A_51 : vector<16xi32>
    %ne3A_53 = arith.constant 0 : i32
    %ne3A_54 = vector.broadcast %ne3A_53 : i32 to vector<16xi32>
    %ne3A_55 = arith.cmpi ne, %rem3A_52, %ne3A_54 : vector<16xi32>
    %and3A_56 = arith.andi %ne3A_50, %ne3A_55 : vector<16xi1>
    %sub3A_57 = arith.constant 1 : i32
    %sub3A_58 = vector.broadcast %sub3A_57 : i32 to vector<16xi32>
    %sub3A_59 = arith.subi %div3A_32, %sub3A_58 : vector<16xi32>
    %select_n3A_60 = arith.select %and3A_56, %sub3A_59, %div3A_32 : vector<16xi1>, vector<16xi32>
    %add3A_61 = arith.constant 32 : i32
    %add3A_62 = vector.broadcast %add3A_61 : i32 to vector<16xi32>
    %add3A_63 = arith.addi %add3A_62, %iota3A : vector<16xi32>
    %jit3A_64 = arith.constant 8 : i32
    %div3A_65 = vector.broadcast %jit3A_64 : i32 to vector<16xi32>
    %div3A_66 = arith.divsi %add3A_63, %div3A_65 : vector<16xi32>
    %sign3A_67 = arith.constant 0 : i32
    %sign3A_68 = vector.broadcast %sign3A_67 : i32 to vector<16xi32>
    %sign3A_69 = arith.cmpi sgt, %add3A_63, %sign3A_68 : vector<16xi32>
    %sign3A_70 = arith.extui %sign3A_69 : vector<16xi1> to vector<16xi32>
    %sign3A_71 = arith.constant 0 : i32
    %sign3A_72 = vector.broadcast %sign3A_71 : i32 to vector<16xi32>
    %sign3A_73 = arith.cmpi slt, %add3A_63, %sign3A_72 : vector<16xi32>
    %sign3A_74 = arith.extui %sign3A_73 : vector<16xi1> to vector<16xi32>
    %sign3A_75 = arith.subi %sign3A_70, %sign3A_74 : vector<16xi32>
    %sign3A_76 = arith.constant 0 : i32
    %sign3A_77 = arith.cmpi sgt, %jit3A_64, %sign3A_76 : i32
    %sign3A_78 = arith.extui %sign3A_77 : i1 to i32
    %sign3A_79 = arith.constant 0 : i32
    %sign3A_80 = arith.cmpi slt, %jit3A_64, %sign3A_79 : i32
    %sign3A_81 = arith.extui %sign3A_80 : i1 to i32
    %sign3A_82 = arith.subi %sign3A_78, %sign3A_81 : i32
    %ne3A_83 = vector.broadcast %sign3A_82 : i32 to vector<16xi32>
    %ne3A_84 = arith.cmpi ne, %sign3A_75, %ne3A_83 : vector<16xi32>
    %rem3A_85 = vector.broadcast %jit3A_64 : i32 to vector<16xi32>
    %rem3A_86 = arith.remsi %add3A_63, %rem3A_85 : vector<16xi32>
    %ne3A_87 = arith.constant 0 : i32
    %ne3A_88 = vector.broadcast %ne3A_87 : i32 to vector<16xi32>
    %ne3A_89 = arith.cmpi ne, %rem3A_86, %ne3A_88 : vector<16xi32>
    %and3A_90 = arith.andi %ne3A_84, %ne3A_89 : vector<16xi1>
    %sub3A_91 = arith.constant 1 : i32
    %sub3A_92 = vector.broadcast %sub3A_91 : i32 to vector<16xi32>
    %sub3A_93 = arith.subi %div3A_66, %sub3A_92 : vector<16xi32>
    %select_n3A_94 = arith.select %and3A_90, %sub3A_93, %div3A_66 : vector<16xi1>, vector<16xi32>
    %add3A_95 = arith.constant 48 : i32
    %add3A_96 = vector.broadcast %add3A_95 : i32 to vector<16xi32>
    %add3A_97 = arith.addi %add3A_96, %iota3A : vector<16xi32>
    %jit3A_98 = arith.constant 8 : i32
    %div3A_99 = vector.broadcast %jit3A_98 : i32 to vector<16xi32>
    %div3A_100 = arith.divsi %add3A_97, %div3A_99 : vector<16xi32>
    %sign3A_101 = arith.constant 0 : i32
    %sign3A_102 = vector.broadcast %sign3A_101 : i32 to vector<16xi32>
    %sign3A_103 = arith.cmpi sgt, %add3A_97, %sign3A_102 : vector<16xi32>
    %sign3A_104 = arith.extui %sign3A_103 : vector<16xi1> to vector<16xi32>
    %sign3A_105 = arith.constant 0 : i32
    %sign3A_106 = vector.broadcast %sign3A_105 : i32 to vector<16xi32>
    %sign3A_107 = arith.cmpi slt, %add3A_97, %sign3A_106 : vector<16xi32>
    %sign3A_108 = arith.extui %sign3A_107 : vector<16xi1> to vector<16xi32>
    %sign3A_109 = arith.subi %sign3A_104, %sign3A_108 : vector<16xi32>
    %sign3A_110 = arith.constant 0 : i32
    %sign3A_111 = arith.cmpi sgt, %jit3A_98, %sign3A_110 : i32
    %sign3A_112 = arith.extui %sign3A_111 : i1 to i32
    %sign3A_113 = arith.constant 0 : i32
    %sign3A_114 = arith.cmpi slt, %jit3A_98, %sign3A_113 : i32
    %sign3A_115 = arith.extui %sign3A_114 : i1 to i32
    %sign3A_116 = arith.subi %sign3A_112, %sign3A_115 : i32
    %ne3A_117 = vector.broadcast %sign3A_116 : i32 to vector<16xi32>
    %ne3A_118 = arith.cmpi ne, %sign3A_109, %ne3A_117 : vector<16xi32>
    %rem3A_119 = vector.broadcast %jit3A_98 : i32 to vector<16xi32>
    %rem3A_120 = arith.remsi %add3A_97, %rem3A_119 : vector<16xi32>
    %ne3A_121 = arith.constant 0 : i32
    %ne3A_122 = vector.broadcast %ne3A_121 : i32 to vector<16xi32>
    %ne3A_123 = arith.cmpi ne, %rem3A_120, %ne3A_122 : vector<16xi32>
    %and3A_124 = arith.andi %ne3A_118, %ne3A_123 : vector<16xi1>
    %sub3A_125 = arith.constant 1 : i32
    %sub3A_126 = vector.broadcast %sub3A_125 : i32 to vector<16xi32>
    %sub3A_127 = arith.subi %div3A_100, %sub3A_126 : vector<16xi32>
    %select_n3A_128 = arith.select %and3A_124, %sub3A_127, %div3A_100 : vector<16xi1>, vector<16xi32>
    %add3A_129 = arith.constant 0 : i32
    %add3A_130 = vector.broadcast %add3A_129 : i32 to vector<16xi32>
    %add3A_131 = arith.addi %add3A_130, %iota3A : vector<16xi32>
    %jit3A_132 = arith.constant 8 : i32
    %eq3A = arith.constant 0 : i32
    %eq3A_133 = arith.cmpi eq, %jit3A_132, %eq3A : i32
    %jit3A_134 = arith.constant 1 : i32
    %select_n3A_135 = arith.select %eq3A_133, %jit3A_134, %jit3A_132 : i32
    %rem3A_136 = vector.broadcast %select_n3A_135 : i32 to vector<16xi32>
    %rem3A_137 = arith.remsi %add3A_131, %rem3A_136 : vector<16xi32>
    %ne3A_138 = arith.constant 0 : i32
    %ne3A_139 = vector.broadcast %ne3A_138 : i32 to vector<16xi32>
    %ne3A_140 = arith.cmpi ne, %rem3A_137, %ne3A_139 : vector<16xi32>
    %lt3A = arith.constant 0 : i32
    %lt3A_141 = vector.broadcast %lt3A : i32 to vector<16xi32>
    %lt3A_142 = arith.cmpi slt, %rem3A_137, %lt3A_141 : vector<16xi32>
    %lt3A_143 = arith.constant 0 : i32
    %lt3A_144 = arith.cmpi slt, %select_n3A_135, %lt3A_143 : i32
    %ne3A_145 = vector.broadcast %lt3A_144 : i1 to vector<16xi1>
    %ne3A_146 = vector.broadcast %ne3A_145 : vector<16xi1> to vector<16xi1>
    %ne3A_147 = arith.xori %lt3A_142, %ne3A_146 : vector<16xi1>
    %and3A_148 = arith.andi %ne3A_147, %ne3A_140 : vector<16xi1>
    %add3A_149 = vector.broadcast %select_n3A_135 : i32 to vector<16xi32>
    %add3A_150 = arith.addi %rem3A_137, %add3A_149 : vector<16xi32>
    %select_n3A_151 = arith.select %and3A_148, %add3A_150, %rem3A_137 : vector<16xi1>, vector<16xi32>
    %add3A_152 = arith.constant 16 : i32
    %add3A_153 = vector.broadcast %add3A_152 : i32 to vector<16xi32>
    %add3A_154 = arith.addi %add3A_153, %iota3A : vector<16xi32>
    %jit3A_155 = arith.constant 8 : i32
    %eq3A_156 = arith.constant 0 : i32
    %eq3A_157 = arith.cmpi eq, %jit3A_155, %eq3A_156 : i32
    %jit3A_158 = arith.constant 1 : i32
    %select_n3A_159 = arith.select %eq3A_157, %jit3A_158, %jit3A_155 : i32
    %rem3A_160 = vector.broadcast %select_n3A_159 : i32 to vector<16xi32>
    %rem3A_161 = arith.remsi %add3A_154, %rem3A_160 : vector<16xi32>
    %ne3A_162 = arith.constant 0 : i32
    %ne3A_163 = vector.broadcast %ne3A_162 : i32 to vector<16xi32>
    %ne3A_164 = arith.cmpi ne, %rem3A_161, %ne3A_163 : vector<16xi32>
    %lt3A_165 = arith.constant 0 : i32
    %lt3A_166 = vector.broadcast %lt3A_165 : i32 to vector<16xi32>
    %lt3A_167 = arith.cmpi slt, %rem3A_161, %lt3A_166 : vector<16xi32>
    %lt3A_168 = arith.constant 0 : i32
    %lt3A_169 = arith.cmpi slt, %select_n3A_159, %lt3A_168 : i32
    %ne3A_170 = vector.broadcast %lt3A_169 : i1 to vector<16xi1>
    %ne3A_171 = vector.broadcast %ne3A_170 : vector<16xi1> to vector<16xi1>
    %ne3A_172 = arith.xori %lt3A_167, %ne3A_171 : vector<16xi1>
    %and3A_173 = arith.andi %ne3A_172, %ne3A_164 : vector<16xi1>
    %add3A_174 = vector.broadcast %select_n3A_159 : i32 to vector<16xi32>
    %add3A_175 = arith.addi %rem3A_161, %add3A_174 : vector<16xi32>
    %select_n3A_176 = arith.select %and3A_173, %add3A_175, %rem3A_161 : vector<16xi1>, vector<16xi32>
    %add3A_177 = arith.constant 32 : i32
    %add3A_178 = vector.broadcast %add3A_177 : i32 to vector<16xi32>
    %add3A_179 = arith.addi %add3A_178, %iota3A : vector<16xi32>
    %jit3A_180 = arith.constant 8 : i32
    %eq3A_181 = arith.constant 0 : i32
    %eq3A_182 = arith.cmpi eq, %jit3A_180, %eq3A_181 : i32
    %jit3A_183 = arith.constant 1 : i32
    %select_n3A_184 = arith.select %eq3A_182, %jit3A_183, %jit3A_180 : i32
    %rem3A_185 = vector.broadcast %select_n3A_184 : i32 to vector<16xi32>
    %rem3A_186 = arith.remsi %add3A_179, %rem3A_185 : vector<16xi32>
    %ne3A_187 = arith.constant 0 : i32
    %ne3A_188 = vector.broadcast %ne3A_187 : i32 to vector<16xi32>
    %ne3A_189 = arith.cmpi ne, %rem3A_186, %ne3A_188 : vector<16xi32>
    %lt3A_190 = arith.constant 0 : i32
    %lt3A_191 = vector.broadcast %lt3A_190 : i32 to vector<16xi32>
    %lt3A_192 = arith.cmpi slt, %rem3A_186, %lt3A_191 : vector<16xi32>
    %lt3A_193 = arith.constant 0 : i32
    %lt3A_194 = arith.cmpi slt, %select_n3A_184, %lt3A_193 : i32
    %ne3A_195 = vector.broadcast %lt3A_194 : i1 to vector<16xi1>
    %ne3A_196 = vector.broadcast %ne3A_195 : vector<16xi1> to vector<16xi1>
    %ne3A_197 = arith.xori %lt3A_192, %ne3A_196 : vector<16xi1>
    %and3A_198 = arith.andi %ne3A_197, %ne3A_189 : vector<16xi1>
    %add3A_199 = vector.broadcast %select_n3A_184 : i32 to vector<16xi32>
    %add3A_200 = arith.addi %rem3A_186, %add3A_199 : vector<16xi32>
    %select_n3A_201 = arith.select %and3A_198, %add3A_200, %rem3A_186 : vector<16xi1>, vector<16xi32>
    %add3A_202 = arith.constant 48 : i32
    %add3A_203 = vector.broadcast %add3A_202 : i32 to vector<16xi32>
    %add3A_204 = arith.addi %add3A_203, %iota3A : vector<16xi32>
    %jit3A_205 = arith.constant 8 : i32
    %eq3A_206 = arith.constant 0 : i32
    %eq3A_207 = arith.cmpi eq, %jit3A_205, %eq3A_206 : i32
    %jit3A_208 = arith.constant 1 : i32
    %select_n3A_209 = arith.select %eq3A_207, %jit3A_208, %jit3A_205 : i32
    %rem3A_210 = vector.broadcast %select_n3A_209 : i32 to vector<16xi32>
    %rem3A_211 = arith.remsi %add3A_204, %rem3A_210 : vector<16xi32>
    %ne3A_212 = arith.constant 0 : i32
    %ne3A_213 = vector.broadcast %ne3A_212 : i32 to vector<16xi32>
    %ne3A_214 = arith.cmpi ne, %rem3A_211, %ne3A_213 : vector<16xi32>
    %lt3A_215 = arith.constant 0 : i32
    %lt3A_216 = vector.broadcast %lt3A_215 : i32 to vector<16xi32>
    %lt3A_217 = arith.cmpi slt, %rem3A_211, %lt3A_216 : vector<16xi32>
    %lt3A_218 = arith.constant 0 : i32
    %lt3A_219 = arith.cmpi slt, %select_n3A_209, %lt3A_218 : i32
    %ne3A_220 = vector.broadcast %lt3A_219 : i1 to vector<16xi1>
    %ne3A_221 = vector.broadcast %ne3A_220 : vector<16xi1> to vector<16xi1>
    %ne3A_222 = arith.xori %lt3A_217, %ne3A_221 : vector<16xi1>
    %and3A_223 = arith.andi %ne3A_222, %ne3A_214 : vector<16xi1>
    %add3A_224 = vector.broadcast %select_n3A_209 : i32 to vector<16xi32>
    %add3A_225 = arith.addi %rem3A_211, %add3A_224 : vector<16xi32>
    %select_n3A_226 = arith.select %and3A_223, %add3A_225, %rem3A_211 : vector<16xi1>, vector<16xi32>
    %dma_start3A = arith.constant 0 : i32
    %dma_start3A_227 = arith.constant 0 : i32
    %dma_start3A_228 = arith.constant 0 : i32
    %dma_start3A_229 = arith.constant 0 : i32
    %dma_start3A_230 = tpu.memref_slice %arg7[%dma_start3A_228, %dma_start3A_229] : memref<5x128xi32, #tpu.memory_space<vmem>> -> memref<1x128xi32, #tpu.memory_space<vmem>>
    %dma_start3A_231 = tpu.memref_squeeze %dma_start3A_230 : memref<1x128xi32, #tpu.memory_space<vmem>> -> memref<128xi32, #tpu.memory_space<vmem>>
    %dma_start3A_232 = arith.constant 0 : i32
    %dma_start3A_233 = tpu.memref_slice %arg2[%dma_start3A, %add3A, %dma_start3A_227, %dma_start3A_232] : memref<25x32x8x128xi32, #tpu.memory_space<hbm>> -> memref<1x1x1x128xi32, #tpu.memory_space<hbm>>
    %dma_start3A_234 = tpu.memref_squeeze %dma_start3A_233 : memref<1x1x1x128xi32, #tpu.memory_space<hbm>> -> memref<128xi32, #tpu.memory_space<hbm>>
    %dma_start3A_235 = arith.constant 0 : i32
    %dma_start3A_236 = tpu.memref_slice %arg7[%dma_start3A_228, %dma_start3A_235] : memref<5x128xi32, #tpu.memory_space<vmem>> -> memref<1x128xi32, #tpu.memory_space<vmem>>
    %dma_start3A_237 = tpu.memref_squeeze %dma_start3A_236 : memref<1x128xi32, #tpu.memory_space<vmem>> -> memref<128xi32, #tpu.memory_space<vmem>>
    %dma_start3A_238 = arith.constant 0 : i32
    %dma_start3A_239 = tpu.memref_slice %arg2[%dma_start3A, %add3A, %dma_start3A_227, %dma_start3A_238] : memref<25x32x8x128xi32, #tpu.memory_space<hbm>> -> memref<1x1x1x128xi32, #tpu.memory_space<hbm>>
    %dma_start3A_240 = tpu.memref_squeeze %dma_start3A_239 : memref<1x1x1x128xi32, #tpu.memory_space<hbm>> -> memref<128xi32, #tpu.memory_space<hbm>>
    tpu.enqueue_dma source(%dma_start3A_240 : memref<128xi32, #tpu.memory_space<hbm>>) target(%dma_start3A_237 : memref<128xi32, #tpu.memory_space<vmem>>) target_semaphore(%arg10 : memref<!tpu.dma_semaphore, #tpu.memory_space<semaphore_mem>>)
    %dma_wait3A = arith.constant 0 : i32
    %dma_wait3A_241 = arith.constant 0 : i32
    %dma_wait3A_242 = arith.constant 0 : i32
    %dma_wait3A_243 = arith.constant 0 : i32
    %dma_wait3A_244 = arith.constant 0 : i32
    %dma_wait3A_245 = tpu.memref_slice %arg7[%dma_wait3A_243, %dma_wait3A_244] : memref<5x128xi32, #tpu.memory_space<vmem>> -> memref<1x128xi32, #tpu.memory_space<vmem>>
    %dma_wait3A_246 = tpu.memref_squeeze %dma_wait3A_245 : memref<1x128xi32, #tpu.memory_space<vmem>> -> memref<128xi32, #tpu.memory_space<vmem>>
    %dma_wait3A_247 = arith.constant 0 : i32
    %dma_wait3A_248 = tpu.memref_slice %arg2[%dma_wait3A, %dma_wait3A_241, %dma_wait3A_242, %dma_wait3A_247] : memref<25x32x8x128xi32, #tpu.memory_space<hbm>> -> memref<1x1x1x128xi32, #tpu.memory_space<hbm>>
    %dma_wait3A_249 = tpu.memref_squeeze %dma_wait3A_248 : memref<1x1x1x128xi32, #tpu.memory_space<hbm>> -> memref<128xi32, #tpu.memory_space<hbm>>
    %dma_wait3A_250 = arith.constant 0 : i32
    %dma_wait3A_251 = tpu.memref_slice %arg7[%dma_wait3A_243, %dma_wait3A_250] : memref<5x128xi32, #tpu.memory_space<vmem>> -> memref<1x128xi32, #tpu.memory_space<vmem>>
    %dma_wait3A_252 = tpu.memref_squeeze %dma_wait3A_251 : memref<1x128xi32, #tpu.memory_space<vmem>> -> memref<128xi32, #tpu.memory_space<vmem>>
    %dma_wait3A_253 = arith.constant 0 : i32
    %dma_wait3A_254 = tpu.memref_slice %arg2[%dma_wait3A, %dma_wait3A_241, %dma_wait3A_242, %dma_wait3A_253] : memref<25x32x8x128xi32, #tpu.memory_space<hbm>> -> memref<1x1x1x128xi32, #tpu.memory_space<hbm>>
    %dma_wait3A_255 = tpu.memref_squeeze %dma_wait3A_254 : memref<1x1x1x128xi32, #tpu.memory_space<hbm>> -> memref<128xi32, #tpu.memory_space<hbm>>
    tpu.wait_dma2 semaphore(%arg10 : memref<!tpu.dma_semaphore, #tpu.memory_space<semaphore_mem>>) src(%dma_wait3A_255 : memref<128xi32, #tpu.memory_space<hbm>>) dst(%dma_wait3A_252 : memref<128xi32, #tpu.memory_space<vmem>>)
    %dma_start3A_256 = arith.constant 0 : i32
    %dma_start3A_257 = arith.constant 0 : i32
    %dma_start3A_258 = arith.constant 0 : i32
    %dma_start3A_259 = arith.constant 0 : i32
    %dma_start3A_260 = tpu.memref_slice %arg8[%dma_start3A_257, %dma_start3A_258, %dma_start3A_259] : memref<5x128x64xf32, #tpu.memory_space<vmem>> -> memref<1x128x64xf32, #tpu.memory_space<vmem>>
    %dma_start3A_261 = tpu.memref_squeeze %dma_start3A_260 : memref<1x128x64xf32, #tpu.memory_space<vmem>> -> memref<128x64xf32, #tpu.memory_space<vmem>>
    %dma_start3A_262 = arith.constant 0 : i32
    %dma_start3A_263 = tpu.memref_slice %arg7[%dma_start3A_256, %dma_start3A_262] : memref<5x128xi32, #tpu.memory_space<vmem>> -> memref<1x128xi32, #tpu.memory_space<vmem>>
    %dma_start3A_264 = tpu.memref_squeeze %dma_start3A_263 : memref<1x128xi32, #tpu.memory_space<vmem>> -> memref<128xi32, #tpu.memory_space<vmem>>
    %dma_start3A_265 = arith.constant 0 : i32
    %dma_start3A_266 = arith.constant 0 : i32
    %dma_start3A_267 = tpu.memref_slice %arg3[%dma_start3A_265, %dma_start3A_266] : memref<100000x64xf32, #tpu.memory_space<hbm>> -> memref<100000x64xf32, #tpu.memory_space<hbm>>
    tpu.enqueue_indirect_dma source(%dma_start3A_267 : memref<100000x64xf32, #tpu.memory_space<hbm>>) target(%dma_start3A_261 : memref<128x64xf32, #tpu.memory_space<vmem>>) offsets(%dma_start3A_264 : memref<128xi32, #tpu.memory_space<vmem>>) semaphore(%arg15 : memref<!tpu.dma_semaphore, #tpu.memory_space<semaphore_mem>>)
    %dma_start3A_268 = arith.constant 0 : i32
    %dma_start3A_269 = arith.constant 1 : i32
    %dma_start3A_270 = arith.constant 1 : i32
    %dma_start3A_271 = arith.constant 0 : i32
    %dma_start3A_272 = tpu.memref_slice %arg7[%dma_start3A_270, %dma_start3A_271] : memref<5x128xi32, #tpu.memory_space<vmem>> -> memref<1x128xi32, #tpu.memory_space<vmem>>
    %dma_start3A_273 = tpu.memref_squeeze %dma_start3A_272 : memref<1x128xi32, #tpu.memory_space<vmem>> -> memref<128xi32, #tpu.memory_space<vmem>>
    %dma_start3A_274 = arith.constant 0 : i32
    %dma_start3A_275 = tpu.memref_slice %arg2[%dma_start3A_268, %add3A, %dma_start3A_269, %dma_start3A_274] : memref<25x32x8x128xi32, #tpu.memory_space<hbm>> -> memref<1x1x1x128xi32, #tpu.memory_space<hbm>>
    %dma_start3A_276 = tpu.memref_squeeze %dma_start3A_275 : memref<1x1x1x128xi32, #tpu.memory_space<hbm>> -> memref<128xi32, #tpu.memory_space<hbm>>
    %dma_start3A_277 = arith.constant 0 : i32
    %dma_start3A_278 = tpu.memref_slice %arg7[%dma_start3A_270, %dma_start3A_277] : memref<5x128xi32, #tpu.memory_space<vmem>> -> memref<1x128xi32, #tpu.memory_space<vmem>>
    %dma_start3A_279 = tpu.memref_squeeze %dma_start3A_278 : memref<1x128xi32, #tpu.memory_space<vmem>> -> memref<128xi32, #tpu.memory_space<vmem>>
    %dma_start3A_280 = arith.constant 0 : i32
    %dma_start3A_281 = tpu.memref_slice %arg2[%dma_start3A_268, %add3A, %dma_start3A_269, %dma_start3A_280] : memref<25x32x8x128xi32, #tpu.memory_space<hbm>> -> memref<1x1x1x128xi32, #tpu.memory_space<hbm>>
    %dma_start3A_282 = tpu.memref_squeeze %dma_start3A_281 : memref<1x1x1x128xi32, #tpu.memory_space<hbm>> -> memref<128xi32, #tpu.memory_space<hbm>>
    tpu.enqueue_dma source(%dma_start3A_282 : memref<128xi32, #tpu.memory_space<hbm>>) target(%dma_start3A_279 : memref<128xi32, #tpu.memory_space<vmem>>) target_semaphore(%arg11 : memref<!tpu.dma_semaphore, #tpu.memory_space<semaphore_mem>>)
    %dma_wait3A_283 = arith.constant 0 : i32
    %dma_wait3A_284 = arith.constant 0 : i32
    %dma_wait3A_285 = arith.constant 0 : i32
    %dma_wait3A_286 = arith.constant 1 : i32
    %dma_wait3A_287 = arith.constant 0 : i32
    %dma_wait3A_288 = tpu.memref_slice %arg7[%dma_wait3A_286, %dma_wait3A_287] : memref<5x128xi32, #tpu.memory_space<vmem>> -> memref<1x128xi32, #tpu.memory_space<vmem>>
    %dma_wait3A_289 = tpu.memref_squeeze %dma_wait3A_288 : memref<1x128xi32, #tpu.memory_space<vmem>> -> memref<128xi32, #tpu.memory_space<vmem>>
    %dma_wait3A_290 = arith.constant 0 : i32
    %dma_wait3A_291 = tpu.memref_slice %arg2[%dma_wait3A_283, %dma_wait3A_284, %dma_wait3A_285, %dma_wait3A_290] : memref<25x32x8x128xi32, #tpu.memory_space<hbm>> -> memref<1x1x1x128xi32, #tpu.memory_space<hbm>>
    %dma_wait3A_292 = tpu.memref_squeeze %dma_wait3A_291 : memref<1x1x1x128xi32, #tpu.memory_space<hbm>> -> memref<128xi32, #tpu.memory_space<hbm>>
    %dma_wait3A_293 = arith.constant 0 : i32
    %dma_wait3A_294 = tpu.memref_slice %arg7[%dma_wait3A_286, %dma_wait3A_293] : memref<5x128xi32, #tpu.memory_space<vmem>> -> memref<1x128xi32, #tpu.memory_space<vmem>>
    %dma_wait3A_295 = tpu.memref_squeeze %dma_wait3A_294 : memref<1x128xi32, #tpu.memory_space<vmem>> -> memref<128xi32, #tpu.memory_space<vmem>>
    %dma_wait3A_296 = arith.constant 0 : i32
    %dma_wait3A_297 = tpu.memref_slice %arg2[%dma_wait3A_283, %dma_wait3A_284, %dma_wait3A_285, %dma_wait3A_296] : memref<25x32x8x128xi32, #tpu.memory_space<hbm>> -> memref<1x1x1x128xi32, #tpu.memory_space<hbm>>
    %dma_wait3A_298 = tpu.memref_squeeze %dma_wait3A_297 : memref<1x1x1x128xi32, #tpu.memory_space<hbm>> -> memref<128xi32, #tpu.memory_space<hbm>>
    tpu.wait_dma2 semaphore(%arg11 : memref<!tpu.dma_semaphore, #tpu.memory_space<semaphore_mem>>) src(%dma_wait3A_298 : memref<128xi32, #tpu.memory_space<hbm>>) dst(%dma_wait3A_295 : memref<128xi32, #tpu.memory_space<vmem>>)
    %dma_start3A_299 = arith.constant 1 : i32
    %dma_start3A_300 = arith.constant 1 : i32
    %dma_start3A_301 = arith.constant 0 : i32
    %dma_start3A_302 = arith.constant 0 : i32
    %dma_start3A_303 = tpu.memref_slice %arg8[%dma_start3A_300, %dma_start3A_301, %dma_start3A_302] : memref<5x128x64xf32, #tpu.memory_space<vmem>> -> memref<1x128x64xf32, #tpu.memory_space<vmem>>
    %dma_start3A_304 = tpu.memref_squeeze %dma_start3A_303 : memref<1x128x64xf32, #tpu.memory_space<vmem>> -> memref<128x64xf32, #tpu.memory_space<vmem>>
    %dma_start3A_305 = arith.constant 0 : i32
    %dma_start3A_306 = tpu.memref_slice %arg7[%dma_start3A_299, %dma_start3A_305] : memref<5x128xi32, #tpu.memory_space<vmem>> -> memref<1x128xi32, #tpu.memory_space<vmem>>
    %dma_start3A_307 = tpu.memref_squeeze %dma_start3A_306 : memref<1x128xi32, #tpu.memory_space<vmem>> -> memref<128xi32, #tpu.memory_space<vmem>>
    %dma_start3A_308 = arith.constant 0 : i32
    %dma_start3A_309 = arith.constant 0 : i32
    %dma_start3A_310 = tpu.memref_slice %arg3[%dma_start3A_308, %dma_start3A_309] : memref<100000x64xf32, #tpu.memory_space<hbm>> -> memref<100000x64xf32, #tpu.memory_space<hbm>>
    tpu.enqueue_indirect_dma source(%dma_start3A_310 : memref<100000x64xf32, #tpu.memory_space<hbm>>) target(%dma_start3A_304 : memref<128x64xf32, #tpu.memory_space<vmem>>) offsets(%dma_start3A_307 : memref<128xi32, #tpu.memory_space<vmem>>) semaphore(%arg16 : memref<!tpu.dma_semaphore, #tpu.memory_space<semaphore_mem>>)
    %dma_start3A_311 = arith.constant 0 : i32
    %dma_start3A_312 = arith.constant 2 : i32
    %dma_start3A_313 = arith.constant 2 : i32
    %dma_start3A_314 = arith.constant 0 : i32
    %dma_start3A_315 = tpu.memref_slice %arg7[%dma_start3A_313, %dma_start3A_314] : memref<5x128xi32, #tpu.memory_space<vmem>> -> memref<1x128xi32, #tpu.memory_space<vmem>>
    %dma_start3A_316 = tpu.memref_squeeze %dma_start3A_315 : memref<1x128xi32, #tpu.memory_space<vmem>> -> memref<128xi32, #tpu.memory_space<vmem>>
    %dma_start3A_317 = arith.constant 0 : i32
    %dma_start3A_318 = tpu.memref_slice %arg2[%dma_start3A_311, %add3A, %dma_start3A_312, %dma_start3A_317] : memref<25x32x8x128xi32, #tpu.memory_space<hbm>> -> memref<1x1x1x128xi32, #tpu.memory_space<hbm>>
    %dma_start3A_319 = tpu.memref_squeeze %dma_start3A_318 : memref<1x1x1x128xi32, #tpu.memory_space<hbm>> -> memref<128xi32, #tpu.memory_space<hbm>>
    %dma_start3A_320 = arith.constant 0 : i32
    %dma_start3A_321 = tpu.memref_slice %arg7[%dma_start3A_313, %dma_start3A_320] : memref<5x128xi32, #tpu.memory_space<vmem>> -> memref<1x128xi32, #tpu.memory_space<vmem>>
    %dma_start3A_322 = tpu.memref_squeeze %dma_start3A_321 : memref<1x128xi32, #tpu.memory_space<vmem>> -> memref<128xi32, #tpu.memory_space<vmem>>
    %dma_start3A_323 = arith.constant 0 : i32
    %dma_start3A_324 = tpu.memref_slice %arg2[%dma_start3A_311, %add3A, %dma_start3A_312, %dma_start3A_323] : memref<25x32x8x128xi32, #tpu.memory_space<hbm>> -> memref<1x1x1x128xi32, #tpu.memory_space<hbm>>
    %dma_start3A_325 = tpu.memref_squeeze %dma_start3A_324 : memref<1x1x1x128xi32, #tpu.memory_space<hbm>> -> memref<128xi32, #tpu.memory_space<hbm>>
    tpu.enqueue_dma source(%dma_start3A_325 : memref<128xi32, #tpu.memory_space<hbm>>) target(%dma_start3A_322 : memref<128xi32, #tpu.memory_space<vmem>>) target_semaphore(%arg12 : memref<!tpu.dma_semaphore, #tpu.memory_space<semaphore_mem>>)
    %dma_wait3A_326 = arith.constant 0 : i32
    %dma_wait3A_327 = arith.constant 0 : i32
    %dma_wait3A_328 = arith.constant 0 : i32
    %dma_wait3A_329 = arith.constant 2 : i32
    %dma_wait3A_330 = arith.constant 0 : i32
    %dma_wait3A_331 = tpu.memref_slice %arg7[%dma_wait3A_329, %dma_wait3A_330] : memref<5x128xi32, #tpu.memory_space<vmem>> -> memref<1x128xi32, #tpu.memory_space<vmem>>
    %dma_wait3A_332 = tpu.memref_squeeze %dma_wait3A_331 : memref<1x128xi32, #tpu.memory_space<vmem>> -> memref<128xi32, #tpu.memory_space<vmem>>
    %dma_wait3A_333 = arith.constant 0 : i32
    %dma_wait3A_334 = tpu.memref_slice %arg2[%dma_wait3A_326, %dma_wait3A_327, %dma_wait3A_328, %dma_wait3A_333] : memref<25x32x8x128xi32, #tpu.memory_space<hbm>> -> memref<1x1x1x128xi32, #tpu.memory_space<hbm>>
    %dma_wait3A_335 = tpu.memref_squeeze %dma_wait3A_334 : memref<1x1x1x128xi32, #tpu.memory_space<hbm>> -> memref<128xi32, #tpu.memory_space<hbm>>
    %dma_wait3A_336 = arith.constant 0 : i32
    %dma_wait3A_337 = tpu.memref_slice %arg7[%dma_wait3A_329, %dma_wait3A_336] : memref<5x128xi32, #tpu.memory_space<vmem>> -> memref<1x128xi32, #tpu.memory_space<vmem>>
    %dma_wait3A_338 = tpu.memref_squeeze %dma_wait3A_337 : memref<1x128xi32, #tpu.memory_space<vmem>> -> memref<128xi32, #tpu.memory_space<vmem>>
    %dma_wait3A_339 = arith.constant 0 : i32
    %dma_wait3A_340 = tpu.memref_slice %arg2[%dma_wait3A_326, %dma_wait3A_327, %dma_wait3A_328, %dma_wait3A_339] : memref<25x32x8x128xi32, #tpu.memory_space<hbm>> -> memref<1x1x1x128xi32, #tpu.memory_space<hbm>>
    %dma_wait3A_341 = tpu.memref_squeeze %dma_wait3A_340 : memref<1x1x1x128xi32, #tpu.memory_space<hbm>> -> memref<128xi32, #tpu.memory_space<hbm>>
    tpu.wait_dma2 semaphore(%arg12 : memref<!tpu.dma_semaphore, #tpu.memory_space<semaphore_mem>>) src(%dma_wait3A_341 : memref<128xi32, #tpu.memory_space<hbm>>) dst(%dma_wait3A_338 : memref<128xi32, #tpu.memory_space<vmem>>)
    %dma_start3A_342 = arith.constant 2 : i32
    %dma_start3A_343 = arith.constant 2 : i32
    %dma_start3A_344 = arith.constant 0 : i32
    %dma_start3A_345 = arith.constant 0 : i32
    %dma_start3A_346 = tpu.memref_slice %arg8[%dma_start3A_343, %dma_start3A_344, %dma_start3A_345] : memref<5x128x64xf32, #tpu.memory_space<vmem>> -> memref<1x128x64xf32, #tpu.memory_space<vmem>>
    %dma_start3A_347 = tpu.memref_squeeze %dma_start3A_346 : memref<1x128x64xf32, #tpu.memory_space<vmem>> -> memref<128x64xf32, #tpu.memory_space<vmem>>
    %dma_start3A_348 = arith.constant 0 : i32
    %dma_start3A_349 = tpu.memref_slice %arg7[%dma_start3A_342, %dma_start3A_348] : memref<5x128xi32, #tpu.memory_space<vmem>> -> memref<1x128xi32, #tpu.memory_space<vmem>>
    %dma_start3A_350 = tpu.memref_squeeze %dma_start3A_349 : memref<1x128xi32, #tpu.memory_space<vmem>> -> memref<128xi32, #tpu.memory_space<vmem>>
    %dma_start3A_351 = arith.constant 0 : i32
    %dma_start3A_352 = arith.constant 0 : i32
    %dma_start3A_353 = tpu.memref_slice %arg3[%dma_start3A_351, %dma_start3A_352] : memref<100000x64xf32, #tpu.memory_space<hbm>> -> memref<100000x64xf32, #tpu.memory_space<hbm>>
    tpu.enqueue_indirect_dma source(%dma_start3A_353 : memref<100000x64xf32, #tpu.memory_space<hbm>>) target(%dma_start3A_347 : memref<128x64xf32, #tpu.memory_space<vmem>>) offsets(%dma_start3A_350 : memref<128xi32, #tpu.memory_space<vmem>>) semaphore(%arg17 : memref<!tpu.dma_semaphore, #tpu.memory_space<semaphore_mem>>)
    %dma_start3A_354 = arith.constant 0 : i32
    %dma_start3A_355 = arith.constant 3 : i32
    %dma_start3A_356 = arith.constant 3 : i32
    %dma_start3A_357 = arith.constant 0 : i32
    %dma_start3A_358 = tpu.memref_slice %arg7[%dma_start3A_356, %dma_start3A_357] : memref<5x128xi32, #tpu.memory_space<vmem>> -> memref<1x128xi32, #tpu.memory_space<vmem>>
    %dma_start3A_359 = tpu.memref_squeeze %dma_start3A_358 : memref<1x128xi32, #tpu.memory_space<vmem>> -> memref<128xi32, #tpu.memory_space<vmem>>
    %dma_start3A_360 = arith.constant 0 : i32
    %dma_start3A_361 = tpu.memref_slice %arg2[%dma_start3A_354, %add3A, %dma_start3A_355, %dma_start3A_360] : memref<25x32x8x128xi32, #tpu.memory_space<hbm>> -> memref<1x1x1x128xi32, #tpu.memory_space<hbm>>
    %dma_start3A_362 = tpu.memref_squeeze %dma_start3A_361 : memref<1x1x1x128xi32, #tpu.memory_space<hbm>> -> memref<128xi32, #tpu.memory_space<hbm>>
    %dma_start3A_363 = arith.constant 0 : i32
    %dma_start3A_364 = tpu.memref_slice %arg7[%dma_start3A_356, %dma_start3A_363] : memref<5x128xi32, #tpu.memory_space<vmem>> -> memref<1x128xi32, #tpu.memory_space<vmem>>
    %dma_start3A_365 = tpu.memref_squeeze %dma_start3A_364 : memref<1x128xi32, #tpu.memory_space<vmem>> -> memref<128xi32, #tpu.memory_space<vmem>>
    %dma_start3A_366 = arith.constant 0 : i32
    %dma_start3A_367 = tpu.memref_slice %arg2[%dma_start3A_354, %add3A, %dma_start3A_355, %dma_start3A_366] : memref<25x32x8x128xi32, #tpu.memory_space<hbm>> -> memref<1x1x1x128xi32, #tpu.memory_space<hbm>>
    %dma_start3A_368 = tpu.memref_squeeze %dma_start3A_367 : memref<1x1x1x128xi32, #tpu.memory_space<hbm>> -> memref<128xi32, #tpu.memory_space<hbm>>
    tpu.enqueue_dma source(%dma_start3A_368 : memref<128xi32, #tpu.memory_space<hbm>>) target(%dma_start3A_365 : memref<128xi32, #tpu.memory_space<vmem>>) target_semaphore(%arg13 : memref<!tpu.dma_semaphore, #tpu.memory_space<semaphore_mem>>)
    %dma_wait3A_369 = arith.constant 0 : i32
    %dma_wait3A_370 = arith.constant 0 : i32
    %dma_wait3A_371 = arith.constant 0 : i32
    %dma_wait3A_372 = arith.constant 3 : i32
    %dma_wait3A_373 = arith.constant 0 : i32
    %dma_wait3A_374 = tpu.memref_slice %arg7[%dma_wait3A_372, %dma_wait3A_373] : memref<5x128xi32, #tpu.memory_space<vmem>> -> memref<1x128xi32, #tpu.memory_space<vmem>>
    %dma_wait3A_375 = tpu.memref_squeeze %dma_wait3A_374 : memref<1x128xi32, #tpu.memory_space<vmem>> -> memref<128xi32, #tpu.memory_space<vmem>>
    %dma_wait3A_376 = arith.constant 0 : i32
    %dma_wait3A_377 = tpu.memref_slice %arg2[%dma_wait3A_369, %dma_wait3A_370, %dma_wait3A_371, %dma_wait3A_376] : memref<25x32x8x128xi32, #tpu.memory_space<hbm>> -> memref<1x1x1x128xi32, #tpu.memory_space<hbm>>
    %dma_wait3A_378 = tpu.memref_squeeze %dma_wait3A_377 : memref<1x1x1x128xi32, #tpu.memory_space<hbm>> -> memref<128xi32, #tpu.memory_space<hbm>>
    %dma_wait3A_379 = arith.constant 0 : i32
    %dma_wait3A_380 = tpu.memref_slice %arg7[%dma_wait3A_372, %dma_wait3A_379] : memref<5x128xi32, #tpu.memory_space<vmem>> -> memref<1x128xi32, #tpu.memory_space<vmem>>
    %dma_wait3A_381 = tpu.memref_squeeze %dma_wait3A_380 : memref<1x128xi32, #tpu.memory_space<vmem>> -> memref<128xi32, #tpu.memory_space<vmem>>
    %dma_wait3A_382 = arith.constant 0 : i32
    %dma_wait3A_383 = tpu.memref_slice %arg2[%dma_wait3A_369, %dma_wait3A_370, %dma_wait3A_371, %dma_wait3A_382] : memref<25x32x8x128xi32, #tpu.memory_space<hbm>> -> memref<1x1x1x128xi32, #tpu.memory_space<hbm>>
    %dma_wait3A_384 = tpu.memref_squeeze %dma_wait3A_383 : memref<1x1x1x128xi32, #tpu.memory_space<hbm>> -> memref<128xi32, #tpu.memory_space<hbm>>
    tpu.wait_dma2 semaphore(%arg13 : memref<!tpu.dma_semaphore, #tpu.memory_space<semaphore_mem>>) src(%dma_wait3A_384 : memref<128xi32, #tpu.memory_space<hbm>>) dst(%dma_wait3A_381 : memref<128xi32, #tpu.memory_space<vmem>>)
    %dma_start3A_385 = arith.constant 3 : i32
    %dma_start3A_386 = arith.constant 3 : i32
    %dma_start3A_387 = arith.constant 0 : i32
    %dma_start3A_388 = arith.constant 0 : i32
    %dma_start3A_389 = tpu.memref_slice %arg8[%dma_start3A_386, %dma_start3A_387, %dma_start3A_388] : memref<5x128x64xf32, #tpu.memory_space<vmem>> -> memref<1x128x64xf32, #tpu.memory_space<vmem>>
    %dma_start3A_390 = tpu.memref_squeeze %dma_start3A_389 : memref<1x128x64xf32, #tpu.memory_space<vmem>> -> memref<128x64xf32, #tpu.memory_space<vmem>>
    %dma_start3A_391 = arith.constant 0 : i32
    %dma_start3A_392 = tpu.memref_slice %arg7[%dma_start3A_385, %dma_start3A_391] : memref<5x128xi32, #tpu.memory_space<vmem>> -> memref<1x128xi32, #tpu.memory_space<vmem>>
    %dma_start3A_393 = tpu.memref_squeeze %dma_start3A_392 : memref<1x128xi32, #tpu.memory_space<vmem>> -> memref<128xi32, #tpu.memory_space<vmem>>
    %dma_start3A_394 = arith.constant 0 : i32
    %dma_start3A_395 = arith.constant 0 : i32
    %dma_start3A_396 = tpu.memref_slice %arg3[%dma_start3A_394, %dma_start3A_395] : memref<100000x64xf32, #tpu.memory_space<hbm>> -> memref<100000x64xf32, #tpu.memory_space<hbm>>
    tpu.enqueue_indirect_dma source(%dma_start3A_396 : memref<100000x64xf32, #tpu.memory_space<hbm>>) target(%dma_start3A_390 : memref<128x64xf32, #tpu.memory_space<vmem>>) offsets(%dma_start3A_393 : memref<128xi32, #tpu.memory_space<vmem>>) semaphore(%arg18 : memref<!tpu.dma_semaphore, #tpu.memory_space<semaphore_mem>>)
    %dma_start3A_397 = arith.constant 0 : i32
    %dma_start3A_398 = arith.constant 4 : i32
    %dma_start3A_399 = arith.constant 4 : i32
    %dma_start3A_400 = arith.constant 0 : i32
    %dma_start3A_401 = tpu.memref_slice %arg7[%dma_start3A_399, %dma_start3A_400] : memref<5x128xi32, #tpu.memory_space<vmem>> -> memref<1x128xi32, #tpu.memory_space<vmem>>
    %dma_start3A_402 = tpu.memref_squeeze %dma_start3A_401 : memref<1x128xi32, #tpu.memory_space<vmem>> -> memref<128xi32, #tpu.memory_space<vmem>>
    %dma_start3A_403 = arith.constant 0 : i32
    %dma_start3A_404 = tpu.memref_slice %arg2[%dma_start3A_397, %add3A, %dma_start3A_398, %dma_start3A_403] : memref<25x32x8x128xi32, #tpu.memory_space<hbm>> -> memref<1x1x1x128xi32, #tpu.memory_space<hbm>>
    %dma_start3A_405 = tpu.memref_squeeze %dma_start3A_404 : memref<1x1x1x128xi32, #tpu.memory_space<hbm>> -> memref<128xi32, #tpu.memory_space<hbm>>
    %dma_start3A_406 = arith.constant 0 : i32
    %dma_start3A_407 = tpu.memref_slice %arg7[%dma_start3A_399, %dma_start3A_406] : memref<5x128xi32, #tpu.memory_space<vmem>> -> memref<1x128xi32, #tpu.memory_space<vmem>>
    %dma_start3A_408 = tpu.memref_squeeze %dma_start3A_407 : memref<1x128xi32, #tpu.memory_space<vmem>> -> memref<128xi32, #tpu.memory_space<vmem>>
    %dma_start3A_409 = arith.constant 0 : i32
    %dma_start3A_410 = tpu.memref_slice %arg2[%dma_start3A_397, %add3A, %dma_start3A_398, %dma_start3A_409] : memref<25x32x8x128xi32, #tpu.memory_space<hbm>> -> memref<1x1x1x128xi32, #tpu.memory_space<hbm>>
    %dma_start3A_411 = tpu.memref_squeeze %dma_start3A_410 : memref<1x1x1x128xi32, #tpu.memory_space<hbm>> -> memref<128xi32, #tpu.memory_space<hbm>>
    tpu.enqueue_dma source(%dma_start3A_411 : memref<128xi32, #tpu.memory_space<hbm>>) target(%dma_start3A_408 : memref<128xi32, #tpu.memory_space<vmem>>) target_semaphore(%arg14 : memref<!tpu.dma_semaphore, #tpu.memory_space<semaphore_mem>>)
    %dma_wait3A_412 = arith.constant 0 : i32
    %dma_wait3A_413 = arith.constant 0 : i32
    %dma_wait3A_414 = arith.constant 0 : i32
    %dma_wait3A_415 = arith.constant 0 : i32
    %dma_wait3A_416 = arith.constant 0 : i32
    %dma_wait3A_417 = tpu.memref_slice %arg8[%dma_wait3A_414, %dma_wait3A_415, %dma_wait3A_416] : memref<5x128x64xf32, #tpu.memory_space<vmem>> -> memref<1x128x64xf32, #tpu.memory_space<vmem>>
    %dma_wait3A_418 = tpu.memref_squeeze %dma_wait3A_417 : memref<1x128x64xf32, #tpu.memory_space<vmem>> -> memref<128x64xf32, #tpu.memory_space<vmem>>
    %dma_wait3A_419 = arith.constant 0 : i32
    %dma_wait3A_420 = arith.constant 0 : i32
    %dma_wait3A_421 = arith.constant 0 : i32
    %dma_wait3A_422 = tpu.memref_slice %arg5[%dma_wait3A_412, %dma_wait3A_419, %dma_wait3A_413, %dma_wait3A_420, %dma_wait3A_421] : memref<200x8x32x8x128xf32, #tpu.memory_space<hbm>> -> memref<1x8x1x8x128xf32, #tpu.memory_space<hbm>>
    %dma_wait3A_423 = tpu.memref_squeeze %dma_wait3A_422 : memref<1x8x1x8x128xf32, #tpu.memory_space<hbm>> -> memref<8x8x128xf32, #tpu.memory_space<hbm>>
    %dma_wait3A_424 = arith.constant 0 : i32
    %dma_wait3A_425 = arith.constant 0 : i32
    %dma_wait3A_426 = tpu.memref_slice %arg8[%dma_wait3A_414, %dma_wait3A_424, %dma_wait3A_425] : memref<5x128x64xf32, #tpu.memory_space<vmem>> -> memref<1x128x64xf32, #tpu.memory_space<vmem>>
    %dma_wait3A_427 = tpu.memref_squeeze %dma_wait3A_426 : memref<1x128x64xf32, #tpu.memory_space<vmem>> -> memref<128x64xf32, #tpu.memory_space<vmem>>
    %dma_wait3A_428 = arith.constant 0 : i32
    %dma_wait3A_429 = arith.constant 0 : i32
    %dma_wait3A_430 = arith.constant 0 : i32
    %dma_wait3A_431 = tpu.memref_slice %arg5[%dma_wait3A_412, %dma_wait3A_428, %dma_wait3A_413, %dma_wait3A_429, %dma_wait3A_430] : memref<200x8x32x8x128xf32, #tpu.memory_space<hbm>> -> memref<1x8x1x8x128xf32, #tpu.memory_space<hbm>>
    %dma_wait3A_432 = tpu.memref_squeeze %dma_wait3A_431 : memref<1x8x1x8x128xf32, #tpu.memory_space<hbm>> -> memref<8x8x128xf32, #tpu.memory_space<hbm>>
    tpu.wait_dma2 semaphore(%arg15 : memref<!tpu.dma_semaphore, #tpu.memory_space<semaphore_mem>>) src(%dma_wait3A_432 : memref<8x8x128xf32, #tpu.memory_space<hbm>>) dst(%dma_wait3A_427 : memref<128x64xf32, #tpu.memory_space<vmem>>)
    %get3A = arith.constant 0 : i32
    %get3A_433 = arith.index_cast %get3A : i32 to index
    %get3A_434 = arith.constant 0 : index
    %get3A_435 = tpu.vector_load %arg6[%get3A_433, %get3A_434] {strides = array<i32>} : memref<200x64xf32, #tpu.memory_space<vmem>>, vector<16xf32>,
    %get3A_436 = arith.constant 0 : i32
    %get3A_437 = arith.index_cast %get3A_436 : i32 to index
    %get3A_438 = arith.constant 16 : index
    %get3A_439 = tpu.vector_load %arg6[%get3A_437, %get3A_438] {strides = array<i32>} : memref<200x64xf32, #tpu.memory_space<vmem>>, vector<16xf32>,
    %get3A_440 = arith.constant 0 : i32
    %get3A_441 = arith.index_cast %get3A_440 : i32 to index
    %get3A_442 = arith.constant 32 : index
    %get3A_443 = tpu.vector_load %arg6[%get3A_441, %get3A_442] {strides = array<i32>} : memref<200x64xf32, #tpu.memory_space<vmem>>, vector<16xf32>,
    %get3A_444 = arith.constant 0 : i32
    %get3A_445 = arith.index_cast %get3A_444 : i32 to index
    %get3A_446 = arith.constant 48 : index
    %get3A_447 = tpu.vector_load %arg6[%get3A_445, %get3A_446] {strides = array<i32>} : memref<200x64xf32, #tpu.memory_space<vmem>>, vector<16xf32>,
    %parallel_loop3A = arith.constant 0 : i32
    %parallel_loop3A_448 = arith.constant 128 : i32
    %parallel_loop3A_449 = arith.constant 1 : i32
    %parallel_loop3A_450 = arith.constant 0 : i32
    scf.for %parallel_loop3A_873 = %parallel_loop3A to %parallel_loop3A_448 step %parallel_loop3A_449  : i32 {
      %parallel_loop3A_874 = vector.broadcast %parallel_loop3A_873 : i32 to vector<16xi32>
      %parallel_loop3A_875 = arith.constant 0 : i32
      %parallel_loop3A_876 = arith.index_cast %parallel_loop3A_875 : i32 to index
      %parallel_loop3A_877 = arith.index_cast %parallel_loop3A_873 : i32 to index
      %parallel_loop3A_878 = arith.constant 0 : index
      %parallel_loop3A_879 = tpu.vector_load %arg8[%parallel_loop3A_876, %parallel_loop3A_877, %parallel_loop3A_878] {strides = array<i32>} : memref<5x128x64xf32, #tpu.memory_space<vmem>>, vector<16xf32>,
      %parallel_loop3A_880 = arith.addf %parallel_loop3A_879, %get3A_435 : vector<16xf32>
      %parallel_loop3A_881 = arith.constant 0 : i32
      %parallel_loop3A_882 = arith.constant 0 : i32
      %parallel_loop3A_883 = arith.constant 0 : i32
      %parallel_loop3A_884 = tpu.memref_slice %arg9[%parallel_loop3A_450, %parallel_loop3A_881, %parallel_loop3A_882, %parallel_loop3A_883] : memref<5x8x8x129xf32, #tpu.memory_space<vmem>> -> memref<1x8x8x129xf32, #tpu.memory_space<vmem>>
      %parallel_loop3A_885 = tpu.memref_squeeze %parallel_loop3A_884 : memref<1x8x8x129xf32, #tpu.memory_space<vmem>> -> memref<8x8x129xf32, #tpu.memory_space<vmem>>
      tpu.vector_store_idx %parallel_loop3A_885[%select_n3A, %select_n3A_151, %parallel_loop3A_874], %parallel_loop3A_880 : memref<8x8x129xf32, #tpu.memory_space<vmem>>[vector<16xi32>, vector<16xi32>, vector<16xi32>], vector<16xf32>,
      %parallel_loop3A_886 = arith.constant 0 : i32
      %parallel_loop3A_887 = arith.index_cast %parallel_loop3A_886 : i32 to index
      %parallel_loop3A_888 = arith.index_cast %parallel_loop3A_873 : i32 to index
      %parallel_loop3A_889 = arith.constant 16 : index
      %parallel_loop3A_890 = tpu.vector_load %arg8[%parallel_loop3A_887, %parallel_loop3A_888, %parallel_loop3A_889] {strides = array<i32>} : memref<5x128x64xf32, #tpu.memory_space<vmem>>, vector<16xf32>,
      %parallel_loop3A_891 = arith.addf %parallel_loop3A_890, %get3A_439 : vector<16xf32>
      %parallel_loop3A_892 = arith.constant 0 : i32
      %parallel_loop3A_893 = arith.constant 0 : i32
      %parallel_loop3A_894 = arith.constant 0 : i32
      %parallel_loop3A_895 = tpu.memref_slice %arg9[%parallel_loop3A_450, %parallel_loop3A_892, %parallel_loop3A_893, %parallel_loop3A_894] : memref<5x8x8x129xf32, #tpu.memory_space<vmem>> -> memref<1x8x8x129xf32, #tpu.memory_space<vmem>>
      %parallel_loop3A_896 = tpu.memref_squeeze %parallel_loop3A_895 : memref<1x8x8x129xf32, #tpu.memory_space<vmem>> -> memref<8x8x129xf32, #tpu.memory_space<vmem>>
      tpu.vector_store_idx %parallel_loop3A_896[%select_n3A_60, %select_n3A_176, %parallel_loop3A_874], %parallel_loop3A_891 : memref<8x8x129xf32, #tpu.memory_space<vmem>>[vector<16xi32>, vector<16xi32>, vector<16xi32>], vector<16xf32>,
      %parallel_loop3A_897 = arith.constant 0 : i32
      %parallel_loop3A_898 = arith.index_cast %parallel_loop3A_897 : i32 to index
      %parallel_loop3A_899 = arith.index_cast %parallel_loop3A_873 : i32 to index
      %parallel_loop3A_900 = arith.constant 32 : index
      %parallel_loop3A_901 = tpu.vector_load %arg8[%parallel_loop3A_898, %parallel_loop3A_899, %parallel_loop3A_900] {strides = array<i32>} : memref<5x128x64xf32, #tpu.memory_space<vmem>>, vector<16xf32>,
      %parallel_loop3A_902 = arith.addf %parallel_loop3A_901, %get3A_443 : vector<16xf32>
      %parallel_loop3A_903 = arith.constant 0 : i32
      %parallel_loop3A_904 = arith.constant 0 : i32
      %parallel_loop3A_905 = arith.constant 0 : i32
      %parallel_loop3A_906 = tpu.memref_slice %arg9[%parallel_loop3A_450, %parallel_loop3A_903, %parallel_loop3A_904, %parallel_loop3A_905] : memref<5x8x8x129xf32, #tpu.memory_space<vmem>> -> memref<1x8x8x129xf32, #tpu.memory_space<vmem>>
      %parallel_loop3A_907 = tpu.memref_squeeze %parallel_loop3A_906 : memref<1x8x8x129xf32, #tpu.memory_space<vmem>> -> memref<8x8x129xf32, #tpu.memory_space<vmem>>
      tpu.vector_store_idx %parallel_loop3A_907[%select_n3A_94, %select_n3A_201, %parallel_loop3A_874], %parallel_loop3A_902 : memref<8x8x129xf32, #tpu.memory_space<vmem>>[vector<16xi32>, vector<16xi32>, vector<16xi32>], vector<16xf32>,
      %parallel_loop3A_908 = arith.constant 0 : i32
      %parallel_loop3A_909 = arith.index_cast %parallel_loop3A_908 : i32 to index
      %parallel_loop3A_910 = arith.index_cast %parallel_loop3A_873 : i32 to index
      %parallel_loop3A_911 = arith.constant 48 : index
      %parallel_loop3A_912 = tpu.vector_load %arg8[%parallel_loop3A_909, %parallel_loop3A_910, %parallel_loop3A_911] {strides = array<i32>} : memref<5x128x64xf32, #tpu.memory_space<vmem>>, vector<16xf32>,
      %parallel_loop3A_913 = arith.addf %parallel_loop3A_912, %get3A_447 : vector<16xf32>
      %parallel_loop3A_914 = arith.constant 0 : i32
      %parallel_loop3A_915 = arith.constant 0 : i32
      %parallel_loop3A_916 = arith.constant 0 : i32
      %parallel_loop3A_917 = tpu.memref_slice %arg9[%parallel_loop3A_450, %parallel_loop3A_914, %parallel_loop3A_915, %parallel_loop3A_916] : memref<5x8x8x129xf32, #tpu.memory_space<vmem>> -> memref<1x8x8x129xf32, #tpu.memory_space<vmem>>
      %parallel_loop3A_918 = tpu.memref_squeeze %parallel_loop3A_917 : memref<1x8x8x129xf32, #tpu.memory_space<vmem>> -> memref<8x8x129xf32, #tpu.memory_space<vmem>>
      tpu.vector_store_idx %parallel_loop3A_918[%select_n3A_128, %select_n3A_226, %parallel_loop3A_874], %parallel_loop3A_913 : memref<8x8x129xf32, #tpu.memory_space<vmem>>[vector<16xi32>, vector<16xi32>, vector<16xi32>], vector<16xf32>,
    } {sc.loop_unroll_factor = 4 : i64, sc.parallel_access}
    %dma_start3A_451 = arith.constant 0 : i32
    %dma_start3A_452 = arith.constant 0 : i32
    %dma_start3A_453 = arith.constant 0 : i32
    %dma_start3A_454 = arith.constant 0 : i32
    %dma_start3A_455 = arith.constant 0 : i32
    %dma_start3A_456 = tpu.memref_slice %arg9[%dma_start3A_451, %dma_start3A_453, %dma_start3A_454, %dma_start3A_455] : memref<5x8x8x129xf32, #tpu.memory_space<vmem>> -> memref<1x8x8x128xf32, #tpu.memory_space<vmem>>
    %dma_start3A_457 = tpu.memref_squeeze %dma_start3A_456 : memref<1x8x8x128xf32, #tpu.memory_space<vmem>> -> memref<8x8x128xf32, #tpu.memory_space<vmem>>
    %dma_start3A_458 = arith.constant 0 : i32
    %dma_start3A_459 = arith.constant 0 : i32
    %dma_start3A_460 = arith.constant 0 : i32
    %dma_start3A_461 = tpu.memref_slice %arg5[%dma_start3A_452, %dma_start3A_458, %add3A, %dma_start3A_459, %dma_start3A_460] : memref<200x8x32x8x128xf32, #tpu.memory_space<hbm>> -> memref<1x8x1x8x128xf32, #tpu.memory_space<hbm>>
    %dma_start3A_462 = tpu.memref_squeeze %dma_start3A_461 : memref<1x8x1x8x128xf32, #tpu.memory_space<hbm>> -> memref<8x8x128xf32, #tpu.memory_space<hbm>>
    %dma_start3A_463 = arith.constant 0 : i32
    %dma_start3A_464 = arith.constant 0 : i32
    %dma_start3A_465 = arith.constant 0 : i32
    %dma_start3A_466 = tpu.memref_slice %arg5[%dma_start3A_452, %dma_start3A_463, %add3A, %dma_start3A_464, %dma_start3A_465] : memref<200x8x32x8x128xf32, #tpu.memory_space<hbm>> -> memref<1x8x1x8x128xf32, #tpu.memory_space<hbm>>
    %dma_start3A_467 = tpu.memref_squeeze %dma_start3A_466 : memref<1x8x1x8x128xf32, #tpu.memory_space<hbm>> -> memref<8x8x128xf32, #tpu.memory_space<hbm>>
    %dma_start3A_468 = arith.constant 0 : i32
    %dma_start3A_469 = arith.constant 0 : i32
    %dma_start3A_470 = arith.constant 0 : i32
    %dma_start3A_471 = tpu.memref_slice %arg9[%dma_start3A_451, %dma_start3A_468, %dma_start3A_469, %dma_start3A_470] : memref<5x8x8x129xf32, #tpu.memory_space<vmem>> -> memref<1x8x8x128xf32, #tpu.memory_space<vmem>>
    %dma_start3A_472 = tpu.memref_squeeze %dma_start3A_471 : memref<1x8x8x128xf32, #tpu.memory_space<vmem>> -> memref<8x8x128xf32, #tpu.memory_space<vmem>>
    tpu.enqueue_dma source(%dma_start3A_472 : memref<8x8x128xf32, #tpu.memory_space<vmem>>) target(%dma_start3A_467 : memref<8x8x128xf32, #tpu.memory_space<hbm>>) target_semaphore(%arg20 : memref<!tpu.dma_semaphore, #tpu.memory_space<semaphore_mem>>)
    %dma_wait3A_473 = arith.constant 0 : i32
    %dma_wait3A_474 = arith.constant 0 : i32
    %dma_wait3A_475 = arith.constant 0 : i32
    %dma_wait3A_476 = arith.constant 4 : i32
    %dma_wait3A_477 = arith.constant 0 : i32
    %dma_wait3A_478 = tpu.memref_slice %arg7[%dma_wait3A_476, %dma_wait3A_477] : memref<5x128xi32, #tpu.memory_space<vmem>> -> memref<1x128xi32, #tpu.memory_space<vmem>>
    %dma_wait3A_479 = tpu.memref_squeeze %dma_wait3A_478 : memref<1x128xi32, #tpu.memory_space<vmem>> -> memref<128xi32, #tpu.memory_space<vmem>>
    %dma_wait3A_480 = arith.constant 0 : i32
    %dma_wait3A_481 = tpu.memref_slice %arg2[%dma_wait3A_473, %dma_wait3A_474, %dma_wait3A_475, %dma_wait3A_480] : memref<25x32x8x128xi32, #tpu.memory_space<hbm>> -> memref<1x1x1x128xi32, #tpu.memory_space<hbm>>
    %dma_wait3A_482 = tpu.memref_squeeze %dma_wait3A_481 : memref<1x1x1x128xi32, #tpu.memory_space<hbm>> -> memref<128xi32, #tpu.memory_space<hbm>>
    %dma_wait3A_483 = arith.constant 0 : i32
    %dma_wait3A_484 = tpu.memref_slice %arg7[%dma_wait3A_476, %dma_wait3A_483] : memref<5x128xi32, #tpu.memory_space<vmem>> -> memref<1x128xi32, #tpu.memory_space<vmem>>
    %dma_wait3A_485 = tpu.memref_squeeze %dma_wait3A_484 : memref<1x128xi32, #tpu.memory_space<vmem>> -> memref<128xi32, #tpu.memory_space<vmem>>
    %dma_wait3A_486 = arith.constant 0 : i32
    %dma_wait3A_487 = tpu.memref_slice %arg2[%dma_wait3A_473, %dma_wait3A_474, %dma_wait3A_475, %dma_wait3A_486] : memref<25x32x8x128xi32, #tpu.memory_space<hbm>> -> memref<1x1x1x128xi32, #tpu.memory_space<hbm>>
    %dma_wait3A_488 = tpu.memref_squeeze %dma_wait3A_487 : memref<1x1x1x128xi32, #tpu.memory_space<hbm>> -> memref<128xi32, #tpu.memory_space<hbm>>
    tpu.wait_dma2 semaphore(%arg14 : memref<!tpu.dma_semaphore, #tpu.memory_space<semaphore_mem>>) src(%dma_wait3A_488 : memref<128xi32, #tpu.memory_space<hbm>>) dst(%dma_wait3A_485 : memref<128xi32, #tpu.memory_space<vmem>>)
    %dma_start3A_489 = arith.constant 4 : i32
    %dma_start3A_490 = arith.constant 4 : i32
    %dma_start3A_491 = arith.constant 0 : i32
    %dma_start3A_492 = arith.constant 0 : i32
    %dma_start3A_493 = tpu.memref_slice %arg8[%dma_start3A_490, %dma_start3A_491, %dma_start3A_492] : memref<5x128x64xf32, #tpu.memory_space<vmem>> -> memref<1x128x64xf32, #tpu.memory_space<vmem>>
    %dma_start3A_494 = tpu.memref_squeeze %dma_start3A_493 : memref<1x128x64xf32, #tpu.memory_space<vmem>> -> memref<128x64xf32, #tpu.memory_space<vmem>>
    %dma_start3A_495 = arith.constant 0 : i32
    %dma_start3A_496 = tpu.memref_slice %arg7[%dma_start3A_489, %dma_start3A_495] : memref<5x128xi32, #tpu.memory_space<vmem>> -> memref<1x128xi32, #tpu.memory_space<vmem>>
    %dma_start3A_497 = tpu.memref_squeeze %dma_start3A_496 : memref<1x128xi32, #tpu.memory_space<vmem>> -> memref<128xi32, #tpu.memory_space<vmem>>
    %dma_start3A_498 = arith.constant 0 : i32
    %dma_start3A_499 = arith.constant 0 : i32
    %dma_start3A_500 = tpu.memref_slice %arg3[%dma_start3A_498, %dma_start3A_499] : memref<100000x64xf32, #tpu.memory_space<hbm>> -> memref<100000x64xf32, #tpu.memory_space<hbm>>
    tpu.enqueue_indirect_dma source(%dma_start3A_500 : memref<100000x64xf32, #tpu.memory_space<hbm>>) target(%dma_start3A_494 : memref<128x64xf32, #tpu.memory_space<vmem>>) offsets(%dma_start3A_497 : memref<128xi32, #tpu.memory_space<vmem>>) semaphore(%arg19 : memref<!tpu.dma_semaphore, #tpu.memory_space<semaphore_mem>>)
    %scan3A = arith.constant 0 : i32
    %scan3A_501 = arith.constant 0 : i32
    %scan3A_502 = arith.constant 39 : i32
    %scan3A_503 = arith.addi %scan3A_501, %scan3A_502 : i32
    %scan3A_504 = arith.constant 1 : i32
    scf.for %scan3A_873 = %scan3A_501 to %scan3A_503 step %scan3A_504  : i32 {
      %mul3A_874 = arith.constant 5 : i32
      %mul3A_875 = arith.muli %scan3A_873, %mul3A_874 : i32
      %add3A_876 = arith.constant 1 : i32
      %add3A_877 = arith.addi %add3A_876, %mul3A_875 : i32
      %add3A_878 = arith.constant 0 : i32
      %add3A_879 = arith.addi %add3A_877, %add3A_878 : i32
      %add3A_880 = arith.constant 4 : i32
      %add3A_881 = arith.addi %add3A_879, %add3A_880 : i32
      %jit3A_882 = arith.constant 8 : i32
      %div3A_883 = arith.divsi %add3A_881, %jit3A_882 : i32
      %sign3A_884 = arith.constant 0 : i32
      %sign3A_885 = arith.cmpi sgt, %add3A_881, %sign3A_884 : i32
      %sign3A_886 = arith.extui %sign3A_885 : i1 to i32
      %sign3A_887 = arith.constant 0 : i32
      %sign3A_888 = arith.cmpi slt, %add3A_881, %sign3A_887 : i32
      %sign3A_889 = arith.extui %sign3A_888 : i1 to i32
      %sign3A_890 = arith.subi %sign3A_886, %sign3A_889 : i32
      %sign3A_891 = arith.constant 0 : i32
      %sign3A_892 = arith.cmpi sgt, %jit3A_882, %sign3A_891 : i32
      %sign3A_893 = arith.extui %sign3A_892 : i1 to i32
      %sign3A_894 = arith.constant 0 : i32
      %sign3A_895 = arith.cmpi slt, %jit3A_882, %sign3A_894 : i32
      %sign3A_896 = arith.extui %sign3A_895 : i1 to i32
      %sign3A_897 = arith.subi %sign3A_893, %sign3A_896 : i32
      %ne3A_898 = arith.cmpi ne, %sign3A_890, %sign3A_897 : i32
      %rem3A_899 = arith.remsi %add3A_881, %jit3A_882 : i32
      %ne3A_900 = arith.constant 0 : i32
      %ne3A_901 = arith.cmpi ne, %rem3A_899, %ne3A_900 : i32
      %and3A_902 = arith.andi %ne3A_898, %ne3A_901 : i1
      %sub3A_903 = arith.constant 1 : i32
      %sub3A_904 = arith.subi %div3A_883, %sub3A_903 : i32
      %select_n3A_905 = arith.select %and3A_902, %sub3A_904, %div3A_883 : i32
      %jit3A_906 = arith.constant 8 : i32
      %eq3A_907 = arith.constant 0 : i32
      %eq3A_908 = arith.cmpi eq, %jit3A_906, %eq3A_907 : i32
      %jit3A_909 = arith.constant 1 : i32
      %select_n3A_910 = arith.select %eq3A_908, %jit3A_909, %jit3A_906 : i32
      %rem3A_911 = arith.remsi %add3A_881, %select_n3A_910 : i32
      %ne3A_912 = arith.constant 0 : i32
      %ne3A_913 = arith.cmpi ne, %rem3A_911, %ne3A_912 : i32
      %lt3A_914 = arith.constant 0 : i32
      %lt3A_915 = arith.cmpi slt, %rem3A_911, %lt3A_914 : i32
      %lt3A_916 = arith.constant 0 : i32
      %lt3A_917 = arith.cmpi slt, %select_n3A_910, %lt3A_916 : i32
      %ne3A_918 = arith.xori %lt3A_915, %lt3A_917 : i1
      %and3A_919 = arith.andi %ne3A_918, %ne3A_913 : i1
      %add3A_920 = arith.addi %rem3A_911, %select_n3A_910 : i32
      %select_n3A_921 = arith.select %and3A_919, %add3A_920, %rem3A_911 : i32
      %dma_start3A_922 = arith.constant 0 : i32
      %dma_start3A_923 = arith.constant 0 : i32
      %dma_start3A_924 = tpu.memref_slice %arg7[%dma_start3A_922, %dma_start3A_923] : memref<5x128xi32, #tpu.memory_space<vmem>> -> memref<1x128xi32, #tpu.memory_space<vmem>>
      %dma_start3A_925 = tpu.memref_squeeze %dma_start3A_924 : memref<1x128xi32, #tpu.memory_space<vmem>> -> memref<128xi32, #tpu.memory_space<vmem>>
      %dma_start3A_926 = arith.constant 0 : i32
      %dma_start3A_927 = tpu.memref_slice %arg2[%select_n3A_905, %add3A, %select_n3A_921, %dma_start3A_926] : memref<25x32x8x128xi32, #tpu.memory_space<hbm>> -> memref<1x1x1x128xi32, #tpu.memory_space<hbm>>
      %dma_start3A_928 = tpu.memref_squeeze %dma_start3A_927 : memref<1x1x1x128xi32, #tpu.memory_space<hbm>> -> memref<128xi32, #tpu.memory_space<hbm>>
      %dma_start3A_929 = arith.constant 0 : i32
      %dma_start3A_930 = tpu.memref_slice %arg7[%dma_start3A_922, %dma_start3A_929] : memref<5x128xi32, #tpu.memory_space<vmem>> -> memref<1x128xi32, #tpu.memory_space<vmem>>
      %dma_start3A_931 = tpu.memref_squeeze %dma_start3A_930 : memref<1x128xi32, #tpu.memory_space<vmem>> -> memref<128xi32, #tpu.memory_space<vmem>>
      %dma_start3A_932 = arith.constant 0 : i32
      %dma_start3A_933 = tpu.memref_slice %arg2[%select_n3A_905, %add3A, %select_n3A_921, %dma_start3A_932] : memref<25x32x8x128xi32, #tpu.memory_space<hbm>> -> memref<1x1x1x128xi32, #tpu.memory_space<hbm>>
      %dma_start3A_934 = tpu.memref_squeeze %dma_start3A_933 : memref<1x1x1x128xi32, #tpu.memory_space<hbm>> -> memref<128xi32, #tpu.memory_space<hbm>>
      tpu.enqueue_dma source(%dma_start3A_934 : memref<128xi32, #tpu.memory_space<hbm>>) target(%dma_start3A_931 : memref<128xi32, #tpu.memory_space<vmem>>) target_semaphore(%arg10 : memref<!tpu.dma_semaphore, #tpu.memory_space<semaphore_mem>>)
      %dma_wait3A_935 = arith.constant 0 : i32
      %dma_wait3A_936 = arith.constant 0 : i32
      %dma_wait3A_937 = arith.constant 1 : i32
      %dma_wait3A_938 = arith.constant 0 : i32
      %dma_wait3A_939 = arith.constant 0 : i32
      %dma_wait3A_940 = tpu.memref_slice %arg8[%dma_wait3A_937, %dma_wait3A_938, %dma_wait3A_939] : memref<5x128x64xf32, #tpu.memory_space<vmem>> -> memref<1x128x64xf32, #tpu.memory_space<vmem>>
      %dma_wait3A_941 = tpu.memref_squeeze %dma_wait3A_940 : memref<1x128x64xf32, #tpu.memory_space<vmem>> -> memref<128x64xf32, #tpu.memory_space<vmem>>
      %dma_wait3A_942 = arith.constant 0 : i32
      %dma_wait3A_943 = arith.constant 0 : i32
      %dma_wait3A_944 = arith.constant 0 : i32
      %dma_wait3A_945 = tpu.memref_slice %arg5[%dma_wait3A_935, %dma_wait3A_942, %dma_wait3A_936, %dma_wait3A_943, %dma_wait3A_944] : memref<200x8x32x8x128xf32, #tpu.memory_space<hbm>> -> memref<1x8x1x8x128xf32, #tpu.memory_space<hbm>>
      %dma_wait3A_946 = tpu.memref_squeeze %dma_wait3A_945 : memref<1x8x1x8x128xf32, #tpu.memory_space<hbm>> -> memref<8x8x128xf32, #tpu.memory_space<hbm>>
      %dma_wait3A_947 = arith.constant 0 : i32
      %dma_wait3A_948 = arith.constant 0 : i32
      %dma_wait3A_949 = tpu.memref_slice %arg8[%dma_wait3A_937, %dma_wait3A_947, %dma_wait3A_948] : memref<5x128x64xf32, #tpu.memory_space<vmem>> -> memref<1x128x64xf32, #tpu.memory_space<vmem>>
      %dma_wait3A_950 = tpu.memref_squeeze %dma_wait3A_949 : memref<1x128x64xf32, #tpu.memory_space<vmem>> -> memref<128x64xf32, #tpu.memory_space<vmem>>
      %dma_wait3A_951 = arith.constant 0 : i32
      %dma_wait3A_952 = arith.constant 0 : i32
      %dma_wait3A_953 = arith.constant 0 : i32
      %dma_wait3A_954 = tpu.memref_slice %arg5[%dma_wait3A_935, %dma_wait3A_951, %dma_wait3A_936, %dma_wait3A_952, %dma_wait3A_953] : memref<200x8x32x8x128xf32, #tpu.memory_space<hbm>> -> memref<1x8x1x8x128xf32, #tpu.memory_space<hbm>>
      %dma_wait3A_955 = tpu.memref_squeeze %dma_wait3A_954 : memref<1x8x1x8x128xf32, #tpu.memory_space<hbm>> -> memref<8x8x128xf32, #tpu.memory_space<hbm>>
      tpu.wait_dma2 semaphore(%arg16 : memref<!tpu.dma_semaphore, #tpu.memory_space<semaphore_mem>>) src(%dma_wait3A_955 : memref<8x8x128xf32, #tpu.memory_space<hbm>>) dst(%dma_wait3A_950 : memref<128x64xf32, #tpu.memory_space<vmem>>)
      %get3A_956 = arith.index_cast %add3A_879 : i32 to index
      %get3A_957 = arith.constant 0 : index
      %get3A_958 = tpu.vector_load %arg6[%get3A_956, %get3A_957] {strides = array<i32>} : memref<200x64xf32, #tpu.memory_space<vmem>>, vector<16xf32>,
      %get3A_959 = arith.index_cast %add3A_879 : i32 to index
      %get3A_960 = arith.constant 16 : index
      %get3A_961 = tpu.vector_load %arg6[%get3A_959, %get3A_960] {strides = array<i32>} : memref<200x64xf32, #tpu.memory_space<vmem>>, vector<16xf32>,
      %get3A_962 = arith.index_cast %add3A_879 : i32 to index
      %get3A_963 = arith.constant 32 : index
      %get3A_964 = tpu.vector_load %arg6[%get3A_962, %get3A_963] {strides = array<i32>} : memref<200x64xf32, #tpu.memory_space<vmem>>, vector<16xf32>,
      %get3A_965 = arith.index_cast %add3A_879 : i32 to index
      %get3A_966 = arith.constant 48 : index
      %get3A_967 = tpu.vector_load %arg6[%get3A_965, %get3A_966] {strides = array<i32>} : memref<200x64xf32, #tpu.memory_space<vmem>>, vector<16xf32>,
      %parallel_loop3A_968 = arith.constant 0 : i32
      %parallel_loop3A_969 = arith.constant 128 : i32
      %parallel_loop3A_970 = arith.constant 1 : i32
      %parallel_loop3A_971 = arith.constant 1 : i32
      scf.for %parallel_loop3A_1724 = %parallel_loop3A_968 to %parallel_loop3A_969 step %parallel_loop3A_970  : i32 {
        %parallel_loop3A_1725 = vector.broadcast %parallel_loop3A_1724 : i32 to vector<16xi32>
        %parallel_loop3A_1726 = arith.constant 1 : i32
        %parallel_loop3A_1727 = arith.index_cast %parallel_loop3A_1726 : i32 to index
        %parallel_loop3A_1728 = arith.index_cast %parallel_loop3A_1724 : i32 to index
        %parallel_loop3A_1729 = arith.constant 0 : index
        %parallel_loop3A_1730 = tpu.vector_load %arg8[%parallel_loop3A_1727, %parallel_loop3A_1728, %parallel_loop3A_1729] {strides = array<i32>} : memref<5x128x64xf32, #tpu.memory_space<vmem>>, vector<16xf32>,
        %parallel_loop3A_1731 = arith.addf %parallel_loop3A_1730, %get3A_958 : vector<16xf32>
        %parallel_loop3A_1732 = arith.constant 0 : i32
        %parallel_loop3A_1733 = arith.constant 0 : i32
        %parallel_loop3A_1734 = arith.constant 0 : i32
        %parallel_loop3A_1735 = tpu.memref_slice %arg9[%parallel_loop3A_971, %parallel_loop3A_1732, %parallel_loop3A_1733, %parallel_loop3A_1734] : memref<5x8x8x129xf32, #tpu.memory_space<vmem>> -> memref<1x8x8x129xf32, #tpu.memory_space<vmem>>
        %parallel_loop3A_1736 = tpu.memref_squeeze %parallel_loop3A_1735 : memref<1x8x8x129xf32, #tpu.memory_space<vmem>> -> memref<8x8x129xf32, #tpu.memory_space<vmem>>
        tpu.vector_store_idx %parallel_loop3A_1736[%select_n3A, %select_n3A_151, %parallel_loop3A_1725], %parallel_loop3A_1731 : memref<8x8x129xf32, #tpu.memory_space<vmem>>[vector<16xi32>, vector<16xi32>, vector<16xi32>], vector<16xf32>,
        %parallel_loop3A_1737 = arith.constant 1 : i32
        %parallel_loop3A_1738 = arith.index_cast %parallel_loop3A_1737 : i32 to index
        %parallel_loop3A_1739 = arith.index_cast %parallel_loop3A_1724 : i32 to index
        %parallel_loop3A_1740 = arith.constant 16 : index
        %parallel_loop3A_1741 = tpu.vector_load %arg8[%parallel_loop3A_1738, %parallel_loop3A_1739, %parallel_loop3A_1740] {strides = array<i32>} : memref<5x128x64xf32, #tpu.memory_space<vmem>>, vector<16xf32>,
        %parallel_loop3A_1742 = arith.addf %parallel_loop3A_1741, %get3A_961 : vector<16xf32>
        %parallel_loop3A_1743 = arith.constant 0 : i32
        %parallel_loop3A_1744 = arith.constant 0 : i32
        %parallel_loop3A_1745 = arith.constant 0 : i32
        %parallel_loop3A_1746 = tpu.memref_slice %arg9[%parallel_loop3A_971, %parallel_loop3A_1743, %parallel_loop3A_1744, %parallel_loop3A_1745] : memref<5x8x8x129xf32, #tpu.memory_space<vmem>> -> memref<1x8x8x129xf32, #tpu.memory_space<vmem>>
        %parallel_loop3A_1747 = tpu.memref_squeeze %parallel_loop3A_1746 : memref<1x8x8x129xf32, #tpu.memory_space<vmem>> -> memref<8x8x129xf32, #tpu.memory_space<vmem>>
        tpu.vector_store_idx %parallel_loop3A_1747[%select_n3A_60, %select_n3A_176, %parallel_loop3A_1725], %parallel_loop3A_1742 : memref<8x8x129xf32, #tpu.memory_space<vmem>>[vector<16xi32>, vector<16xi32>, vector<16xi32>], vector<16xf32>,
        %parallel_loop3A_1748 = arith.constant 1 : i32
        %parallel_loop3A_1749 = arith.index_cast %parallel_loop3A_1748 : i32 to index
        %parallel_loop3A_1750 = arith.index_cast %parallel_loop3A_1724 : i32 to index
        %parallel_loop3A_1751 = arith.constant 32 : index
        %parallel_loop3A_1752 = tpu.vector_load %arg8[%parallel_loop3A_1749, %parallel_loop3A_1750, %parallel_loop3A_1751] {strides = array<i32>} : memref<5x128x64xf32, #tpu.memory_space<vmem>>, vector<16xf32>,
        %parallel_loop3A_1753 = arith.addf %parallel_loop3A_1752, %get3A_964 : vector<16xf32>
        %parallel_loop3A_1754 = arith.constant 0 : i32
        %parallel_loop3A_1755 = arith.constant 0 : i32
        %parallel_loop3A_1756 = arith.constant 0 : i32
        %parallel_loop3A_1757 = tpu.memref_slice %arg9[%parallel_loop3A_971, %parallel_loop3A_1754, %parallel_loop3A_1755, %parallel_loop3A_1756] : memref<5x8x8x129xf32, #tpu.memory_space<vmem>> -> memref<1x8x8x129xf32, #tpu.memory_space<vmem>>
        %parallel_loop3A_1758 = tpu.memref_squeeze %parallel_loop3A_1757 : memref<1x8x8x129xf32, #tpu.memory_space<vmem>> -> memref<8x8x129xf32, #tpu.memory_space<vmem>>
        tpu.vector_store_idx %parallel_loop3A_1758[%select_n3A_94, %select_n3A_201, %parallel_loop3A_1725], %parallel_loop3A_1753 : memref<8x8x129xf32, #tpu.memory_space<vmem>>[vector<16xi32>, vector<16xi32>, vector<16xi32>], vector<16xf32>,
        %parallel_loop3A_1759 = arith.constant 1 : i32
        %parallel_loop3A_1760 = arith.index_cast %parallel_loop3A_1759 : i32 to index
        %parallel_loop3A_1761 = arith.index_cast %parallel_loop3A_1724 : i32 to index
        %parallel_loop3A_1762 = arith.constant 48 : index
        %parallel_loop3A_1763 = tpu.vector_load %arg8[%parallel_loop3A_1760, %parallel_loop3A_1761, %parallel_loop3A_1762] {strides = array<i32>} : memref<5x128x64xf32, #tpu.memory_space<vmem>>, vector<16xf32>,
        %parallel_loop3A_1764 = arith.addf %parallel_loop3A_1763, %get3A_967 : vector<16xf32>
        %parallel_loop3A_1765 = arith.constant 0 : i32
        %parallel_loop3A_1766 = arith.constant 0 : i32
        %parallel_loop3A_1767 = arith.constant 0 : i32
        %parallel_loop3A_1768 = tpu.memref_slice %arg9[%parallel_loop3A_971, %parallel_loop3A_1765, %parallel_loop3A_1766, %parallel_loop3A_1767] : memref<5x8x8x129xf32, #tpu.memory_space<vmem>> -> memref<1x8x8x129xf32, #tpu.memory_space<vmem>>
        %parallel_loop3A_1769 = tpu.memref_squeeze %parallel_loop3A_1768 : memref<1x8x8x129xf32, #tpu.memory_space<vmem>> -> memref<8x8x129xf32, #tpu.memory_space<vmem>>
        tpu.vector_store_idx %parallel_loop3A_1769[%select_n3A_128, %select_n3A_226, %parallel_loop3A_1725], %parallel_loop3A_1764 : memref<8x8x129xf32, #tpu.memory_space<vmem>>[vector<16xi32>, vector<16xi32>, vector<16xi32>], vector<16xf32>,
      } {sc.loop_unroll_factor = 4 : i64, sc.parallel_access}
      %dma_start3A_972 = arith.constant 1 : i32
      %dma_start3A_973 = arith.constant 0 : i32
      %dma_start3A_974 = arith.constant 0 : i32
      %dma_start3A_975 = arith.constant 0 : i32
      %dma_start3A_976 = tpu.memref_slice %arg9[%dma_start3A_972, %dma_start3A_973, %dma_start3A_974, %dma_start3A_975] : memref<5x8x8x129xf32, #tpu.memory_space<vmem>> -> memref<1x8x8x128xf32, #tpu.memory_space<vmem>>
      %dma_start3A_977 = tpu.memref_squeeze %dma_start3A_976 : memref<1x8x8x128xf32, #tpu.memory_space<vmem>> -> memref<8x8x128xf32, #tpu.memory_space<vmem>>
      %dma_start3A_978 = arith.constant 0 : i32
      %dma_start3A_979 = arith.constant 0 : i32
      %dma_start3A_980 = arith.constant 0 : i32
      %dma_start3A_981 = tpu.memref_slice %arg5[%add3A_879, %dma_start3A_978, %add3A, %dma_start3A_979, %dma_start3A_980] : memref<200x8x32x8x128xf32, #tpu.memory_space<hbm>> -> memref<1x8x1x8x128xf32, #tpu.memory_space<hbm>>
      %dma_start3A_982 = tpu.memref_squeeze %dma_start3A_981 : memref<1x8x1x8x128xf32, #tpu.memory_space<hbm>> -> memref<8x8x128xf32, #tpu.memory_space<hbm>>
      %dma_start3A_983 = arith.constant 0 : i32
      %dma_start3A_984 = arith.constant 0 : i32
      %dma_start3A_985 = arith.constant 0 : i32
      %dma_start3A_986 = tpu.memref_slice %arg5[%add3A_879, %dma_start3A_983, %add3A, %dma_start3A_984, %dma_start3A_985] : memref<200x8x32x8x128xf32, #tpu.memory_space<hbm>> -> memref<1x8x1x8x128xf32, #tpu.memory_space<hbm>>
      %dma_start3A_987 = tpu.memref_squeeze %dma_start3A_986 : memref<1x8x1x8x128xf32, #tpu.memory_space<hbm>> -> memref<8x8x128xf32, #tpu.memory_space<hbm>>
      %dma_start3A_988 = arith.constant 0 : i32
      %dma_start3A_989 = arith.constant 0 : i32
      %dma_start3A_990 = arith.constant 0 : i32
      %dma_start3A_991 = tpu.memref_slice %arg9[%dma_start3A_972, %dma_start3A_988, %dma_start3A_989, %dma_start3A_990] : memref<5x8x8x129xf32, #tpu.memory_space<vmem>> -> memref<1x8x8x128xf32, #tpu.memory_space<vmem>>
      %dma_start3A_992 = tpu.memref_squeeze %dma_start3A_991 : memref<1x8x8x128xf32, #tpu.memory_space<vmem>> -> memref<8x8x128xf32, #tpu.memory_space<vmem>>
      tpu.enqueue_dma source(%dma_start3A_992 : memref<8x8x128xf32, #tpu.memory_space<vmem>>) target(%dma_start3A_987 : memref<8x8x128xf32, #tpu.memory_space<hbm>>) target_semaphore(%arg21 : memref<!tpu.dma_semaphore, #tpu.memory_space<semaphore_mem>>)
      %dma_wait3A_993 = arith.constant 0 : i32
      %dma_wait3A_994 = arith.constant 0 : i32
      %dma_wait3A_995 = arith.constant 0 : i32
      %dma_wait3A_996 = arith.constant 0 : i32
      %dma_wait3A_997 = arith.constant 0 : i32
      %dma_wait3A_998 = arith.constant 0 : i32
      %dma_wait3A_999 = tpu.memref_slice %arg9[%dma_wait3A_993, %dma_wait3A_996, %dma_wait3A_997, %dma_wait3A_998] : memref<5x8x8x129xf32, #tpu.memory_space<vmem>> -> memref<1x8x8x128xf32, #tpu.memory_space<vmem>>
      %dma_wait3A_1000 = tpu.memref_squeeze %dma_wait3A_999 : memref<1x8x8x128xf32, #tpu.memory_space<vmem>> -> memref<8x8x128xf32, #tpu.memory_space<vmem>>
      %dma_wait3A_1001 = arith.constant 0 : i32
      %dma_wait3A_1002 = arith.constant 0 : i32
      %dma_wait3A_1003 = arith.constant 0 : i32
      %dma_wait3A_1004 = tpu.memref_slice %arg5[%dma_wait3A_994, %dma_wait3A_1001, %dma_wait3A_995, %dma_wait3A_1002, %dma_wait3A_1003] : memref<200x8x32x8x128xf32, #tpu.memory_space<hbm>> -> memref<1x8x1x8x128xf32, #tpu.memory_space<hbm>>
      %dma_wait3A_1005 = tpu.memref_squeeze %dma_wait3A_1004 : memref<1x8x1x8x128xf32, #tpu.memory_space<hbm>> -> memref<8x8x128xf32, #tpu.memory_space<hbm>>
      %dma_wait3A_1006 = arith.constant 0 : i32
      %dma_wait3A_1007 = arith.constant 0 : i32
      %dma_wait3A_1008 = arith.constant 0 : i32
      %dma_wait3A_1009 = tpu.memref_slice %arg5[%dma_wait3A_994, %dma_wait3A_1006, %dma_wait3A_995, %dma_wait3A_1007, %dma_wait3A_1008] : memref<200x8x32x8x128xf32, #tpu.memory_space<hbm>> -> memref<1x8x1x8x128xf32, #tpu.memory_space<hbm>>
      %dma_wait3A_1010 = tpu.memref_squeeze %dma_wait3A_1009 : memref<1x8x1x8x128xf32, #tpu.memory_space<hbm>> -> memref<8x8x128xf32, #tpu.memory_space<hbm>>
      %dma_wait3A_1011 = arith.constant 0 : i32
      %dma_wait3A_1012 = arith.constant 0 : i32
      %dma_wait3A_1013 = arith.constant 0 : i32
      %dma_wait3A_1014 = tpu.memref_slice %arg9[%dma_wait3A_993, %dma_wait3A_1011, %dma_wait3A_1012, %dma_wait3A_1013] : memref<5x8x8x129xf32, #tpu.memory_space<vmem>> -> memref<1x8x8x128xf32, #tpu.memory_space<vmem>>
      %dma_wait3A_1015 = tpu.memref_squeeze %dma_wait3A_1014 : memref<1x8x8x128xf32, #tpu.memory_space<vmem>> -> memref<8x8x128xf32, #tpu.memory_space<vmem>>
      tpu.wait_dma2 semaphore(%arg20 : memref<!tpu.dma_semaphore, #tpu.memory_space<semaphore_mem>>) src(%dma_wait3A_1015 : memref<8x8x128xf32, #tpu.memory_space<vmem>>) dst(%dma_wait3A_1010 : memref<8x8x128xf32, #tpu.memory_space<hbm>>)
      %dma_wait3A_1016 = arith.constant 0 : i32
      %dma_wait3A_1017 = arith.constant 0 : i32
      %dma_wait3A_1018 = arith.constant 0 : i32
      %dma_wait3A_1019 = arith.constant 0 : i32
      %dma_wait3A_1020 = arith.constant 0 : i32
      %dma_wait3A_1021 = tpu.memref_slice %arg7[%dma_wait3A_1019, %dma_wait3A_1020] : memref<5x128xi32, #tpu.memory_space<vmem>> -> memref<1x128xi32, #tpu.memory_space<vmem>>
      %dma_wait3A_1022 = tpu.memref_squeeze %dma_wait3A_1021 : memref<1x128xi32, #tpu.memory_space<vmem>> -> memref<128xi32, #tpu.memory_space<vmem>>
      %dma_wait3A_1023 = arith.constant 0 : i32
      %dma_wait3A_1024 = tpu.memref_slice %arg2[%dma_wait3A_1016, %dma_wait3A_1017, %dma_wait3A_1018, %dma_wait3A_1023] : memref<25x32x8x128xi32, #tpu.memory_space<hbm>> -> memref<1x1x1x128xi32, #tpu.memory_space<hbm>>
      %dma_wait3A_1025 = tpu.memref_squeeze %dma_wait3A_1024 : memref<1x1x1x128xi32, #tpu.memory_space<hbm>> -> memref<128xi32, #tpu.memory_space<hbm>>
      %dma_wait3A_1026 = arith.constant 0 : i32
      %dma_wait3A_1027 = tpu.memref_slice %arg7[%dma_wait3A_1019, %dma_wait3A_1026] : memref<5x128xi32, #tpu.memory_space<vmem>> -> memref<1x128xi32, #tpu.memory_space<vmem>>
      %dma_wait3A_1028 = tpu.memref_squeeze %dma_wait3A_1027 : memref<1x128xi32, #tpu.memory_space<vmem>> -> memref<128xi32, #tpu.memory_space<vmem>>
      %dma_wait3A_1029 = arith.constant 0 : i32
      %dma_wait3A_1030 = tpu.memref_slice %arg2[%dma_wait3A_1016, %dma_wait3A_1017, %dma_wait3A_1018, %dma_wait3A_1029] : memref<25x32x8x128xi32, #tpu.memory_space<hbm>> -> memref<1x1x1x128xi32, #tpu.memory_space<hbm>>
      %dma_wait3A_1031 = tpu.memref_squeeze %dma_wait3A_1030 : memref<1x1x1x128xi32, #tpu.memory_space<hbm>> -> memref<128xi32, #tpu.memory_space<hbm>>
      tpu.wait_dma2 semaphore(%arg10 : memref<!tpu.dma_semaphore, #tpu.memory_space<semaphore_mem>>) src(%dma_wait3A_1031 : memref<128xi32, #tpu.memory_space<hbm>>) dst(%dma_wait3A_1028 : memref<128xi32, #tpu.memory_space<vmem>>)
      %dma_start3A_1032 = arith.constant 0 : i32
      %dma_start3A_1033 = arith.constant 0 : i32
      %dma_start3A_1034 = arith.constant 0 : i32
      %dma_start3A_1035 = arith.constant 0 : i32
      %dma_start3A_1036 = tpu.memref_slice %arg8[%dma_start3A_1033, %dma_start3A_1034, %dma_start3A_1035] : memref<5x128x64xf32, #tpu.memory_space<vmem>> -> memref<1x128x64xf32, #tpu.memory_space<vmem>>
      %dma_start3A_1037 = tpu.memref_squeeze %dma_start3A_1036 : memref<1x128x64xf32, #tpu.memory_space<vmem>> -> memref<128x64xf32, #tpu.memory_space<vmem>>
      %dma_start3A_1038 = arith.constant 0 : i32
      %dma_start3A_1039 = tpu.memref_slice %arg7[%dma_start3A_1032, %dma_start3A_1038] : memref<5x128xi32, #tpu.memory_space<vmem>> -> memref<1x128xi32, #tpu.memory_space<vmem>>
      %dma_start3A_1040 = tpu.memref_squeeze %dma_start3A_1039 : memref<1x128xi32, #tpu.memory_space<vmem>> -> memref<128xi32, #tpu.memory_space<vmem>>
      %dma_start3A_1041 = arith.constant 0 : i32
      %dma_start3A_1042 = arith.constant 0 : i32
      %dma_start3A_1043 = tpu.memref_slice %arg3[%dma_start3A_1041, %dma_start3A_1042] : memref<100000x64xf32, #tpu.memory_space<hbm>> -> memref<100000x64xf32, #tpu.memory_space<hbm>>
      tpu.enqueue_indirect_dma source(%dma_start3A_1043 : memref<100000x64xf32, #tpu.memory_space<hbm>>) target(%dma_start3A_1037 : memref<128x64xf32, #tpu.memory_space<vmem>>) offsets(%dma_start3A_1040 : memref<128xi32, #tpu.memory_space<vmem>>) semaphore(%arg15 : memref<!tpu.dma_semaphore, #tpu.memory_space<semaphore_mem>>)
      %mul3A_1044 = arith.constant 5 : i32
      %mul3A_1045 = arith.muli %scan3A_873, %mul3A_1044 : i32
      %add3A_1046 = arith.constant 1 : i32
      %add3A_1047 = arith.addi %add3A_1046, %mul3A_1045 : i32
      %add3A_1048 = arith.constant 1 : i32
      %add3A_1049 = arith.addi %add3A_1047, %add3A_1048 : i32
      %add3A_1050 = arith.constant 4 : i32
      %add3A_1051 = arith.addi %add3A_1049, %add3A_1050 : i32
      %jit3A_1052 = arith.constant 8 : i32
      %div3A_1053 = arith.divsi %add3A_1051, %jit3A_1052 : i32
      %sign3A_1054 = arith.constant 0 : i32
      %sign3A_1055 = arith.cmpi sgt, %add3A_1051, %sign3A_1054 : i32
      %sign3A_1056 = arith.extui %sign3A_1055 : i1 to i32
      %sign3A_1057 = arith.constant 0 : i32
      %sign3A_1058 = arith.cmpi slt, %add3A_1051, %sign3A_1057 : i32
      %sign3A_1059 = arith.extui %sign3A_1058 : i1 to i32
      %sign3A_1060 = arith.subi %sign3A_1056, %sign3A_1059 : i32
      %sign3A_1061 = arith.constant 0 : i32
      %sign3A_1062 = arith.cmpi sgt, %jit3A_1052, %sign3A_1061 : i32
      %sign3A_1063 = arith.extui %sign3A_1062 : i1 to i32
      %sign3A_1064 = arith.constant 0 : i32
      %sign3A_1065 = arith.cmpi slt, %jit3A_1052, %sign3A_1064 : i32
      %sign3A_1066 = arith.extui %sign3A_1065 : i1 to i32
      %sign3A_1067 = arith.subi %sign3A_1063, %sign3A_1066 : i32
      %ne3A_1068 = arith.cmpi ne, %sign3A_1060, %sign3A_1067 : i32
      %rem3A_1069 = arith.remsi %add3A_1051, %jit3A_1052 : i32
      %ne3A_1070 = arith.constant 0 : i32
      %ne3A_1071 = arith.cmpi ne, %rem3A_1069, %ne3A_1070 : i32
      %and3A_1072 = arith.andi %ne3A_1068, %ne3A_1071 : i1
      %sub3A_1073 = arith.constant 1 : i32
      %sub3A_1074 = arith.subi %div3A_1053, %sub3A_1073 : i32
      %select_n3A_1075 = arith.select %and3A_1072, %sub3A_1074, %div3A_1053 : i32
      %jit3A_1076 = arith.constant 8 : i32
      %eq3A_1077 = arith.constant 0 : i32
      %eq3A_1078 = arith.cmpi eq, %jit3A_1076, %eq3A_1077 : i32
      %jit3A_1079 = arith.constant 1 : i32
      %select_n3A_1080 = arith.select %eq3A_1078, %jit3A_1079, %jit3A_1076 : i32
      %rem3A_1081 = arith.remsi %add3A_1051, %select_n3A_1080 : i32
      %ne3A_1082 = arith.constant 0 : i32
      %ne3A_1083 = arith.cmpi ne, %rem3A_1081, %ne3A_1082 : i32
      %lt3A_1084 = arith.constant 0 : i32
      %lt3A_1085 = arith.cmpi slt, %rem3A_1081, %lt3A_1084 : i32
      %lt3A_1086 = arith.constant 0 : i32
      %lt3A_1087 = arith.cmpi slt, %select_n3A_1080, %lt3A_1086 : i32
      %ne3A_1088 = arith.xori %lt3A_1085, %lt3A_1087 : i1
      %and3A_1089 = arith.andi %ne3A_1088, %ne3A_1083 : i1
      %add3A_1090 = arith.addi %rem3A_1081, %select_n3A_1080 : i32
      %select_n3A_1091 = arith.select %and3A_1089, %add3A_1090, %rem3A_1081 : i32
      %dma_start3A_1092 = arith.constant 1 : i32
      %dma_start3A_1093 = arith.constant 0 : i32
      %dma_start3A_1094 = tpu.memref_slice %arg7[%dma_start3A_1092, %dma_start3A_1093] : memref<5x128xi32, #tpu.memory_space<vmem>> -> memref<1x128xi32, #tpu.memory_space<vmem>>
      %dma_start3A_1095 = tpu.memref_squeeze %dma_start3A_1094 : memref<1x128xi32, #tpu.memory_space<vmem>> -> memref<128xi32, #tpu.memory_space<vmem>>
      %dma_start3A_1096 = arith.constant 0 : i32
      %dma_start3A_1097 = tpu.memref_slice %arg2[%select_n3A_1075, %add3A, %select_n3A_1091, %dma_start3A_1096] : memref<25x32x8x128xi32, #tpu.memory_space<hbm>> -> memref<1x1x1x128xi32, #tpu.memory_space<hbm>>
      %dma_start3A_1098 = tpu.memref_squeeze %dma_start3A_1097 : memref<1x1x1x128xi32, #tpu.memory_space<hbm>> -> memref<128xi32, #tpu.memory_space<hbm>>
      %dma_start3A_1099 = arith.constant 0 : i32
      %dma_start3A_1100 = tpu.memref_slice %arg7[%dma_start3A_1092, %dma_start3A_1099] : memref<5x128xi32, #tpu.memory_space<vmem>> -> memref<1x128xi32, #tpu.memory_space<vmem>>
      %dma_start3A_1101 = tpu.memref_squeeze %dma_start3A_1100 : memref<1x128xi32, #tpu.memory_space<vmem>> -> memref<128xi32, #tpu.memory_space<vmem>>
      %dma_start3A_1102 = arith.constant 0 : i32
      %dma_start3A_1103 = tpu.memref_slice %arg2[%select_n3A_1075, %add3A, %select_n3A_1091, %dma_start3A_1102] : memref<25x32x8x128xi32, #tpu.memory_space<hbm>> -> memref<1x1x1x128xi32, #tpu.memory_space<hbm>>
      %dma_start3A_1104 = tpu.memref_squeeze %dma_start3A_1103 : memref<1x1x1x128xi32, #tpu.memory_space<hbm>> -> memref<128xi32, #tpu.memory_space<hbm>>
      tpu.enqueue_dma source(%dma_start3A_1104 : memref<128xi32, #tpu.memory_space<hbm>>) target(%dma_start3A_1101 : memref<128xi32, #tpu.memory_space<vmem>>) target_semaphore(%arg11 : memref<!tpu.dma_semaphore, #tpu.memory_space<semaphore_mem>>)
      %dma_wait3A_1105 = arith.constant 0 : i32
      %dma_wait3A_1106 = arith.constant 0 : i32
      %dma_wait3A_1107 = arith.constant 2 : i32
      %dma_wait3A_1108 = arith.constant 0 : i32
      %dma_wait3A_1109 = arith.constant 0 : i32
      %dma_wait3A_1110 = tpu.memref_slice %arg8[%dma_wait3A_1107, %dma_wait3A_1108, %dma_wait3A_1109] : memref<5x128x64xf32, #tpu.memory_space<vmem>> -> memref<1x128x64xf32, #tpu.memory_space<vmem>>
      %dma_wait3A_1111 = tpu.memref_squeeze %dma_wait3A_1110 : memref<1x128x64xf32, #tpu.memory_space<vmem>> -> memref<128x64xf32, #tpu.memory_space<vmem>>
      %dma_wait3A_1112 = arith.constant 0 : i32
      %dma_wait3A_1113 = arith.constant 0 : i32
      %dma_wait3A_1114 = arith.constant 0 : i32
      %dma_wait3A_1115 = tpu.memref_slice %arg5[%dma_wait3A_1105, %dma_wait3A_1112, %dma_wait3A_1106, %dma_wait3A_1113, %dma_wait3A_1114] : memref<200x8x32x8x128xf32, #tpu.memory_space<hbm>> -> memref<1x8x1x8x128xf32, #tpu.memory_space<hbm>>
      %dma_wait3A_1116 = tpu.memref_squeeze %dma_wait3A_1115 : memref<1x8x1x8x128xf32, #tpu.memory_space<hbm>> -> memref<8x8x128xf32, #tpu.memory_space<hbm>>
      %dma_wait3A_1117 = arith.constant 0 : i32
      %dma_wait3A_1118 = arith.constant 0 : i32
      %dma_wait3A_1119 = tpu.memref_slice %arg8[%dma_wait3A_1107, %dma_wait3A_1117, %dma_wait3A_1118] : memref<5x128x64xf32, #tpu.memory_space<vmem>> -> memref<1x128x64xf32, #tpu.memory_space<vmem>>
      %dma_wait3A_1120 = tpu.memref_squeeze %dma_wait3A_1119 : memref<1x128x64xf32, #tpu.memory_space<vmem>> -> memref<128x64xf32, #tpu.memory_space<vmem>>
      %dma_wait3A_1121 = arith.constant 0 : i32
      %dma_wait3A_1122 = arith.constant 0 : i32
      %dma_wait3A_1123 = arith.constant 0 : i32
      %dma_wait3A_1124 = tpu.memref_slice %arg5[%dma_wait3A_1105, %dma_wait3A_1121, %dma_wait3A_1106, %dma_wait3A_1122, %dma_wait3A_1123] : memref<200x8x32x8x128xf32, #tpu.memory_space<hbm>> -> memref<1x8x1x8x128xf32, #tpu.memory_space<hbm>>
      %dma_wait3A_1125 = tpu.memref_squeeze %dma_wait3A_1124 : memref<1x8x1x8x128xf32, #tpu.memory_space<hbm>> -> memref<8x8x128xf32, #tpu.memory_space<hbm>>
      tpu.wait_dma2 semaphore(%arg17 : memref<!tpu.dma_semaphore, #tpu.memory_space<semaphore_mem>>) src(%dma_wait3A_1125 : memref<8x8x128xf32, #tpu.memory_space<hbm>>) dst(%dma_wait3A_1120 : memref<128x64xf32, #tpu.memory_space<vmem>>)
      %get3A_1126 = arith.index_cast %add3A_1049 : i32 to index
      %get3A_1127 = arith.constant 0 : index
      %get3A_1128 = tpu.vector_load %arg6[%get3A_1126, %get3A_1127] {strides = array<i32>} : memref<200x64xf32, #tpu.memory_space<vmem>>, vector<16xf32>,
      %get3A_1129 = arith.index_cast %add3A_1049 : i32 to index
      %get3A_1130 = arith.constant 16 : index
      %get3A_1131 = tpu.vector_load %arg6[%get3A_1129, %get3A_1130] {strides = array<i32>} : memref<200x64xf32, #tpu.memory_space<vmem>>, vector<16xf32>,
      %get3A_1132 = arith.index_cast %add3A_1049 : i32 to index
      %get3A_1133 = arith.constant 32 : index
      %get3A_1134 = tpu.vector_load %arg6[%get3A_1132, %get3A_1133] {strides = array<i32>} : memref<200x64xf32, #tpu.memory_space<vmem>>, vector<16xf32>,
      %get3A_1135 = arith.index_cast %add3A_1049 : i32 to index
      %get3A_1136 = arith.constant 48 : index
      %get3A_1137 = tpu.vector_load %arg6[%get3A_1135, %get3A_1136] {strides = array<i32>} : memref<200x64xf32, #tpu.memory_space<vmem>>, vector<16xf32>,
      %parallel_loop3A_1138 = arith.constant 0 : i32
      %parallel_loop3A_1139 = arith.constant 128 : i32
      %parallel_loop3A_1140 = arith.constant 1 : i32
      %parallel_loop3A_1141 = arith.constant 2 : i32
      scf.for %parallel_loop3A_1724 = %parallel_loop3A_1138 to %parallel_loop3A_1139 step %parallel_loop3A_1140  : i32 {
        %parallel_loop3A_1725 = vector.broadcast %parallel_loop3A_1724 : i32 to vector<16xi32>
        %parallel_loop3A_1726 = arith.constant 2 : i32
        %parallel_loop3A_1727 = arith.index_cast %parallel_loop3A_1726 : i32 to index
        %parallel_loop3A_1728 = arith.index_cast %parallel_loop3A_1724 : i32 to index
        %parallel_loop3A_1729 = arith.constant 0 : index
        %parallel_loop3A_1730 = tpu.vector_load %arg8[%parallel_loop3A_1727, %parallel_loop3A_1728, %parallel_loop3A_1729] {strides = array<i32>} : memref<5x128x64xf32, #tpu.memory_space<vmem>>, vector<16xf32>,
        %parallel_loop3A_1731 = arith.addf %parallel_loop3A_1730, %get3A_1128 : vector<16xf32>
        %parallel_loop3A_1732 = arith.constant 0 : i32
        %parallel_loop3A_1733 = arith.constant 0 : i32
        %parallel_loop3A_1734 = arith.constant 0 : i32
        %parallel_loop3A_1735 = tpu.memref_slice %arg9[%parallel_loop3A_1141, %parallel_loop3A_1732, %parallel_loop3A_1733, %parallel_loop3A_1734] : memref<5x8x8x129xf32, #tpu.memory_space<vmem>> -> memref<1x8x8x129xf32, #tpu.memory_space<vmem>>
        %parallel_loop3A_1736 = tpu.memref_squeeze %parallel_loop3A_1735 : memref<1x8x8x129xf32, #tpu.memory_space<vmem>> -> memref<8x8x129xf32, #tpu.memory_space<vmem>>
        tpu.vector_store_idx %parallel_loop3A_1736[%select_n3A, %select_n3A_151, %parallel_loop3A_1725], %parallel_loop3A_1731 : memref<8x8x129xf32, #tpu.memory_space<vmem>>[vector<16xi32>, vector<16xi32>, vector<16xi32>], vector<16xf32>,
        %parallel_loop3A_1737 = arith.constant 2 : i32
        %parallel_loop3A_1738 = arith.index_cast %parallel_loop3A_1737 : i32 to index
        %parallel_loop3A_1739 = arith.index_cast %parallel_loop3A_1724 : i32 to index
        %parallel_loop3A_1740 = arith.constant 16 : index
        %parallel_loop3A_1741 = tpu.vector_load %arg8[%parallel_loop3A_1738, %parallel_loop3A_1739, %parallel_loop3A_1740] {strides = array<i32>} : memref<5x128x64xf32, #tpu.memory_space<vmem>>, vector<16xf32>,
        %parallel_loop3A_1742 = arith.addf %parallel_loop3A_1741, %get3A_1131 : vector<16xf32>
        %parallel_loop3A_1743 = arith.constant 0 : i32
        %parallel_loop3A_1744 = arith.constant 0 : i32
        %parallel_loop3A_1745 = arith.constant 0 : i32
        %parallel_loop3A_1746 = tpu.memref_slice %arg9[%parallel_loop3A_1141, %parallel_loop3A_1743, %parallel_loop3A_1744, %parallel_loop3A_1745] : memref<5x8x8x129xf32, #tpu.memory_space<vmem>> -> memref<1x8x8x129xf32, #tpu.memory_space<vmem>>
        %parallel_loop3A_1747 = tpu.memref_squeeze %parallel_loop3A_1746 : memref<1x8x8x129xf32, #tpu.memory_space<vmem>> -> memref<8x8x129xf32, #tpu.memory_space<vmem>>
        tpu.vector_store_idx %parallel_loop3A_1747[%select_n3A_60, %select_n3A_176, %parallel_loop3A_1725], %parallel_loop3A_1742 : memref<8x8x129xf32, #tpu.memory_space<vmem>>[vector<16xi32>, vector<16xi32>, vector<16xi32>], vector<16xf32>,
        %parallel_loop3A_1748 = arith.constant 2 : i32
        %parallel_loop3A_1749 = arith.index_cast %parallel_loop3A_1748 : i32 to index
        %parallel_loop3A_1750 = arith.index_cast %parallel_loop3A_1724 : i32 to index
        %parallel_loop3A_1751 = arith.constant 32 : index
        %parallel_loop3A_1752 = tpu.vector_load %arg8[%parallel_loop3A_1749, %parallel_loop3A_1750, %parallel_loop3A_1751] {strides = array<i32>} : memref<5x128x64xf32, #tpu.memory_space<vmem>>, vector<16xf32>,
        %parallel_loop3A_1753 = arith.addf %parallel_loop3A_1752, %get3A_1134 : vector<16xf32>
        %parallel_loop3A_1754 = arith.constant 0 : i32
        %parallel_loop3A_1755 = arith.constant 0 : i32
        %parallel_loop3A_1756 = arith.constant 0 : i32
        %parallel_loop3A_1757 = tpu.memref_slice %arg9[%parallel_loop3A_1141, %parallel_loop3A_1754, %parallel_loop3A_1755, %parallel_loop3A_1756] : memref<5x8x8x129xf32, #tpu.memory_space<vmem>> -> memref<1x8x8x129xf32, #tpu.memory_space<vmem>>
        %parallel_loop3A_1758 = tpu.memref_squeeze %parallel_loop3A_1757 : memref<1x8x8x129xf32, #tpu.memory_space<vmem>> -> memref<8x8x129xf32, #tpu.memory_space<vmem>>
        tpu.vector_store_idx %parallel_loop3A_1758[%select_n3A_94, %select_n3A_201, %parallel_loop3A_1725], %parallel_loop3A_1753 : memref<8x8x129xf32, #tpu.memory_space<vmem>>[vector<16xi32>, vector<16xi32>, vector<16xi32>], vector<16xf32>,
        %parallel_loop3A_1759 = arith.constant 2 : i32
        %parallel_loop3A_1760 = arith.index_cast %parallel_loop3A_1759 : i32 to index
        %parallel_loop3A_1761 = arith.index_cast %parallel_loop3A_1724 : i32 to index
        %parallel_loop3A_1762 = arith.constant 48 : index
        %parallel_loop3A_1763 = tpu.vector_load %arg8[%parallel_loop3A_1760, %parallel_loop3A_1761, %parallel_loop3A_1762] {strides = array<i32>} : memref<5x128x64xf32, #tpu.memory_space<vmem>>, vector<16xf32>,
        %parallel_loop3A_1764 = arith.addf %parallel_loop3A_1763, %get3A_1137 : vector<16xf32>
        %parallel_loop3A_1765 = arith.constant 0 : i32
        %parallel_loop3A_1766 = arith.constant 0 : i32
        %parallel_loop3A_1767 = arith.constant 0 : i32
        %parallel_loop3A_1768 = tpu.memref_slice %arg9[%parallel_loop3A_1141, %parallel_loop3A_1765, %parallel_loop3A_1766, %parallel_loop3A_1767] : memref<5x8x8x129xf32, #tpu.memory_space<vmem>> -> memref<1x8x8x129xf32, #tpu.memory_space<vmem>>
        %parallel_loop3A_1769 = tpu.memref_squeeze %parallel_loop3A_1768 : memref<1x8x8x129xf32, #tpu.memory_space<vmem>> -> memref<8x8x129xf32, #tpu.memory_space<vmem>>
        tpu.vector_store_idx %parallel_loop3A_1769[%select_n3A_128, %select_n3A_226, %parallel_loop3A_1725], %parallel_loop3A_1764 : memref<8x8x129xf32, #tpu.memory_space<vmem>>[vector<16xi32>, vector<16xi32>, vector<16xi32>], vector<16xf32>,
      } {sc.loop_unroll_factor = 4 : i64, sc.parallel_access}
      %dma_start3A_1142 = arith.constant 2 : i32
      %dma_start3A_1143 = arith.constant 0 : i32
      %dma_start3A_1144 = arith.constant 0 : i32
      %dma_start3A_1145 = arith.constant 0 : i32
      %dma_start3A_1146 = tpu.memref_slice %arg9[%dma_start3A_1142, %dma_start3A_1143, %dma_start3A_1144, %dma_start3A_1145] : memref<5x8x8x129xf32, #tpu.memory_space<vmem>> -> memref<1x8x8x128xf32, #tpu.memory_space<vmem>>
      %dma_start3A_1147 = tpu.memref_squeeze %dma_start3A_1146 : memref<1x8x8x128xf32, #tpu.memory_space<vmem>> -> memref<8x8x128xf32, #tpu.memory_space<vmem>>
      %dma_start3A_1148 = arith.constant 0 : i32
      %dma_start3A_1149 = arith.constant 0 : i32
      %dma_start3A_1150 = arith.constant 0 : i32
      %dma_start3A_1151 = tpu.memref_slice %arg5[%add3A_1049, %dma_start3A_1148, %add3A, %dma_start3A_1149, %dma_start3A_1150] : memref<200x8x32x8x128xf32, #tpu.memory_space<hbm>> -> memref<1x8x1x8x128xf32, #tpu.memory_space<hbm>>
      %dma_start3A_1152 = tpu.memref_squeeze %dma_start3A_1151 : memref<1x8x1x8x128xf32, #tpu.memory_space<hbm>> -> memref<8x8x128xf32, #tpu.memory_space<hbm>>
      %dma_start3A_1153 = arith.constant 0 : i32
      %dma_start3A_1154 = arith.constant 0 : i32
      %dma_start3A_1155 = arith.constant 0 : i32
      %dma_start3A_1156 = tpu.memref_slice %arg5[%add3A_1049, %dma_start3A_1153, %add3A, %dma_start3A_1154, %dma_start3A_1155] : memref<200x8x32x8x128xf32, #tpu.memory_space<hbm>> -> memref<1x8x1x8x128xf32, #tpu.memory_space<hbm>>
      %dma_start3A_1157 = tpu.memref_squeeze %dma_start3A_1156 : memref<1x8x1x8x128xf32, #tpu.memory_space<hbm>> -> memref<8x8x128xf32, #tpu.memory_space<hbm>>
      %dma_start3A_1158 = arith.constant 0 : i32
      %dma_start3A_1159 = arith.constant 0 : i32
      %dma_start3A_1160 = arith.constant 0 : i32
      %dma_start3A_1161 = tpu.memref_slice %arg9[%dma_start3A_1142, %dma_start3A_1158, %dma_start3A_1159, %dma_start3A_1160] : memref<5x8x8x129xf32, #tpu.memory_space<vmem>> -> memref<1x8x8x128xf32, #tpu.memory_space<vmem>>
      %dma_start3A_1162 = tpu.memref_squeeze %dma_start3A_1161 : memref<1x8x8x128xf32, #tpu.memory_space<vmem>> -> memref<8x8x128xf32, #tpu.memory_space<vmem>>
      tpu.enqueue_dma source(%dma_start3A_1162 : memref<8x8x128xf32, #tpu.memory_space<vmem>>) target(%dma_start3A_1157 : memref<8x8x128xf32, #tpu.memory_space<hbm>>) target_semaphore(%arg22 : memref<!tpu.dma_semaphore, #tpu.memory_space<semaphore_mem>>)
      %dma_wait3A_1163 = arith.constant 1 : i32
      %dma_wait3A_1164 = arith.constant 0 : i32
      %dma_wait3A_1165 = arith.constant 0 : i32
      %dma_wait3A_1166 = arith.constant 0 : i32
      %dma_wait3A_1167 = arith.constant 0 : i32
      %dma_wait3A_1168 = arith.constant 0 : i32
      %dma_wait3A_1169 = tpu.memref_slice %arg9[%dma_wait3A_1163, %dma_wait3A_1166, %dma_wait3A_1167, %dma_wait3A_1168] : memref<5x8x8x129xf32, #tpu.memory_space<vmem>> -> memref<1x8x8x128xf32, #tpu.memory_space<vmem>>
      %dma_wait3A_1170 = tpu.memref_squeeze %dma_wait3A_1169 : memref<1x8x8x128xf32, #tpu.memory_space<vmem>> -> memref<8x8x128xf32, #tpu.memory_space<vmem>>
      %dma_wait3A_1171 = arith.constant 0 : i32
      %dma_wait3A_1172 = arith.constant 0 : i32
      %dma_wait3A_1173 = arith.constant 0 : i32
      %dma_wait3A_1174 = tpu.memref_slice %arg5[%dma_wait3A_1164, %dma_wait3A_1171, %dma_wait3A_1165, %dma_wait3A_1172, %dma_wait3A_1173] : memref<200x8x32x8x128xf32, #tpu.memory_space<hbm>> -> memref<1x8x1x8x128xf32, #tpu.memory_space<hbm>>
      %dma_wait3A_1175 = tpu.memref_squeeze %dma_wait3A_1174 : memref<1x8x1x8x128xf32, #tpu.memory_space<hbm>> -> memref<8x8x128xf32, #tpu.memory_space<hbm>>
      %dma_wait3A_1176 = arith.constant 0 : i32
      %dma_wait3A_1177 = arith.constant 0 : i32
      %dma_wait3A_1178 = arith.constant 0 : i32
      %dma_wait3A_1179 = tpu.memref_slice %arg5[%dma_wait3A_1164, %dma_wait3A_1176, %dma_wait3A_1165, %dma_wait3A_1177, %dma_wait3A_1178] : memref<200x8x32x8x128xf32, #tpu.memory_space<hbm>> -> memref<1x8x1x8x128xf32, #tpu.memory_space<hbm>>
      %dma_wait3A_1180 = tpu.memref_squeeze %dma_wait3A_1179 : memref<1x8x1x8x128xf32, #tpu.memory_space<hbm>> -> memref<8x8x128xf32, #tpu.memory_space<hbm>>
      %dma_wait3A_1181 = arith.constant 0 : i32
      %dma_wait3A_1182 = arith.constant 0 : i32
      %dma_wait3A_1183 = arith.constant 0 : i32
      %dma_wait3A_1184 = tpu.memref_slice %arg9[%dma_wait3A_1163, %dma_wait3A_1181, %dma_wait3A_1182, %dma_wait3A_1183] : memref<5x8x8x129xf32, #tpu.memory_space<vmem>> -> memref<1x8x8x128xf32, #tpu.memory_space<vmem>>
      %dma_wait3A_1185 = tpu.memref_squeeze %dma_wait3A_1184 : memref<1x8x8x128xf32, #tpu.memory_space<vmem>> -> memref<8x8x128xf32, #tpu.memory_space<vmem>>
      tpu.wait_dma2 semaphore(%arg21 : memref<!tpu.dma_semaphore, #tpu.memory_space<semaphore_mem>>) src(%dma_wait3A_1185 : memref<8x8x128xf32, #tpu.memory_space<vmem>>) dst(%dma_wait3A_1180 : memref<8x8x128xf32, #tpu.memory_space<hbm>>)
      %dma_wait3A_1186 = arith.constant 0 : i32
      %dma_wait3A_1187 = arith.constant 0 : i32
      %dma_wait3A_1188 = arith.constant 0 : i32
      %dma_wait3A_1189 = arith.constant 1 : i32
      %dma_wait3A_1190 = arith.constant 0 : i32
      %dma_wait3A_1191 = tpu.memref_slice %arg7[%dma_wait3A_1189, %dma_wait3A_1190] : memref<5x128xi32, #tpu.memory_space<vmem>> -> memref<1x128xi32, #tpu.memory_space<vmem>>
      %dma_wait3A_1192 = tpu.memref_squeeze %dma_wait3A_1191 : memref<1x128xi32, #tpu.memory_space<vmem>> -> memref<128xi32, #tpu.memory_space<vmem>>
      %dma_wait3A_1193 = arith.constant 0 : i32
      %dma_wait3A_1194 = tpu.memref_slice %arg2[%dma_wait3A_1186, %dma_wait3A_1187, %dma_wait3A_1188, %dma_wait3A_1193] : memref<25x32x8x128xi32, #tpu.memory_space<hbm>> -> memref<1x1x1x128xi32, #tpu.memory_space<hbm>>
      %dma_wait3A_1195 = tpu.memref_squeeze %dma_wait3A_1194 : memref<1x1x1x128xi32, #tpu.memory_space<hbm>> -> memref<128xi32, #tpu.memory_space<hbm>>
      %dma_wait3A_1196 = arith.constant 0 : i32
      %dma_wait3A_1197 = tpu.memref_slice %arg7[%dma_wait3A_1189, %dma_wait3A_1196] : memref<5x128xi32, #tpu.memory_space<vmem>> -> memref<1x128xi32, #tpu.memory_space<vmem>>
      %dma_wait3A_1198 = tpu.memref_squeeze %dma_wait3A_1197 : memref<1x128xi32, #tpu.memory_space<vmem>> -> memref<128xi32, #tpu.memory_space<vmem>>
      %dma_wait3A_1199 = arith.constant 0 : i32
      %dma_wait3A_1200 = tpu.memref_slice %arg2[%dma_wait3A_1186, %dma_wait3A_1187, %dma_wait3A_1188, %dma_wait3A_1199] : memref<25x32x8x128xi32, #tpu.memory_space<hbm>> -> memref<1x1x1x128xi32, #tpu.memory_space<hbm>>
      %dma_wait3A_1201 = tpu.memref_squeeze %dma_wait3A_1200 : memref<1x1x1x128xi32, #tpu.memory_space<hbm>> -> memref<128xi32, #tpu.memory_space<hbm>>
      tpu.wait_dma2 semaphore(%arg11 : memref<!tpu.dma_semaphore, #tpu.memory_space<semaphore_mem>>) src(%dma_wait3A_1201 : memref<128xi32, #tpu.memory_space<hbm>>) dst(%dma_wait3A_1198 : memref<128xi32, #tpu.memory_space<vmem>>)
      %dma_start3A_1202 = arith.constant 1 : i32
      %dma_start3A_1203 = arith.constant 1 : i32
      %dma_start3A_1204 = arith.constant 0 : i32
      %dma_start3A_1205 = arith.constant 0 : i32
      %dma_start3A_1206 = tpu.memref_slice %arg8[%dma_start3A_1203, %dma_start3A_1204, %dma_start3A_1205] : memref<5x128x64xf32, #tpu.memory_space<vmem>> -> memref<1x128x64xf32, #tpu.memory_space<vmem>>
      %dma_start3A_1207 = tpu.memref_squeeze %dma_start3A_1206 : memref<1x128x64xf32, #tpu.memory_space<vmem>> -> memref<128x64xf32, #tpu.memory_space<vmem>>
      %dma_start3A_1208 = arith.constant 0 : i32
      %dma_start3A_1209 = tpu.memref_slice %arg7[%dma_start3A_1202, %dma_start3A_1208] : memref<5x128xi32, #tpu.memory_space<vmem>> -> memref<1x128xi32, #tpu.memory_space<vmem>>
      %dma_start3A_1210 = tpu.memref_squeeze %dma_start3A_1209 : memref<1x128xi32, #tpu.memory_space<vmem>> -> memref<128xi32, #tpu.memory_space<vmem>>
      %dma_start3A_1211 = arith.constant 0 : i32
      %dma_start3A_1212 = arith.constant 0 : i32
      %dma_start3A_1213 = tpu.memref_slice %arg3[%dma_start3A_1211, %dma_start3A_1212] : memref<100000x64xf32, #tpu.memory_space<hbm>> -> memref<100000x64xf32, #tpu.memory_space<hbm>>
      tpu.enqueue_indirect_dma source(%dma_start3A_1213 : memref<100000x64xf32, #tpu.memory_space<hbm>>) target(%dma_start3A_1207 : memref<128x64xf32, #tpu.memory_space<vmem>>) offsets(%dma_start3A_1210 : memref<128xi32, #tpu.memory_space<vmem>>) semaphore(%arg16 : memref<!tpu.dma_semaphore, #tpu.memory_space<semaphore_mem>>)
      %mul3A_1214 = arith.constant 5 : i32
      %mul3A_1215 = arith.muli %scan3A_873, %mul3A_1214 : i32
      %add3A_1216 = arith.constant 1 : i32
      %add3A_1217 = arith.addi %add3A_1216, %mul3A_1215 : i32
      %add3A_1218 = arith.constant 2 : i32
      %add3A_1219 = arith.addi %add3A_1217, %add3A_1218 : i32
      %add3A_1220 = arith.constant 4 : i32
      %add3A_1221 = arith.addi %add3A_1219, %add3A_1220 : i32
      %jit3A_1222 = arith.constant 8 : i32
      %div3A_1223 = arith.divsi %add3A_1221, %jit3A_1222 : i32
      %sign3A_1224 = arith.constant 0 : i32
      %sign3A_1225 = arith.cmpi sgt, %add3A_1221, %sign3A_1224 : i32
      %sign3A_1226 = arith.extui %sign3A_1225 : i1 to i32
      %sign3A_1227 = arith.constant 0 : i32
      %sign3A_1228 = arith.cmpi slt, %add3A_1221, %sign3A_1227 : i32
      %sign3A_1229 = arith.extui %sign3A_1228 : i1 to i32
      %sign3A_1230 = arith.subi %sign3A_1226, %sign3A_1229 : i32
      %sign3A_1231 = arith.constant 0 : i32
      %sign3A_1232 = arith.cmpi sgt, %jit3A_1222, %sign3A_1231 : i32
      %sign3A_1233 = arith.extui %sign3A_1232 : i1 to i32
      %sign3A_1234 = arith.constant 0 : i32
      %sign3A_1235 = arith.cmpi slt, %jit3A_1222, %sign3A_1234 : i32
      %sign3A_1236 = arith.extui %sign3A_1235 : i1 to i32
      %sign3A_1237 = arith.subi %sign3A_1233, %sign3A_1236 : i32
      %ne3A_1238 = arith.cmpi ne, %sign3A_1230, %sign3A_1237 : i32
      %rem3A_1239 = arith.remsi %add3A_1221, %jit3A_1222 : i32
      %ne3A_1240 = arith.constant 0 : i32
      %ne3A_1241 = arith.cmpi ne, %rem3A_1239, %ne3A_1240 : i32
      %and3A_1242 = arith.andi %ne3A_1238, %ne3A_1241 : i1
      %sub3A_1243 = arith.constant 1 : i32
      %sub3A_1244 = arith.subi %div3A_1223, %sub3A_1243 : i32
      %select_n3A_1245 = arith.select %and3A_1242, %sub3A_1244, %div3A_1223 : i32
      %jit3A_1246 = arith.constant 8 : i32
      %eq3A_1247 = arith.constant 0 : i32
      %eq3A_1248 = arith.cmpi eq, %jit3A_1246, %eq3A_1247 : i32
      %jit3A_1249 = arith.constant 1 : i32
      %select_n3A_1250 = arith.select %eq3A_1248, %jit3A_1249, %jit3A_1246 : i32
      %rem3A_1251 = arith.remsi %add3A_1221, %select_n3A_1250 : i32
      %ne3A_1252 = arith.constant 0 : i32
      %ne3A_1253 = arith.cmpi ne, %rem3A_1251, %ne3A_1252 : i32
      %lt3A_1254 = arith.constant 0 : i32
      %lt3A_1255 = arith.cmpi slt, %rem3A_1251, %lt3A_1254 : i32
      %lt3A_1256 = arith.constant 0 : i32
      %lt3A_1257 = arith.cmpi slt, %select_n3A_1250, %lt3A_1256 : i32
      %ne3A_1258 = arith.xori %lt3A_1255, %lt3A_1257 : i1
      %and3A_1259 = arith.andi %ne3A_1258, %ne3A_1253 : i1
      %add3A_1260 = arith.addi %rem3A_1251, %select_n3A_1250 : i32
      %select_n3A_1261 = arith.select %and3A_1259, %add3A_1260, %rem3A_1251 : i32
      %dma_start3A_1262 = arith.constant 2 : i32
      %dma_start3A_1263 = arith.constant 0 : i32
      %dma_start3A_1264 = tpu.memref_slice %arg7[%dma_start3A_1262, %dma_start3A_1263] : memref<5x128xi32, #tpu.memory_space<vmem>> -> memref<1x128xi32, #tpu.memory_space<vmem>>
      %dma_start3A_1265 = tpu.memref_squeeze %dma_start3A_1264 : memref<1x128xi32, #tpu.memory_space<vmem>> -> memref<128xi32, #tpu.memory_space<vmem>>
      %dma_start3A_1266 = arith.constant 0 : i32
      %dma_start3A_1267 = tpu.memref_slice %arg2[%select_n3A_1245, %add3A, %select_n3A_1261, %dma_start3A_1266] : memref<25x32x8x128xi32, #tpu.memory_space<hbm>> -> memref<1x1x1x128xi32, #tpu.memory_space<hbm>>
      %dma_start3A_1268 = tpu.memref_squeeze %dma_start3A_1267 : memref<1x1x1x128xi32, #tpu.memory_space<hbm>> -> memref<128xi32, #tpu.memory_space<hbm>>
      %dma_start3A_1269 = arith.constant 0 : i32
      %dma_start3A_1270 = tpu.memref_slice %arg7[%dma_start3A_1262, %dma_start3A_1269] : memref<5x128xi32, #tpu.memory_space<vmem>> -> memref<1x128xi32, #tpu.memory_space<vmem>>
      %dma_start3A_1271 = tpu.memref_squeeze %dma_start3A_1270 : memref<1x128xi32, #tpu.memory_space<vmem>> -> memref<128xi32, #tpu.memory_space<vmem>>
      %dma_start3A_1272 = arith.constant 0 : i32
      %dma_start3A_1273 = tpu.memref_slice %arg2[%select_n3A_1245, %add3A, %select_n3A_1261, %dma_start3A_1272] : memref<25x32x8x128xi32, #tpu.memory_space<hbm>> -> memref<1x1x1x128xi32, #tpu.memory_space<hbm>>
      %dma_start3A_1274 = tpu.memref_squeeze %dma_start3A_1273 : memref<1x1x1x128xi32, #tpu.memory_space<hbm>> -> memref<128xi32, #tpu.memory_space<hbm>>
      tpu.enqueue_dma source(%dma_start3A_1274 : memref<128xi32, #tpu.memory_space<hbm>>) target(%dma_start3A_1271 : memref<128xi32, #tpu.memory_space<vmem>>) target_semaphore(%arg12 : memref<!tpu.dma_semaphore, #tpu.memory_space<semaphore_mem>>)
      %dma_wait3A_1275 = arith.constant 0 : i32
      %dma_wait3A_1276 = arith.constant 0 : i32
      %dma_wait3A_1277 = arith.constant 3 : i32
      %dma_wait3A_1278 = arith.constant 0 : i32
      %dma_wait3A_1279 = arith.constant 0 : i32
      %dma_wait3A_1280 = tpu.memref_slice %arg8[%dma_wait3A_1277, %dma_wait3A_1278, %dma_wait3A_1279] : memref<5x128x64xf32, #tpu.memory_space<vmem>> -> memref<1x128x64xf32, #tpu.memory_space<vmem>>
      %dma_wait3A_1281 = tpu.memref_squeeze %dma_wait3A_1280 : memref<1x128x64xf32, #tpu.memory_space<vmem>> -> memref<128x64xf32, #tpu.memory_space<vmem>>
      %dma_wait3A_1282 = arith.constant 0 : i32
      %dma_wait3A_1283 = arith.constant 0 : i32
      %dma_wait3A_1284 = arith.constant 0 : i32
      %dma_wait3A_1285 = tpu.memref_slice %arg5[%dma_wait3A_1275, %dma_wait3A_1282, %dma_wait3A_1276, %dma_wait3A_1283, %dma_wait3A_1284] : memref<200x8x32x8x128xf32, #tpu.memory_space<hbm>> -> memref<1x8x1x8x128xf32, #tpu.memory_space<hbm>>
      %dma_wait3A_1286 = tpu.memref_squeeze %dma_wait3A_1285 : memref<1x8x1x8x128xf32, #tpu.memory_space<hbm>> -> memref<8x8x128xf32, #tpu.memory_space<hbm>>
      %dma_wait3A_1287 = arith.constant 0 : i32
      %dma_wait3A_1288 = arith.constant 0 : i32
      %dma_wait3A_1289 = tpu.memref_slice %arg8[%dma_wait3A_1277, %dma_wait3A_1287, %dma_wait3A_1288] : memref<5x128x64xf32, #tpu.memory_space<vmem>> -> memref<1x128x64xf32, #tpu.memory_space<vmem>>
      %dma_wait3A_1290 = tpu.memref_squeeze %dma_wait3A_1289 : memref<1x128x64xf32, #tpu.memory_space<vmem>> -> memref<128x64xf32, #tpu.memory_space<vmem>>
      %dma_wait3A_1291 = arith.constant 0 : i32
      %dma_wait3A_1292 = arith.constant 0 : i32
      %dma_wait3A_1293 = arith.constant 0 : i32
      %dma_wait3A_1294 = tpu.memref_slice %arg5[%dma_wait3A_1275, %dma_wait3A_1291, %dma_wait3A_1276, %dma_wait3A_1292, %dma_wait3A_1293] : memref<200x8x32x8x128xf32, #tpu.memory_space<hbm>> -> memref<1x8x1x8x128xf32, #tpu.memory_space<hbm>>
      %dma_wait3A_1295 = tpu.memref_squeeze %dma_wait3A_1294 : memref<1x8x1x8x128xf32, #tpu.memory_space<hbm>> -> memref<8x8x128xf32, #tpu.memory_space<hbm>>
      tpu.wait_dma2 semaphore(%arg18 : memref<!tpu.dma_semaphore, #tpu.memory_space<semaphore_mem>>) src(%dma_wait3A_1295 : memref<8x8x128xf32, #tpu.memory_space<hbm>>) dst(%dma_wait3A_1290 : memref<128x64xf32, #tpu.memory_space<vmem>>)
      %get3A_1296 = arith.index_cast %add3A_1219 : i32 to index
      %get3A_1297 = arith.constant 0 : index
      %get3A_1298 = tpu.vector_load %arg6[%get3A_1296, %get3A_1297] {strides = array<i32>} : memref<200x64xf32, #tpu.memory_space<vmem>>, vector<16xf32>,
      %get3A_1299 = arith.index_cast %add3A_1219 : i32 to index
      %get3A_1300 = arith.constant 16 : index
      %get3A_1301 = tpu.vector_load %arg6[%get3A_1299, %get3A_1300] {strides = array<i32>} : memref<200x64xf32, #tpu.memory_space<vmem>>, vector<16xf32>,
      %get3A_1302 = arith.index_cast %add3A_1219 : i32 to index
      %get3A_1303 = arith.constant 32 : index
      %get3A_1304 = tpu.vector_load %arg6[%get3A_1302, %get3A_1303] {strides = array<i32>} : memref<200x64xf32, #tpu.memory_space<vmem>>, vector<16xf32>,
      %get3A_1305 = arith.index_cast %add3A_1219 : i32 to index
      %get3A_1306 = arith.constant 48 : index
      %get3A_1307 = tpu.vector_load %arg6[%get3A_1305, %get3A_1306] {strides = array<i32>} : memref<200x64xf32, #tpu.memory_space<vmem>>, vector<16xf32>,
      %parallel_loop3A_1308 = arith.constant 0 : i32
      %parallel_loop3A_1309 = arith.constant 128 : i32
      %parallel_loop3A_1310 = arith.constant 1 : i32
      %parallel_loop3A_1311 = arith.constant 3 : i32
      scf.for %parallel_loop3A_1724 = %parallel_loop3A_1308 to %parallel_loop3A_1309 step %parallel_loop3A_1310  : i32 {
        %parallel_loop3A_1725 = vector.broadcast %parallel_loop3A_1724 : i32 to vector<16xi32>
        %parallel_loop3A_1726 = arith.constant 3 : i32
        %parallel_loop3A_1727 = arith.index_cast %parallel_loop3A_1726 : i32 to index
        %parallel_loop3A_1728 = arith.index_cast %parallel_loop3A_1724 : i32 to index
        %parallel_loop3A_1729 = arith.constant 0 : index
        %parallel_loop3A_1730 = tpu.vector_load %arg8[%parallel_loop3A_1727, %parallel_loop3A_1728, %parallel_loop3A_1729] {strides = array<i32>} : memref<5x128x64xf32, #tpu.memory_space<vmem>>, vector<16xf32>,
        %parallel_loop3A_1731 = arith.addf %parallel_loop3A_1730, %get3A_1298 : vector<16xf32>
        %parallel_loop3A_1732 = arith.constant 0 : i32
        %parallel_loop3A_1733 = arith.constant 0 : i32
        %parallel_loop3A_1734 = arith.constant 0 : i32
        %parallel_loop3A_1735 = tpu.memref_slice %arg9[%parallel_loop3A_1311, %parallel_loop3A_1732, %parallel_loop3A_1733, %parallel_loop3A_1734] : memref<5x8x8x129xf32, #tpu.memory_space<vmem>> -> memref<1x8x8x129xf32, #tpu.memory_space<vmem>>
        %parallel_loop3A_1736 = tpu.memref_squeeze %parallel_loop3A_1735 : memref<1x8x8x129xf32, #tpu.memory_space<vmem>> -> memref<8x8x129xf32, #tpu.memory_space<vmem>>
        tpu.vector_store_idx %parallel_loop3A_1736[%select_n3A, %select_n3A_151, %parallel_loop3A_1725], %parallel_loop3A_1731 : memref<8x8x129xf32, #tpu.memory_space<vmem>>[vector<16xi32>, vector<16xi32>, vector<16xi32>], vector<16xf32>,
        %parallel_loop3A_1737 = arith.constant 3 : i32
        %parallel_loop3A_1738 = arith.index_cast %parallel_loop3A_1737 : i32 to index
        %parallel_loop3A_1739 = arith.index_cast %parallel_loop3A_1724 : i32 to index
        %parallel_loop3A_1740 = arith.constant 16 : index
        %parallel_loop3A_1741 = tpu.vector_load %arg8[%parallel_loop3A_1738, %parallel_loop3A_1739, %parallel_loop3A_1740] {strides = array<i32>} : memref<5x128x64xf32, #tpu.memory_space<vmem>>, vector<16xf32>,
        %parallel_loop3A_1742 = arith.addf %parallel_loop3A_1741, %get3A_1301 : vector<16xf32>
        %parallel_loop3A_1743 = arith.constant 0 : i32
        %parallel_loop3A_1744 = arith.constant 0 : i32
        %parallel_loop3A_1745 = arith.constant 0 : i32
        %parallel_loop3A_1746 = tpu.memref_slice %arg9[%parallel_loop3A_1311, %parallel_loop3A_1743, %parallel_loop3A_1744, %parallel_loop3A_1745] : memref<5x8x8x129xf32, #tpu.memory_space<vmem>> -> memref<1x8x8x129xf32, #tpu.memory_space<vmem>>
        %parallel_loop3A_1747 = tpu.memref_squeeze %parallel_loop3A_1746 : memref<1x8x8x129xf32, #tpu.memory_space<vmem>> -> memref<8x8x129xf32, #tpu.memory_space<vmem>>
        tpu.vector_store_idx %parallel_loop3A_1747[%select_n3A_60, %select_n3A_176, %parallel_loop3A_1725], %parallel_loop3A_1742 : memref<8x8x129xf32, #tpu.memory_space<vmem>>[vector<16xi32>, vector<16xi32>, vector<16xi32>], vector<16xf32>,
        %parallel_loop3A_1748 = arith.constant 3 : i32
        %parallel_loop3A_1749 = arith.index_cast %parallel_loop3A_1748 : i32 to index
        %parallel_loop3A_1750 = arith.index_cast %parallel_loop3A_1724 : i32 to index
        %parallel_loop3A_1751 = arith.constant 32 : index
        %parallel_loop3A_1752 = tpu.vector_load %arg8[%parallel_loop3A_1749, %parallel_loop3A_1750, %parallel_loop3A_1751] {strides = array<i32>} : memref<5x128x64xf32, #tpu.memory_space<vmem>>, vector<16xf32>,
        %parallel_loop3A_1753 = arith.addf %parallel_loop3A_1752, %get3A_1304 : vector<16xf32>
        %parallel_loop3A_1754 = arith.constant 0 : i32
        %parallel_loop3A_1755 = arith.constant 0 : i32
        %parallel_loop3A_1756 = arith.constant 0 : i32
        %parallel_loop3A_1757 = tpu.memref_slice %arg9[%parallel_loop3A_1311, %parallel_loop3A_1754, %parallel_loop3A_1755, %parallel_loop3A_1756] : memref<5x8x8x129xf32, #tpu.memory_space<vmem>> -> memref<1x8x8x129xf32, #tpu.memory_space<vmem>>
        %parallel_loop3A_1758 = tpu.memref_squeeze %parallel_loop3A_1757 : memref<1x8x8x129xf32, #tpu.memory_space<vmem>> -> memref<8x8x129xf32, #tpu.memory_space<vmem>>
        tpu.vector_store_idx %parallel_loop3A_1758[%select_n3A_94, %select_n3A_201, %parallel_loop3A_1725], %parallel_loop3A_1753 : memref<8x8x129xf32, #tpu.memory_space<vmem>>[vector<16xi32>, vector<16xi32>, vector<16xi32>], vector<16xf32>,
        %parallel_loop3A_1759 = arith.constant 3 : i32
        %parallel_loop3A_1760 = arith.index_cast %parallel_loop3A_1759 : i32 to index
        %parallel_loop3A_1761 = arith.index_cast %parallel_loop3A_1724 : i32 to index
        %parallel_loop3A_1762 = arith.constant 48 : index
        %parallel_loop3A_1763 = tpu.vector_load %arg8[%parallel_loop3A_1760, %parallel_loop3A_1761, %parallel_loop3A_1762] {strides = array<i32>} : memref<5x128x64xf32, #tpu.memory_space<vmem>>, vector<16xf32>,
        %parallel_loop3A_1764 = arith.addf %parallel_loop3A_1763, %get3A_1307 : vector<16xf32>
        %parallel_loop3A_1765 = arith.constant 0 : i32
        %parallel_loop3A_1766 = arith.constant 0 : i32
        %parallel_loop3A_1767 = arith.constant 0 : i32
        %parallel_loop3A_1768 = tpu.memref_slice %arg9[%parallel_loop3A_1311, %parallel_loop3A_1765, %parallel_loop3A_1766, %parallel_loop3A_1767] : memref<5x8x8x129xf32, #tpu.memory_space<vmem>> -> memref<1x8x8x129xf32, #tpu.memory_space<vmem>>
        %parallel_loop3A_1769 = tpu.memref_squeeze %parallel_loop3A_1768 : memref<1x8x8x129xf32, #tpu.memory_space<vmem>> -> memref<8x8x129xf32, #tpu.memory_space<vmem>>
        tpu.vector_store_idx %parallel_loop3A_1769[%select_n3A_128, %select_n3A_226, %parallel_loop3A_1725], %parallel_loop3A_1764 : memref<8x8x129xf32, #tpu.memory_space<vmem>>[vector<16xi32>, vector<16xi32>, vector<16xi32>], vector<16xf32>,
      } {sc.loop_unroll_factor = 4 : i64, sc.parallel_access}
      %dma_start3A_1312 = arith.constant 3 : i32
      %dma_start3A_1313 = arith.constant 0 : i32
      %dma_start3A_1314 = arith.constant 0 : i32
      %dma_start3A_1315 = arith.constant 0 : i32
      %dma_start3A_1316 = tpu.memref_slice %arg9[%dma_start3A_1312, %dma_start3A_1313, %dma_start3A_1314, %dma_start3A_1315] : memref<5x8x8x129xf32, #tpu.memory_space<vmem>> -> memref<1x8x8x128xf32, #tpu.memory_space<vmem>>
      %dma_start3A_1317 = tpu.memref_squeeze %dma_start3A_1316 : memref<1x8x8x128xf32, #tpu.memory_space<vmem>> -> memref<8x8x128xf32, #tpu.memory_space<vmem>>
      %dma_start3A_1318 = arith.constant 0 : i32
      %dma_start3A_1319 = arith.constant 0 : i32
      %dma_start3A_1320 = arith.constant 0 : i32
      %dma_start3A_1321 = tpu.memref_slice %arg5[%add3A_1219, %dma_start3A_1318, %add3A, %dma_start3A_1319, %dma_start3A_1320] : memref<200x8x32x8x128xf32, #tpu.memory_space<hbm>> -> memref<1x8x1x8x128xf32, #tpu.memory_space<hbm>>
      %dma_start3A_1322 = tpu.memref_squeeze %dma_start3A_1321 : memref<1x8x1x8x128xf32, #tpu.memory_space<hbm>> -> memref<8x8x128xf32, #tpu.memory_space<hbm>>
      %dma_start3A_1323 = arith.constant 0 : i32
      %dma_start3A_1324 = arith.constant 0 : i32
      %dma_start3A_1325 = arith.constant 0 : i32
      %dma_start3A_1326 = tpu.memref_slice %arg5[%add3A_1219, %dma_start3A_1323, %add3A, %dma_start3A_1324, %dma_start3A_1325] : memref<200x8x32x8x128xf32, #tpu.memory_space<hbm>> -> memref<1x8x1x8x128xf32, #tpu.memory_space<hbm>>
      %dma_start3A_1327 = tpu.memref_squeeze %dma_start3A_1326 : memref<1x8x1x8x128xf32, #tpu.memory_space<hbm>> -> memref<8x8x128xf32, #tpu.memory_space<hbm>>
      %dma_start3A_1328 = arith.constant 0 : i32
      %dma_start3A_1329 = arith.constant 0 : i32
      %dma_start3A_1330 = arith.constant 0 : i32
      %dma_start3A_1331 = tpu.memref_slice %arg9[%dma_start3A_1312, %dma_start3A_1328, %dma_start3A_1329, %dma_start3A_1330] : memref<5x8x8x129xf32, #tpu.memory_space<vmem>> -> memref<1x8x8x128xf32, #tpu.memory_space<vmem>>
      %dma_start3A_1332 = tpu.memref_squeeze %dma_start3A_1331 : memref<1x8x8x128xf32, #tpu.memory_space<vmem>> -> memref<8x8x128xf32, #tpu.memory_space<vmem>>
      tpu.enqueue_dma source(%dma_start3A_1332 : memref<8x8x128xf32, #tpu.memory_space<vmem>>) target(%dma_start3A_1327 : memref<8x8x128xf32, #tpu.memory_space<hbm>>) target_semaphore(%arg23 : memref<!tpu.dma_semaphore, #tpu.memory_space<semaphore_mem>>)
      %dma_wait3A_1333 = arith.constant 2 : i32
      %dma_wait3A_1334 = arith.constant 0 : i32
      %dma_wait3A_1335 = arith.constant 0 : i32
      %dma_wait3A_1336 = arith.constant 0 : i32
      %dma_wait3A_1337 = arith.constant 0 : i32
      %dma_wait3A_1338 = arith.constant 0 : i32
      %dma_wait3A_1339 = tpu.memref_slice %arg9[%dma_wait3A_1333, %dma_wait3A_1336, %dma_wait3A_1337, %dma_wait3A_1338] : memref<5x8x8x129xf32, #tpu.memory_space<vmem>> -> memref<1x8x8x128xf32, #tpu.memory_space<vmem>>
      %dma_wait3A_1340 = tpu.memref_squeeze %dma_wait3A_1339 : memref<1x8x8x128xf32, #tpu.memory_space<vmem>> -> memref<8x8x128xf32, #tpu.memory_space<vmem>>
      %dma_wait3A_1341 = arith.constant 0 : i32
      %dma_wait3A_1342 = arith.constant 0 : i32
      %dma_wait3A_1343 = arith.constant 0 : i32
      %dma_wait3A_1344 = tpu.memref_slice %arg5[%dma_wait3A_1334, %dma_wait3A_1341, %dma_wait3A_1335, %dma_wait3A_1342, %dma_wait3A_1343] : memref<200x8x32x8x128xf32, #tpu.memory_space<hbm>> -> memref<1x8x1x8x128xf32, #tpu.memory_space<hbm>>
      %dma_wait3A_1345 = tpu.memref_squeeze %dma_wait3A_1344 : memref<1x8x1x8x128xf32, #tpu.memory_space<hbm>> -> memref<8x8x128xf32, #tpu.memory_space<hbm>>
      %dma_wait3A_1346 = arith.constant 0 : i32
      %dma_wait3A_1347 = arith.constant 0 : i32
      %dma_wait3A_1348 = arith.constant 0 : i32
      %dma_wait3A_1349 = tpu.memref_slice %arg5[%dma_wait3A_1334, %dma_wait3A_1346, %dma_wait3A_1335, %dma_wait3A_1347, %dma_wait3A_1348] : memref<200x8x32x8x128xf32, #tpu.memory_space<hbm>> -> memref<1x8x1x8x128xf32, #tpu.memory_space<hbm>>
      %dma_wait3A_1350 = tpu.memref_squeeze %dma_wait3A_1349 : memref<1x8x1x8x128xf32, #tpu.memory_space<hbm>> -> memref<8x8x128xf32, #tpu.memory_space<hbm>>
      %dma_wait3A_1351 = arith.constant 0 : i32
      %dma_wait3A_1352 = arith.constant 0 : i32
      %dma_wait3A_1353 = arith.constant 0 : i32
      %dma_wait3A_1354 = tpu.memref_slice %arg9[%dma_wait3A_1333, %dma_wait3A_1351, %dma_wait3A_1352, %dma_wait3A_1353] : memref<5x8x8x129xf32, #tpu.memory_space<vmem>> -> memref<1x8x8x128xf32, #tpu.memory_space<vmem>>
      %dma_wait3A_1355 = tpu.memref_squeeze %dma_wait3A_1354 : memref<1x8x8x128xf32, #tpu.memory_space<vmem>> -> memref<8x8x128xf32, #tpu.memory_space<vmem>>
      tpu.wait_dma2 semaphore(%arg22 : memref<!tpu.dma_semaphore, #tpu.memory_space<semaphore_mem>>) src(%dma_wait3A_1355 : memref<8x8x128xf32, #tpu.memory_space<vmem>>) dst(%dma_wait3A_1350 : memref<8x8x128xf32, #tpu.memory_space<hbm>>)
      %dma_wait3A_1356 = arith.constant 0 : i32
      %dma_wait3A_1357 = arith.constant 0 : i32
      %dma_wait3A_1358 = arith.constant 0 : i32
      %dma_wait3A_1359 = arith.constant 2 : i32
      %dma_wait3A_1360 = arith.constant 0 : i32
      %dma_wait3A_1361 = tpu.memref_slice %arg7[%dma_wait3A_1359, %dma_wait3A_1360] : memref<5x128xi32, #tpu.memory_space<vmem>> -> memref<1x128xi32, #tpu.memory_space<vmem>>
      %dma_wait3A_1362 = tpu.memref_squeeze %dma_wait3A_1361 : memref<1x128xi32, #tpu.memory_space<vmem>> -> memref<128xi32, #tpu.memory_space<vmem>>
      %dma_wait3A_1363 = arith.constant 0 : i32
      %dma_wait3A_1364 = tpu.memref_slice %arg2[%dma_wait3A_1356, %dma_wait3A_1357, %dma_wait3A_1358, %dma_wait3A_1363] : memref<25x32x8x128xi32, #tpu.memory_space<hbm>> -> memref<1x1x1x128xi32, #tpu.memory_space<hbm>>
      %dma_wait3A_1365 = tpu.memref_squeeze %dma_wait3A_1364 : memref<1x1x1x128xi32, #tpu.memory_space<hbm>> -> memref<128xi32, #tpu.memory_space<hbm>>
      %dma_wait3A_1366 = arith.constant 0 : i32
      %dma_wait3A_1367 = tpu.memref_slice %arg7[%dma_wait3A_1359, %dma_wait3A_1366] : memref<5x128xi32, #tpu.memory_space<vmem>> -> memref<1x128xi32, #tpu.memory_space<vmem>>
      %dma_wait3A_1368 = tpu.memref_squeeze %dma_wait3A_1367 : memref<1x128xi32, #tpu.memory_space<vmem>> -> memref<128xi32, #tpu.memory_space<vmem>>
      %dma_wait3A_1369 = arith.constant 0 : i32
      %dma_wait3A_1370 = tpu.memref_slice %arg2[%dma_wait3A_1356, %dma_wait3A_1357, %dma_wait3A_1358, %dma_wait3A_1369] : memref<25x32x8x128xi32, #tpu.memory_space<hbm>> -> memref<1x1x1x128xi32, #tpu.memory_space<hbm>>
      %dma_wait3A_1371 = tpu.memref_squeeze %dma_wait3A_1370 : memref<1x1x1x128xi32, #tpu.memory_space<hbm>> -> memref<128xi32, #tpu.memory_space<hbm>>
      tpu.wait_dma2 semaphore(%arg12 : memref<!tpu.dma_semaphore, #tpu.memory_space<semaphore_mem>>) src(%dma_wait3A_1371 : memref<128xi32, #tpu.memory_space<hbm>>) dst(%dma_wait3A_1368 : memref<128xi32, #tpu.memory_space<vmem>>)
      %dma_start3A_1372 = arith.constant 2 : i32
      %dma_start3A_1373 = arith.constant 2 : i32
      %dma_start3A_1374 = arith.constant 0 : i32
      %dma_start3A_1375 = arith.constant 0 : i32
      %dma_start3A_1376 = tpu.memref_slice %arg8[%dma_start3A_1373, %dma_start3A_1374, %dma_start3A_1375] : memref<5x128x64xf32, #tpu.memory_space<vmem>> -> memref<1x128x64xf32, #tpu.memory_space<vmem>>
      %dma_start3A_1377 = tpu.memref_squeeze %dma_start3A_1376 : memref<1x128x64xf32, #tpu.memory_space<vmem>> -> memref<128x64xf32, #tpu.memory_space<vmem>>
      %dma_start3A_1378 = arith.constant 0 : i32
      %dma_start3A_1379 = tpu.memref_slice %arg7[%dma_start3A_1372, %dma_start3A_1378] : memref<5x128xi32, #tpu.memory_space<vmem>> -> memref<1x128xi32, #tpu.memory_space<vmem>>
      %dma_start3A_1380 = tpu.memref_squeeze %dma_start3A_1379 : memref<1x128xi32, #tpu.memory_space<vmem>> -> memref<128xi32, #tpu.memory_space<vmem>>
      %dma_start3A_1381 = arith.constant 0 : i32
      %dma_start3A_1382 = arith.constant 0 : i32
      %dma_start3A_1383 = tpu.memref_slice %arg3[%dma_start3A_1381, %dma_start3A_1382] : memref<100000x64xf32, #tpu.memory_space<hbm>> -> memref<100000x64xf32, #tpu.memory_space<hbm>>
      tpu.enqueue_indirect_dma source(%dma_start3A_1383 : memref<100000x64xf32, #tpu.memory_space<hbm>>) target(%dma_start3A_1377 : memref<128x64xf32, #tpu.memory_space<vmem>>) offsets(%dma_start3A_1380 : memref<128xi32, #tpu.memory_space<vmem>>) semaphore(%arg17 : memref<!tpu.dma_semaphore, #tpu.memory_space<semaphore_mem>>)
      %mul3A_1384 = arith.constant 5 : i32
      %mul3A_1385 = arith.muli %scan3A_873, %mul3A_1384 : i32
      %add3A_1386 = arith.constant 1 : i32
      %add3A_1387 = arith.addi %add3A_1386, %mul3A_1385 : i32
      %add3A_1388 = arith.constant 3 : i32
      %add3A_1389 = arith.addi %add3A_1387, %add3A_1388 : i32
      %add3A_1390 = arith.constant 4 : i32
      %add3A_1391 = arith.addi %add3A_1389, %add3A_1390 : i32
      %jit3A_1392 = arith.constant 8 : i32
      %div3A_1393 = arith.divsi %add3A_1391, %jit3A_1392 : i32
      %sign3A_1394 = arith.constant 0 : i32
      %sign3A_1395 = arith.cmpi sgt, %add3A_1391, %sign3A_1394 : i32
      %sign3A_1396 = arith.extui %sign3A_1395 : i1 to i32
      %sign3A_1397 = arith.constant 0 : i32
      %sign3A_1398 = arith.cmpi slt, %add3A_1391, %sign3A_1397 : i32
      %sign3A_1399 = arith.extui %sign3A_1398 : i1 to i32
      %sign3A_1400 = arith.subi %sign3A_1396, %sign3A_1399 : i32
      %sign3A_1401 = arith.constant 0 : i32
      %sign3A_1402 = arith.cmpi sgt, %jit3A_1392, %sign3A_1401 : i32
      %sign3A_1403 = arith.extui %sign3A_1402 : i1 to i32
      %sign3A_1404 = arith.constant 0 : i32
      %sign3A_1405 = arith.cmpi slt, %jit3A_1392, %sign3A_1404 : i32
      %sign3A_1406 = arith.extui %sign3A_1405 : i1 to i32
      %sign3A_1407 = arith.subi %sign3A_1403, %sign3A_1406 : i32
      %ne3A_1408 = arith.cmpi ne, %sign3A_1400, %sign3A_1407 : i32
      %rem3A_1409 = arith.remsi %add3A_1391, %jit3A_1392 : i32
      %ne3A_1410 = arith.constant 0 : i32
      %ne3A_1411 = arith.cmpi ne, %rem3A_1409, %ne3A_1410 : i32
      %and3A_1412 = arith.andi %ne3A_1408, %ne3A_1411 : i1
      %sub3A_1413 = arith.constant 1 : i32
      %sub3A_1414 = arith.subi %div3A_1393, %sub3A_1413 : i32
      %select_n3A_1415 = arith.select %and3A_1412, %sub3A_1414, %div3A_1393 : i32
      %jit3A_1416 = arith.constant 8 : i32
      %eq3A_1417 = arith.constant 0 : i32
      %eq3A_1418 = arith.cmpi eq, %jit3A_1416, %eq3A_1417 : i32
      %jit3A_1419 = arith.constant 1 : i32
      %select_n3A_1420 = arith.select %eq3A_1418, %jit3A_1419, %jit3A_1416 : i32
      %rem3A_1421 = arith.remsi %add3A_1391, %select_n3A_1420 : i32
      %ne3A_1422 = arith.constant 0 : i32
      %ne3A_1423 = arith.cmpi ne, %rem3A_1421, %ne3A_1422 : i32
      %lt3A_1424 = arith.constant 0 : i32
      %lt3A_1425 = arith.cmpi slt, %rem3A_1421, %lt3A_1424 : i32
      %lt3A_1426 = arith.constant 0 : i32
      %lt3A_1427 = arith.cmpi slt, %select_n3A_1420, %lt3A_1426 : i32
      %ne3A_1428 = arith.xori %lt3A_1425, %lt3A_1427 : i1
      %and3A_1429 = arith.andi %ne3A_1428, %ne3A_1423 : i1
      %add3A_1430 = arith.addi %rem3A_1421, %select_n3A_1420 : i32
      %select_n3A_1431 = arith.select %and3A_1429, %add3A_1430, %rem3A_1421 : i32
      %dma_start3A_1432 = arith.constant 3 : i32
      %dma_start3A_1433 = arith.constant 0 : i32
      %dma_start3A_1434 = tpu.memref_slice %arg7[%dma_start3A_1432, %dma_start3A_1433] : memref<5x128xi32, #tpu.memory_space<vmem>> -> memref<1x128xi32, #tpu.memory_space<vmem>>
      %dma_start3A_1435 = tpu.memref_squeeze %dma_start3A_1434 : memref<1x128xi32, #tpu.memory_space<vmem>> -> memref<128xi32, #tpu.memory_space<vmem>>
      %dma_start3A_1436 = arith.constant 0 : i32
      %dma_start3A_1437 = tpu.memref_slice %arg2[%select_n3A_1415, %add3A, %select_n3A_1431, %dma_start3A_1436] : memref<25x32x8x128xi32, #tpu.memory_space<hbm>> -> memref<1x1x1x128xi32, #tpu.memory_space<hbm>>
      %dma_start3A_1438 = tpu.memref_squeeze %dma_start3A_1437 : memref<1x1x1x128xi32, #tpu.memory_space<hbm>> -> memref<128xi32, #tpu.memory_space<hbm>>
      %dma_start3A_1439 = arith.constant 0 : i32
      %dma_start3A_1440 = tpu.memref_slice %arg7[%dma_start3A_1432, %dma_start3A_1439] : memref<5x128xi32, #tpu.memory_space<vmem>> -> memref<1x128xi32, #tpu.memory_space<vmem>>
      %dma_start3A_1441 = tpu.memref_squeeze %dma_start3A_1440 : memref<1x128xi32, #tpu.memory_space<vmem>> -> memref<128xi32, #tpu.memory_space<vmem>>
      %dma_start3A_1442 = arith.constant 0 : i32
      %dma_start3A_1443 = tpu.memref_slice %arg2[%select_n3A_1415, %add3A, %select_n3A_1431, %dma_start3A_1442] : memref<25x32x8x128xi32, #tpu.memory_space<hbm>> -> memref<1x1x1x128xi32, #tpu.memory_space<hbm>>
      %dma_start3A_1444 = tpu.memref_squeeze %dma_start3A_1443 : memref<1x1x1x128xi32, #tpu.memory_space<hbm>> -> memref<128xi32, #tpu.memory_space<hbm>>
      tpu.enqueue_dma source(%dma_start3A_1444 : memref<128xi32, #tpu.memory_space<hbm>>) target(%dma_start3A_1441 : memref<128xi32, #tpu.memory_space<vmem>>) target_semaphore(%arg13 : memref<!tpu.dma_semaphore, #tpu.memory_space<semaphore_mem>>)
      %dma_wait3A_1445 = arith.constant 0 : i32
      %dma_wait3A_1446 = arith.constant 0 : i32
      %dma_wait3A_1447 = arith.constant 4 : i32
      %dma_wait3A_1448 = arith.constant 0 : i32
      %dma_wait3A_1449 = arith.constant 0 : i32
      %dma_wait3A_1450 = tpu.memref_slice %arg8[%dma_wait3A_1447, %dma_wait3A_1448, %dma_wait3A_1449] : memref<5x128x64xf32, #tpu.memory_space<vmem>> -> memref<1x128x64xf32, #tpu.memory_space<vmem>>
      %dma_wait3A_1451 = tpu.memref_squeeze %dma_wait3A_1450 : memref<1x128x64xf32, #tpu.memory_space<vmem>> -> memref<128x64xf32, #tpu.memory_space<vmem>>
      %dma_wait3A_1452 = arith.constant 0 : i32
      %dma_wait3A_1453 = arith.constant 0 : i32
      %dma_wait3A_1454 = arith.constant 0 : i32
      %dma_wait3A_1455 = tpu.memref_slice %arg5[%dma_wait3A_1445, %dma_wait3A_1452, %dma_wait3A_1446, %dma_wait3A_1453, %dma_wait3A_1454] : memref<200x8x32x8x128xf32, #tpu.memory_space<hbm>> -> memref<1x8x1x8x128xf32, #tpu.memory_space<hbm>>
      %dma_wait3A_1456 = tpu.memref_squeeze %dma_wait3A_1455 : memref<1x8x1x8x128xf32, #tpu.memory_space<hbm>> -> memref<8x8x128xf32, #tpu.memory_space<hbm>>
      %dma_wait3A_1457 = arith.constant 0 : i32
      %dma_wait3A_1458 = arith.constant 0 : i32
      %dma_wait3A_1459 = tpu.memref_slice %arg8[%dma_wait3A_1447, %dma_wait3A_1457, %dma_wait3A_1458] : memref<5x128x64xf32, #tpu.memory_space<vmem>> -> memref<1x128x64xf32, #tpu.memory_space<vmem>>
      %dma_wait3A_1460 = tpu.memref_squeeze %dma_wait3A_1459 : memref<1x128x64xf32, #tpu.memory_space<vmem>> -> memref<128x64xf32, #tpu.memory_space<vmem>>
      %dma_wait3A_1461 = arith.constant 0 : i32
      %dma_wait3A_1462 = arith.constant 0 : i32
      %dma_wait3A_1463 = arith.constant 0 : i32
      %dma_wait3A_1464 = tpu.memref_slice %arg5[%dma_wait3A_1445, %dma_wait3A_1461, %dma_wait3A_1446, %dma_wait3A_1462, %dma_wait3A_1463] : memref<200x8x32x8x128xf32, #tpu.memory_space<hbm>> -> memref<1x8x1x8x128xf32, #tpu.memory_space<hbm>>
      %dma_wait3A_1465 = tpu.memref_squeeze %dma_wait3A_1464 : memref<1x8x1x8x128xf32, #tpu.memory_space<hbm>> -> memref<8x8x128xf32, #tpu.memory_space<hbm>>
      tpu.wait_dma2 semaphore(%arg19 : memref<!tpu.dma_semaphore, #tpu.memory_space<semaphore_mem>>) src(%dma_wait3A_1465 : memref<8x8x128xf32, #tpu.memory_space<hbm>>) dst(%dma_wait3A_1460 : memref<128x64xf32, #tpu.memory_space<vmem>>)
      %get3A_1466 = arith.index_cast %add3A_1389 : i32 to index
      %get3A_1467 = arith.constant 0 : index
      %get3A_1468 = tpu.vector_load %arg6[%get3A_1466, %get3A_1467] {strides = array<i32>} : memref<200x64xf32, #tpu.memory_space<vmem>>, vector<16xf32>,
      %get3A_1469 = arith.index_cast %add3A_1389 : i32 to index
      %get3A_1470 = arith.constant 16 : index
      %get3A_1471 = tpu.vector_load %arg6[%get3A_1469, %get3A_1470] {strides = array<i32>} : memref<200x64xf32, #tpu.memory_space<vmem>>, vector<16xf32>,
      %get3A_1472 = arith.index_cast %add3A_1389 : i32 to index
      %get3A_1473 = arith.constant 32 : index
      %get3A_1474 = tpu.vector_load %arg6[%get3A_1472, %get3A_1473] {strides = array<i32>} : memref<200x64xf32, #tpu.memory_space<vmem>>, vector<16xf32>,
      %get3A_1475 = arith.index_cast %add3A_1389 : i32 to index
      %get3A_1476 = arith.constant 48 : index
      %get3A_1477 = tpu.vector_load %arg6[%get3A_1475, %get3A_1476] {strides = array<i32>} : memref<200x64xf32, #tpu.memory_space<vmem>>, vector<16xf32>,
      %parallel_loop3A_1478 = arith.constant 0 : i32
      %parallel_loop3A_1479 = arith.constant 128 : i32
      %parallel_loop3A_1480 = arith.constant 1 : i32
      %parallel_loop3A_1481 = arith.constant 4 : i32
      scf.for %parallel_loop3A_1724 = %parallel_loop3A_1478 to %parallel_loop3A_1479 step %parallel_loop3A_1480  : i32 {
        %parallel_loop3A_1725 = vector.broadcast %parallel_loop3A_1724 : i32 to vector<16xi32>
        %parallel_loop3A_1726 = arith.constant 4 : i32
        %parallel_loop3A_1727 = arith.index_cast %parallel_loop3A_1726 : i32 to index
        %parallel_loop3A_1728 = arith.index_cast %parallel_loop3A_1724 : i32 to index
        %parallel_loop3A_1729 = arith.constant 0 : index
        %parallel_loop3A_1730 = tpu.vector_load %arg8[%parallel_loop3A_1727, %parallel_loop3A_1728, %parallel_loop3A_1729] {strides = array<i32>} : memref<5x128x64xf32, #tpu.memory_space<vmem>>, vector<16xf32>,
        %parallel_loop3A_1731 = arith.addf %parallel_loop3A_1730, %get3A_1468 : vector<16xf32>
        %parallel_loop3A_1732 = arith.constant 0 : i32
        %parallel_loop3A_1733 = arith.constant 0 : i32
        %parallel_loop3A_1734 = arith.constant 0 : i32
        %parallel_loop3A_1735 = tpu.memref_slice %arg9[%parallel_loop3A_1481, %parallel_loop3A_1732, %parallel_loop3A_1733, %parallel_loop3A_1734] : memref<5x8x8x129xf32, #tpu.memory_space<vmem>> -> memref<1x8x8x129xf32, #tpu.memory_space<vmem>>
        %parallel_loop3A_1736 = tpu.memref_squeeze %parallel_loop3A_1735 : memref<1x8x8x129xf32, #tpu.memory_space<vmem>> -> memref<8x8x129xf32, #tpu.memory_space<vmem>>
        tpu.vector_store_idx %parallel_loop3A_1736[%select_n3A, %select_n3A_151, %parallel_loop3A_1725], %parallel_loop3A_1731 : memref<8x8x129xf32, #tpu.memory_space<vmem>>[vector<16xi32>, vector<16xi32>, vector<16xi32>], vector<16xf32>,
        %parallel_loop3A_1737 = arith.constant 4 : i32
        %parallel_loop3A_1738 = arith.index_cast %parallel_loop3A_1737 : i32 to index
        %parallel_loop3A_1739 = arith.index_cast %parallel_loop3A_1724 : i32 to index
        %parallel_loop3A_1740 = arith.constant 16 : index
        %parallel_loop3A_1741 = tpu.vector_load %arg8[%parallel_loop3A_1738, %parallel_loop3A_1739, %parallel_loop3A_1740] {strides = array<i32>} : memref<5x128x64xf32, #tpu.memory_space<vmem>>, vector<16xf32>,
        %parallel_loop3A_1742 = arith.addf %parallel_loop3A_1741, %get3A_1471 : vector<16xf32>
        %parallel_loop3A_1743 = arith.constant 0 : i32
        %parallel_loop3A_1744 = arith.constant 0 : i32
        %parallel_loop3A_1745 = arith.constant 0 : i32
        %parallel_loop3A_1746 = tpu.memref_slice %arg9[%parallel_loop3A_1481, %parallel_loop3A_1743, %parallel_loop3A_1744, %parallel_loop3A_1745] : memref<5x8x8x129xf32, #tpu.memory_space<vmem>> -> memref<1x8x8x129xf32, #tpu.memory_space<vmem>>
        %parallel_loop3A_1747 = tpu.memref_squeeze %parallel_loop3A_1746 : memref<1x8x8x129xf32, #tpu.memory_space<vmem>> -> memref<8x8x129xf32, #tpu.memory_space<vmem>>
        tpu.vector_store_idx %parallel_loop3A_1747[%select_n3A_60, %select_n3A_176, %parallel_loop3A_1725], %parallel_loop3A_1742 : memref<8x8x129xf32, #tpu.memory_space<vmem>>[vector<16xi32>, vector<16xi32>, vector<16xi32>], vector<16xf32>,
        %parallel_loop3A_1748 = arith.constant 4 : i32
        %parallel_loop3A_1749 = arith.index_cast %parallel_loop3A_1748 : i32 to index
        %parallel_loop3A_1750 = arith.index_cast %parallel_loop3A_1724 : i32 to index
        %parallel_loop3A_1751 = arith.constant 32 : index
        %parallel_loop3A_1752 = tpu.vector_load %arg8[%parallel_loop3A_1749, %parallel_loop3A_1750, %parallel_loop3A_1751] {strides = array<i32>} : memref<5x128x64xf32, #tpu.memory_space<vmem>>, vector<16xf32>,
        %parallel_loop3A_1753 = arith.addf %parallel_loop3A_1752, %get3A_1474 : vector<16xf32>
        %parallel_loop3A_1754 = arith.constant 0 : i32
        %parallel_loop3A_1755 = arith.constant 0 : i32
        %parallel_loop3A_1756 = arith.constant 0 : i32
        %parallel_loop3A_1757 = tpu.memref_slice %arg9[%parallel_loop3A_1481, %parallel_loop3A_1754, %parallel_loop3A_1755, %parallel_loop3A_1756] : memref<5x8x8x129xf32, #tpu.memory_space<vmem>> -> memref<1x8x8x129xf32, #tpu.memory_space<vmem>>
        %parallel_loop3A_1758 = tpu.memref_squeeze %parallel_loop3A_1757 : memref<1x8x8x129xf32, #tpu.memory_space<vmem>> -> memref<8x8x129xf32, #tpu.memory_space<vmem>>
        tpu.vector_store_idx %parallel_loop3A_1758[%select_n3A_94, %select_n3A_201, %parallel_loop3A_1725], %parallel_loop3A_1753 : memref<8x8x129xf32, #tpu.memory_space<vmem>>[vector<16xi32>, vector<16xi32>, vector<16xi32>], vector<16xf32>,
        %parallel_loop3A_1759 = arith.constant 4 : i32
        %parallel_loop3A_1760 = arith.index_cast %parallel_loop3A_1759 : i32 to index
        %parallel_loop3A_1761 = arith.index_cast %parallel_loop3A_1724 : i32 to index
        %parallel_loop3A_1762 = arith.constant 48 : index
        %parallel_loop3A_1763 = tpu.vector_load %arg8[%parallel_loop3A_1760, %parallel_loop3A_1761, %parallel_loop3A_1762] {strides = array<i32>} : memref<5x128x64xf32, #tpu.memory_space<vmem>>, vector<16xf32>,
        %parallel_loop3A_1764 = arith.addf %parallel_loop3A_1763, %get3A_1477 : vector<16xf32>
        %parallel_loop3A_1765 = arith.constant 0 : i32
        %parallel_loop3A_1766 = arith.constant 0 : i32
        %parallel_loop3A_1767 = arith.constant 0 : i32
        %parallel_loop3A_1768 = tpu.memref_slice %arg9[%parallel_loop3A_1481, %parallel_loop3A_1765, %parallel_loop3A_1766, %parallel_loop3A_1767] : memref<5x8x8x129xf32, #tpu.memory_space<vmem>> -> memref<1x8x8x129xf32, #tpu.memory_space<vmem>>
        %parallel_loop3A_1769 = tpu.memref_squeeze %parallel_loop3A_1768 : memref<1x8x8x129xf32, #tpu.memory_space<vmem>> -> memref<8x8x129xf32, #tpu.memory_space<vmem>>
        tpu.vector_store_idx %parallel_loop3A_1769[%select_n3A_128, %select_n3A_226, %parallel_loop3A_1725], %parallel_loop3A_1764 : memref<8x8x129xf32, #tpu.memory_space<vmem>>[vector<16xi32>, vector<16xi32>, vector<16xi32>], vector<16xf32>,
      } {sc.loop_unroll_factor = 4 : i64, sc.parallel_access}
      %dma_start3A_1482 = arith.constant 4 : i32
      %dma_start3A_1483 = arith.constant 0 : i32
      %dma_start3A_1484 = arith.constant 0 : i32
      %dma_start3A_1485 = arith.constant 0 : i32
      %dma_start3A_1486 = tpu.memref_slice %arg9[%dma_start3A_1482, %dma_start3A_1483, %dma_start3A_1484, %dma_start3A_1485] : memref<5x8x8x129xf32, #tpu.memory_space<vmem>> -> memref<1x8x8x128xf32, #tpu.memory_space<vmem>>
      %dma_start3A_1487 = tpu.memref_squeeze %dma_start3A_1486 : memref<1x8x8x128xf32, #tpu.memory_space<vmem>> -> memref<8x8x128xf32, #tpu.memory_space<vmem>>
      %dma_start3A_1488 = arith.constant 0 : i32
      %dma_start3A_1489 = arith.constant 0 : i32
      %dma_start3A_1490 = arith.constant 0 : i32
      %dma_start3A_1491 = tpu.memref_slice %arg5[%add3A_1389, %dma_start3A_1488, %add3A, %dma_start3A_1489, %dma_start3A_1490] : memref<200x8x32x8x128xf32, #tpu.memory_space<hbm>> -> memref<1x8x1x8x128xf32, #tpu.memory_space<hbm>>
      %dma_start3A_1492 = tpu.memref_squeeze %dma_start3A_1491 : memref<1x8x1x8x128xf32, #tpu.memory_space<hbm>> -> memref<8x8x128xf32, #tpu.memory_space<hbm>>
      %dma_start3A_1493 = arith.constant 0 : i32
      %dma_start3A_1494 = arith.constant 0 : i32
      %dma_start3A_1495 = arith.constant 0 : i32
      %dma_start3A_1496 = tpu.memref_slice %arg5[%add3A_1389, %dma_start3A_1493, %add3A, %dma_start3A_1494, %dma_start3A_1495] : memref<200x8x32x8x128xf32, #tpu.memory_space<hbm>> -> memref<1x8x1x8x128xf32, #tpu.memory_space<hbm>>
      %dma_start3A_1497 = tpu.memref_squeeze %dma_start3A_1496 : memref<1x8x1x8x128xf32, #tpu.memory_space<hbm>> -> memref<8x8x128xf32, #tpu.memory_space<hbm>>
      %dma_start3A_1498 = arith.constant 0 : i32
      %dma_start3A_1499 = arith.constant 0 : i32
      %dma_start3A_1500 = arith.constant 0 : i32
      %dma_start3A_1501 = tpu.memref_slice %arg9[%dma_start3A_1482, %dma_start3A_1498, %dma_start3A_1499, %dma_start3A_1500] : memref<5x8x8x129xf32, #tpu.memory_space<vmem>> -> memref<1x8x8x128xf32, #tpu.memory_space<vmem>>
      %dma_start3A_1502 = tpu.memref_squeeze %dma_start3A_1501 : memref<1x8x8x128xf32, #tpu.memory_space<vmem>> -> memref<8x8x128xf32, #tpu.memory_space<vmem>>
      tpu.enqueue_dma source(%dma_start3A_1502 : memref<8x8x128xf32, #tpu.memory_space<vmem>>) target(%dma_start3A_1497 : memref<8x8x128xf32, #tpu.memory_space<hbm>>) target_semaphore(%arg24 : memref<!tpu.dma_semaphore, #tpu.memory_space<semaphore_mem>>)
      %dma_wait3A_1503 = arith.constant 3 : i32
      %dma_wait3A_1504 = arith.constant 0 : i32
      %dma_wait3A_1505 = arith.constant 0 : i32
      %dma_wait3A_1506 = arith.constant 0 : i32
      %dma_wait3A_1507 = arith.constant 0 : i32
      %dma_wait3A_1508 = arith.constant 0 : i32
      %dma_wait3A_1509 = tpu.memref_slice %arg9[%dma_wait3A_1503, %dma_wait3A_1506, %dma_wait3A_1507, %dma_wait3A_1508] : memref<5x8x8x129xf32, #tpu.memory_space<vmem>> -> memref<1x8x8x128xf32, #tpu.memory_space<vmem>>
      %dma_wait3A_1510 = tpu.memref_squeeze %dma_wait3A_1509 : memref<1x8x8x128xf32, #tpu.memory_space<vmem>> -> memref<8x8x128xf32, #tpu.memory_space<vmem>>
      %dma_wait3A_1511 = arith.constant 0 : i32
      %dma_wait3A_1512 = arith.constant 0 : i32
      %dma_wait3A_1513 = arith.constant 0 : i32
      %dma_wait3A_1514 = tpu.memref_slice %arg5[%dma_wait3A_1504, %dma_wait3A_1511, %dma_wait3A_1505, %dma_wait3A_1512, %dma_wait3A_1513] : memref<200x8x32x8x128xf32, #tpu.memory_space<hbm>> -> memref<1x8x1x8x128xf32, #tpu.memory_space<hbm>>
      %dma_wait3A_1515 = tpu.memref_squeeze %dma_wait3A_1514 : memref<1x8x1x8x128xf32, #tpu.memory_space<hbm>> -> memref<8x8x128xf32, #tpu.memory_space<hbm>>
      %dma_wait3A_1516 = arith.constant 0 : i32
      %dma_wait3A_1517 = arith.constant 0 : i32
      %dma_wait3A_1518 = arith.constant 0 : i32
      %dma_wait3A_1519 = tpu.memref_slice %arg5[%dma_wait3A_1504, %dma_wait3A_1516, %dma_wait3A_1505, %dma_wait3A_1517, %dma_wait3A_1518] : memref<200x8x32x8x128xf32, #tpu.memory_space<hbm>> -> memref<1x8x1x8x128xf32, #tpu.memory_space<hbm>>
      %dma_wait3A_1520 = tpu.memref_squeeze %dma_wait3A_1519 : memref<1x8x1x8x128xf32, #tpu.memory_space<hbm>> -> memref<8x8x128xf32, #tpu.memory_space<hbm>>
      %dma_wait3A_1521 = arith.constant 0 : i32
      %dma_wait3A_1522 = arith.constant 0 : i32
      %dma_wait3A_1523 = arith.constant 0 : i32
      %dma_wait3A_1524 = tpu.memref_slice %arg9[%dma_wait3A_1503, %dma_wait3A_1521, %dma_wait3A_1522, %dma_wait3A_1523] : memref<5x8x8x129xf32, #tpu.memory_space<vmem>> -> memref<1x8x8x128xf32, #tpu.memory_space<vmem>>
      %dma_wait3A_1525 = tpu.memref_squeeze %dma_wait3A_1524 : memref<1x8x8x128xf32, #tpu.memory_space<vmem>> -> memref<8x8x128xf32, #tpu.memory_space<vmem>>
      tpu.wait_dma2 semaphore(%arg23 : memref<!tpu.dma_semaphore, #tpu.memory_space<semaphore_mem>>) src(%dma_wait3A_1525 : memref<8x8x128xf32, #tpu.memory_space<vmem>>) dst(%dma_wait3A_1520 : memref<8x8x128xf32, #tpu.memory_space<hbm>>)
      %dma_wait3A_1526 = arith.constant 0 : i32
      %dma_wait3A_1527 = arith.constant 0 : i32
      %dma_wait3A_1528 = arith.constant 0 : i32
      %dma_wait3A_1529 = arith.constant 3 : i32
      %dma_wait3A_1530 = arith.constant 0 : i32
      %dma_wait3A_1531 = tpu.memref_slice %arg7[%dma_wait3A_1529, %dma_wait3A_1530] : memref<5x128xi32, #tpu.memory_space<vmem>> -> memref<1x128xi32, #tpu.memory_space<vmem>>
      %dma_wait3A_1532 = tpu.memref_squeeze %dma_wait3A_1531 : memref<1x128xi32, #tpu.memory_space<vmem>> -> memref<128xi32, #tpu.memory_space<vmem>>
      %dma_wait3A_1533 = arith.constant 0 : i32
      %dma_wait3A_1534 = tpu.memref_slice %arg2[%dma_wait3A_1526, %dma_wait3A_1527, %dma_wait3A_1528, %dma_wait3A_1533] : memref<25x32x8x128xi32, #tpu.memory_space<hbm>> -> memref<1x1x1x128xi32, #tpu.memory_space<hbm>>
      %dma_wait3A_1535 = tpu.memref_squeeze %dma_wait3A_1534 : memref<1x1x1x128xi32, #tpu.memory_space<hbm>> -> memref<128xi32, #tpu.memory_space<hbm>>
      %dma_wait3A_1536 = arith.constant 0 : i32
      %dma_wait3A_1537 = tpu.memref_slice %arg7[%dma_wait3A_1529, %dma_wait3A_1536] : memref<5x128xi32, #tpu.memory_space<vmem>> -> memref<1x128xi32, #tpu.memory_space<vmem>>
      %dma_wait3A_1538 = tpu.memref_squeeze %dma_wait3A_1537 : memref<1x128xi32, #tpu.memory_space<vmem>> -> memref<128xi32, #tpu.memory_space<vmem>>
      %dma_wait3A_1539 = arith.constant 0 : i32
      %dma_wait3A_1540 = tpu.memref_slice %arg2[%dma_wait3A_1526, %dma_wait3A_1527, %dma_wait3A_1528, %dma_wait3A_1539] : memref<25x32x8x128xi32, #tpu.memory_space<hbm>> -> memref<1x1x1x128xi32, #tpu.memory_space<hbm>>
      %dma_wait3A_1541 = tpu.memref_squeeze %dma_wait3A_1540 : memref<1x1x1x128xi32, #tpu.memory_space<hbm>> -> memref<128xi32, #tpu.memory_space<hbm>>
      tpu.wait_dma2 semaphore(%arg13 : memref<!tpu.dma_semaphore, #tpu.memory_space<semaphore_mem>>) src(%dma_wait3A_1541 : memref<128xi32, #tpu.memory_space<hbm>>) dst(%dma_wait3A_1538 : memref<128xi32, #tpu.memory_space<vmem>>)
      %dma_start3A_1542 = arith.constant 3 : i32
      %dma_start3A_1543 = arith.constant 3 : i32
      %dma_start3A_1544 = arith.constant 0 : i32
      %dma_start3A_1545 = arith.constant 0 : i32
      %dma_start3A_1546 = tpu.memref_slice %arg8[%dma_start3A_1543, %dma_start3A_1544, %dma_start3A_1545] : memref<5x128x64xf32, #tpu.memory_space<vmem>> -> memref<1x128x64xf32, #tpu.memory_space<vmem>>
      %dma_start3A_1547 = tpu.memref_squeeze %dma_start3A_1546 : memref<1x128x64xf32, #tpu.memory_space<vmem>> -> memref<128x64xf32, #tpu.memory_space<vmem>>
      %dma_start3A_1548 = arith.constant 0 : i32
      %dma_start3A_1549 = tpu.memref_slice %arg7[%dma_start3A_1542, %dma_start3A_1548] : memref<5x128xi32, #tpu.memory_space<vmem>> -> memref<1x128xi32, #tpu.memory_space<vmem>>
      %dma_start3A_1550 = tpu.memref_squeeze %dma_start3A_1549 : memref<1x128xi32, #tpu.memory_space<vmem>> -> memref<128xi32, #tpu.memory_space<vmem>>
      %dma_start3A_1551 = arith.constant 0 : i32
      %dma_start3A_1552 = arith.constant 0 : i32
      %dma_start3A_1553 = tpu.memref_slice %arg3[%dma_start3A_1551, %dma_start3A_1552] : memref<100000x64xf32, #tpu.memory_space<hbm>> -> memref<100000x64xf32, #tpu.memory_space<hbm>>
      tpu.enqueue_indirect_dma source(%dma_start3A_1553 : memref<100000x64xf32, #tpu.memory_space<hbm>>) target(%dma_start3A_1547 : memref<128x64xf32, #tpu.memory_space<vmem>>) offsets(%dma_start3A_1550 : memref<128xi32, #tpu.memory_space<vmem>>) semaphore(%arg18 : memref<!tpu.dma_semaphore, #tpu.memory_space<semaphore_mem>>)
      %mul3A_1554 = arith.constant 5 : i32
      %mul3A_1555 = arith.muli %scan3A_873, %mul3A_1554 : i32
      %add3A_1556 = arith.constant 1 : i32
      %add3A_1557 = arith.addi %add3A_1556, %mul3A_1555 : i32
      %add3A_1558 = arith.constant 4 : i32
      %add3A_1559 = arith.addi %add3A_1557, %add3A_1558 : i32
      %add3A_1560 = arith.constant 4 : i32
      %add3A_1561 = arith.addi %add3A_1559, %add3A_1560 : i32
      %jit3A_1562 = arith.constant 8 : i32
      %div3A_1563 = arith.divsi %add3A_1561, %jit3A_1562 : i32
      %sign3A_1564 = arith.constant 0 : i32
      %sign3A_1565 = arith.cmpi sgt, %add3A_1561, %sign3A_1564 : i32
      %sign3A_1566 = arith.extui %sign3A_1565 : i1 to i32
      %sign3A_1567 = arith.constant 0 : i32
      %sign3A_1568 = arith.cmpi slt, %add3A_1561, %sign3A_1567 : i32
      %sign3A_1569 = arith.extui %sign3A_1568 : i1 to i32
      %sign3A_1570 = arith.subi %sign3A_1566, %sign3A_1569 : i32
      %sign3A_1571 = arith.constant 0 : i32
      %sign3A_1572 = arith.cmpi sgt, %jit3A_1562, %sign3A_1571 : i32
      %sign3A_1573 = arith.extui %sign3A_1572 : i1 to i32
      %sign3A_1574 = arith.constant 0 : i32
      %sign3A_1575 = arith.cmpi slt, %jit3A_1562, %sign3A_1574 : i32
      %sign3A_1576 = arith.extui %sign3A_1575 : i1 to i32
      %sign3A_1577 = arith.subi %sign3A_1573, %sign3A_1576 : i32
      %ne3A_1578 = arith.cmpi ne, %sign3A_1570, %sign3A_1577 : i32
      %rem3A_1579 = arith.remsi %add3A_1561, %jit3A_1562 : i32
      %ne3A_1580 = arith.constant 0 : i32
      %ne3A_1581 = arith.cmpi ne, %rem3A_1579, %ne3A_1580 : i32
      %and3A_1582 = arith.andi %ne3A_1578, %ne3A_1581 : i1
      %sub3A_1583 = arith.constant 1 : i32
      %sub3A_1584 = arith.subi %div3A_1563, %sub3A_1583 : i32
      %select_n3A_1585 = arith.select %and3A_1582, %sub3A_1584, %div3A_1563 : i32
      %jit3A_1586 = arith.constant 8 : i32
      %eq3A_1587 = arith.constant 0 : i32
      %eq3A_1588 = arith.cmpi eq, %jit3A_1586, %eq3A_1587 : i32
      %jit3A_1589 = arith.constant 1 : i32
      %select_n3A_1590 = arith.select %eq3A_1588, %jit3A_1589, %jit3A_1586 : i32
      %rem3A_1591 = arith.remsi %add3A_1561, %select_n3A_1590 : i32
      %ne3A_1592 = arith.constant 0 : i32
      %ne3A_1593 = arith.cmpi ne, %rem3A_1591, %ne3A_1592 : i32
      %lt3A_1594 = arith.constant 0 : i32
      %lt3A_1595 = arith.cmpi slt, %rem3A_1591, %lt3A_1594 : i32
      %lt3A_1596 = arith.constant 0 : i32
      %lt3A_1597 = arith.cmpi slt, %select_n3A_1590, %lt3A_1596 : i32
      %ne3A_1598 = arith.xori %lt3A_1595, %lt3A_1597 : i1
      %and3A_1599 = arith.andi %ne3A_1598, %ne3A_1593 : i1
      %add3A_1600 = arith.addi %rem3A_1591, %select_n3A_1590 : i32
      %select_n3A_1601 = arith.select %and3A_1599, %add3A_1600, %rem3A_1591 : i32
      %dma_start3A_1602 = arith.constant 4 : i32
      %dma_start3A_1603 = arith.constant 0 : i32
      %dma_start3A_1604 = tpu.memref_slice %arg7[%dma_start3A_1602, %dma_start3A_1603] : memref<5x128xi32, #tpu.memory_space<vmem>> -> memref<1x128xi32, #tpu.memory_space<vmem>>
      %dma_start3A_1605 = tpu.memref_squeeze %dma_start3A_1604 : memref<1x128xi32, #tpu.memory_space<vmem>> -> memref<128xi32, #tpu.memory_space<vmem>>
      %dma_start3A_1606 = arith.constant 0 : i32
      %dma_start3A_1607 = tpu.memref_slice %arg2[%select_n3A_1585, %add3A, %select_n3A_1601, %dma_start3A_1606] : memref<25x32x8x128xi32, #tpu.memory_space<hbm>> -> memref<1x1x1x128xi32, #tpu.memory_space<hbm>>
      %dma_start3A_1608 = tpu.memref_squeeze %dma_start3A_1607 : memref<1x1x1x128xi32, #tpu.memory_space<hbm>> -> memref<128xi32, #tpu.memory_space<hbm>>
      %dma_start3A_1609 = arith.constant 0 : i32
      %dma_start3A_1610 = tpu.memref_slice %arg7[%dma_start3A_1602, %dma_start3A_1609] : memref<5x128xi32, #tpu.memory_space<vmem>> -> memref<1x128xi32, #tpu.memory_space<vmem>>
      %dma_start3A_1611 = tpu.memref_squeeze %dma_start3A_1610 : memref<1x128xi32, #tpu.memory_space<vmem>> -> memref<128xi32, #tpu.memory_space<vmem>>
      %dma_start3A_1612 = arith.constant 0 : i32
      %dma_start3A_1613 = tpu.memref_slice %arg2[%select_n3A_1585, %add3A, %select_n3A_1601, %dma_start3A_1612] : memref<25x32x8x128xi32, #tpu.memory_space<hbm>> -> memref<1x1x1x128xi32, #tpu.memory_space<hbm>>
      %dma_start3A_1614 = tpu.memref_squeeze %dma_start3A_1613 : memref<1x1x1x128xi32, #tpu.memory_space<hbm>> -> memref<128xi32, #tpu.memory_space<hbm>>
      tpu.enqueue_dma source(%dma_start3A_1614 : memref<128xi32, #tpu.memory_space<hbm>>) target(%dma_start3A_1611 : memref<128xi32, #tpu.memory_space<vmem>>) target_semaphore(%arg14 : memref<!tpu.dma_semaphore, #tpu.memory_space<semaphore_mem>>)
      %dma_wait3A_1615 = arith.constant 0 : i32
      %dma_wait3A_1616 = arith.constant 0 : i32
      %dma_wait3A_1617 = arith.constant 0 : i32
      %dma_wait3A_1618 = arith.constant 0 : i32
      %dma_wait3A_1619 = arith.constant 0 : i32
      %dma_wait3A_1620 = tpu.memref_slice %arg8[%dma_wait3A_1617, %dma_wait3A_1618, %dma_wait3A_1619] : memref<5x128x64xf32, #tpu.memory_space<vmem>> -> memref<1x128x64xf32, #tpu.memory_space<vmem>>
      %dma_wait3A_1621 = tpu.memref_squeeze %dma_wait3A_1620 : memref<1x128x64xf32, #tpu.memory_space<vmem>> -> memref<128x64xf32, #tpu.memory_space<vmem>>
      %dma_wait3A_1622 = arith.constant 0 : i32
      %dma_wait3A_1623 = arith.constant 0 : i32
      %dma_wait3A_1624 = arith.constant 0 : i32
      %dma_wait3A_1625 = tpu.memref_slice %arg5[%dma_wait3A_1615, %dma_wait3A_1622, %dma_wait3A_1616, %dma_wait3A_1623, %dma_wait3A_1624] : memref<200x8x32x8x128xf32, #tpu.memory_space<hbm>> -> memref<1x8x1x8x128xf32, #tpu.memory_space<hbm>>
      %dma_wait3A_1626 = tpu.memref_squeeze %dma_wait3A_1625 : memref<1x8x1x8x128xf32, #tpu.memory_space<hbm>> -> memref<8x8x128xf32, #tpu.memory_space<hbm>>
      %dma_wait3A_1627 = arith.constant 0 : i32
      %dma_wait3A_1628 = arith.constant 0 : i32
      %dma_wait3A_1629 = tpu.memref_slice %arg8[%dma_wait3A_1617, %dma_wait3A_1627, %dma_wait3A_1628] : memref<5x128x64xf32, #tpu.memory_space<vmem>> -> memref<1x128x64xf32, #tpu.memory_space<vmem>>
      %dma_wait3A_1630 = tpu.memref_squeeze %dma_wait3A_1629 : memref<1x128x64xf32, #tpu.memory_space<vmem>> -> memref<128x64xf32, #tpu.memory_space<vmem>>
      %dma_wait3A_1631 = arith.constant 0 : i32
      %dma_wait3A_1632 = arith.constant 0 : i32
      %dma_wait3A_1633 = arith.constant 0 : i32
      %dma_wait3A_1634 = tpu.memref_slice %arg5[%dma_wait3A_1615, %dma_wait3A_1631, %dma_wait3A_1616, %dma_wait3A_1632, %dma_wait3A_1633] : memref<200x8x32x8x128xf32, #tpu.memory_space<hbm>> -> memref<1x8x1x8x128xf32, #tpu.memory_space<hbm>>
      %dma_wait3A_1635 = tpu.memref_squeeze %dma_wait3A_1634 : memref<1x8x1x8x128xf32, #tpu.memory_space<hbm>> -> memref<8x8x128xf32, #tpu.memory_space<hbm>>
      tpu.wait_dma2 semaphore(%arg15 : memref<!tpu.dma_semaphore, #tpu.memory_space<semaphore_mem>>) src(%dma_wait3A_1635 : memref<8x8x128xf32, #tpu.memory_space<hbm>>) dst(%dma_wait3A_1630 : memref<128x64xf32, #tpu.memory_space<vmem>>)
      %get3A_1636 = arith.index_cast %add3A_1559 : i32 to index
      %get3A_1637 = arith.constant 0 : index
      %get3A_1638 = tpu.vector_load %arg6[%get3A_1636, %get3A_1637] {strides = array<i32>} : memref<200x64xf32, #tpu.memory_space<vmem>>, vector<16xf32>,
      %get3A_1639 = arith.index_cast %add3A_1559 : i32 to index
      %get3A_1640 = arith.constant 16 : index
      %get3A_1641 = tpu.vector_load %arg6[%get3A_1639, %get3A_1640] {strides = array<i32>} : memref<200x64xf32, #tpu.memory_space<vmem>>, vector<16xf32>,
      %get3A_1642 = arith.index_cast %add3A_1559 : i32 to index
      %get3A_1643 = arith.constant 32 : index
      %get3A_1644 = tpu.vector_load %arg6[%get3A_1642, %get3A_1643] {strides = array<i32>} : memref<200x64xf32, #tpu.memory_space<vmem>>, vector<16xf32>,
      %get3A_1645 = arith.index_cast %add3A_1559 : i32 to index
      %get3A_1646 = arith.constant 48 : index
      %get3A_1647 = tpu.vector_load %arg6[%get3A_1645, %get3A_1646] {strides = array<i32>} : memref<200x64xf32, #tpu.memory_space<vmem>>, vector<16xf32>,
      %parallel_loop3A_1648 = arith.constant 0 : i32
      %parallel_loop3A_1649 = arith.constant 128 : i32
      %parallel_loop3A_1650 = arith.constant 1 : i32
      %parallel_loop3A_1651 = arith.constant 0 : i32
      scf.for %parallel_loop3A_1724 = %parallel_loop3A_1648 to %parallel_loop3A_1649 step %parallel_loop3A_1650  : i32 {
        %parallel_loop3A_1725 = vector.broadcast %parallel_loop3A_1724 : i32 to vector<16xi32>
        %parallel_loop3A_1726 = arith.constant 0 : i32
        %parallel_loop3A_1727 = arith.index_cast %parallel_loop3A_1726 : i32 to index
        %parallel_loop3A_1728 = arith.index_cast %parallel_loop3A_1724 : i32 to index
        %parallel_loop3A_1729 = arith.constant 0 : index
        %parallel_loop3A_1730 = tpu.vector_load %arg8[%parallel_loop3A_1727, %parallel_loop3A_1728, %parallel_loop3A_1729] {strides = array<i32>} : memref<5x128x64xf32, #tpu.memory_space<vmem>>, vector<16xf32>,
        %parallel_loop3A_1731 = arith.addf %parallel_loop3A_1730, %get3A_1638 : vector<16xf32>
        %parallel_loop3A_1732 = arith.constant 0 : i32
        %parallel_loop3A_1733 = arith.constant 0 : i32
        %parallel_loop3A_1734 = arith.constant 0 : i32
        %parallel_loop3A_1735 = tpu.memref_slice %arg9[%parallel_loop3A_1651, %parallel_loop3A_1732, %parallel_loop3A_1733, %parallel_loop3A_1734] : memref<5x8x8x129xf32, #tpu.memory_space<vmem>> -> memref<1x8x8x129xf32, #tpu.memory_space<vmem>>
        %parallel_loop3A_1736 = tpu.memref_squeeze %parallel_loop3A_1735 : memref<1x8x8x129xf32, #tpu.memory_space<vmem>> -> memref<8x8x129xf32, #tpu.memory_space<vmem>>
        tpu.vector_store_idx %parallel_loop3A_1736[%select_n3A, %select_n3A_151, %parallel_loop3A_1725], %parallel_loop3A_1731 : memref<8x8x129xf32, #tpu.memory_space<vmem>>[vector<16xi32>, vector<16xi32>, vector<16xi32>], vector<16xf32>,
        %parallel_loop3A_1737 = arith.constant 0 : i32
        %parallel_loop3A_1738 = arith.index_cast %parallel_loop3A_1737 : i32 to index
        %parallel_loop3A_1739 = arith.index_cast %parallel_loop3A_1724 : i32 to index
        %parallel_loop3A_1740 = arith.constant 16 : index
        %parallel_loop3A_1741 = tpu.vector_load %arg8[%parallel_loop3A_1738, %parallel_loop3A_1739, %parallel_loop3A_1740] {strides = array<i32>} : memref<5x128x64xf32, #tpu.memory_space<vmem>>, vector<16xf32>,
        %parallel_loop3A_1742 = arith.addf %parallel_loop3A_1741, %get3A_1641 : vector<16xf32>
        %parallel_loop3A_1743 = arith.constant 0 : i32
        %parallel_loop3A_1744 = arith.constant 0 : i32
        %parallel_loop3A_1745 = arith.constant 0 : i32
        %parallel_loop3A_1746 = tpu.memref_slice %arg9[%parallel_loop3A_1651, %parallel_loop3A_1743, %parallel_loop3A_1744, %parallel_loop3A_1745] : memref<5x8x8x129xf32, #tpu.memory_space<vmem>> -> memref<1x8x8x129xf32, #tpu.memory_space<vmem>>
        %parallel_loop3A_1747 = tpu.memref_squeeze %parallel_loop3A_1746 : memref<1x8x8x129xf32, #tpu.memory_space<vmem>> -> memref<8x8x129xf32, #tpu.memory_space<vmem>>
        tpu.vector_store_idx %parallel_loop3A_1747[%select_n3A_60, %select_n3A_176, %parallel_loop3A_1725], %parallel_loop3A_1742 : memref<8x8x129xf32, #tpu.memory_space<vmem>>[vector<16xi32>, vector<16xi32>, vector<16xi32>], vector<16xf32>,
        %parallel_loop3A_1748 = arith.constant 0 : i32
        %parallel_loop3A_1749 = arith.index_cast %parallel_loop3A_1748 : i32 to index
        %parallel_loop3A_1750 = arith.index_cast %parallel_loop3A_1724 : i32 to index
        %parallel_loop3A_1751 = arith.constant 32 : index
        %parallel_loop3A_1752 = tpu.vector_load %arg8[%parallel_loop3A_1749, %parallel_loop3A_1750, %parallel_loop3A_1751] {strides = array<i32>} : memref<5x128x64xf32, #tpu.memory_space<vmem>>, vector<16xf32>,
        %parallel_loop3A_1753 = arith.addf %parallel_loop3A_1752, %get3A_1644 : vector<16xf32>
        %parallel_loop3A_1754 = arith.constant 0 : i32
        %parallel_loop3A_1755 = arith.constant 0 : i32
        %parallel_loop3A_1756 = arith.constant 0 : i32
        %parallel_loop3A_1757 = tpu.memref_slice %arg9[%parallel_loop3A_1651, %parallel_loop3A_1754, %parallel_loop3A_1755, %parallel_loop3A_1756] : memref<5x8x8x129xf32, #tpu.memory_space<vmem>> -> memref<1x8x8x129xf32, #tpu.memory_space<vmem>>
        %parallel_loop3A_1758 = tpu.memref_squeeze %parallel_loop3A_1757 : memref<1x8x8x129xf32, #tpu.memory_space<vmem>> -> memref<8x8x129xf32, #tpu.memory_space<vmem>>
        tpu.vector_store_idx %parallel_loop3A_1758[%select_n3A_94, %select_n3A_201, %parallel_loop3A_1725], %parallel_loop3A_1753 : memref<8x8x129xf32, #tpu.memory_space<vmem>>[vector<16xi32>, vector<16xi32>, vector<16xi32>], vector<16xf32>,
        %parallel_loop3A_1759 = arith.constant 0 : i32
        %parallel_loop3A_1760 = arith.index_cast %parallel_loop3A_1759 : i32 to index
        %parallel_loop3A_1761 = arith.index_cast %parallel_loop3A_1724 : i32 to index
        %parallel_loop3A_1762 = arith.constant 48 : index
        %parallel_loop3A_1763 = tpu.vector_load %arg8[%parallel_loop3A_1760, %parallel_loop3A_1761, %parallel_loop3A_1762] {strides = array<i32>} : memref<5x128x64xf32, #tpu.memory_space<vmem>>, vector<16xf32>,
        %parallel_loop3A_1764 = arith.addf %parallel_loop3A_1763, %get3A_1647 : vector<16xf32>
        %parallel_loop3A_1765 = arith.constant 0 : i32
        %parallel_loop3A_1766 = arith.constant 0 : i32
        %parallel_loop3A_1767 = arith.constant 0 : i32
        %parallel_loop3A_1768 = tpu.memref_slice %arg9[%parallel_loop3A_1651, %parallel_loop3A_1765, %parallel_loop3A_1766, %parallel_loop3A_1767] : memref<5x8x8x129xf32, #tpu.memory_space<vmem>> -> memref<1x8x8x129xf32, #tpu.memory_space<vmem>>
        %parallel_loop3A_1769 = tpu.memref_squeeze %parallel_loop3A_1768 : memref<1x8x8x129xf32, #tpu.memory_space<vmem>> -> memref<8x8x129xf32, #tpu.memory_space<vmem>>
        tpu.vector_store_idx %parallel_loop3A_1769[%select_n3A_128, %select_n3A_226, %parallel_loop3A_1725], %parallel_loop3A_1764 : memref<8x8x129xf32, #tpu.memory_space<vmem>>[vector<16xi32>, vector<16xi32>, vector<16xi32>], vector<16xf32>,
      } {sc.loop_unroll_factor = 4 : i64, sc.parallel_access}
      %dma_start3A_1652 = arith.constant 0 : i32
      %dma_start3A_1653 = arith.constant 0 : i32
      %dma_start3A_1654 = arith.constant 0 : i32
      %dma_start3A_1655 = arith.constant 0 : i32
      %dma_start3A_1656 = tpu.memref_slice %arg9[%dma_start3A_1652, %dma_start3A_1653, %dma_start3A_1654, %dma_start3A_1655] : memref<5x8x8x129xf32, #tpu.memory_space<vmem>> -> memref<1x8x8x128xf32, #tpu.memory_space<vmem>>
      %dma_start3A_1657 = tpu.memref_squeeze %dma_start3A_1656 : memref<1x8x8x128xf32, #tpu.memory_space<vmem>> -> memref<8x8x128xf32, #tpu.memory_space<vmem>>
      %dma_start3A_1658 = arith.constant 0 : i32
      %dma_start3A_1659 = arith.constant 0 : i32
      %dma_start3A_1660 = arith.constant 0 : i32
      %dma_start3A_1661 = tpu.memref_slice %arg5[%add3A_1559, %dma_start3A_1658, %add3A, %dma_start3A_1659, %dma_start3A_1660] : memref<200x8x32x8x128xf32, #tpu.memory_space<hbm>> -> memref<1x8x1x8x128xf32, #tpu.memory_space<hbm>>
      %dma_start3A_1662 = tpu.memref_squeeze %dma_start3A_1661 : memref<1x8x1x8x128xf32, #tpu.memory_space<hbm>> -> memref<8x8x128xf32, #tpu.memory_space<hbm>>
      %dma_start3A_1663 = arith.constant 0 : i32
      %dma_start3A_1664 = arith.constant 0 : i32
      %dma_start3A_1665 = arith.constant 0 : i32
      %dma_start3A_1666 = tpu.memref_slice %arg5[%add3A_1559, %dma_start3A_1663, %add3A, %dma_start3A_1664, %dma_start3A_1665] : memref<200x8x32x8x128xf32, #tpu.memory_space<hbm>> -> memref<1x8x1x8x128xf32, #tpu.memory_space<hbm>>
      %dma_start3A_1667 = tpu.memref_squeeze %dma_start3A_1666 : memref<1x8x1x8x128xf32, #tpu.memory_space<hbm>> -> memref<8x8x128xf32, #tpu.memory_space<hbm>>
      %dma_start3A_1668 = arith.constant 0 : i32
      %dma_start3A_1669 = arith.constant 0 : i32
      %dma_start3A_1670 = arith.constant 0 : i32
      %dma_start3A_1671 = tpu.memref_slice %arg9[%dma_start3A_1652, %dma_start3A_1668, %dma_start3A_1669, %dma_start3A_1670] : memref<5x8x8x129xf32, #tpu.memory_space<vmem>> -> memref<1x8x8x128xf32, #tpu.memory_space<vmem>>
      %dma_start3A_1672 = tpu.memref_squeeze %dma_start3A_1671 : memref<1x8x8x128xf32, #tpu.memory_space<vmem>> -> memref<8x8x128xf32, #tpu.memory_space<vmem>>
      tpu.enqueue_dma source(%dma_start3A_1672 : memref<8x8x128xf32, #tpu.memory_space<vmem>>) target(%dma_start3A_1667 : memref<8x8x128xf32, #tpu.memory_space<hbm>>) target_semaphore(%arg20 : memref<!tpu.dma_semaphore, #tpu.memory_space<semaphore_mem>>)
      %dma_wait3A_1673 = arith.constant 4 : i32
      %dma_wait3A_1674 = arith.constant 0 : i32
      %dma_wait3A_1675 = arith.constant 0 : i32
      %dma_wait3A_1676 = arith.constant 0 : i32
      %dma_wait3A_1677 = arith.constant 0 : i32
      %dma_wait3A_1678 = arith.constant 0 : i32
      %dma_wait3A_1679 = tpu.memref_slice %arg9[%dma_wait3A_1673, %dma_wait3A_1676, %dma_wait3A_1677, %dma_wait3A_1678] : memref<5x8x8x129xf32, #tpu.memory_space<vmem>> -> memref<1x8x8x128xf32, #tpu.memory_space<vmem>>
      %dma_wait3A_1680 = tpu.memref_squeeze %dma_wait3A_1679 : memref<1x8x8x128xf32, #tpu.memory_space<vmem>> -> memref<8x8x128xf32, #tpu.memory_space<vmem>>
      %dma_wait3A_1681 = arith.constant 0 : i32
      %dma_wait3A_1682 = arith.constant 0 : i32
      %dma_wait3A_1683 = arith.constant 0 : i32
      %dma_wait3A_1684 = tpu.memref_slice %arg5[%dma_wait3A_1674, %dma_wait3A_1681, %dma_wait3A_1675, %dma_wait3A_1682, %dma_wait3A_1683] : memref<200x8x32x8x128xf32, #tpu.memory_space<hbm>> -> memref<1x8x1x8x128xf32, #tpu.memory_space<hbm>>
      %dma_wait3A_1685 = tpu.memref_squeeze %dma_wait3A_1684 : memref<1x8x1x8x128xf32, #tpu.memory_space<hbm>> -> memref<8x8x128xf32, #tpu.memory_space<hbm>>
      %dma_wait3A_1686 = arith.constant 0 : i32
      %dma_wait3A_1687 = arith.constant 0 : i32
      %dma_wait3A_1688 = arith.constant 0 : i32
      %dma_wait3A_1689 = tpu.memref_slice %arg5[%dma_wait3A_1674, %dma_wait3A_1686, %dma_wait3A_1675, %dma_wait3A_1687, %dma_wait3A_1688] : memref<200x8x32x8x128xf32, #tpu.memory_space<hbm>> -> memref<1x8x1x8x128xf32, #tpu.memory_space<hbm>>
      %dma_wait3A_1690 = tpu.memref_squeeze %dma_wait3A_1689 : memref<1x8x1x8x128xf32, #tpu.memory_space<hbm>> -> memref<8x8x128xf32, #tpu.memory_space<hbm>>
      %dma_wait3A_1691 = arith.constant 0 : i32
      %dma_wait3A_1692 = arith.constant 0 : i32
      %dma_wait3A_1693 = arith.constant 0 : i32
      %dma_wait3A_1694 = tpu.memref_slice %arg9[%dma_wait3A_1673, %dma_wait3A_1691, %dma_wait3A_1692, %dma_wait3A_1693] : memref<5x8x8x129xf32, #tpu.memory_space<vmem>> -> memref<1x8x8x128xf32, #tpu.memory_space<vmem>>
      %dma_wait3A_1695 = tpu.memref_squeeze %dma_wait3A_1694 : memref<1x8x8x128xf32, #tpu.memory_space<vmem>> -> memref<8x8x128xf32, #tpu.memory_space<vmem>>
      tpu.wait_dma2 semaphore(%arg24 : memref<!tpu.dma_semaphore, #tpu.memory_space<semaphore_mem>>) src(%dma_wait3A_1695 : memref<8x8x128xf32, #tpu.memory_space<vmem>>) dst(%dma_wait3A_1690 : memref<8x8x128xf32, #tpu.memory_space<hbm>>)
      %dma_wait3A_1696 = arith.constant 0 : i32
      %dma_wait3A_1697 = arith.constant 0 : i32
      %dma_wait3A_1698 = arith.constant 0 : i32
      %dma_wait3A_1699 = arith.constant 4 : i32
      %dma_wait3A_1700 = arith.constant 0 : i32
      %dma_wait3A_1701 = tpu.memref_slice %arg7[%dma_wait3A_1699, %dma_wait3A_1700] : memref<5x128xi32, #tpu.memory_space<vmem>> -> memref<1x128xi32, #tpu.memory_space<vmem>>
      %dma_wait3A_1702 = tpu.memref_squeeze %dma_wait3A_1701 : memref<1x128xi32, #tpu.memory_space<vmem>> -> memref<128xi32, #tpu.memory_space<vmem>>
      %dma_wait3A_1703 = arith.constant 0 : i32
      %dma_wait3A_1704 = tpu.memref_slice %arg2[%dma_wait3A_1696, %dma_wait3A_1697, %dma_wait3A_1698, %dma_wait3A_1703] : memref<25x32x8x128xi32, #tpu.memory_space<hbm>> -> memref<1x1x1x128xi32, #tpu.memory_space<hbm>>
      %dma_wait3A_1705 = tpu.memref_squeeze %dma_wait3A_1704 : memref<1x1x1x128xi32, #tpu.memory_space<hbm>> -> memref<128xi32, #tpu.memory_space<hbm>>
      %dma_wait3A_1706 = arith.constant 0 : i32
      %dma_wait3A_1707 = tpu.memref_slice %arg7[%dma_wait3A_1699, %dma_wait3A_1706] : memref<5x128xi32, #tpu.memory_space<vmem>> -> memref<1x128xi32, #tpu.memory_space<vmem>>
      %dma_wait3A_1708 = tpu.memref_squeeze %dma_wait3A_1707 : memref<1x128xi32, #tpu.memory_space<vmem>> -> memref<128xi32, #tpu.memory_space<vmem>>
      %dma_wait3A_1709 = arith.constant 0 : i32
      %dma_wait3A_1710 = tpu.memref_slice %arg2[%dma_wait3A_1696, %dma_wait3A_1697, %dma_wait3A_1698, %dma_wait3A_1709] : memref<25x32x8x128xi32, #tpu.memory_space<hbm>> -> memref<1x1x1x128xi32, #tpu.memory_space<hbm>>
      %dma_wait3A_1711 = tpu.memref_squeeze %dma_wait3A_1710 : memref<1x1x1x128xi32, #tpu.memory_space<hbm>> -> memref<128xi32, #tpu.memory_space<hbm>>
      tpu.wait_dma2 semaphore(%arg14 : memref<!tpu.dma_semaphore, #tpu.memory_space<semaphore_mem>>) src(%dma_wait3A_1711 : memref<128xi32, #tpu.memory_space<hbm>>) dst(%dma_wait3A_1708 : memref<128xi32, #tpu.memory_space<vmem>>)
      %dma_start3A_1712 = arith.constant 4 : i32
      %dma_start3A_1713 = arith.constant 4 : i32
      %dma_start3A_1714 = arith.constant 0 : i32
      %dma_start3A_1715 = arith.constant 0 : i32
      %dma_start3A_1716 = tpu.memref_slice %arg8[%dma_start3A_1713, %dma_start3A_1714, %dma_start3A_1715] : memref<5x128x64xf32, #tpu.memory_space<vmem>> -> memref<1x128x64xf32, #tpu.memory_space<vmem>>
      %dma_start3A_1717 = tpu.memref_squeeze %dma_start3A_1716 : memref<1x128x64xf32, #tpu.memory_space<vmem>> -> memref<128x64xf32, #tpu.memory_space<vmem>>
      %dma_start3A_1718 = arith.constant 0 : i32
      %dma_start3A_1719 = tpu.memref_slice %arg7[%dma_start3A_1712, %dma_start3A_1718] : memref<5x128xi32, #tpu.memory_space<vmem>> -> memref<1x128xi32, #tpu.memory_space<vmem>>
      %dma_start3A_1720 = tpu.memref_squeeze %dma_start3A_1719 : memref<1x128xi32, #tpu.memory_space<vmem>> -> memref<128xi32, #tpu.memory_space<vmem>>
      %dma_start3A_1721 = arith.constant 0 : i32
      %dma_start3A_1722 = arith.constant 0 : i32
      %dma_start3A_1723 = tpu.memref_slice %arg3[%dma_start3A_1721, %dma_start3A_1722] : memref<100000x64xf32, #tpu.memory_space<hbm>> -> memref<100000x64xf32, #tpu.memory_space<hbm>>
      tpu.enqueue_indirect_dma source(%dma_start3A_1723 : memref<100000x64xf32, #tpu.memory_space<hbm>>) target(%dma_start3A_1717 : memref<128x64xf32, #tpu.memory_space<vmem>>) offsets(%dma_start3A_1720 : memref<128xi32, #tpu.memory_space<vmem>>) semaphore(%arg19 : memref<!tpu.dma_semaphore, #tpu.memory_space<semaphore_mem>>)
    }
    %scan3A_505 = arith.constant 39 : i32
    %dma_wait3A_506 = arith.constant 0 : i32
    %dma_wait3A_507 = arith.constant 0 : i32
    %dma_wait3A_508 = arith.constant 1 : i32
    %dma_wait3A_509 = arith.constant 0 : i32
    %dma_wait3A_510 = arith.constant 0 : i32
    %dma_wait3A_511 = tpu.memref_slice %arg8[%dma_wait3A_508, %dma_wait3A_509, %dma_wait3A_510] : memref<5x128x64xf32, #tpu.memory_space<vmem>> -> memref<1x128x64xf32, #tpu.memory_space<vmem>>
    %dma_wait3A_512 = tpu.memref_squeeze %dma_wait3A_511 : memref<1x128x64xf32, #tpu.memory_space<vmem>> -> memref<128x64xf32, #tpu.memory_space<vmem>>
    %dma_wait3A_513 = arith.constant 0 : i32
    %dma_wait3A_514 = arith.constant 0 : i32
    %dma_wait3A_515 = arith.constant 0 : i32
    %dma_wait3A_516 = tpu.memref_slice %arg5[%dma_wait3A_506, %dma_wait3A_513, %dma_wait3A_507, %dma_wait3A_514, %dma_wait3A_515] : memref<200x8x32x8x128xf32, #tpu.memory_space<hbm>> -> memref<1x8x1x8x128xf32, #tpu.memory_space<hbm>>
    %dma_wait3A_517 = tpu.memref_squeeze %dma_wait3A_516 : memref<1x8x1x8x128xf32, #tpu.memory_space<hbm>> -> memref<8x8x128xf32, #tpu.memory_space<hbm>>
    %dma_wait3A_518 = arith.constant 0 : i32
    %dma_wait3A_519 = arith.constant 0 : i32
    %dma_wait3A_520 = tpu.memref_slice %arg8[%dma_wait3A_508, %dma_wait3A_518, %dma_wait3A_519] : memref<5x128x64xf32, #tpu.memory_space<vmem>> -> memref<1x128x64xf32, #tpu.memory_space<vmem>>
    %dma_wait3A_521 = tpu.memref_squeeze %dma_wait3A_520 : memref<1x128x64xf32, #tpu.memory_space<vmem>> -> memref<128x64xf32, #tpu.memory_space<vmem>>
    %dma_wait3A_522 = arith.constant 0 : i32
    %dma_wait3A_523 = arith.constant 0 : i32
    %dma_wait3A_524 = arith.constant 0 : i32
    %dma_wait3A_525 = tpu.memref_slice %arg5[%dma_wait3A_506, %dma_wait3A_522, %dma_wait3A_507, %dma_wait3A_523, %dma_wait3A_524] : memref<200x8x32x8x128xf32, #tpu.memory_space<hbm>> -> memref<1x8x1x8x128xf32, #tpu.memory_space<hbm>>
    %dma_wait3A_526 = tpu.memref_squeeze %dma_wait3A_525 : memref<1x8x1x8x128xf32, #tpu.memory_space<hbm>> -> memref<8x8x128xf32, #tpu.memory_space<hbm>>
    tpu.wait_dma2 semaphore(%arg16 : memref<!tpu.dma_semaphore, #tpu.memory_space<semaphore_mem>>) src(%dma_wait3A_526 : memref<8x8x128xf32, #tpu.memory_space<hbm>>) dst(%dma_wait3A_521 : memref<128x64xf32, #tpu.memory_space<vmem>>)
    %get3A_527 = arith.constant 196 : i32
    %get3A_528 = arith.index_cast %get3A_527 : i32 to index
    %get3A_529 = arith.constant 0 : index
    %get3A_530 = tpu.vector_load %arg6[%get3A_528, %get3A_529] {strides = array<i32>} : memref<200x64xf32, #tpu.memory_space<vmem>>, vector<16xf32>,
    %get3A_531 = arith.constant 196 : i32
    %get3A_532 = arith.index_cast %get3A_531 : i32 to index
    %get3A_533 = arith.constant 16 : index
    %get3A_534 = tpu.vector_load %arg6[%get3A_532, %get3A_533] {strides = array<i32>} : memref<200x64xf32, #tpu.memory_space<vmem>>, vector<16xf32>,
    %get3A_535 = arith.constant 196 : i32
    %get3A_536 = arith.index_cast %get3A_535 : i32 to index
    %get3A_537 = arith.constant 32 : index
    %get3A_538 = tpu.vector_load %arg6[%get3A_536, %get3A_537] {strides = array<i32>} : memref<200x64xf32, #tpu.memory_space<vmem>>, vector<16xf32>,
    %get3A_539 = arith.constant 196 : i32
    %get3A_540 = arith.index_cast %get3A_539 : i32 to index
    %get3A_541 = arith.constant 48 : index
    %get3A_542 = tpu.vector_load %arg6[%get3A_540, %get3A_541] {strides = array<i32>} : memref<200x64xf32, #tpu.memory_space<vmem>>, vector<16xf32>,
    %parallel_loop3A_543 = arith.constant 0 : i32
    %parallel_loop3A_544 = arith.constant 128 : i32
    %parallel_loop3A_545 = arith.constant 1 : i32
    %parallel_loop3A_546 = arith.constant 1 : i32
    scf.for %parallel_loop3A_873 = %parallel_loop3A_543 to %parallel_loop3A_544 step %parallel_loop3A_545  : i32 {
      %parallel_loop3A_874 = vector.broadcast %parallel_loop3A_873 : i32 to vector<16xi32>
      %parallel_loop3A_875 = arith.constant 1 : i32
      %parallel_loop3A_876 = arith.index_cast %parallel_loop3A_875 : i32 to index
      %parallel_loop3A_877 = arith.index_cast %parallel_loop3A_873 : i32 to index
      %parallel_loop3A_878 = arith.constant 0 : index
      %parallel_loop3A_879 = tpu.vector_load %arg8[%parallel_loop3A_876, %parallel_loop3A_877, %parallel_loop3A_878] {strides = array<i32>} : memref<5x128x64xf32, #tpu.memory_space<vmem>>, vector<16xf32>,
      %parallel_loop3A_880 = arith.addf %parallel_loop3A_879, %get3A_530 : vector<16xf32>
      %parallel_loop3A_881 = arith.constant 0 : i32
      %parallel_loop3A_882 = arith.constant 0 : i32
      %parallel_loop3A_883 = arith.constant 0 : i32
      %parallel_loop3A_884 = tpu.memref_slice %arg9[%parallel_loop3A_546, %parallel_loop3A_881, %parallel_loop3A_882, %parallel_loop3A_883] : memref<5x8x8x129xf32, #tpu.memory_space<vmem>> -> memref<1x8x8x129xf32, #tpu.memory_space<vmem>>
      %parallel_loop3A_885 = tpu.memref_squeeze %parallel_loop3A_884 : memref<1x8x8x129xf32, #tpu.memory_space<vmem>> -> memref<8x8x129xf32, #tpu.memory_space<vmem>>
      tpu.vector_store_idx %parallel_loop3A_885[%select_n3A, %select_n3A_151, %parallel_loop3A_874], %parallel_loop3A_880 : memref<8x8x129xf32, #tpu.memory_space<vmem>>[vector<16xi32>, vector<16xi32>, vector<16xi32>], vector<16xf32>,
      %parallel_loop3A_886 = arith.constant 1 : i32
      %parallel_loop3A_887 = arith.index_cast %parallel_loop3A_886 : i32 to index
      %parallel_loop3A_888 = arith.index_cast %parallel_loop3A_873 : i32 to index
      %parallel_loop3A_889 = arith.constant 16 : index
      %parallel_loop3A_890 = tpu.vector_load %arg8[%parallel_loop3A_887, %parallel_loop3A_888, %parallel_loop3A_889] {strides = array<i32>} : memref<5x128x64xf32, #tpu.memory_space<vmem>>, vector<16xf32>,
      %parallel_loop3A_891 = arith.addf %parallel_loop3A_890, %get3A_534 : vector<16xf32>
      %parallel_loop3A_892 = arith.constant 0 : i32
      %parallel_loop3A_893 = arith.constant 0 : i32
      %parallel_loop3A_894 = arith.constant 0 : i32
      %parallel_loop3A_895 = tpu.memref_slice %arg9[%parallel_loop3A_546, %parallel_loop3A_892, %parallel_loop3A_893, %parallel_loop3A_894] : memref<5x8x8x129xf32, #tpu.memory_space<vmem>> -> memref<1x8x8x129xf32, #tpu.memory_space<vmem>>
      %parallel_loop3A_896 = tpu.memref_squeeze %parallel_loop3A_895 : memref<1x8x8x129xf32, #tpu.memory_space<vmem>> -> memref<8x8x129xf32, #tpu.memory_space<vmem>>
      tpu.vector_store_idx %parallel_loop3A_896[%select_n3A_60, %select_n3A_176, %parallel_loop3A_874], %parallel_loop3A_891 : memref<8x8x129xf32, #tpu.memory_space<vmem>>[vector<16xi32>, vector<16xi32>, vector<16xi32>], vector<16xf32>,
      %parallel_loop3A_897 = arith.constant 1 : i32
      %parallel_loop3A_898 = arith.index_cast %parallel_loop3A_897 : i32 to index
      %parallel_loop3A_899 = arith.index_cast %parallel_loop3A_873 : i32 to index
      %parallel_loop3A_900 = arith.constant 32 : index
      %parallel_loop3A_901 = tpu.vector_load %arg8[%parallel_loop3A_898, %parallel_loop3A_899, %parallel_loop3A_900] {strides = array<i32>} : memref<5x128x64xf32, #tpu.memory_space<vmem>>, vector<16xf32>,
      %parallel_loop3A_902 = arith.addf %parallel_loop3A_901, %get3A_538 : vector<16xf32>
      %parallel_loop3A_903 = arith.constant 0 : i32
      %parallel_loop3A_904 = arith.constant 0 : i32
      %parallel_loop3A_905 = arith.constant 0 : i32
      %parallel_loop3A_906 = tpu.memref_slice %arg9[%parallel_loop3A_546, %parallel_loop3A_903, %parallel_loop3A_904, %parallel_loop3A_905] : memref<5x8x8x129xf32, #tpu.memory_space<vmem>> -> memref<1x8x8x129xf32, #tpu.memory_space<vmem>>
      %parallel_loop3A_907 = tpu.memref_squeeze %parallel_loop3A_906 : memref<1x8x8x129xf32, #tpu.memory_space<vmem>> -> memref<8x8x129xf32, #tpu.memory_space<vmem>>
      tpu.vector_store_idx %parallel_loop3A_907[%select_n3A_94, %select_n3A_201, %parallel_loop3A_874], %parallel_loop3A_902 : memref<8x8x129xf32, #tpu.memory_space<vmem>>[vector<16xi32>, vector<16xi32>, vector<16xi32>], vector<16xf32>,
      %parallel_loop3A_908 = arith.constant 1 : i32
      %parallel_loop3A_909 = arith.index_cast %parallel_loop3A_908 : i32 to index
      %parallel_loop3A_910 = arith.index_cast %parallel_loop3A_873 : i32 to index
      %parallel_loop3A_911 = arith.constant 48 : index
      %parallel_loop3A_912 = tpu.vector_load %arg8[%parallel_loop3A_909, %parallel_loop3A_910, %parallel_loop3A_911] {strides = array<i32>} : memref<5x128x64xf32, #tpu.memory_space<vmem>>, vector<16xf32>,
      %parallel_loop3A_913 = arith.addf %parallel_loop3A_912, %get3A_542 : vector<16xf32>
      %parallel_loop3A_914 = arith.constant 0 : i32
      %parallel_loop3A_915 = arith.constant 0 : i32
      %parallel_loop3A_916 = arith.constant 0 : i32
      %parallel_loop3A_917 = tpu.memref_slice %arg9[%parallel_loop3A_546, %parallel_loop3A_914, %parallel_loop3A_915, %parallel_loop3A_916] : memref<5x8x8x129xf32, #tpu.memory_space<vmem>> -> memref<1x8x8x129xf32, #tpu.memory_space<vmem>>
      %parallel_loop3A_918 = tpu.memref_squeeze %parallel_loop3A_917 : memref<1x8x8x129xf32, #tpu.memory_space<vmem>> -> memref<8x8x129xf32, #tpu.memory_space<vmem>>
      tpu.vector_store_idx %parallel_loop3A_918[%select_n3A_128, %select_n3A_226, %parallel_loop3A_874], %parallel_loop3A_913 : memref<8x8x129xf32, #tpu.memory_space<vmem>>[vector<16xi32>, vector<16xi32>, vector<16xi32>], vector<16xf32>,
    } {sc.loop_unroll_factor = 4 : i64, sc.parallel_access}
    %dma_start3A_547 = arith.constant 1 : i32
    %dma_start3A_548 = arith.constant 196 : i32
    %dma_start3A_549 = arith.constant 0 : i32
    %dma_start3A_550 = arith.constant 0 : i32
    %dma_start3A_551 = arith.constant 0 : i32
    %dma_start3A_552 = tpu.memref_slice %arg9[%dma_start3A_547, %dma_start3A_549, %dma_start3A_550, %dma_start3A_551] : memref<5x8x8x129xf32, #tpu.memory_space<vmem>> -> memref<1x8x8x128xf32, #tpu.memory_space<vmem>>
    %dma_start3A_553 = tpu.memref_squeeze %dma_start3A_552 : memref<1x8x8x128xf32, #tpu.memory_space<vmem>> -> memref<8x8x128xf32, #tpu.memory_space<vmem>>
    %dma_start3A_554 = arith.constant 0 : i32
    %dma_start3A_555 = arith.constant 0 : i32
    %dma_start3A_556 = arith.constant 0 : i32
    %dma_start3A_557 = tpu.memref_slice %arg5[%dma_start3A_548, %dma_start3A_554, %add3A, %dma_start3A_555, %dma_start3A_556] : memref<200x8x32x8x128xf32, #tpu.memory_space<hbm>> -> memref<1x8x1x8x128xf32, #tpu.memory_space<hbm>>
    %dma_start3A_558 = tpu.memref_squeeze %dma_start3A_557 : memref<1x8x1x8x128xf32, #tpu.memory_space<hbm>> -> memref<8x8x128xf32, #tpu.memory_space<hbm>>
    %dma_start3A_559 = arith.constant 0 : i32
    %dma_start3A_560 = arith.constant 0 : i32
    %dma_start3A_561 = arith.constant 0 : i32
    %dma_start3A_562 = tpu.memref_slice %arg5[%dma_start3A_548, %dma_start3A_559, %add3A, %dma_start3A_560, %dma_start3A_561] : memref<200x8x32x8x128xf32, #tpu.memory_space<hbm>> -> memref<1x8x1x8x128xf32, #tpu.memory_space<hbm>>
    %dma_start3A_563 = tpu.memref_squeeze %dma_start3A_562 : memref<1x8x1x8x128xf32, #tpu.memory_space<hbm>> -> memref<8x8x128xf32, #tpu.memory_space<hbm>>
    %dma_start3A_564 = arith.constant 0 : i32
    %dma_start3A_565 = arith.constant 0 : i32
    %dma_start3A_566 = arith.constant 0 : i32
    %dma_start3A_567 = tpu.memref_slice %arg9[%dma_start3A_547, %dma_start3A_564, %dma_start3A_565, %dma_start3A_566] : memref<5x8x8x129xf32, #tpu.memory_space<vmem>> -> memref<1x8x8x128xf32, #tpu.memory_space<vmem>>
    %dma_start3A_568 = tpu.memref_squeeze %dma_start3A_567 : memref<1x8x8x128xf32, #tpu.memory_space<vmem>> -> memref<8x8x128xf32, #tpu.memory_space<vmem>>
    tpu.enqueue_dma source(%dma_start3A_568 : memref<8x8x128xf32, #tpu.memory_space<vmem>>) target(%dma_start3A_563 : memref<8x8x128xf32, #tpu.memory_space<hbm>>) target_semaphore(%arg21 : memref<!tpu.dma_semaphore, #tpu.memory_space<semaphore_mem>>)
    %dma_wait3A_569 = arith.constant 0 : i32
    %dma_wait3A_570 = arith.constant 0 : i32
    %dma_wait3A_571 = arith.constant 2 : i32
    %dma_wait3A_572 = arith.constant 0 : i32
    %dma_wait3A_573 = arith.constant 0 : i32
    %dma_wait3A_574 = tpu.memref_slice %arg8[%dma_wait3A_571, %dma_wait3A_572, %dma_wait3A_573] : memref<5x128x64xf32, #tpu.memory_space<vmem>> -> memref<1x128x64xf32, #tpu.memory_space<vmem>>
    %dma_wait3A_575 = tpu.memref_squeeze %dma_wait3A_574 : memref<1x128x64xf32, #tpu.memory_space<vmem>> -> memref<128x64xf32, #tpu.memory_space<vmem>>
    %dma_wait3A_576 = arith.constant 0 : i32
    %dma_wait3A_577 = arith.constant 0 : i32
    %dma_wait3A_578 = arith.constant 0 : i32
    %dma_wait3A_579 = tpu.memref_slice %arg5[%dma_wait3A_569, %dma_wait3A_576, %dma_wait3A_570, %dma_wait3A_577, %dma_wait3A_578] : memref<200x8x32x8x128xf32, #tpu.memory_space<hbm>> -> memref<1x8x1x8x128xf32, #tpu.memory_space<hbm>>
    %dma_wait3A_580 = tpu.memref_squeeze %dma_wait3A_579 : memref<1x8x1x8x128xf32, #tpu.memory_space<hbm>> -> memref<8x8x128xf32, #tpu.memory_space<hbm>>
    %dma_wait3A_581 = arith.constant 0 : i32
    %dma_wait3A_582 = arith.constant 0 : i32
    %dma_wait3A_583 = tpu.memref_slice %arg8[%dma_wait3A_571, %dma_wait3A_581, %dma_wait3A_582] : memref<5x128x64xf32, #tpu.memory_space<vmem>> -> memref<1x128x64xf32, #tpu.memory_space<vmem>>
    %dma_wait3A_584 = tpu.memref_squeeze %dma_wait3A_583 : memref<1x128x64xf32, #tpu.memory_space<vmem>> -> memref<128x64xf32, #tpu.memory_space<vmem>>
    %dma_wait3A_585 = arith.constant 0 : i32
    %dma_wait3A_586 = arith.constant 0 : i32
    %dma_wait3A_587 = arith.constant 0 : i32
    %dma_wait3A_588 = tpu.memref_slice %arg5[%dma_wait3A_569, %dma_wait3A_585, %dma_wait3A_570, %dma_wait3A_586, %dma_wait3A_587] : memref<200x8x32x8x128xf32, #tpu.memory_space<hbm>> -> memref<1x8x1x8x128xf32, #tpu.memory_space<hbm>>
    %dma_wait3A_589 = tpu.memref_squeeze %dma_wait3A_588 : memref<1x8x1x8x128xf32, #tpu.memory_space<hbm>> -> memref<8x8x128xf32, #tpu.memory_space<hbm>>
    tpu.wait_dma2 semaphore(%arg17 : memref<!tpu.dma_semaphore, #tpu.memory_space<semaphore_mem>>) src(%dma_wait3A_589 : memref<8x8x128xf32, #tpu.memory_space<hbm>>) dst(%dma_wait3A_584 : memref<128x64xf32, #tpu.memory_space<vmem>>)
    %get3A_590 = arith.constant 197 : i32
    %get3A_591 = arith.index_cast %get3A_590 : i32 to index
    %get3A_592 = arith.constant 0 : index
    %get3A_593 = tpu.vector_load %arg6[%get3A_591, %get3A_592] {strides = array<i32>} : memref<200x64xf32, #tpu.memory_space<vmem>>, vector<16xf32>,
    %get3A_594 = arith.constant 197 : i32
    %get3A_595 = arith.index_cast %get3A_594 : i32 to index
    %get3A_596 = arith.constant 16 : index
    %get3A_597 = tpu.vector_load %arg6[%get3A_595, %get3A_596] {strides = array<i32>} : memref<200x64xf32, #tpu.memory_space<vmem>>, vector<16xf32>,
    %get3A_598 = arith.constant 197 : i32
    %get3A_599 = arith.index_cast %get3A_598 : i32 to index
    %get3A_600 = arith.constant 32 : index
    %get3A_601 = tpu.vector_load %arg6[%get3A_599, %get3A_600] {strides = array<i32>} : memref<200x64xf32, #tpu.memory_space<vmem>>, vector<16xf32>,
    %get3A_602 = arith.constant 197 : i32
    %get3A_603 = arith.index_cast %get3A_602 : i32 to index
    %get3A_604 = arith.constant 48 : index
    %get3A_605 = tpu.vector_load %arg6[%get3A_603, %get3A_604] {strides = array<i32>} : memref<200x64xf32, #tpu.memory_space<vmem>>, vector<16xf32>,
    %parallel_loop3A_606 = arith.constant 0 : i32
    %parallel_loop3A_607 = arith.constant 128 : i32
    %parallel_loop3A_608 = arith.constant 1 : i32
    %parallel_loop3A_609 = arith.constant 2 : i32
    scf.for %parallel_loop3A_873 = %parallel_loop3A_606 to %parallel_loop3A_607 step %parallel_loop3A_608  : i32 {
      %parallel_loop3A_874 = vector.broadcast %parallel_loop3A_873 : i32 to vector<16xi32>
      %parallel_loop3A_875 = arith.constant 2 : i32
      %parallel_loop3A_876 = arith.index_cast %parallel_loop3A_875 : i32 to index
      %parallel_loop3A_877 = arith.index_cast %parallel_loop3A_873 : i32 to index
      %parallel_loop3A_878 = arith.constant 0 : index
      %parallel_loop3A_879 = tpu.vector_load %arg8[%parallel_loop3A_876, %parallel_loop3A_877, %parallel_loop3A_878] {strides = array<i32>} : memref<5x128x64xf32, #tpu.memory_space<vmem>>, vector<16xf32>,
      %parallel_loop3A_880 = arith.addf %parallel_loop3A_879, %get3A_593 : vector<16xf32>
      %parallel_loop3A_881 = arith.constant 0 : i32
      %parallel_loop3A_882 = arith.constant 0 : i32
      %parallel_loop3A_883 = arith.constant 0 : i32
      %parallel_loop3A_884 = tpu.memref_slice %arg9[%parallel_loop3A_609, %parallel_loop3A_881, %parallel_loop3A_882, %parallel_loop3A_883] : memref<5x8x8x129xf32, #tpu.memory_space<vmem>> -> memref<1x8x8x129xf32, #tpu.memory_space<vmem>>
      %parallel_loop3A_885 = tpu.memref_squeeze %parallel_loop3A_884 : memref<1x8x8x129xf32, #tpu.memory_space<vmem>> -> memref<8x8x129xf32, #tpu.memory_space<vmem>>
      tpu.vector_store_idx %parallel_loop3A_885[%select_n3A, %select_n3A_151, %parallel_loop3A_874], %parallel_loop3A_880 : memref<8x8x129xf32, #tpu.memory_space<vmem>>[vector<16xi32>, vector<16xi32>, vector<16xi32>], vector<16xf32>,
      %parallel_loop3A_886 = arith.constant 2 : i32
      %parallel_loop3A_887 = arith.index_cast %parallel_loop3A_886 : i32 to index
      %parallel_loop3A_888 = arith.index_cast %parallel_loop3A_873 : i32 to index
      %parallel_loop3A_889 = arith.constant 16 : index
      %parallel_loop3A_890 = tpu.vector_load %arg8[%parallel_loop3A_887, %parallel_loop3A_888, %parallel_loop3A_889] {strides = array<i32>} : memref<5x128x64xf32, #tpu.memory_space<vmem>>, vector<16xf32>,
      %parallel_loop3A_891 = arith.addf %parallel_loop3A_890, %get3A_597 : vector<16xf32>
      %parallel_loop3A_892 = arith.constant 0 : i32
      %parallel_loop3A_893 = arith.constant 0 : i32
      %parallel_loop3A_894 = arith.constant 0 : i32
      %parallel_loop3A_895 = tpu.memref_slice %arg9[%parallel_loop3A_609, %parallel_loop3A_892, %parallel_loop3A_893, %parallel_loop3A_894] : memref<5x8x8x129xf32, #tpu.memory_space<vmem>> -> memref<1x8x8x129xf32, #tpu.memory_space<vmem>>
      %parallel_loop3A_896 = tpu.memref_squeeze %parallel_loop3A_895 : memref<1x8x8x129xf32, #tpu.memory_space<vmem>> -> memref<8x8x129xf32, #tpu.memory_space<vmem>>
      tpu.vector_store_idx %parallel_loop3A_896[%select_n3A_60, %select_n3A_176, %parallel_loop3A_874], %parallel_loop3A_891 : memref<8x8x129xf32, #tpu.memory_space<vmem>>[vector<16xi32>, vector<16xi32>, vector<16xi32>], vector<16xf32>,
      %parallel_loop3A_897 = arith.constant 2 : i32
      %parallel_loop3A_898 = arith.index_cast %parallel_loop3A_897 : i32 to index
      %parallel_loop3A_899 = arith.index_cast %parallel_loop3A_873 : i32 to index
      %parallel_loop3A_900 = arith.constant 32 : index
      %parallel_loop3A_901 = tpu.vector_load %arg8[%parallel_loop3A_898, %parallel_loop3A_899, %parallel_loop3A_900] {strides = array<i32>} : memref<5x128x64xf32, #tpu.memory_space<vmem>>, vector<16xf32>,
      %parallel_loop3A_902 = arith.addf %parallel_loop3A_901, %get3A_601 : vector<16xf32>
      %parallel_loop3A_903 = arith.constant 0 : i32
      %parallel_loop3A_904 = arith.constant 0 : i32
      %parallel_loop3A_905 = arith.constant 0 : i32
      %parallel_loop3A_906 = tpu.memref_slice %arg9[%parallel_loop3A_609, %parallel_loop3A_903, %parallel_loop3A_904, %parallel_loop3A_905] : memref<5x8x8x129xf32, #tpu.memory_space<vmem>> -> memref<1x8x8x129xf32, #tpu.memory_space<vmem>>
      %parallel_loop3A_907 = tpu.memref_squeeze %parallel_loop3A_906 : memref<1x8x8x129xf32, #tpu.memory_space<vmem>> -> memref<8x8x129xf32, #tpu.memory_space<vmem>>
      tpu.vector_store_idx %parallel_loop3A_907[%select_n3A_94, %select_n3A_201, %parallel_loop3A_874], %parallel_loop3A_902 : memref<8x8x129xf32, #tpu.memory_space<vmem>>[vector<16xi32>, vector<16xi32>, vector<16xi32>], vector<16xf32>,
      %parallel_loop3A_908 = arith.constant 2 : i32
      %parallel_loop3A_909 = arith.index_cast %parallel_loop3A_908 : i32 to index
      %parallel_loop3A_910 = arith.index_cast %parallel_loop3A_873 : i32 to index
      %parallel_loop3A_911 = arith.constant 48 : index
      %parallel_loop3A_912 = tpu.vector_load %arg8[%parallel_loop3A_909, %parallel_loop3A_910, %parallel_loop3A_911] {strides = array<i32>} : memref<5x128x64xf32, #tpu.memory_space<vmem>>, vector<16xf32>,
      %parallel_loop3A_913 = arith.addf %parallel_loop3A_912, %get3A_605 : vector<16xf32>
      %parallel_loop3A_914 = arith.constant 0 : i32
      %parallel_loop3A_915 = arith.constant 0 : i32
      %parallel_loop3A_916 = arith.constant 0 : i32
      %parallel_loop3A_917 = tpu.memref_slice %arg9[%parallel_loop3A_609, %parallel_loop3A_914, %parallel_loop3A_915, %parallel_loop3A_916] : memref<5x8x8x129xf32, #tpu.memory_space<vmem>> -> memref<1x8x8x129xf32, #tpu.memory_space<vmem>>
      %parallel_loop3A_918 = tpu.memref_squeeze %parallel_loop3A_917 : memref<1x8x8x129xf32, #tpu.memory_space<vmem>> -> memref<8x8x129xf32, #tpu.memory_space<vmem>>
      tpu.vector_store_idx %parallel_loop3A_918[%select_n3A_128, %select_n3A_226, %parallel_loop3A_874], %parallel_loop3A_913 : memref<8x8x129xf32, #tpu.memory_space<vmem>>[vector<16xi32>, vector<16xi32>, vector<16xi32>], vector<16xf32>,
    } {sc.loop_unroll_factor = 4 : i64, sc.parallel_access}
    %dma_start3A_610 = arith.constant 2 : i32
    %dma_start3A_611 = arith.constant 197 : i32
    %dma_start3A_612 = arith.constant 0 : i32
    %dma_start3A_613 = arith.constant 0 : i32
    %dma_start3A_614 = arith.constant 0 : i32
    %dma_start3A_615 = tpu.memref_slice %arg9[%dma_start3A_610, %dma_start3A_612, %dma_start3A_613, %dma_start3A_614] : memref<5x8x8x129xf32, #tpu.memory_space<vmem>> -> memref<1x8x8x128xf32, #tpu.memory_space<vmem>>
    %dma_start3A_616 = tpu.memref_squeeze %dma_start3A_615 : memref<1x8x8x128xf32, #tpu.memory_space<vmem>> -> memref<8x8x128xf32, #tpu.memory_space<vmem>>
    %dma_start3A_617 = arith.constant 0 : i32
    %dma_start3A_618 = arith.constant 0 : i32
    %dma_start3A_619 = arith.constant 0 : i32
    %dma_start3A_620 = tpu.memref_slice %arg5[%dma_start3A_611, %dma_start3A_617, %add3A, %dma_start3A_618, %dma_start3A_619] : memref<200x8x32x8x128xf32, #tpu.memory_space<hbm>> -> memref<1x8x1x8x128xf32, #tpu.memory_space<hbm>>
    %dma_start3A_621 = tpu.memref_squeeze %dma_start3A_620 : memref<1x8x1x8x128xf32, #tpu.memory_space<hbm>> -> memref<8x8x128xf32, #tpu.memory_space<hbm>>
    %dma_start3A_622 = arith.constant 0 : i32
    %dma_start3A_623 = arith.constant 0 : i32
    %dma_start3A_624 = arith.constant 0 : i32
    %dma_start3A_625 = tpu.memref_slice %arg5[%dma_start3A_611, %dma_start3A_622, %add3A, %dma_start3A_623, %dma_start3A_624] : memref<200x8x32x8x128xf32, #tpu.memory_space<hbm>> -> memref<1x8x1x8x128xf32, #tpu.memory_space<hbm>>
    %dma_start3A_626 = tpu.memref_squeeze %dma_start3A_625 : memref<1x8x1x8x128xf32, #tpu.memory_space<hbm>> -> memref<8x8x128xf32, #tpu.memory_space<hbm>>
    %dma_start3A_627 = arith.constant 0 : i32
    %dma_start3A_628 = arith.constant 0 : i32
    %dma_start3A_629 = arith.constant 0 : i32
    %dma_start3A_630 = tpu.memref_slice %arg9[%dma_start3A_610, %dma_start3A_627, %dma_start3A_628, %dma_start3A_629] : memref<5x8x8x129xf32, #tpu.memory_space<vmem>> -> memref<1x8x8x128xf32, #tpu.memory_space<vmem>>
    %dma_start3A_631 = tpu.memref_squeeze %dma_start3A_630 : memref<1x8x8x128xf32, #tpu.memory_space<vmem>> -> memref<8x8x128xf32, #tpu.memory_space<vmem>>
    tpu.enqueue_dma source(%dma_start3A_631 : memref<8x8x128xf32, #tpu.memory_space<vmem>>) target(%dma_start3A_626 : memref<8x8x128xf32, #tpu.memory_space<hbm>>) target_semaphore(%arg22 : memref<!tpu.dma_semaphore, #tpu.memory_space<semaphore_mem>>)
    %dma_wait3A_632 = arith.constant 0 : i32
    %dma_wait3A_633 = arith.constant 0 : i32
    %dma_wait3A_634 = arith.constant 3 : i32
    %dma_wait3A_635 = arith.constant 0 : i32
    %dma_wait3A_636 = arith.constant 0 : i32
    %dma_wait3A_637 = tpu.memref_slice %arg8[%dma_wait3A_634, %dma_wait3A_635, %dma_wait3A_636] : memref<5x128x64xf32, #tpu.memory_space<vmem>> -> memref<1x128x64xf32, #tpu.memory_space<vmem>>
    %dma_wait3A_638 = tpu.memref_squeeze %dma_wait3A_637 : memref<1x128x64xf32, #tpu.memory_space<vmem>> -> memref<128x64xf32, #tpu.memory_space<vmem>>
    %dma_wait3A_639 = arith.constant 0 : i32
    %dma_wait3A_640 = arith.constant 0 : i32
    %dma_wait3A_641 = arith.constant 0 : i32
    %dma_wait3A_642 = tpu.memref_slice %arg5[%dma_wait3A_632, %dma_wait3A_639, %dma_wait3A_633, %dma_wait3A_640, %dma_wait3A_641] : memref<200x8x32x8x128xf32, #tpu.memory_space<hbm>> -> memref<1x8x1x8x128xf32, #tpu.memory_space<hbm>>
    %dma_wait3A_643 = tpu.memref_squeeze %dma_wait3A_642 : memref<1x8x1x8x128xf32, #tpu.memory_space<hbm>> -> memref<8x8x128xf32, #tpu.memory_space<hbm>>
    %dma_wait3A_644 = arith.constant 0 : i32
    %dma_wait3A_645 = arith.constant 0 : i32
    %dma_wait3A_646 = tpu.memref_slice %arg8[%dma_wait3A_634, %dma_wait3A_644, %dma_wait3A_645] : memref<5x128x64xf32, #tpu.memory_space<vmem>> -> memref<1x128x64xf32, #tpu.memory_space<vmem>>
    %dma_wait3A_647 = tpu.memref_squeeze %dma_wait3A_646 : memref<1x128x64xf32, #tpu.memory_space<vmem>> -> memref<128x64xf32, #tpu.memory_space<vmem>>
    %dma_wait3A_648 = arith.constant 0 : i32
    %dma_wait3A_649 = arith.constant 0 : i32
    %dma_wait3A_650 = arith.constant 0 : i32
    %dma_wait3A_651 = tpu.memref_slice %arg5[%dma_wait3A_632, %dma_wait3A_648, %dma_wait3A_633, %dma_wait3A_649, %dma_wait3A_650] : memref<200x8x32x8x128xf32, #tpu.memory_space<hbm>> -> memref<1x8x1x8x128xf32, #tpu.memory_space<hbm>>
    %dma_wait3A_652 = tpu.memref_squeeze %dma_wait3A_651 : memref<1x8x1x8x128xf32, #tpu.memory_space<hbm>> -> memref<8x8x128xf32, #tpu.memory_space<hbm>>
    tpu.wait_dma2 semaphore(%arg18 : memref<!tpu.dma_semaphore, #tpu.memory_space<semaphore_mem>>) src(%dma_wait3A_652 : memref<8x8x128xf32, #tpu.memory_space<hbm>>) dst(%dma_wait3A_647 : memref<128x64xf32, #tpu.memory_space<vmem>>)
    %get3A_653 = arith.constant 198 : i32
    %get3A_654 = arith.index_cast %get3A_653 : i32 to index
    %get3A_655 = arith.constant 0 : index
    %get3A_656 = tpu.vector_load %arg6[%get3A_654, %get3A_655] {strides = array<i32>} : memref<200x64xf32, #tpu.memory_space<vmem>>, vector<16xf32>,
    %get3A_657 = arith.constant 198 : i32
    %get3A_658 = arith.index_cast %get3A_657 : i32 to index
    %get3A_659 = arith.constant 16 : index
    %get3A_660 = tpu.vector_load %arg6[%get3A_658, %get3A_659] {strides = array<i32>} : memref<200x64xf32, #tpu.memory_space<vmem>>, vector<16xf32>,
    %get3A_661 = arith.constant 198 : i32
    %get3A_662 = arith.index_cast %get3A_661 : i32 to index
    %get3A_663 = arith.constant 32 : index
    %get3A_664 = tpu.vector_load %arg6[%get3A_662, %get3A_663] {strides = array<i32>} : memref<200x64xf32, #tpu.memory_space<vmem>>, vector<16xf32>,
    %get3A_665 = arith.constant 198 : i32
    %get3A_666 = arith.index_cast %get3A_665 : i32 to index
    %get3A_667 = arith.constant 48 : index
    %get3A_668 = tpu.vector_load %arg6[%get3A_666, %get3A_667] {strides = array<i32>} : memref<200x64xf32, #tpu.memory_space<vmem>>, vector<16xf32>,
    %parallel_loop3A_669 = arith.constant 0 : i32
    %parallel_loop3A_670 = arith.constant 128 : i32
    %parallel_loop3A_671 = arith.constant 1 : i32
    %parallel_loop3A_672 = arith.constant 3 : i32
    scf.for %parallel_loop3A_873 = %parallel_loop3A_669 to %parallel_loop3A_670 step %parallel_loop3A_671  : i32 {
      %parallel_loop3A_874 = vector.broadcast %parallel_loop3A_873 : i32 to vector<16xi32>
      %parallel_loop3A_875 = arith.constant 3 : i32
      %parallel_loop3A_876 = arith.index_cast %parallel_loop3A_875 : i32 to index
      %parallel_loop3A_877 = arith.index_cast %parallel_loop3A_873 : i32 to index
      %parallel_loop3A_878 = arith.constant 0 : index
      %parallel_loop3A_879 = tpu.vector_load %arg8[%parallel_loop3A_876, %parallel_loop3A_877, %parallel_loop3A_878] {strides = array<i32>} : memref<5x128x64xf32, #tpu.memory_space<vmem>>, vector<16xf32>,
      %parallel_loop3A_880 = arith.addf %parallel_loop3A_879, %get3A_656 : vector<16xf32>
      %parallel_loop3A_881 = arith.constant 0 : i32
      %parallel_loop3A_882 = arith.constant 0 : i32
      %parallel_loop3A_883 = arith.constant 0 : i32
      %parallel_loop3A_884 = tpu.memref_slice %arg9[%parallel_loop3A_672, %parallel_loop3A_881, %parallel_loop3A_882, %parallel_loop3A_883] : memref<5x8x8x129xf32, #tpu.memory_space<vmem>> -> memref<1x8x8x129xf32, #tpu.memory_space<vmem>>
      %parallel_loop3A_885 = tpu.memref_squeeze %parallel_loop3A_884 : memref<1x8x8x129xf32, #tpu.memory_space<vmem>> -> memref<8x8x129xf32, #tpu.memory_space<vmem>>
      tpu.vector_store_idx %parallel_loop3A_885[%select_n3A, %select_n3A_151, %parallel_loop3A_874], %parallel_loop3A_880 : memref<8x8x129xf32, #tpu.memory_space<vmem>>[vector<16xi32>, vector<16xi32>, vector<16xi32>], vector<16xf32>,
      %parallel_loop3A_886 = arith.constant 3 : i32
      %parallel_loop3A_887 = arith.index_cast %parallel_loop3A_886 : i32 to index
      %parallel_loop3A_888 = arith.index_cast %parallel_loop3A_873 : i32 to index
      %parallel_loop3A_889 = arith.constant 16 : index
      %parallel_loop3A_890 = tpu.vector_load %arg8[%parallel_loop3A_887, %parallel_loop3A_888, %parallel_loop3A_889] {strides = array<i32>} : memref<5x128x64xf32, #tpu.memory_space<vmem>>, vector<16xf32>,
      %parallel_loop3A_891 = arith.addf %parallel_loop3A_890, %get3A_660 : vector<16xf32>
      %parallel_loop3A_892 = arith.constant 0 : i32
      %parallel_loop3A_893 = arith.constant 0 : i32
      %parallel_loop3A_894 = arith.constant 0 : i32
      %parallel_loop3A_895 = tpu.memref_slice %arg9[%parallel_loop3A_672, %parallel_loop3A_892, %parallel_loop3A_893, %parallel_loop3A_894] : memref<5x8x8x129xf32, #tpu.memory_space<vmem>> -> memref<1x8x8x129xf32, #tpu.memory_space<vmem>>
      %parallel_loop3A_896 = tpu.memref_squeeze %parallel_loop3A_895 : memref<1x8x8x129xf32, #tpu.memory_space<vmem>> -> memref<8x8x129xf32, #tpu.memory_space<vmem>>
      tpu.vector_store_idx %parallel_loop3A_896[%select_n3A_60, %select_n3A_176, %parallel_loop3A_874], %parallel_loop3A_891 : memref<8x8x129xf32, #tpu.memory_space<vmem>>[vector<16xi32>, vector<16xi32>, vector<16xi32>], vector<16xf32>,
      %parallel_loop3A_897 = arith.constant 3 : i32
      %parallel_loop3A_898 = arith.index_cast %parallel_loop3A_897 : i32 to index
      %parallel_loop3A_899 = arith.index_cast %parallel_loop3A_873 : i32 to index
      %parallel_loop3A_900 = arith.constant 32 : index
      %parallel_loop3A_901 = tpu.vector_load %arg8[%parallel_loop3A_898, %parallel_loop3A_899, %parallel_loop3A_900] {strides = array<i32>} : memref<5x128x64xf32, #tpu.memory_space<vmem>>, vector<16xf32>,
      %parallel_loop3A_902 = arith.addf %parallel_loop3A_901, %get3A_664 : vector<16xf32>
      %parallel_loop3A_903 = arith.constant 0 : i32
      %parallel_loop3A_904 = arith.constant 0 : i32
      %parallel_loop3A_905 = arith.constant 0 : i32
      %parallel_loop3A_906 = tpu.memref_slice %arg9[%parallel_loop3A_672, %parallel_loop3A_903, %parallel_loop3A_904, %parallel_loop3A_905] : memref<5x8x8x129xf32, #tpu.memory_space<vmem>> -> memref<1x8x8x129xf32, #tpu.memory_space<vmem>>
      %parallel_loop3A_907 = tpu.memref_squeeze %parallel_loop3A_906 : memref<1x8x8x129xf32, #tpu.memory_space<vmem>> -> memref<8x8x129xf32, #tpu.memory_space<vmem>>
      tpu.vector_store_idx %parallel_loop3A_907[%select_n3A_94, %select_n3A_201, %parallel_loop3A_874], %parallel_loop3A_902 : memref<8x8x129xf32, #tpu.memory_space<vmem>>[vector<16xi32>, vector<16xi32>, vector<16xi32>], vector<16xf32>,
      %parallel_loop3A_908 = arith.constant 3 : i32
      %parallel_loop3A_909 = arith.index_cast %parallel_loop3A_908 : i32 to index
      %parallel_loop3A_910 = arith.index_cast %parallel_loop3A_873 : i32 to index
      %parallel_loop3A_911 = arith.constant 48 : index
      %parallel_loop3A_912 = tpu.vector_load %arg8[%parallel_loop3A_909, %parallel_loop3A_910, %parallel_loop3A_911] {strides = array<i32>} : memref<5x128x64xf32, #tpu.memory_space<vmem>>, vector<16xf32>,
      %parallel_loop3A_913 = arith.addf %parallel_loop3A_912, %get3A_668 : vector<16xf32>
      %parallel_loop3A_914 = arith.constant 0 : i32
      %parallel_loop3A_915 = arith.constant 0 : i32
      %parallel_loop3A_916 = arith.constant 0 : i32
      %parallel_loop3A_917 = tpu.memref_slice %arg9[%parallel_loop3A_672, %parallel_loop3A_914, %parallel_loop3A_915, %parallel_loop3A_916] : memref<5x8x8x129xf32, #tpu.memory_space<vmem>> -> memref<1x8x8x129xf32, #tpu.memory_space<vmem>>
      %parallel_loop3A_918 = tpu.memref_squeeze %parallel_loop3A_917 : memref<1x8x8x129xf32, #tpu.memory_space<vmem>> -> memref<8x8x129xf32, #tpu.memory_space<vmem>>
      tpu.vector_store_idx %parallel_loop3A_918[%select_n3A_128, %select_n3A_226, %parallel_loop3A_874], %parallel_loop3A_913 : memref<8x8x129xf32, #tpu.memory_space<vmem>>[vector<16xi32>, vector<16xi32>, vector<16xi32>], vector<16xf32>,
    } {sc.loop_unroll_factor = 4 : i64, sc.parallel_access}
    %dma_start3A_673 = arith.constant 3 : i32
    %dma_start3A_674 = arith.constant 198 : i32
    %dma_start3A_675 = arith.constant 0 : i32
    %dma_start3A_676 = arith.constant 0 : i32
    %dma_start3A_677 = arith.constant 0 : i32
    %dma_start3A_678 = tpu.memref_slice %arg9[%dma_start3A_673, %dma_start3A_675, %dma_start3A_676, %dma_start3A_677] : memref<5x8x8x129xf32, #tpu.memory_space<vmem>> -> memref<1x8x8x128xf32, #tpu.memory_space<vmem>>
    %dma_start3A_679 = tpu.memref_squeeze %dma_start3A_678 : memref<1x8x8x128xf32, #tpu.memory_space<vmem>> -> memref<8x8x128xf32, #tpu.memory_space<vmem>>
    %dma_start3A_680 = arith.constant 0 : i32
    %dma_start3A_681 = arith.constant 0 : i32
    %dma_start3A_682 = arith.constant 0 : i32
    %dma_start3A_683 = tpu.memref_slice %arg5[%dma_start3A_674, %dma_start3A_680, %add3A, %dma_start3A_681, %dma_start3A_682] : memref<200x8x32x8x128xf32, #tpu.memory_space<hbm>> -> memref<1x8x1x8x128xf32, #tpu.memory_space<hbm>>
    %dma_start3A_684 = tpu.memref_squeeze %dma_start3A_683 : memref<1x8x1x8x128xf32, #tpu.memory_space<hbm>> -> memref<8x8x128xf32, #tpu.memory_space<hbm>>
    %dma_start3A_685 = arith.constant 0 : i32
    %dma_start3A_686 = arith.constant 0 : i32
    %dma_start3A_687 = arith.constant 0 : i32
    %dma_start3A_688 = tpu.memref_slice %arg5[%dma_start3A_674, %dma_start3A_685, %add3A, %dma_start3A_686, %dma_start3A_687] : memref<200x8x32x8x128xf32, #tpu.memory_space<hbm>> -> memref<1x8x1x8x128xf32, #tpu.memory_space<hbm>>
    %dma_start3A_689 = tpu.memref_squeeze %dma_start3A_688 : memref<1x8x1x8x128xf32, #tpu.memory_space<hbm>> -> memref<8x8x128xf32, #tpu.memory_space<hbm>>
    %dma_start3A_690 = arith.constant 0 : i32
    %dma_start3A_691 = arith.constant 0 : i32
    %dma_start3A_692 = arith.constant 0 : i32
    %dma_start3A_693 = tpu.memref_slice %arg9[%dma_start3A_673, %dma_start3A_690, %dma_start3A_691, %dma_start3A_692] : memref<5x8x8x129xf32, #tpu.memory_space<vmem>> -> memref<1x8x8x128xf32, #tpu.memory_space<vmem>>
    %dma_start3A_694 = tpu.memref_squeeze %dma_start3A_693 : memref<1x8x8x128xf32, #tpu.memory_space<vmem>> -> memref<8x8x128xf32, #tpu.memory_space<vmem>>
    tpu.enqueue_dma source(%dma_start3A_694 : memref<8x8x128xf32, #tpu.memory_space<vmem>>) target(%dma_start3A_689 : memref<8x8x128xf32, #tpu.memory_space<hbm>>) target_semaphore(%arg23 : memref<!tpu.dma_semaphore, #tpu.memory_space<semaphore_mem>>)
    %dma_wait3A_695 = arith.constant 0 : i32
    %dma_wait3A_696 = arith.constant 0 : i32
    %dma_wait3A_697 = arith.constant 4 : i32
    %dma_wait3A_698 = arith.constant 0 : i32
    %dma_wait3A_699 = arith.constant 0 : i32
    %dma_wait3A_700 = tpu.memref_slice %arg8[%dma_wait3A_697, %dma_wait3A_698, %dma_wait3A_699] : memref<5x128x64xf32, #tpu.memory_space<vmem>> -> memref<1x128x64xf32, #tpu.memory_space<vmem>>
    %dma_wait3A_701 = tpu.memref_squeeze %dma_wait3A_700 : memref<1x128x64xf32, #tpu.memory_space<vmem>> -> memref<128x64xf32, #tpu.memory_space<vmem>>
    %dma_wait3A_702 = arith.constant 0 : i32
    %dma_wait3A_703 = arith.constant 0 : i32
    %dma_wait3A_704 = arith.constant 0 : i32
    %dma_wait3A_705 = tpu.memref_slice %arg5[%dma_wait3A_695, %dma_wait3A_702, %dma_wait3A_696, %dma_wait3A_703, %dma_wait3A_704] : memref<200x8x32x8x128xf32, #tpu.memory_space<hbm>> -> memref<1x8x1x8x128xf32, #tpu.memory_space<hbm>>
    %dma_wait3A_706 = tpu.memref_squeeze %dma_wait3A_705 : memref<1x8x1x8x128xf32, #tpu.memory_space<hbm>> -> memref<8x8x128xf32, #tpu.memory_space<hbm>>
    %dma_wait3A_707 = arith.constant 0 : i32
    %dma_wait3A_708 = arith.constant 0 : i32
    %dma_wait3A_709 = tpu.memref_slice %arg8[%dma_wait3A_697, %dma_wait3A_707, %dma_wait3A_708] : memref<5x128x64xf32, #tpu.memory_space<vmem>> -> memref<1x128x64xf32, #tpu.memory_space<vmem>>
    %dma_wait3A_710 = tpu.memref_squeeze %dma_wait3A_709 : memref<1x128x64xf32, #tpu.memory_space<vmem>> -> memref<128x64xf32, #tpu.memory_space<vmem>>
    %dma_wait3A_711 = arith.constant 0 : i32
    %dma_wait3A_712 = arith.constant 0 : i32
    %dma_wait3A_713 = arith.constant 0 : i32
    %dma_wait3A_714 = tpu.memref_slice %arg5[%dma_wait3A_695, %dma_wait3A_711, %dma_wait3A_696, %dma_wait3A_712, %dma_wait3A_713] : memref<200x8x32x8x128xf32, #tpu.memory_space<hbm>> -> memref<1x8x1x8x128xf32, #tpu.memory_space<hbm>>
    %dma_wait3A_715 = tpu.memref_squeeze %dma_wait3A_714 : memref<1x8x1x8x128xf32, #tpu.memory_space<hbm>> -> memref<8x8x128xf32, #tpu.memory_space<hbm>>
    tpu.wait_dma2 semaphore(%arg19 : memref<!tpu.dma_semaphore, #tpu.memory_space<semaphore_mem>>) src(%dma_wait3A_715 : memref<8x8x128xf32, #tpu.memory_space<hbm>>) dst(%dma_wait3A_710 : memref<128x64xf32, #tpu.memory_space<vmem>>)
    %get3A_716 = arith.constant 199 : i32
    %get3A_717 = arith.index_cast %get3A_716 : i32 to index
    %get3A_718 = arith.constant 0 : index
    %get3A_719 = tpu.vector_load %arg6[%get3A_717, %get3A_718] {strides = array<i32>} : memref<200x64xf32, #tpu.memory_space<vmem>>, vector<16xf32>,
    %get3A_720 = arith.constant 199 : i32
    %get3A_721 = arith.index_cast %get3A_720 : i32 to index
    %get3A_722 = arith.constant 16 : index
    %get3A_723 = tpu.vector_load %arg6[%get3A_721, %get3A_722] {strides = array<i32>} : memref<200x64xf32, #tpu.memory_space<vmem>>, vector<16xf32>,
    %get3A_724 = arith.constant 199 : i32
    %get3A_725 = arith.index_cast %get3A_724 : i32 to index
    %get3A_726 = arith.constant 32 : index
    %get3A_727 = tpu.vector_load %arg6[%get3A_725, %get3A_726] {strides = array<i32>} : memref<200x64xf32, #tpu.memory_space<vmem>>, vector<16xf32>,
    %get3A_728 = arith.constant 199 : i32
    %get3A_729 = arith.index_cast %get3A_728 : i32 to index
    %get3A_730 = arith.constant 48 : index
    %get3A_731 = tpu.vector_load %arg6[%get3A_729, %get3A_730] {strides = array<i32>} : memref<200x64xf32, #tpu.memory_space<vmem>>, vector<16xf32>,
    %parallel_loop3A_732 = arith.constant 0 : i32
    %parallel_loop3A_733 = arith.constant 128 : i32
    %parallel_loop3A_734 = arith.constant 1 : i32
    %parallel_loop3A_735 = arith.constant 4 : i32
    scf.for %parallel_loop3A_873 = %parallel_loop3A_732 to %parallel_loop3A_733 step %parallel_loop3A_734  : i32 {
      %parallel_loop3A_874 = vector.broadcast %parallel_loop3A_873 : i32 to vector<16xi32>
      %parallel_loop3A_875 = arith.constant 4 : i32
      %parallel_loop3A_876 = arith.index_cast %parallel_loop3A_875 : i32 to index
      %parallel_loop3A_877 = arith.index_cast %parallel_loop3A_873 : i32 to index
      %parallel_loop3A_878 = arith.constant 0 : index
      %parallel_loop3A_879 = tpu.vector_load %arg8[%parallel_loop3A_876, %parallel_loop3A_877, %parallel_loop3A_878] {strides = array<i32>} : memref<5x128x64xf32, #tpu.memory_space<vmem>>, vector<16xf32>,
      %parallel_loop3A_880 = arith.addf %parallel_loop3A_879, %get3A_719 : vector<16xf32>
      %parallel_loop3A_881 = arith.constant 0 : i32
      %parallel_loop3A_882 = arith.constant 0 : i32
      %parallel_loop3A_883 = arith.constant 0 : i32
      %parallel_loop3A_884 = tpu.memref_slice %arg9[%parallel_loop3A_735, %parallel_loop3A_881, %parallel_loop3A_882, %parallel_loop3A_883] : memref<5x8x8x129xf32, #tpu.memory_space<vmem>> -> memref<1x8x8x129xf32, #tpu.memory_space<vmem>>
      %parallel_loop3A_885 = tpu.memref_squeeze %parallel_loop3A_884 : memref<1x8x8x129xf32, #tpu.memory_space<vmem>> -> memref<8x8x129xf32, #tpu.memory_space<vmem>>
      tpu.vector_store_idx %parallel_loop3A_885[%select_n3A, %select_n3A_151, %parallel_loop3A_874], %parallel_loop3A_880 : memref<8x8x129xf32, #tpu.memory_space<vmem>>[vector<16xi32>, vector<16xi32>, vector<16xi32>], vector<16xf32>,
      %parallel_loop3A_886 = arith.constant 4 : i32
      %parallel_loop3A_887 = arith.index_cast %parallel_loop3A_886 : i32 to index
      %parallel_loop3A_888 = arith.index_cast %parallel_loop3A_873 : i32 to index
      %parallel_loop3A_889 = arith.constant 16 : index
      %parallel_loop3A_890 = tpu.vector_load %arg8[%parallel_loop3A_887, %parallel_loop3A_888, %parallel_loop3A_889] {strides = array<i32>} : memref<5x128x64xf32, #tpu.memory_space<vmem>>, vector<16xf32>,
      %parallel_loop3A_891 = arith.addf %parallel_loop3A_890, %get3A_723 : vector<16xf32>
      %parallel_loop3A_892 = arith.constant 0 : i32
      %parallel_loop3A_893 = arith.constant 0 : i32
      %parallel_loop3A_894 = arith.constant 0 : i32
      %parallel_loop3A_895 = tpu.memref_slice %arg9[%parallel_loop3A_735, %parallel_loop3A_892, %parallel_loop3A_893, %parallel_loop3A_894] : memref<5x8x8x129xf32, #tpu.memory_space<vmem>> -> memref<1x8x8x129xf32, #tpu.memory_space<vmem>>
      %parallel_loop3A_896 = tpu.memref_squeeze %parallel_loop3A_895 : memref<1x8x8x129xf32, #tpu.memory_space<vmem>> -> memref<8x8x129xf32, #tpu.memory_space<vmem>>
      tpu.vector_store_idx %parallel_loop3A_896[%select_n3A_60, %select_n3A_176, %parallel_loop3A_874], %parallel_loop3A_891 : memref<8x8x129xf32, #tpu.memory_space<vmem>>[vector<16xi32>, vector<16xi32>, vector<16xi32>], vector<16xf32>,
      %parallel_loop3A_897 = arith.constant 4 : i32
      %parallel_loop3A_898 = arith.index_cast %parallel_loop3A_897 : i32 to index
      %parallel_loop3A_899 = arith.index_cast %parallel_loop3A_873 : i32 to index
      %parallel_loop3A_900 = arith.constant 32 : index
      %parallel_loop3A_901 = tpu.vector_load %arg8[%parallel_loop3A_898, %parallel_loop3A_899, %parallel_loop3A_900] {strides = array<i32>} : memref<5x128x64xf32, #tpu.memory_space<vmem>>, vector<16xf32>,
      %parallel_loop3A_902 = arith.addf %parallel_loop3A_901, %get3A_727 : vector<16xf32>
      %parallel_loop3A_903 = arith.constant 0 : i32
      %parallel_loop3A_904 = arith.constant 0 : i32
      %parallel_loop3A_905 = arith.constant 0 : i32
      %parallel_loop3A_906 = tpu.memref_slice %arg9[%parallel_loop3A_735, %parallel_loop3A_903, %parallel_loop3A_904, %parallel_loop3A_905] : memref<5x8x8x129xf32, #tpu.memory_space<vmem>> -> memref<1x8x8x129xf32, #tpu.memory_space<vmem>>
      %parallel_loop3A_907 = tpu.memref_squeeze %parallel_loop3A_906 : memref<1x8x8x129xf32, #tpu.memory_space<vmem>> -> memref<8x8x129xf32, #tpu.memory_space<vmem>>
      tpu.vector_store_idx %parallel_loop3A_907[%select_n3A_94, %select_n3A_201, %parallel_loop3A_874], %parallel_loop3A_902 : memref<8x8x129xf32, #tpu.memory_space<vmem>>[vector<16xi32>, vector<16xi32>, vector<16xi32>], vector<16xf32>,
      %parallel_loop3A_908 = arith.constant 4 : i32
      %parallel_loop3A_909 = arith.index_cast %parallel_loop3A_908 : i32 to index
      %parallel_loop3A_910 = arith.index_cast %parallel_loop3A_873 : i32 to index
      %parallel_loop3A_911 = arith.constant 48 : index
      %parallel_loop3A_912 = tpu.vector_load %arg8[%parallel_loop3A_909, %parallel_loop3A_910, %parallel_loop3A_911] {strides = array<i32>} : memref<5x128x64xf32, #tpu.memory_space<vmem>>, vector<16xf32>,
      %parallel_loop3A_913 = arith.addf %parallel_loop3A_912, %get3A_731 : vector<16xf32>
      %parallel_loop3A_914 = arith.constant 0 : i32
      %parallel_loop3A_915 = arith.constant 0 : i32
      %parallel_loop3A_916 = arith.constant 0 : i32
      %parallel_loop3A_917 = tpu.memref_slice %arg9[%parallel_loop3A_735, %parallel_loop3A_914, %parallel_loop3A_915, %parallel_loop3A_916] : memref<5x8x8x129xf32, #tpu.memory_space<vmem>> -> memref<1x8x8x129xf32, #tpu.memory_space<vmem>>
      %parallel_loop3A_918 = tpu.memref_squeeze %parallel_loop3A_917 : memref<1x8x8x129xf32, #tpu.memory_space<vmem>> -> memref<8x8x129xf32, #tpu.memory_space<vmem>>
      tpu.vector_store_idx %parallel_loop3A_918[%select_n3A_128, %select_n3A_226, %parallel_loop3A_874], %parallel_loop3A_913 : memref<8x8x129xf32, #tpu.memory_space<vmem>>[vector<16xi32>, vector<16xi32>, vector<16xi32>], vector<16xf32>,
    } {sc.loop_unroll_factor = 4 : i64, sc.parallel_access}
    %dma_start3A_736 = arith.constant 4 : i32
    %dma_start3A_737 = arith.constant 199 : i32
    %dma_start3A_738 = arith.constant 0 : i32
    %dma_start3A_739 = arith.constant 0 : i32
    %dma_start3A_740 = arith.constant 0 : i32
    %dma_start3A_741 = tpu.memref_slice %arg9[%dma_start3A_736, %dma_start3A_738, %dma_start3A_739, %dma_start3A_740] : memref<5x8x8x129xf32, #tpu.memory_space<vmem>> -> memref<1x8x8x128xf32, #tpu.memory_space<vmem>>
    %dma_start3A_742 = tpu.memref_squeeze %dma_start3A_741 : memref<1x8x8x128xf32, #tpu.memory_space<vmem>> -> memref<8x8x128xf32, #tpu.memory_space<vmem>>
    %dma_start3A_743 = arith.constant 0 : i32
    %dma_start3A_744 = arith.constant 0 : i32
    %dma_start3A_745 = arith.constant 0 : i32
    %dma_start3A_746 = tpu.memref_slice %arg5[%dma_start3A_737, %dma_start3A_743, %add3A, %dma_start3A_744, %dma_start3A_745] : memref<200x8x32x8x128xf32, #tpu.memory_space<hbm>> -> memref<1x8x1x8x128xf32, #tpu.memory_space<hbm>>
    %dma_start3A_747 = tpu.memref_squeeze %dma_start3A_746 : memref<1x8x1x8x128xf32, #tpu.memory_space<hbm>> -> memref<8x8x128xf32, #tpu.memory_space<hbm>>
    %dma_start3A_748 = arith.constant 0 : i32
    %dma_start3A_749 = arith.constant 0 : i32
    %dma_start3A_750 = arith.constant 0 : i32
    %dma_start3A_751 = tpu.memref_slice %arg5[%dma_start3A_737, %dma_start3A_748, %add3A, %dma_start3A_749, %dma_start3A_750] : memref<200x8x32x8x128xf32, #tpu.memory_space<hbm>> -> memref<1x8x1x8x128xf32, #tpu.memory_space<hbm>>
    %dma_start3A_752 = tpu.memref_squeeze %dma_start3A_751 : memref<1x8x1x8x128xf32, #tpu.memory_space<hbm>> -> memref<8x8x128xf32, #tpu.memory_space<hbm>>
    %dma_start3A_753 = arith.constant 0 : i32
    %dma_start3A_754 = arith.constant 0 : i32
    %dma_start3A_755 = arith.constant 0 : i32
    %dma_start3A_756 = tpu.memref_slice %arg9[%dma_start3A_736, %dma_start3A_753, %dma_start3A_754, %dma_start3A_755] : memref<5x8x8x129xf32, #tpu.memory_space<vmem>> -> memref<1x8x8x128xf32, #tpu.memory_space<vmem>>
    %dma_start3A_757 = tpu.memref_squeeze %dma_start3A_756 : memref<1x8x8x128xf32, #tpu.memory_space<vmem>> -> memref<8x8x128xf32, #tpu.memory_space<vmem>>
    tpu.enqueue_dma source(%dma_start3A_757 : memref<8x8x128xf32, #tpu.memory_space<vmem>>) target(%dma_start3A_752 : memref<8x8x128xf32, #tpu.memory_space<hbm>>) target_semaphore(%arg24 : memref<!tpu.dma_semaphore, #tpu.memory_space<semaphore_mem>>)
    %dma_wait3A_758 = arith.constant 0 : i32
    %dma_wait3A_759 = arith.constant 0 : i32
    %dma_wait3A_760 = arith.constant 0 : i32
    %dma_wait3A_761 = arith.constant 0 : i32
    %dma_wait3A_762 = arith.constant 0 : i32
    %dma_wait3A_763 = arith.constant 0 : i32
    %dma_wait3A_764 = tpu.memref_slice %arg9[%dma_wait3A_758, %dma_wait3A_761, %dma_wait3A_762, %dma_wait3A_763] : memref<5x8x8x129xf32, #tpu.memory_space<vmem>> -> memref<1x8x8x128xf32, #tpu.memory_space<vmem>>
    %dma_wait3A_765 = tpu.memref_squeeze %dma_wait3A_764 : memref<1x8x8x128xf32, #tpu.memory_space<vmem>> -> memref<8x8x128xf32, #tpu.memory_space<vmem>>
    %dma_wait3A_766 = arith.constant 0 : i32
    %dma_wait3A_767 = arith.constant 0 : i32
    %dma_wait3A_768 = arith.constant 0 : i32
    %dma_wait3A_769 = tpu.memref_slice %arg5[%dma_wait3A_759, %dma_wait3A_766, %dma_wait3A_760, %dma_wait3A_767, %dma_wait3A_768] : memref<200x8x32x8x128xf32, #tpu.memory_space<hbm>> -> memref<1x8x1x8x128xf32, #tpu.memory_space<hbm>>
    %dma_wait3A_770 = tpu.memref_squeeze %dma_wait3A_769 : memref<1x8x1x8x128xf32, #tpu.memory_space<hbm>> -> memref<8x8x128xf32, #tpu.memory_space<hbm>>
    %dma_wait3A_771 = arith.constant 0 : i32
    %dma_wait3A_772 = arith.constant 0 : i32
    %dma_wait3A_773 = arith.constant 0 : i32
    %dma_wait3A_774 = tpu.memref_slice %arg5[%dma_wait3A_759, %dma_wait3A_771, %dma_wait3A_760, %dma_wait3A_772, %dma_wait3A_773] : memref<200x8x32x8x128xf32, #tpu.memory_space<hbm>> -> memref<1x8x1x8x128xf32, #tpu.memory_space<hbm>>
    %dma_wait3A_775 = tpu.memref_squeeze %dma_wait3A_774 : memref<1x8x1x8x128xf32, #tpu.memory_space<hbm>> -> memref<8x8x128xf32, #tpu.memory_space<hbm>>
    %dma_wait3A_776 = arith.constant 0 : i32
    %dma_wait3A_777 = arith.constant 0 : i32
    %dma_wait3A_778 = arith.constant 0 : i32
    %dma_wait3A_779 = tpu.memref_slice %arg9[%dma_wait3A_758, %dma_wait3A_776, %dma_wait3A_777, %dma_wait3A_778] : memref<5x8x8x129xf32, #tpu.memory_space<vmem>> -> memref<1x8x8x128xf32, #tpu.memory_space<vmem>>
    %dma_wait3A_780 = tpu.memref_squeeze %dma_wait3A_779 : memref<1x8x8x128xf32, #tpu.memory_space<vmem>> -> memref<8x8x128xf32, #tpu.memory_space<vmem>>
    tpu.wait_dma2 semaphore(%arg20 : memref<!tpu.dma_semaphore, #tpu.memory_space<semaphore_mem>>) src(%dma_wait3A_780 : memref<8x8x128xf32, #tpu.memory_space<vmem>>) dst(%dma_wait3A_775 : memref<8x8x128xf32, #tpu.memory_space<hbm>>)
    %dma_wait3A_781 = arith.constant 1 : i32
    %dma_wait3A_782 = arith.constant 0 : i32
    %dma_wait3A_783 = arith.constant 0 : i32
    %dma_wait3A_784 = arith.constant 0 : i32
    %dma_wait3A_785 = arith.constant 0 : i32
    %dma_wait3A_786 = arith.constant 0 : i32
    %dma_wait3A_787 = tpu.memref_slice %arg9[%dma_wait3A_781, %dma_wait3A_784, %dma_wait3A_785, %dma_wait3A_786] : memref<5x8x8x129xf32, #tpu.memory_space<vmem>> -> memref<1x8x8x128xf32, #tpu.memory_space<vmem>>
    %dma_wait3A_788 = tpu.memref_squeeze %dma_wait3A_787 : memref<1x8x8x128xf32, #tpu.memory_space<vmem>> -> memref<8x8x128xf32, #tpu.memory_space<vmem>>
    %dma_wait3A_789 = arith.constant 0 : i32
    %dma_wait3A_790 = arith.constant 0 : i32
    %dma_wait3A_791 = arith.constant 0 : i32
    %dma_wait3A_792 = tpu.memref_slice %arg5[%dma_wait3A_782, %dma_wait3A_789, %dma_wait3A_783, %dma_wait3A_790, %dma_wait3A_791] : memref<200x8x32x8x128xf32, #tpu.memory_space<hbm>> -> memref<1x8x1x8x128xf32, #tpu.memory_space<hbm>>
    %dma_wait3A_793 = tpu.memref_squeeze %dma_wait3A_792 : memref<1x8x1x8x128xf32, #tpu.memory_space<hbm>> -> memref<8x8x128xf32, #tpu.memory_space<hbm>>
    %dma_wait3A_794 = arith.constant 0 : i32
    %dma_wait3A_795 = arith.constant 0 : i32
    %dma_wait3A_796 = arith.constant 0 : i32
    %dma_wait3A_797 = tpu.memref_slice %arg5[%dma_wait3A_782, %dma_wait3A_794, %dma_wait3A_783, %dma_wait3A_795, %dma_wait3A_796] : memref<200x8x32x8x128xf32, #tpu.memory_space<hbm>> -> memref<1x8x1x8x128xf32, #tpu.memory_space<hbm>>
    %dma_wait3A_798 = tpu.memref_squeeze %dma_wait3A_797 : memref<1x8x1x8x128xf32, #tpu.memory_space<hbm>> -> memref<8x8x128xf32, #tpu.memory_space<hbm>>
    %dma_wait3A_799 = arith.constant 0 : i32
    %dma_wait3A_800 = arith.constant 0 : i32
    %dma_wait3A_801 = arith.constant 0 : i32
    %dma_wait3A_802 = tpu.memref_slice %arg9[%dma_wait3A_781, %dma_wait3A_799, %dma_wait3A_800, %dma_wait3A_801] : memref<5x8x8x129xf32, #tpu.memory_space<vmem>> -> memref<1x8x8x128xf32, #tpu.memory_space<vmem>>
    %dma_wait3A_803 = tpu.memref_squeeze %dma_wait3A_802 : memref<1x8x8x128xf32, #tpu.memory_space<vmem>> -> memref<8x8x128xf32, #tpu.memory_space<vmem>>
    tpu.wait_dma2 semaphore(%arg21 : memref<!tpu.dma_semaphore, #tpu.memory_space<semaphore_mem>>) src(%dma_wait3A_803 : memref<8x8x128xf32, #tpu.memory_space<vmem>>) dst(%dma_wait3A_798 : memref<8x8x128xf32, #tpu.memory_space<hbm>>)
    %dma_wait3A_804 = arith.constant 2 : i32
    %dma_wait3A_805 = arith.constant 0 : i32
    %dma_wait3A_806 = arith.constant 0 : i32
    %dma_wait3A_807 = arith.constant 0 : i32
    %dma_wait3A_808 = arith.constant 0 : i32
    %dma_wait3A_809 = arith.constant 0 : i32
    %dma_wait3A_810 = tpu.memref_slice %arg9[%dma_wait3A_804, %dma_wait3A_807, %dma_wait3A_808, %dma_wait3A_809] : memref<5x8x8x129xf32, #tpu.memory_space<vmem>> -> memref<1x8x8x128xf32, #tpu.memory_space<vmem>>
    %dma_wait3A_811 = tpu.memref_squeeze %dma_wait3A_810 : memref<1x8x8x128xf32, #tpu.memory_space<vmem>> -> memref<8x8x128xf32, #tpu.memory_space<vmem>>
    %dma_wait3A_812 = arith.constant 0 : i32
    %dma_wait3A_813 = arith.constant 0 : i32
    %dma_wait3A_814 = arith.constant 0 : i32
    %dma_wait3A_815 = tpu.memref_slice %arg5[%dma_wait3A_805, %dma_wait3A_812, %dma_wait3A_806, %dma_wait3A_813, %dma_wait3A_814] : memref<200x8x32x8x128xf32, #tpu.memory_space<hbm>> -> memref<1x8x1x8x128xf32, #tpu.memory_space<hbm>>
    %dma_wait3A_816 = tpu.memref_squeeze %dma_wait3A_815 : memref<1x8x1x8x128xf32, #tpu.memory_space<hbm>> -> memref<8x8x128xf32, #tpu.memory_space<hbm>>
    %dma_wait3A_817 = arith.constant 0 : i32
    %dma_wait3A_818 = arith.constant 0 : i32
    %dma_wait3A_819 = arith.constant 0 : i32
    %dma_wait3A_820 = tpu.memref_slice %arg5[%dma_wait3A_805, %dma_wait3A_817, %dma_wait3A_806, %dma_wait3A_818, %dma_wait3A_819] : memref<200x8x32x8x128xf32, #tpu.memory_space<hbm>> -> memref<1x8x1x8x128xf32, #tpu.memory_space<hbm>>
    %dma_wait3A_821 = tpu.memref_squeeze %dma_wait3A_820 : memref<1x8x1x8x128xf32, #tpu.memory_space<hbm>> -> memref<8x8x128xf32, #tpu.memory_space<hbm>>
    %dma_wait3A_822 = arith.constant 0 : i32
    %dma_wait3A_823 = arith.constant 0 : i32
    %dma_wait3A_824 = arith.constant 0 : i32
    %dma_wait3A_825 = tpu.memref_slice %arg9[%dma_wait3A_804, %dma_wait3A_822, %dma_wait3A_823, %dma_wait3A_824] : memref<5x8x8x129xf32, #tpu.memory_space<vmem>> -> memref<1x8x8x128xf32, #tpu.memory_space<vmem>>
    %dma_wait3A_826 = tpu.memref_squeeze %dma_wait3A_825 : memref<1x8x8x128xf32, #tpu.memory_space<vmem>> -> memref<8x8x128xf32, #tpu.memory_space<vmem>>
    tpu.wait_dma2 semaphore(%arg22 : memref<!tpu.dma_semaphore, #tpu.memory_space<semaphore_mem>>) src(%dma_wait3A_826 : memref<8x8x128xf32, #tpu.memory_space<vmem>>) dst(%dma_wait3A_821 : memref<8x8x128xf32, #tpu.memory_space<hbm>>)
    %dma_wait3A_827 = arith.constant 3 : i32
    %dma_wait3A_828 = arith.constant 0 : i32
    %dma_wait3A_829 = arith.constant 0 : i32
    %dma_wait3A_830 = arith.constant 0 : i32
    %dma_wait3A_831 = arith.constant 0 : i32
    %dma_wait3A_832 = arith.constant 0 : i32
    %dma_wait3A_833 = tpu.memref_slice %arg9[%dma_wait3A_827, %dma_wait3A_830, %dma_wait3A_831, %dma_wait3A_832] : memref<5x8x8x129xf32, #tpu.memory_space<vmem>> -> memref<1x8x8x128xf32, #tpu.memory_space<vmem>>
    %dma_wait3A_834 = tpu.memref_squeeze %dma_wait3A_833 : memref<1x8x8x128xf32, #tpu.memory_space<vmem>> -> memref<8x8x128xf32, #tpu.memory_space<vmem>>
    %dma_wait3A_835 = arith.constant 0 : i32
    %dma_wait3A_836 = arith.constant 0 : i32
    %dma_wait3A_837 = arith.constant 0 : i32
    %dma_wait3A_838 = tpu.memref_slice %arg5[%dma_wait3A_828, %dma_wait3A_835, %dma_wait3A_829, %dma_wait3A_836, %dma_wait3A_837] : memref<200x8x32x8x128xf32, #tpu.memory_space<hbm>> -> memref<1x8x1x8x128xf32, #tpu.memory_space<hbm>>
    %dma_wait3A_839 = tpu.memref_squeeze %dma_wait3A_838 : memref<1x8x1x8x128xf32, #tpu.memory_space<hbm>> -> memref<8x8x128xf32, #tpu.memory_space<hbm>>
    %dma_wait3A_840 = arith.constant 0 : i32
    %dma_wait3A_841 = arith.constant 0 : i32
    %dma_wait3A_842 = arith.constant 0 : i32
    %dma_wait3A_843 = tpu.memref_slice %arg5[%dma_wait3A_828, %dma_wait3A_840, %dma_wait3A_829, %dma_wait3A_841, %dma_wait3A_842] : memref<200x8x32x8x128xf32, #tpu.memory_space<hbm>> -> memref<1x8x1x8x128xf32, #tpu.memory_space<hbm>>
    %dma_wait3A_844 = tpu.memref_squeeze %dma_wait3A_843 : memref<1x8x1x8x128xf32, #tpu.memory_space<hbm>> -> memref<8x8x128xf32, #tpu.memory_space<hbm>>
    %dma_wait3A_845 = arith.constant 0 : i32
    %dma_wait3A_846 = arith.constant 0 : i32
    %dma_wait3A_847 = arith.constant 0 : i32
    %dma_wait3A_848 = tpu.memref_slice %arg9[%dma_wait3A_827, %dma_wait3A_845, %dma_wait3A_846, %dma_wait3A_847] : memref<5x8x8x129xf32, #tpu.memory_space<vmem>> -> memref<1x8x8x128xf32, #tpu.memory_space<vmem>>
    %dma_wait3A_849 = tpu.memref_squeeze %dma_wait3A_848 : memref<1x8x8x128xf32, #tpu.memory_space<vmem>> -> memref<8x8x128xf32, #tpu.memory_space<vmem>>
    tpu.wait_dma2 semaphore(%arg23 : memref<!tpu.dma_semaphore, #tpu.memory_space<semaphore_mem>>) src(%dma_wait3A_849 : memref<8x8x128xf32, #tpu.memory_space<vmem>>) dst(%dma_wait3A_844 : memref<8x8x128xf32, #tpu.memory_space<hbm>>)
    %dma_wait3A_850 = arith.constant 4 : i32
    %dma_wait3A_851 = arith.constant 0 : i32
    %dma_wait3A_852 = arith.constant 0 : i32
    %dma_wait3A_853 = arith.constant 0 : i32
    %dma_wait3A_854 = arith.constant 0 : i32
    %dma_wait3A_855 = arith.constant 0 : i32
    %dma_wait3A_856 = tpu.memref_slice %arg9[%dma_wait3A_850, %dma_wait3A_853, %dma_wait3A_854, %dma_wait3A_855] : memref<5x8x8x129xf32, #tpu.memory_space<vmem>> -> memref<1x8x8x128xf32, #tpu.memory_space<vmem>>
    %dma_wait3A_857 = tpu.memref_squeeze %dma_wait3A_856 : memref<1x8x8x128xf32, #tpu.memory_space<vmem>> -> memref<8x8x128xf32, #tpu.memory_space<vmem>>
    %dma_wait3A_858 = arith.constant 0 : i32
    %dma_wait3A_859 = arith.constant 0 : i32
    %dma_wait3A_860 = arith.constant 0 : i32
    %dma_wait3A_861 = tpu.memref_slice %arg5[%dma_wait3A_851, %dma_wait3A_858, %dma_wait3A_852, %dma_wait3A_859, %dma_wait3A_860] : memref<200x8x32x8x128xf32, #tpu.memory_space<hbm>> -> memref<1x8x1x8x128xf32, #tpu.memory_space<hbm>>
    %dma_wait3A_862 = tpu.memref_squeeze %dma_wait3A_861 : memref<1x8x1x8x128xf32, #tpu.memory_space<hbm>> -> memref<8x8x128xf32, #tpu.memory_space<hbm>>
    %dma_wait3A_863 = arith.constant 0 : i32
    %dma_wait3A_864 = arith.constant 0 : i32
    %dma_wait3A_865 = arith.constant 0 : i32
    %dma_wait3A_866 = tpu.memref_slice %arg5[%dma_wait3A_851, %dma_wait3A_863, %dma_wait3A_852, %dma_wait3A_864, %dma_wait3A_865] : memref<200x8x32x8x128xf32, #tpu.memory_space<hbm>> -> memref<1x8x1x8x128xf32, #tpu.memory_space<hbm>>
    %dma_wait3A_867 = tpu.memref_squeeze %dma_wait3A_866 : memref<1x8x1x8x128xf32, #tpu.memory_space<hbm>> -> memref<8x8x128xf32, #tpu.memory_space<hbm>>
    %dma_wait3A_868 = arith.constant 0 : i32
    %dma_wait3A_869 = arith.constant 0 : i32
    %dma_wait3A_870 = arith.constant 0 : i32
    %dma_wait3A_871 = tpu.memref_slice %arg9[%dma_wait3A_850, %dma_wait3A_868, %dma_wait3A_869, %dma_wait3A_870] : memref<5x8x8x129xf32, #tpu.memory_space<vmem>> -> memref<1x8x8x128xf32, #tpu.memory_space<vmem>>
    %dma_wait3A_872 = tpu.memref_squeeze %dma_wait3A_871 : memref<1x8x8x128xf32, #tpu.memory_space<vmem>> -> memref<8x8x128xf32, #tpu.memory_space<vmem>>
    tpu.wait_dma2 semaphore(%arg24 : memref<!tpu.dma_semaphore, #tpu.memory_space<semaphore_mem>>) src(%dma_wait3A_872 : memref<8x8x128xf32, #tpu.memory_space<vmem>>) dst(%dma_wait3A_867 : memref<8x8x128xf32, #tpu.memory_space<hbm>>)
    return
  }
}

</mosaic_0001>

<sc_bundles>
// kernel: kernel.3.cloned.1.call-start
scs
__scs_entry_jumppad:
0x0: {  	(pc) =	sbr.rel $0x88, $3  }
0x1: {  	(tag) =	ssettag $0x0;
	lr =	simm.s32 $0x1  }
0x2: {  	[smem:$0x3F9E] =	sst lr;
	_ =	strace $0xD0000000  }
0x3: {  	_ = 	snop  }
0x4: {  	_ = 	snop  }
0x5: {  	_ = 	snop  }
0x6: {  	_ = 	snop  }
0x7: {  	_ = 	snop  }
__scs_overlays_trampoline_lowered:
0x8: {  	[smem:$0x3FAD] =	sst s0  }
0x9: {  	[smem:$0x3FAE] =	sst s1  }
0xa: {  	[smem:$0x3FAF] =	sst s2  }
0xb: {  	[smem:$0x3FB0] =	sst s3  }
0xc: {  	[smem:$0x3FB1] =	sst s4  }
0xd: {  	[smem:$0x3FB2] =	sst s5  }
0xe: {  	[smem:$0x3FB3] =	sst s6  }
0xf: {  	[smem:$0x3FB4] =	sst s7  }
0x10: {  	[smem:$0x3FB5] =	sst s8  }
0x11: {  	[smem:$0x3FB6] =	sst s9;
	s0 =	simm.s32 @!p0 $0x0  }
0x12: {  	s1 =	sld [smem:$0x3F9C];
	s0 =	simm.s32 @p0 $0x1  }
0x13: {  	[smem:$0x3FB7] =	sst s0;
	s0 =	simm.s32 @!p1 $0x0  }
0x14: {  	s2 =	sld [smem:$0x3F9B];
	s0 =	simm.s32 @p1 $0x1  }
0x15: {  	[smem:$0x3FB8] =	sst s0;
	s0 =	simm.s32 @!p2 $0x0  }
0x16: {  	s3 =	sld [smem:$0x3FDB];
	s0 =	simm.s32 @p2 $0x1  }
0x17: {  	s4 =	simm.s32 $0x1BF5;
	[smem:$0x3FBA] =	sst s0  }
0x18: {  	s0 =	sld [smem:$0x3F9D];
	_ =	swait.ge [sflag:s4], $0x0  }
0x19: {  	s7 =	sld [smem:$0x3F9E]  }
0x1a: {  	s8 =	sadd.s32 $0xFFFFE003, lr  }
0x1b: {  	s9 =	sadd.s32 $0xFFFFFEF7, lr;
	s5 =	simm.s32 $0xFFFFFFFF;
	p2 =	slt.u32 s8, $0xFFFFF086  }
0x1c: {  	p1 =	slt.u32 s9, $0xF7A;
	s5 =	simm.s32 @!p2 $0x0  }
0x1d: {  	s5 =	simm.s32 @p1 $0x1;
	p0 =	seq.s32 s7, s2  }
0x1e: {  	s7 =	smul.u32 @!p0 $0xF7A, s2;
	p2 =	seq.s32 @!p0 s5, $0x0  }
0x1f: {  	s9 =	smul.u32 $0xF7A, s1;
	s8 =	simm.s32 @!p0 $0x1BF5;
	p2 =	por !p2, p0  }
0x20: {  	[sflag:s8] =	ssyncset.s32 @!p0 $0xFFFFF086;
	s6 =	sadd.s32 @!p0 s3, s7;
	s7 =	simm.s32 @!p0 $0x108  }
0x21: {  	s3 =	sadd.s32 s3, s9;
	s6 =	sadd.s32 @!p0 $0x88, s6;
	s7 =	simm.s32 @p2 $0x1082  }
0x22: {  	[simem:s7], [sflag:s8] =	dma.local @!p0 [hbm:s6], $0xF7A  }
0x23: {  	s9 =	sor.u32 $0xD0000000, s2;
	s6 =	simm.s32 $0x108;
	_ =	swait.ge @!p0 [sflag:s8], $0x0  }
0x24: {  	s3 =	sadd.s32 $0x88, s3;
	s6 =	simm.s32 @!p1 $0x1082;
	[sflag:s4] =	ssyncset.s32 $0xFFFFF086  }
0x25: {  	[simem:s6], [sflag:s4] =	dma.local [hbm:s3], $0xF7A  }
0x26: {  	[smem:$0x3F9E] =	sst s1;
	(tag) =	ssettag s2;
	_ =	strace s9  }
0x27: {  	s1 =	sld [smem:$0x3FAE]  }
0x28: {  	s2 =	sld [smem:$0x3FAF]  }
0x29: {  	s4 =	sld [smem:$0x3FB1]  }
0x2a: {  	p0 =	seq.s32 s5, $0x0;
	s5 =	sld [smem:$0x3FB2]  }
0x2b: {  	s6 =	sld [smem:$0x3FB3]  }
0x2c: {  	s7 =	sld [smem:$0x3FB4]  }
0x2d: {  	s3 =	simm.s32 $0x108;
	s8 =	sld [smem:$0x3FB5]  }
0x2e: {  	s3 =	simm.s32 @!p0 $0x1082;
	s9 =	sld [smem:$0x3FB6]  }
0x2f: {  	lr =	sadd.s32 s0, s3;
	s0 =	sld [smem:$0x3FAD]  }
0x30: {  	s3 =	sld [smem:$0x3FB0]  }
0x31: {  	[smem:$0x3FB9] =	sst s10  }
0x32: {  	s10 =	sld [smem:$0x3FB7];
	_ =	sdelay $0x3  }
0x33: {  	p0 =	seq.s32 s10, $0x1;
	s10 =	sld [smem:$0x3FB9];
	_ =	sdelay $0x3  }
0x34: {  	[smem:$0x3FB9] =	sst s10  }
0x35: {  	s10 =	sld [smem:$0x3FB8];
	_ =	sdelay $0x3  }
0x36: {  	p1 =	seq.s32 s10, $0x1;
	s10 =	sld [smem:$0x3FB9];
	_ =	sdelay $0x3  }
0x37: {  	[smem:$0x3FB9] =	sst s10  }
0x38: {  	s10 =	sld [smem:$0x3FBA]  }
0x39: {  	_ = 	snop;
	(pc) =	sbr.ind lr, $3  }
0x3a: {  	_ = 	snop  }
0x3b: {  	_ = 	snop  }
0x3c: {  	p2 =	seq.s32 s10, $0x1;
	s10 =	sld [smem:$0x3FB9]  }
0x3d: {  	_ =	shalt  }
0x3e: {  	_ =	shalt  }
0x3f: {  	_ =	shalt  }
0x40: {  	_ =	shalt  }
0x41: {  	_ =	shalt  }
0x42: {  	_ =	shalt  }
0x43: {  	_ =	shalt  }
0x44: {  	_ =	shalt  }
0x45: {  	_ =	shalt  }
0x46: {  	_ =	shalt  }
0x47: {  	_ =	shalt  }
0x48: {  	_ =	shalt  }
0x49: {  	_ =	shalt  }
0x4a: {  	_ =	shalt  }
0x4b: {  	_ =	shalt  }
0x4c: {  	_ =	shalt  }
0x4d: {  	_ =	shalt  }
0x4e: {  	_ =	shalt  }
0x4f: {  	_ =	shalt  }
0x50: {  	_ =	shalt  }
0x51: {  	_ =	shalt  }
0x52: {  	_ =	shalt  }
0x53: {  	_ =	shalt  }
0x54: {  	_ =	shalt  }
0x55: {  	_ =	shalt  }
0x56: {  	_ =	shalt  }
0x57: {  	_ =	shalt  }
0x58: {  	_ =	shalt  }
0x59: {  	_ =	shalt  }
0x5a: {  	_ =	shalt  }
0x5b: {  	_ =	shalt  }
0x5c: {  	_ =	shalt  }
0x5d: {  	_ =	shalt  }
0x5e: {  	_ =	shalt  }
0x5f: {  	_ =	shalt  }
0x60: {  	_ =	shalt  }
0x61: {  	_ =	shalt  }
0x62: {  	_ =	shalt  }
0x63: {  	_ =	shalt  }
0x64: {  	_ =	shalt  }
0x65: {  	_ =	shalt  }
0x66: {  	_ =	shalt  }
0x67: {  	_ =	shalt  }
0x68: {  	_ =	shalt  }
0x69: {  	_ =	shalt  }
0x6a: {  	_ =	shalt  }
0x6b: {  	_ =	shalt  }
0x6c: {  	_ =	shalt  }
0x6d: {  	_ =	shalt  }
0x6e: {  	_ =	shalt  }
0x6f: {  	_ =	shalt  }
0x70: {  	_ =	shalt  }
0x71: {  	_ =	shalt  }
0x72: {  	_ =	shalt  }
0x73: {  	_ =	shalt  }
0x74: {  	_ =	shalt  }
0x75: {  	_ =	shalt  }
0x76: {  	_ =	shalt  }
0x77: {  	_ =	shalt  }
0x78: {  	_ =	shalt  }
0x79: {  	_ =	shalt  }
0x7a: {  	_ =	shalt  }
0x7b: {  	_ =	shalt  }
0x7c: {  	_ =	shalt  }
0x7d: {  	_ =	shalt  }
0x7e: {  	_ =	shalt  }
0x7f: {  	_ =	shalt  }
0x80: {  	_ =	shalt  }
0x81: {  	_ =	shalt  }
0x82: {  	_ =	shalt  }
0x83: {  	_ =	shalt  }
0x84: {  	_ =	shalt  }
0x85: {  	_ =	shalt  }
0x86: {  	_ =	shalt  }
0x87: {  	_ =	shalt  }
.Lfunc_end0:
.L_simem_size_0:
called_computation_lowered:
.L_overlay_start_0:
0x88: {  	s2 =	sld [smem:$0x3FD9]  }
0x89: {  	s3 =	sld [smem:$0x3FFE];
	_ =	sdelay $0x1  }
0x8a: {  	s1 =	srdreg.scid  }
0x8b: {  	s0 =	sand.u32 $0x1, s1  }
0x8c: {  	s17 =	sshll.u32 s0, $0xA;
	s2 =	sadd.s32 s3, s2  }
0x8d: {  	s2 =	sadd.s32 s2, s17  }
0x8e: {  	[smem:$0x3FC5] =	sst s2  }
0x8f: {  	_ = 	snop  }
0x90: {  	s2 =	sld [smem:$0x3FC9]  }
0x91: {  	s18 =	sld [smem:$0x3FD0];
	(tm) =	ssettm $0x1  }
0x92: {  	s4 =	sld [smem:$0x3FFB];
	_ =	sdelay $0x3  }
0x93: {  	_ =	strace s4  }
0x94: {  	s4 =	sld [smem:$0x3FFC];
	_ =	sdelay $0x3  }
0x95: {  	_ =	strace s4  }
0x96: {  	s4 =	sld [smem:$0x3FFD];
	_ =	sdelay $0x3  }
0x97: {  	_ =	strace s4  }
0x98: {  	_ =	strace $0x8FFFFFFF  }
0x99: {  	s19 =	sld [smem:$0x3FDB];
	_ =	sdelay $0x1  }
0x9a: {  	s5 =	simm.s32 $_scs_section_size  }
0x9b: {  	s6 =	simm.s32 $_size__tile_overlayer_lowered;
	s7 =	simm.s32 $_tile_overlayer_lowered  }
0x9c: {  	s22 =	simm.s32 $0x1BFF;
	s21 =	sshll.u32 s7, $0x1;
	s4 =	sadd.s32 s5, s19  }
0x9d: {  	s8 =	simm.s32 $0x0;
	s20 =	sshll.u32 s6, $0x1;
	s6 =	sadd.s32 s21, s4  }
0x9e: {  	[timem:s8], [sflag:s22] =	dma.local [hbm:s6], s20  }
0x9f: {  	_ =	swait.ge [sflag:s22], s20  }
0xa0: {  	s5 =	ssub.s32 $0x0, s20;
	[sflag:s22] =	ssyncset.done $0x0  }
0xa1: {  	[sflag:s22] =	ssyncadd.s32 s5;
	_ =	sdelay $0x1  }
0xa2: {  	s23 =	simm.s32 $0x1B8B  }
0xa3: {  	_ =	swait.ge [sflag:s23], $0x1  }
0xa4: {  	[sflag:s23] =	ssyncset.done $0x0  }
0xa5: {  	s25 =	simm.s32 $0x1B8E;
	s24 =	sld [smem:$0x3FFE];
	[sflag:s23] =	ssyncadd.s32 $0xFFFFFFFF  }
0xa6: {  	s26 =	simm.s32 $execute0_lowered;
	[smem:$0x3FD2] =	sst s25  }
0xa7: {  	s6 =	sshll.u32 s26, $0x1;
	_ =	strace $0x80000046;
	[dreg:$0x1] =	wrdreg $0xFFFFFFFF  }
0xa8: {  	s28 =	simm.s32 $_size_execute0_lowered;
	s4 =	sadd.s32 s4, s6;
	[dreg:$0x0] =	wrdreg $0x0  }
0xa9: {  	s6 =	sshll.u32 s28, $0x1;
	[dreg:$0x2] =	wrdreg s4  }
0xaa: {  	[dreg:$0x3] =	wrdreg s6  }
0xab: {  	[dreg:$0x4] =	wrdreg $0xC0  }
0xac: {  	_ =	task [dreg:s8], $0x5FFFF  }
0xad: {  	[dreg:$0x1] =	wrdreg $0xFFFFFFFF  }
0xae: {  	[dreg:$0x0] =	wrdreg $0x60  }
0xaf: {  	[dreg:$0x2] =	wrdreg s2  }
0xb0: {  	[dreg:$0x3] =	wrdreg s24  }
0xb1: {  	[dreg:$0x4] =	wrdreg s18  }
0xb2: {  	[dreg:$0x5] =	wrdreg $0x9  }
0xb3: {  	_ =	task.clear_ibuf [dreg:s8], $0x6FFFF;
	_ =	strace $0x90000046  }
0xb4: {  	s29 =	simm.s32 $0x9;
	_ =	strace $0x80000048  }
0xb5: {  	_ =	swait.ge [sflag:s29], $0x1  }
0xb6: {  	[sflag:s29] =	ssyncadd.s32 $0xFFFFFFFF  }
0xb7: {  	_ =	strace $0x90000048  }
0xb8: {  	_ =	sfence  }
0xb9: {  	s30 =	sld [smem:$0x0];
	_ =	sdelay $0x2  }
0xba: {  	s31 =	sshll.u32 s1, $0xD;
	s1 =	sshrl.u32 s1, $0x2  }
0xbb: {  	s3 =	sand.u32 $0x4000, s31;
	s1 =	sadd.s32 s1, s30  }
0xbc: {  	s0 =	sor.u32 s3, s0;
	s1 =	sshll.u32 s1, $0x11  }
0xbd: {  	s0 =	sor.u32 s1, s0  }
0xbe: {  	s0 =	sadd.s32 $0x8F2B, s0  }
0xbf: {  	[sflag:s0] =	ssyncadd.remote.s32 $0x1  }
0xc0: {  	_ =	sfence.sel $0xFFFF  }
0xc1: {  	[dreg:$0x0] =	wrdreg $0xFFFFFFFF;
	(pc) =	sbr.abs _section_cstart, $3  }
0xc2: {  	[dreg:$0x1] =	wrdreg $0xFFFFFFFF  }
0xc3: {  	_ =	task.clear_ibuf [dreg:s8], $0x2FFFF;
	_ =	strace $0x9FFFFFFF  }
0xc4: {  	(tm) =	ssettm $0x7FFFFFFF  }
0xc5: {  	_ =	shalt  }
tec
execute0_lowered:
.L_overlay_start_1:
0x0: {  	(tag) =	ssettag $0x1  }
0x1: {  	s1 =	rddreg [dreg:$0x0]  }
0x2: {  	s0 =	rddreg [dreg:$0x1]  }
0x3: {  	s3 =	rddreg [dreg:$0x2];
	s2 =	srdreg.scid  }
0x4: {  	s5 =	stileid.u32;
	s4 =	simm.s32 $0x0;
	s29 =	simm.s32 $0x3400  }
0x5: {  	s10 =	simm.s32 $0xD480;
	s15 =	simm.s32 $0x11880;
	s2 =	sand.u32 $0x1, s2  }
0x6: {  	s5 =	sshll.u32 s5, $0xB;
	[smem:$0x7FF] =	sst s4;
	s6 =	sshll.u32 s2, $0xA  }
0x7: {  	_ =	strace $0x80000047;
	s2 =	ssub.s32 $0x2, s2;
	s5 =	sor.u32 s6, s5  }
0x8: {  	s6 =	sadd.s32 $0xC00, s0;
	s0 =	sadd.s32 $0x400, s0;
	s7 =	sshrl.u32 s5, $0x3  }
0x9: {  	s8 =	sshrl.u32 s2, $0x1;
	[dreg:$0x5] =	wrdreg s0;
	s9 =	sadd.s32 s1, s7  }
0xa: {  	s20 =	ssub.s32 s2, s8;
	s24 =	sadd.s32 s3, s7;
	[dreg:$0x4] =	wrdreg s9  }
0xb: {  	s17 =	simm.s32 $0x9;
	s0 =	smax.u32 s20, $0x1;
	[dreg:$0x9] =	wrdreg s24  }
0xc: {  	s12 =	simm.s32 $0x13A80;
	s21 =	sadd.s32 $0x10, s9;
	[dreg:$0xf] =	wrdreg s0  }
0xd: {  	s30 =	simm.s32 $0x15C80;
	s22 =	sadd.s32 $0x20, s9;
	[dreg:$0x6] =	wrdreg s21  }
0xe: {  	s13 =	simm.s32 $0xF;
	s23 =	sadd.s32 $0x30, s9;
	[dreg:$0x7] =	wrdreg s22  }
0xf: {  	s18 =	simm.s32 $0x3200;
	s25 =	sadd.s32 $0x40, s9;
	[dreg:$0x8] =	wrdreg s23  }
0x10: {  	s19 =	simm.s32 $0x3280;
	s26 =	sadd.s32 $0x620000, s24;
	[dreg:$0xa] =	wrdreg s25  }
0x11: {  	s14 =	simm.s32 $0x3300;
	s28 =	sadd.s32 $0x628000, s24;
	[dreg:$0xb] =	wrdreg s26  }
0x12: {  	v0 =	vlaneseq.u32;
	s16 =	simm.s32 $0x3380;
	s31 =	sadd.s32 $0x630000, s24;
	[dreg:$0xc] =	wrdreg s28  }
0x13: {  	v0 =	vmul.u32 $0x88, v0;
	s8 =	simm.s32 $0x0;
	s2 =	sadd.s32 $0x638000, s24;
	[dreg:$0xd] =	wrdreg s31  }
0x14: {  	s7 =	simm.s32 $0xF680;
	[dreg:$0xe] =	wrdreg s2;
	s22 =	simm.s32 $0x80  }
0x15: {  	v1 =	vadd.s32 $0x880, v0;
	v2 =	vadd.s32 $0x1100, v0;
	v3 =	vadd.s32 $0x1980, v0;
	s23 =	simm.s32 $0xD;
	s26 =	simm.s32 $0xA;
	s2 =	simm.s32 $0xE  }
.LBB2_1:
0x16: {  	[dreg:$0x10] =	wrdreg s8  }
0x17: {  	s0 =	rddreg [dreg:$0x5];
	s8 =	simm.s32 $0x10  }
0x18: {  	[tilespmem:s4], [sflag:$0x10] =	stream.linear.gather [hbm4b:s0+s4], $0x3200, $0x38;
	[tilespmem:$0x17E80] =	vst v63  }
0x19: {  	_ =	swait.ge [sflag:s8], $0x3200  }
0x1a: {  	s11 =	simm.s32 $0x3200;
	[sflag:s8] =	ssyncset.done $0x0  }
0x1b: {  	s20 =	simm.s32 $0x1;
	s9 =	rddreg [dreg:$0x4];
	[sflag:s8] =	ssyncadd.s32 $0xFFFFCE00  }
0x1c: {  	[tilespmem:s11], [sflag:$0x1] =	stream.linear.gather [hbm4b:s9+s4], $0x80, $0x38;
	[tilespmem:$0x17E80] =	vst v63  }
0x1d: {  	_ =	swait.ge [sflag:s20], $0x80  }
0x1e: {  	[sflag:s20] =	ssyncset.done $0x0  }
0x1f: {  	s21 =	simm.s32 $0x3480;
	[sflag:s20] =	ssyncadd.s32 $0xFFFFFF80  }
0x20: {  	[tilespmem:s21], [sflag:$0x6] =	stream.indirect.gather [hbm4b:s6+s22], $0x40, s11, s22, $0xb8;
	[tilespmem:$0x17E80] =	vst v63  }
0x21: {  	s25 =	simm.s32 $0x3280;
	s28 =	simm.s32 $0x2;
	s24 =	rddreg [dreg:$0x6]  }
0x22: {  	[tilespmem:s25], [sflag:$0x2] =	stream.linear.gather [hbm4b:s24+s4], $0x80, $0x38;
	[tilespmem:$0x17E80] =	vst v63  }
0x23: {  	_ =	swait.ge [sflag:s28], $0x80  }
0x24: {  	[sflag:s28] =	ssyncset.done $0x0  }
0x25: {  	s31 =	simm.s32 $0x5480;
	[sflag:s28] =	ssyncadd.s32 $0xFFFFFF80  }
0x26: {  	[tilespmem:s31], [sflag:$0x7] =	stream.indirect.gather [hbm4b:s6+s22], $0x40, s25, s22, $0xb8;
	[tilespmem:$0x17E80] =	vst v63  }
0x27: {  	s20 =	simm.s32 $0x3;
	s11 =	simm.s32 $0x3300;
	s9 =	rddreg [dreg:$0x7]  }
0x28: {  	[tilespmem:s11], [sflag:$0x3] =	stream.linear.gather [hbm4b:s9+s4], $0x80, $0x38;
	[tilespmem:$0x17E80] =	vst v63  }
0x29: {  	_ =	swait.ge [sflag:s20], $0x80  }
0x2a: {  	[sflag:s20] =	ssyncset.done $0x0  }
0x2b: {  	s21 =	simm.s32 $0x7480;
	[sflag:s20] =	ssyncadd.s32 $0xFFFFFF80  }
0x2c: {  	[tilespmem:s21], [sflag:$0x8] =	stream.indirect.gather [hbm4b:s6+s22], $0x40, s11, s22, $0xb8;
	[tilespmem:$0x17E80] =	vst v63  }
0x2d: {  	s28 =	simm.s32 $0x4;
	s25 =	simm.s32 $0x3380;
	s24 =	rddreg [dreg:$0x8]  }
0x2e: {  	[tilespmem:s25], [sflag:$0x4] =	stream.linear.gather [hbm4b:s24+s4], $0x80, $0x38;
	[tilespmem:$0x17E80] =	vst v63  }
0x2f: {  	_ =	swait.ge [sflag:s28], $0x80  }
0x30: {  	[sflag:s28] =	ssyncset.done $0x0  }
0x31: {  	s31 =	simm.s32 $0x9480;
	[sflag:s28] =	ssyncadd.s32 $0xFFFFFF80  }
0x32: {  	[tilespmem:s31], [sflag:$0x9] =	stream.indirect.gather [hbm4b:s6+s22], $0x40, s25, s22, $0xb8;
	[tilespmem:$0x17E80] =	vst v63  }
0x33: {  	s9 =	simm.s32 $0x6;
	s8 =	rddreg [dreg:$0xa]  }
0x34: {  	[tilespmem:s29], [sflag:$0x5] =	stream.linear.gather [hbm4b:s8+s4], $0x80, $0x38;
	[tilespmem:$0x17E80] =	vst v63  }
0x35: {  	_ =	swait.ge [sflag:s9], $0x2000  }
0x36: {  	[sflag:s9] =	ssyncset.done $0x0  }
0x37: {  	[sflag:s9] =	ssyncadd.s32 $0xFFFFE000  }
0x38: {  	s11 =	simm.s32 $0x3500;
	s21 =	simm.s32 $0x3;
	v9 =	vld [tilespmem:$0x0]  }
0x39: {  	v4 =	vmov s21;
	v7 =	vld [tilespmem:s11+$0x40]  }
0x3a: {  	v13 =	vand.u32 $0x7F, v4  }
0x3b: {  	v8 =	vadd.s32 v0, v13;
	v6 =	vld [tilespmem:$0x10]  }
0x3c: {  	s20 =	simm.s32 $0x2;
	v4 =	vmov s4;
	s24 =	simm.s32 $0x1;
	v10 =	vld [tilespmem:s11+$0xFFFFFF80]  }
0x3d: {  	v14 =	vmov s20;
	v12 =	vand.u32 $0x7C, v4;
	v4 =	vmov s24;
	v11 =	vld [tilespmem:s11+$0xFFFFFFC0]  }
0x3e: {  	v15 =	vadd.s32 v0, v12;
	v19 =	vand.u32 $0x7D, v4;
	v16 =	vld [tilespmem:s11+$0x0];
	v7 =	vadd.f32 v7, v9  }
0x3f: {  	v20 =	vand.u32 $0x7E, v14;
	v17 =	vadd.s32 v0, v19;
	v5 =	vld [tilespmem:$0x20]  }
0x40: {  	v14 =	vadd.s32 v0, v20;
	v4 =	vld [tilespmem:$0x30];
	[tilespmem:v8+s10+$0x0] =	vst.idx.msk $0xffff, v7  }
0x41: {  	v7 =	vadd.f32 v10, v9;
	v8 =	vld [tilespmem:s11+$0x50]  }
0x42: {  	v10 =	vadd.f32 v11, v9  }
0x43: {  	v11 =	vadd.s32 v1, v13;
	[tilespmem:v15+s10+$0x0] =	vst.idx.msk $0xffff, v7;
	v7 =	vadd.f32 v16, v9  }
0x44: {  	[tilespmem:v17+s10+$0x0] =	vst.idx.msk $0xffff, v10;
	v15 =	vld [tilespmem:s11+$0xFFFFFF90]  }
0x45: {  	v10 =	vld [tilespmem:s11+$0xFFFFFFD0];
	[tilespmem:v14+s10+$0x0] =	vst.idx.msk $0xffff, v7  }
0x46: {  	v14 =	vld [tilespmem:s11+$0x10];
	v7 =	vadd.f32 v8, v6  }
0x47: {  	s21 =	simm.s32 $0x7;
	s8 =	simm.s32 $0x3600;
	v16 =	vadd.s32 v1, v19  }
0x48: {  	v26 =	vadd.s32 v2, v13;
	s25 =	simm.s32 $0x4;
	v18 =	vld [tilespmem:s8+$0x40];
	v17 =	vadd.s32 v1, v20;
	[tilespmem:v11+s10+$0x0] =	vst.idx.msk $0xffff, v7;
	v7 =	vmov s21  }
0x49: {  	v21 =	vadd.s32 v1, v12;
	v8 =	vmov s25;
	v7 =	vand.u32 $0x7F, v7;
	v22 =	vld [tilespmem:s11+$0x60]  }
0x4a: {  	s28 =	simm.s32 $0x5;
	v23 =	vld [tilespmem:s8+$0xFFFFFF80];
	v8 =	vand.u32 $0x7C, v8;
	v10 =	vadd.f32 v10, v6;
	v24 =	vadd.s32 v0, v7  }
0x4b: {  	s31 =	simm.s32 $0x6;
	v25 =	vld [tilespmem:s8+$0xFFFFFFC0];
	v15 =	vadd.f32 v15, v6;
	v11 =	vadd.f32 v14, v6;
	v14 =	vmov s28  }
0x4c: {  	v27 =	vadd.s32 v0, v8;
	[tilespmem:v16+s10+$0x0] =	vst.idx.msk $0xffff, v10;
	v16 =	vmov s31;
	v10 =	vand.u32 $0x7D, v14;
	v14 =	vld [tilespmem:s8+$0x0]  }
0x4d: {  	[tilespmem:v17+s10+$0x0] =	vst.idx.msk $0xffff, v11;
	v17 =	vadd.s32 v0, v10;
	v11 =	vand.u32 $0x7E, v16;
	v16 =	vadd.f32 v18, v9;
	v18 =	vld [tilespmem:s11+$0xFFFFFFE0]  }
0x4e: {  	[tilespmem:v21+s10+$0x0] =	vst.idx.msk $0xffff, v15;
	v15 =	vadd.s32 v0, v11;
	v21 =	vld [tilespmem:s11+$0x20];
	v22 =	vadd.f32 v22, v5  }
0x4f: {  	v23 =	vadd.f32 v23, v9;
	[tilespmem:v24+s10+$0x0] =	vst.idx.msk $0xffff, v16;
	v16 =	vld [tilespmem:s11+$0xFFFFFFA0];
	v24 =	vadd.s32 v2, v19  }
0x50: {  	v29 =	vadd.s32 v2, v20;
	v25 =	vadd.f32 v25, v9;
	v28 =	vld [tilespmem:s8+$0x50];
	[tilespmem:v26+s10+$0x0] =	vst.idx.msk $0xffff, v22  }
0x51: {  	[tilespmem:v27+s10+$0x0] =	vst.idx.msk $0xffff, v23;
	v23 =	vadd.s32 v2, v12;
	v14 =	vadd.f32 v14, v9;
	v26 =	vld [tilespmem:s11+$0x70]  }
0x52: {  	v27 =	vld [tilespmem:s8+$0xFFFFFF90];
	[tilespmem:v17+s10+$0x0] =	vst.idx.msk $0xffff, v25;
	v25 =	vadd.s32 v1, v7;
	v18 =	vadd.f32 v18, v5  }
0x53: {  	v31 =	vadd.s32 v3, v13;
	v30 =	vld [tilespmem:s8+$0xFFFFFFD0];
	[tilespmem:v15+s10+$0x0] =	vst.idx.msk $0xffff, v14;
	v14 =	vadd.f32 v21, v5  }
0x54: {  	v22 =	vadd.s32 v1, v8;
	v17 =	vld [tilespmem:s8+$0x10];
	v13 =	vadd.f32 v16, v5;
	[tilespmem:v24+s10+$0x0] =	vst.idx.msk $0xffff, v18  }
0x55: {  	s21 =	simm.s32 $0x8;
	v21 =	vadd.s32 v1, v10;
	[tilespmem:v29+s10+$0x0] =	vst.idx.msk $0xffff, v14;
	v18 =	vadd.f32 v28, v6;
	v16 =	vld [tilespmem:s11+$0xFFFFFFF0]  }
0x56: {  	v24 =	vmov s21;
	v14 =	vadd.s32 v1, v11;
	v15 =	vld [tilespmem:s11+$0x30];
	[tilespmem:v23+s10+$0x0] =	vst.idx.msk $0xffff, v13;
	v63 =	vadd.f32 v26, v4  }
0x57: {  	s20 =	simm.s32 $0x3700;
	s24 =	simm.s32 $0xB;
	v19 =	vadd.s32 v3, v19;
	v13 =	vand.u32 $0x7C, v24;
	v24 =	vadd.f32 v27, v6;
	[tilespmem:v25+s10+$0x0] =	vst.idx.msk $0xffff, v18;
	v18 =	vld [tilespmem:s11+$0xFFFFFFB0]  }
0x58: {  	s0 =	simm.s32 $0xC;
	v20 =	vadd.s32 v3, v20;
	v26 =	vmov s24;
	v23 =	vld [tilespmem:s20+$0x40];
	v25 =	vadd.f32 v30, v6;
	[tilespmem:v31+s10+$0x0] =	vst.idx.msk $0xffff, v63  }
.LBB2_2:
0x59: {  	p0 =	slt.u32 s0, $0x7C;
	s24 =	sadd.s32 $0x1, s21;
	v26 =	vand.u32 $0x7F, v26;
	[tilespmem:v22+s10+$0x0] =	vst.idx.msk $0xffff, v24;
	v17 =	vadd.f32 v17, v6;
	v22 =	vld [tilespmem:s8+$0x60];
	v24 =	vadd.s32 v3, v12  }
0x5a: {  	v30 =	vmovc v11;
	v27 =	vld [tilespmem:s20+$0xFFFFFF80];
	v28 =	vmov s24;
	s24 =	sadd.s32 $0x2, s21;
	v29 =	vadd.s32 v0, v26;
	[tilespmem:v21+s10+$0x0] =	vst.idx.msk $0xffff, v25;
	v16 =	vadd.f32 v16, v4;
	s21 =	smov.u32 s0  }
0x5b: {  	v12 =	vmovc v8;
	v21 =	vld [tilespmem:s20+$0xFFFFFFC0];
	v11 =	vmov s24;
	[tilespmem:v14+s10+$0x0] =	vst.idx.msk $0xffff, v17;
	v14 =	vadd.s32 v2, v7;
	v15 =	vadd.f32 v15, v4  }
0x5c: {  	v17 =	vadd.s32 v0, v13;
	v28 =	vand.u32 $0x7D, v28;
	v25 =	vld [tilespmem:s20+$0x0];
	v31 =	vadd.f32 v18, v4;
	[tilespmem:v19+s10+$0x0] =	vst.idx.msk $0xffff, v16  }
0x5d: {  	v16 =	vadd.s32 v0, v28;
	v11 =	vand.u32 $0x7E, v11;
	v18 =	vadd.f32 v23, v9;
	v19 =	vld [tilespmem:s8+$0xFFFFFFE0];
	[tilespmem:v20+s10+$0x0] =	vst.idx.msk $0xffff, v15  }
0x5e: {  	v8 =	vmov v13;
	v15 =	vadd.s32 v0, v11;
	v20 =	vld [tilespmem:s8+$0x20];
	v22 =	vadd.f32 v22, v5;
	[tilespmem:v24+s10+$0x0] =	vst.idx.msk $0xffff, v31  }
0x5f: {  	v23 =	vadd.s32 v2, v10;
	v13 =	vadd.f32 v27, v9;
	[tilespmem:v29+s10+$0x0] =	vst.idx.msk $0xffff, v18;
	v18 =	vld [tilespmem:s8+$0xFFFFFFA0]  }
0x60: {  	v27 =	vadd.s32 v2, v30;
	v21 =	vadd.f32 v21, v9;
	v24 =	vld [tilespmem:s20+$0x50];
	[tilespmem:v14+s10+$0x0] =	vst.idx.msk $0xffff, v22  }
0x61: {  	[tilespmem:v17+s10+$0x0] =	vst.idx.msk $0xffff, v13;
	v13 =	vadd.f32 v25, v9;
	v25 =	vadd.s32 v2, v12;
	v29 =	vld [tilespmem:s8+$0x70]  }
0x62: {  	v32 =	vadd.s32 v1, v26;
	v31 =	vld [tilespmem:s20+$0xFFFFFF90];
	[tilespmem:v16+s10+$0x0] =	vst.idx.msk $0xffff, v21;
	v14 =	vadd.f32 v19, v5  }
0x63: {  	v34 =	vadd.s32 v3, v7;
	v7 =	vmov v26;
	v33 =	vld [tilespmem:s20+$0xFFFFFFD0];
	[tilespmem:v15+s10+$0x0] =	vst.idx.msk $0xffff, v13;
	v13 =	vadd.f32 v20, v5  }
.Ltmp0:
0x64: {  	v22 =	vadd.s32 v1, v8;
	v17 =	vld [tilespmem:s20+$0x10];
	v15 =	vadd.f32 v18, v5;
	[tilespmem:v23+s10+$0x0] =	vst.idx.msk $0xffff, v14;
	(pc) =	sbr.rel @p0 .LBB2_2-.Ltmp0, $4  }
0x65: {  	v21 =	vadd.s32 v1, v28;
	v18 =	vadd.f32 v24, v6;
	v16 =	vld [tilespmem:s8+$0xFFFFFFF0];
	[tilespmem:v27+s10+$0x0] =	vst.idx.msk $0xffff, v13  }
0x66: {  	v14 =	vadd.s32 v1, v11;
	v13 =	vmov s0;
	[tilespmem:v25+s10+$0x0] =	vst.idx.msk $0xffff, v15;
	v15 =	vld [tilespmem:s8+$0x30];
	v27 =	vadd.f32 v29, v4  }
0x67: {  	s24 =	sadd.s32 $0x3, s0;
	v19 =	vadd.s32 v3, v10;
	v13 =	vand.u32 $0x7C, v13;
	v24 =	vadd.f32 v31, v6;
	[tilespmem:v32+s10+$0x0] =	vst.idx.msk $0xffff, v18;
	v18 =	vld [tilespmem:s8+$0xFFFFFFB0];
	s8 =	smov.u32 s20;
	s20 =	sadd.s32 $0x100, s20  }
0x68: {  	v26 =	vmov s24;
	v10 =	vmovc v28;
	v20 =	vadd.s32 v3, v30;
	s0 =	sadd.s32 $0x4, s0;
	v23 =	vld [tilespmem:s20+$0x40];
	v25 =	vadd.f32 v33, v6;
	[tilespmem:v34+s10+$0x0] =	vst.idx.msk $0xffff, v27  }
0x69: {  	s0 =	sadd.s32 $0x1, s21  }
0x6a: {  	v26 =	vand.u32 $0x7F, v26;
	s11 =	sadd.s32 $0x2, s21;
	v28 =	vld [tilespmem:s20+$0xFFFFFFC0];
	v27 =	vmov s0  }
0x6b: {  	v31 =	vld [tilespmem:s20+$0x0];
	v29 =	vadd.s32 v0, v26;
	v30 =	vmov s11;
	v27 =	vand.u32 $0x7D, v27  }
0x6c: {  	v32 =	vld [tilespmem:s20+$0xFFFFFF80];
	v30 =	vand.u32 $0x7E, v30;
	v33 =	vadd.s32 v0, v27  }
0x6d: {  	v34 =	vadd.s32 v0, v30  }
0x6e: {  	[tilespmem:v22+s10+$0x0] =	vst.idx.msk $0xffff, v24;
	v44 =	vadd.s32 v0, v13;
	v23 =	vadd.f32 v23, v9  }
0x6f: {  	[tilespmem:v21+s10+$0x0] =	vst.idx.msk $0xffff, v25;
	v45 =	vadd.f32 v28, v9  }
0x70: {  	v46 =	vadd.f32 v31, v9;
	[tilespmem:v29+s10+$0x0] =	vst.idx.msk $0xffff, v23  }
0x71: {  	v47 =	vadd.f32 v32, v9;
	v48 =	vld [tilespmem:s20+$0x50];
	[tilespmem:v33+s10+$0x0] =	vst.idx.msk $0xffff, v45  }
0x72: {  	v17 =	vadd.f32 v17, v6;
	v12 =	vadd.s32 v3, v12;
	[tilespmem:v34+s10+$0x0] =	vst.idx.msk $0xffff, v46;
	v21 =	vld [tilespmem:s20+$0xFFFFFFD0]  }
0x73: {  	v16 =	vadd.f32 v16, v4;
	v49 =	vadd.s32 v1, v26;
	[tilespmem:v44+s10+$0x0] =	vst.idx.msk $0xffff, v47;
	v50 =	vld [tilespmem:s20+$0x10]  }
0x74: {  	[tilespmem:v14+s10+$0x0] =	vst.idx.msk $0xffff, v17;
	v51 =	vadd.f32 v15, v4;
	v53 =	vadd.s32 v1, v27;
	v52 =	vld [tilespmem:s20+$0xFFFFFF90]  }
0x75: {  	v54 =	vld [tilespmem:s8+$0x60];
	v18 =	vadd.f32 v18, v4;
	[tilespmem:v19+s10+$0x0] =	vst.idx.msk $0xffff, v16;
	v55 =	vadd.s32 v1, v30  }
0x76: {  	v57 =	vadd.s32 v1, v13;
	v60 =	vld [tilespmem:s8+$0x20];
	[tilespmem:v20+s10+$0x0] =	vst.idx.msk $0xffff, v51;
	v58 =	vadd.f32 v48, v6  }
0x77: {  	v59 =	vadd.s32 v2, v7;
	v56 =	vld [tilespmem:s8+$0xFFFFFFE0];
	[tilespmem:v12+s10+$0x0] =	vst.idx.msk $0xffff, v18;
	v61 =	vadd.f32 v21, v6  }
0x78: {  	v62 =	vld [tilespmem:s8+$0xFFFFFFA0];
	v29 =	vadd.s32 v2, v11;
	[tilespmem:v49+s10+$0x0] =	vst.idx.msk $0xffff, v58;
	v28 =	vadd.f32 v50, v6  }
0x79: {  	v63 =	vadd.s32 v2, v10;
	v31 =	vadd.f32 v52, v6;
	v32 =	vld [tilespmem:s20+$0x60];
	[tilespmem:v53+s10+$0x0] =	vst.idx.msk $0xffff, v61  }
0x7a: {  	v33 =	vadd.f32 v54, v5;
	v34 =	vadd.s32 v2, v8;
	[tilespmem:v55+s10+$0x0] =	vst.idx.msk $0xffff, v28;
	v35 =	vld [tilespmem:s20+$0xFFFFFFE0]  }
0x7b: {  	v37 =	vadd.s32 v2, v26;
	v39 =	vadd.f32 v60, v5;
	[tilespmem:v57+s10+$0x0] =	vst.idx.msk $0xffff, v31;
	v38 =	vld [tilespmem:s20+$0x20]  }
0x7c: {  	v41 =	vadd.s32 v2, v27;
	v36 =	vadd.f32 v56, v5;
	[tilespmem:v59+s10+$0x0] =	vst.idx.msk $0xffff, v33;
	v40 =	vld [tilespmem:s20+$0xFFFFFFA0]  }
0x7d: {  	v43 =	vadd.s32 v2, v30;
	v18 =	vadd.f32 v62, v5;
	v42 =	vld [tilespmem:s8+$0x70];
	[tilespmem:v29+s10+$0x0] =	vst.idx.msk $0xffff, v39  }
0x7e: {  	v45 =	vadd.s32 v2, v13;
	[tilespmem:v63+s10+$0x0] =	vst.idx.msk $0xffff, v36;
	v47 =	vld [tilespmem:s8+$0x30];
	v44 =	vadd.f32 v32, v5  }
0x7f: {  	v46 =	vadd.s32 v3, v7;
	[tilespmem:v34+s10+$0x0] =	vst.idx.msk $0xffff, v18;
	v21 =	vld [tilespmem:s8+$0xFFFFFFF0];
	v9 =	vadd.f32 v35, v5  }
0x80: {  	v18 =	vld [tilespmem:s8+$0xFFFFFFB0];
	v50 =	vadd.s32 v3, v11;
	[tilespmem:v37+s10+$0x0] =	vst.idx.msk $0xffff, v44;
	v49 =	vadd.f32 v38, v5  }
0x81: {  	v48 =	vadd.s32 v3, v10;
	v5 =	vadd.f32 v40, v5;
	v12 =	vld [tilespmem:s20+$0x70];
	[tilespmem:v41+s10+$0x0] =	vst.idx.msk $0xffff, v9  }
0x82: {  	v52 =	vadd.s32 v3, v8;
	v51 =	vadd.f32 v42, v4;
	[tilespmem:v43+s10+$0x0] =	vst.idx.msk $0xffff, v49;
	v53 =	vld [tilespmem:s20+$0xFFFFFFF0]  }
0x83: {  	v55 =	vadd.s32 v3, v26;
	v56 =	vadd.f32 v47, v4;
	[tilespmem:v45+s10+$0x0] =	vst.idx.msk $0xffff, v5;
	v5 =	vld [tilespmem:s20+$0x30]  }
0x84: {  	v58 =	vadd.s32 v3, v27;
	[tilespmem:v46+s10+$0x0] =	vst.idx.msk $0xffff, v51;
	v54 =	vadd.f32 v21, v4;
	v57 =	vld [tilespmem:s20+$0xFFFFFFB0]  }
0x85: {  	v60 =	vadd.s32 v3, v30;
	v59 =	vadd.f32 v18, v4;
	[tilespmem:v50+s10+$0x0] =	vst.idx.msk $0xffff, v56  }
0x86: {  	v62 =	vadd.s32 v3, v13;
	[tilespmem:v48+s10+$0x0] =	vst.idx.msk $0xffff, v54;
	v61 =	vadd.f32 v12, v4  }
0x87: {  	[tilespmem:v52+s10+$0x0] =	vst.idx.msk $0xffff, v59;
	v63 =	vadd.f32 v53, v4  }
0x88: {  	[tilespmem:v55+s10+$0x0] =	vst.idx.msk $0xffff, v61;
	v5 =	vadd.f32 v5, v4  }
0x89: {  	v4 =	vadd.f32 v57, v4;
	[tilespmem:v58+s10+$0x0] =	vst.idx.msk $0xffff, v63  }
0x8a: {  	[tilespmem:v60+s10+$0x0] =	vst.idx.msk $0xffff, v5  }
0x8b: {  	[tilespmem:v62+s10+$0x0] =	vst.idx.msk $0xffff, v4  }
0x8c: {  	s21 =	simm.s32 $0xD480;
	s9 =	rddreg [dreg:$0x9]  }
0x8d: {  	[hbm4b:s9+s4] =	stream.linear.scatter [tilespmem:s21], [sflag:$0xB], $0x80, $0x38;
	[tilespmem:$0x17E80] =	vst v63  }
0x8e: {  	s24 =	simm.s32 $0xD508;
	s25 =	sadd.s32 $0x10, s9  }
0x8f: {  	[hbm4b:s25+s4] =	stream.linear.scatter [tilespmem:s24], [sflag:$0xB], $0x80, $0x38;
	[tilespmem:$0x17E80] =	vst v63  }
0x90: {  	s28 =	simm.s32 $0xD590;
	s0 =	simm.s32 $0x440;
	s31 =	sadd.s32 $0x20, s9  }
0x91: {  	[hbm4b:s31+s4] =	stream.linear.scatter [tilespmem:s28], [sflag:$0xB], $0x80, $0x38;
	[tilespmem:$0x17E80] =	vst v63  }
0x92: {  	s8 =	simm.s32 $0xD618;
	s20 =	simm.s32 $0xD6A0;
	s11 =	sadd.s32 $0x30, s9  }
0x93: {  	[hbm4b:s11+s4] =	stream.linear.scatter [tilespmem:s8], [sflag:$0xB], $0x80, $0x38;
	[tilespmem:$0x17E80] =	vst v63  }
0x94: {  	s21 =	sadd.s32 $0x40, s9;
	s24 =	simm.s32 $0xD728;
	s25 =	sadd.s32 $0x50, s9  }
0x95: {  	[hbm4b:s21+s4] =	stream.linear.scatter [tilespmem:s20], [sflag:$0xB], $0x80, $0x38;
	[tilespmem:$0x17E80] =	vst v63  }
0x96: {  	s28 =	simm.s32 $0xD7B0;
	s31 =	sadd.s32 $0x60, s9;
	s8 =	sadd.s32 $0x1000, s9  }
0x97: {  	[hbm4b:s25+s4] =	stream.linear.scatter [tilespmem:s24], [sflag:$0xB], $0x80, $0x38;
	[tilespmem:$0x17E80] =	vst v63  }
0x98: {  	s20 =	simm.s32 $0x2200;
	s21 =	simm.s32 $0xD838;
	s24 =	sadd.s32 $0x70, s9  }
0x99: {  	[hbm4b:s31+s4] =	stream.linear.scatter [tilespmem:s28], [sflag:$0xB], $0x80, $0x38;
	[tilespmem:$0x17E80] =	vst v63  }
.LBB2_4:
0x9a: {  	[hbm4b:s24+s4] =	stream.linear.scatter [tilespmem:s21], [sflag:$0xB], $0x80, $0x38;
	[tilespmem:$0x17E80] =	vst v63  }
0x9b: {  	s21 =	smov.u32 s0;
	s0 =	smov.u32 s20  }
0x9c: {  	s25 =	sadd.s32 $0x1100, s20;
	s0 =	sshra.s32 s0, $0x2;
	s24 =	sadd.s32 $0xD480, s21  }
0x9d: {  	[hbm4b:s8+s4] =	stream.linear.scatter [tilespmem:s24], [sflag:$0xB], $0x80, $0x38;
	[tilespmem:$0x17E80] =	vst v63  }
0x9e: {  	p0 =	sne.s32 s20, $0x7700;
	s20 =	sadd.s32 $0xD508, s21;
	s24 =	sadd.s32 $0x10, s8  }
0x9f: {  	[hbm4b:s24+s4] =	stream.linear.scatter [tilespmem:s20], [sflag:$0xB], $0x80, $0x38;
	[tilespmem:$0x17E80] =	vst v63  }
0xa0: {  	s20 =	sadd.s32 $0xD590, s21;
	s24 =	sadd.s32 $0x20, s8  }
0xa1: {  	[hbm4b:s24+s4] =	stream.linear.scatter [tilespmem:s20], [sflag:$0xB], $0x80, $0x38;
	[tilespmem:$0x17E80] =	vst v63  }
0xa2: {  	s20 =	sadd.s32 $0xD618, s21;
	s24 =	sadd.s32 $0x30, s8  }
0xa3: {  	[hbm4b:s24+s4] =	stream.linear.scatter [tilespmem:s20], [sflag:$0xB], $0x80, $0x38;
	[tilespmem:$0x17E80] =	vst v63  }
0xa4: {  	s20 =	sadd.s32 $0xD6A0, s21;
	s24 =	sadd.s32 $0x40, s8  }
0xa5: {  	[hbm4b:s24+s4] =	stream.linear.scatter [tilespmem:s20], [sflag:$0xB], $0x80, $0x38;
	[tilespmem:$0x17E80] =	vst v63  }
.Ltmp1:
0xa6: {  	s20 =	sadd.s32 $0xD728, s21;
	s24 =	sadd.s32 $0x50, s8;
	(pc) =	sbr.rel @p0 .LBB2_4-.Ltmp1, $4  }
0xa7: {  	[hbm4b:s24+s4] =	stream.linear.scatter [tilespmem:s20], [sflag:$0xB], $0x80, $0x38;
	[tilespmem:$0x17E80] =	vst v63  }
0xa8: {  	s20 =	sadd.s32 $0xD7B0, s21;
	s24 =	sadd.s32 $0x60, s8;
	s21 =	sadd.s32 $0xD838, s21  }
0xa9: {  	[hbm4b:s24+s4] =	stream.linear.scatter [tilespmem:s20], [sflag:$0xB], $0x80, $0x38;
	[tilespmem:$0x17E80] =	vst v63  }
0xaa: {  	s24 =	sadd.s32 $0x70, s8;
	s8 =	sadd.s32 $0x1000, s8;
	s20 =	smov.u32 s25  }
0xab: {  	[hbm4b:s24+s4] =	stream.linear.scatter [tilespmem:s21], [sflag:$0xB], $0x80, $0x38;
	[tilespmem:$0x17E80] =	vst v63  }
0xac: {  	s20 =	sadd.s32 $0xD480, s0  }
0xad: {  	[hbm4b:s8+s4] =	stream.linear.scatter [tilespmem:s20], [sflag:$0xB], $0x80, $0x38;
	[tilespmem:$0x17E80] =	vst v63  }
0xae: {  	s24 =	sadd.s32 $0xD508, s0;
	s25 =	sadd.s32 $0x10, s8  }
0xaf: {  	[hbm4b:s25+s4] =	stream.linear.scatter [tilespmem:s24], [sflag:$0xB], $0x80, $0x38;
	[tilespmem:$0x17E80] =	vst v63  }
0xb0: {  	s28 =	sadd.s32 $0xD590, s0;
	s31 =	sadd.s32 $0x20, s8  }
0xb1: {  	[hbm4b:s31+s4] =	stream.linear.scatter [tilespmem:s28], [sflag:$0xB], $0x80, $0x38;
	[tilespmem:$0x17E80] =	vst v63  }
0xb2: {  	s9 =	sadd.s32 $0xD618, s0;
	s11 =	sadd.s32 $0x30, s8  }
0xb3: {  	[hbm4b:s11+s4] =	stream.linear.scatter [tilespmem:s9], [sflag:$0xB], $0x80, $0x38;
	[tilespmem:$0x17E80] =	vst v63  }
0xb4: {  	s24 =	sadd.s32 $0xD6A0, s0;
	s25 =	sadd.s32 $0x40, s8  }
0xb5: {  	[hbm4b:s25+s4] =	stream.linear.scatter [tilespmem:s24], [sflag:$0xB], $0x80, $0x38;
	[tilespmem:$0x17E80] =	vst v63  }
0xb6: {  	s28 =	sadd.s32 $0xD728, s0;
	s31 =	sadd.s32 $0x50, s8  }
0xb7: {  	[hbm4b:s31+s4] =	stream.linear.scatter [tilespmem:s28], [sflag:$0xB], $0x80, $0x38;
	[tilespmem:$0x17E80] =	vst v63  }
0xb8: {  	s9 =	sadd.s32 $0xD7B0, s0;
	s11 =	sadd.s32 $0x60, s8  }
0xb9: {  	[hbm4b:s11+s4] =	stream.linear.scatter [tilespmem:s9], [sflag:$0xB], $0x80, $0x38;
	[tilespmem:$0x17E80] =	vst v63  }
0xba: {  	s24 =	sadd.s32 $0xD838, s0;
	s25 =	sadd.s32 $0x70, s8;
	s28 =	simm.s32 $0x5  }
0xbb: {  	[hbm4b:s25+s4] =	stream.linear.scatter [tilespmem:s24], [sflag:$0xB], $0x80, $0x38;
	[tilespmem:$0x17E80] =	vst v63  }
0xbc: {  	_ =	swait.ge [sflag:s28], $0x80  }
0xbd: {  	s20 =	simm.s32 $0x0;
	[sflag:s28] =	ssyncset.done $0x0  }
0xbe: {  	s31 =	simm.s32 $0xB480;
	s24 =	simm.s32 $0x0;
	[sflag:s28] =	ssyncadd.s32 $0xFFFFFF80  }
0xbf: {  	[tilespmem:s31], [sflag:$0xA] =	stream.indirect.gather [hbm4b:s6+s22], $0x40, s29, s22, $0xb8;
	[tilespmem:$0x17E80] =	vst v63  }
.LBB2_6:
0xc0: {  	s31 =	smul.u32 $0x5, s24;
	_ =	sdelay $0x1  }
0xc1: {  	s28 =	sadd.s32 $0x5, s31  }
0xc2: {  	s0 =	sshll.u32 s28, $0x7;
	s8 =	sshll.u32 s28, $0xC  }
0xc3: {  	s0 =	sand.u32 $0x380, s0;
	s8 =	sand.u32 $0x3F8000, s8  }
0xc4: {  	s0 =	sor.u32 s8, s0  }
0xc5: {  	s0 =	sor.u32 s5, s0  }
0xc6: {  	s0 =	sshrl.u32 s0, $0x3  }
0xc7: {  	s9 =	simm.s32 $0x7;
	s0 =	sadd.s32 s1, s0  }
0xc8: {  	[tilespmem:s18], [sflag:$0x1] =	stream.linear.gather [hbm4b:s0+s20], $0x80, $0x38;
	[tilespmem:$0x17E80] =	vst v63  }
0xc9: {  	s8 =	sadd.s32 $0x1, s31;
	_ =	swait.ge [sflag:s9], $0x2000  }
0xca: {  	s25 =	sshll.u32 s8, $0x6;
	[sflag:s9] =	ssyncset.done $0x0  }
0xcb: {  	s21 =	sand.u32 $0x3FFFFFC0, s25;
	[sflag:s9] =	ssyncadd.s32 $0xFFFFE000  }
0xcc: {  	s25 =	simm.s32 $0x3;
	s0 =	simm.s32 $0x5570;
	v9 =	vld [tilespmem:s21+$0x0]  }
0xcd: {  	v4 =	vmov s25;
	v7 =	vld [tilespmem:s0+$0xFFFFFFD0]  }
0xce: {  	v13 =	vand.u32 $0x7F, v4  }
0xcf: {  	v8 =	vadd.s32 v0, v13;
	v6 =	vld [tilespmem:s21+$0x10]  }
0xd0: {  	s11 =	simm.s32 $0x1;
	s29 =	simm.s32 $0x2;
	v4 =	vmov s20;
	v10 =	vld [tilespmem:s0+$0xFFFFFF10]  }
0xd1: {  	v14 =	vmov s29;
	v12 =	vand.u32 $0x7C, v4;
	v4 =	vmov s11;
	v11 =	vld [tilespmem:s0+$0xFFFFFF50]  }
0xd2: {  	v15 =	vadd.s32 v0, v12;
	v19 =	vand.u32 $0x7D, v4;
	v16 =	vld [tilespmem:s0+$0xFFFFFF90];
	v7 =	vadd.f32 v7, v9  }
0xd3: {  	v20 =	vand.u32 $0x7E, v14;
	v17 =	vadd.s32 v0, v19;
	v5 =	vld [tilespmem:s21+$0x20]  }
0xd4: {  	v14 =	vadd.s32 v0, v20;
	v4 =	vld [tilespmem:s21+$0x30];
	[tilespmem:v8+s7+$0x0] =	vst.idx.msk $0xffff, v7  }
0xd5: {  	v7 =	vadd.f32 v10, v9;
	v8 =	vld [tilespmem:s0+$0xFFFFFFE0]  }
0xd6: {  	v10 =	vadd.f32 v11, v9  }
0xd7: {  	v11 =	vadd.s32 v1, v13;
	[tilespmem:v15+s7+$0x0] =	vst.idx.msk $0xffff, v7;
	v7 =	vadd.f32 v16, v9  }
0xd8: {  	[tilespmem:v17+s7+$0x0] =	vst.idx.msk $0xffff, v10;
	v15 =	vld [tilespmem:s0+$0xFFFFFF20]  }
0xd9: {  	v10 =	vld [tilespmem:s0+$0xFFFFFF60];
	[tilespmem:v14+s7+$0x0] =	vst.idx.msk $0xffff, v7  }
0xda: {  	v14 =	vld [tilespmem:s0+$0xFFFFFFA0];
	v7 =	vadd.f32 v8, v6  }
0xdb: {  	s29 =	simm.s32 $0x7;
	s21 =	simm.s32 $0x5670;
	v16 =	vadd.s32 v1, v19  }
0xdc: {  	v26 =	vadd.s32 v2, v13;
	s9 =	simm.s32 $0x4;
	v18 =	vld [tilespmem:s21+$0xFFFFFFD0];
	v17 =	vadd.s32 v1, v20;
	[tilespmem:v11+s7+$0x0] =	vst.idx.msk $0xffff, v7;
	v7 =	vmov s29  }
0xdd: {  	v21 =	vadd.s32 v1, v12;
	v8 =	vmov s9;
	v7 =	vand.u32 $0x7F, v7;
	v22 =	vld [tilespmem:s0+$0xFFFFFFF0]  }
0xde: {  	s11 =	simm.s32 $0x5;
	v23 =	vld [tilespmem:s21+$0xFFFFFF10];
	v8 =	vand.u32 $0x7C, v8;
	v10 =	vadd.f32 v10, v6;
	v24 =	vadd.s32 v0, v7  }
0xdf: {  	v25 =	vld [tilespmem:s21+$0xFFFFFF50];
	s9 =	simm.s32 $0x6;
	v15 =	vadd.f32 v15, v6;
	v11 =	vadd.f32 v14, v6;
	v14 =	vmov s11  }
0xe0: {  	v27 =	vadd.s32 v0, v8;
	[tilespmem:v16+s7+$0x0] =	vst.idx.msk $0xffff, v10;
	v16 =	vmov s9;
	v10 =	vand.u32 $0x7D, v14;
	v14 =	vld [tilespmem:s21+$0xFFFFFF90]  }
0xe1: {  	[tilespmem:v17+s7+$0x0] =	vst.idx.msk $0xffff, v11;
	v17 =	vadd.s32 v0, v10;
	v11 =	vand.u32 $0x7E, v16;
	v16 =	vadd.f32 v18, v9;
	v18 =	vld [tilespmem:s0+$0xFFFFFF70]  }
0xe2: {  	[tilespmem:v21+s7+$0x0] =	vst.idx.msk $0xffff, v15;
	v15 =	vadd.s32 v0, v11;
	v21 =	vld [tilespmem:s0+$0xFFFFFFB0];
	v22 =	vadd.f32 v22, v5  }
0xe3: {  	v23 =	vadd.f32 v23, v9;
	[tilespmem:v24+s7+$0x0] =	vst.idx.msk $0xffff, v16;
	v16 =	vld [tilespmem:s0+$0xFFFFFF30];
	v24 =	vadd.s32 v2, v19  }
0xe4: {  	v29 =	vadd.s32 v2, v20;
	v25 =	vadd.f32 v25, v9;
	v28 =	vld [tilespmem:s21+$0xFFFFFFE0];
	[tilespmem:v26+s7+$0x0] =	vst.idx.msk $0xffff, v22  }
0xe5: {  	[tilespmem:v27+s7+$0x0] =	vst.idx.msk $0xffff, v23;
	v23 =	vadd.s32 v2, v12;
	v14 =	vadd.f32 v14, v9;
	v26 =	vld [tilespmem:s0+$0x0]  }
0xe6: {  	v27 =	vld [tilespmem:s21+$0xFFFFFF20];
	[tilespmem:v17+s7+$0x0] =	vst.idx.msk $0xffff, v25;
	v25 =	vadd.s32 v1, v7;
	v18 =	vadd.f32 v18, v5  }
0xe7: {  	v31 =	vadd.s32 v3, v13;
	v30 =	vld [tilespmem:s21+$0xFFFFFF60];
	[tilespmem:v15+s7+$0x0] =	vst.idx.msk $0xffff, v14;
	v14 =	vadd.f32 v21, v5  }
0xe8: {  	v22 =	vadd.s32 v1, v8;
	v17 =	vld [tilespmem:s21+$0xFFFFFFA0];
	v13 =	vadd.f32 v16, v5;
	[tilespmem:v24+s7+$0x0] =	vst.idx.msk $0xffff, v18  }
0xe9: {  	s29 =	simm.s32 $0x8;
	v21 =	vadd.s32 v1, v10;
	[tilespmem:v29+s7+$0x0] =	vst.idx.msk $0xffff, v14;
	v18 =	vadd.f32 v28, v6;
	v16 =	vld [tilespmem:s0+$0xFFFFFF80]  }
0xea: {  	v24 =	vmov s29;
	v14 =	vadd.s32 v1, v11;
	v15 =	vld [tilespmem:s0+$0xFFFFFFC0];
	[tilespmem:v23+s7+$0x0] =	vst.idx.msk $0xffff, v13;
	v63 =	vadd.f32 v26, v4  }
0xeb: {  	s25 =	simm.s32 $0x5770;
	s11 =	simm.s32 $0xB;
	v19 =	vadd.s32 v3, v19;
	v13 =	vand.u32 $0x7C, v24;
	v24 =	vadd.f32 v27, v6;
	[tilespmem:v25+s7+$0x0] =	vst.idx.msk $0xffff, v18;
	v18 =	vld [tilespmem:s0+$0xFFFFFF40]  }
0xec: {  	v20 =	vadd.s32 v3, v20;
	v26 =	vmov s11;
	v23 =	vld [tilespmem:s25+$0xFFFFFFD0];
	s0 =	simm.s32 $0xC;
	v25 =	vadd.f32 v30, v6;
	[tilespmem:v31+s7+$0x0] =	vst.idx.msk $0xffff, v63  }
.LBB2_7:
0xed: {  	p0 =	slt.u32 s0, $0x7C;
	s9 =	sadd.s32 $0x1, s29;
	v26 =	vand.u32 $0x7F, v26;
	[tilespmem:v22+s7+$0x0] =	vst.idx.msk $0xffff, v24;
	v17 =	vadd.f32 v17, v6;
	v22 =	vld [tilespmem:s21+$0xFFFFFFF0];
	v24 =	vadd.s32 v3, v12  }
0xee: {  	v30 =	vmovc v11;
	v27 =	vld [tilespmem:s25+$0xFFFFFF10];
	v28 =	vmov s9;
	s9 =	sadd.s32 $0x2, s29;
	v29 =	vadd.s32 v0, v26;
	[tilespmem:v21+s7+$0x0] =	vst.idx.msk $0xffff, v25;
	v16 =	vadd.f32 v16, v4;
	s29 =	smov.u32 s0  }
0xef: {  	v12 =	vmovc v8;
	v21 =	vld [tilespmem:s25+$0xFFFFFF50];
	v11 =	vmov s9;
	[tilespmem:v14+s7+$0x0] =	vst.idx.msk $0xffff, v17;
	v14 =	vadd.s32 v2, v7;
	v15 =	vadd.f32 v15, v4  }
0xf0: {  	v17 =	vadd.s32 v0, v13;
	v28 =	vand.u32 $0x7D, v28;
	v25 =	vld [tilespmem:s25+$0xFFFFFF90];
	v31 =	vadd.f32 v18, v4;
	[tilespmem:v19+s7+$0x0] =	vst.idx.msk $0xffff, v16  }
0xf1: {  	v16 =	vadd.s32 v0, v28;
	v11 =	vand.u32 $0x7E, v11;
	v18 =	vadd.f32 v23, v9;
	v19 =	vld [tilespmem:s21+$0xFFFFFF70];
	[tilespmem:v20+s7+$0x0] =	vst.idx.msk $0xffff, v15  }
0xf2: {  	v8 =	vmov v13;
	v15 =	vadd.s32 v0, v11;
	v20 =	vld [tilespmem:s21+$0xFFFFFFB0];
	v22 =	vadd.f32 v22, v5;
	[tilespmem:v24+s7+$0x0] =	vst.idx.msk $0xffff, v31  }
0xf3: {  	v23 =	vadd.s32 v2, v10;
	v13 =	vadd.f32 v27, v9;
	[tilespmem:v29+s7+$0x0] =	vst.idx.msk $0xffff, v18;
	v18 =	vld [tilespmem:s21+$0xFFFFFF30]  }
0xf4: {  	v27 =	vadd.s32 v2, v30;
	v21 =	vadd.f32 v21, v9;
	v24 =	vld [tilespmem:s25+$0xFFFFFFE0];
	[tilespmem:v14+s7+$0x0] =	vst.idx.msk $0xffff, v22  }
0xf5: {  	[tilespmem:v17+s7+$0x0] =	vst.idx.msk $0xffff, v13;
	v13 =	vadd.f32 v25, v9;
	v25 =	vadd.s32 v2, v12;
	v29 =	vld [tilespmem:s21+$0x0]  }
0xf6: {  	v32 =	vadd.s32 v1, v26;
	v31 =	vld [tilespmem:s25+$0xFFFFFF20];
	[tilespmem:v16+s7+$0x0] =	vst.idx.msk $0xffff, v21;
	v14 =	vadd.f32 v19, v5  }
0xf7: {  	v34 =	vadd.s32 v3, v7;
	v7 =	vmov v26;
	v33 =	vld [tilespmem:s25+$0xFFFFFF60];
	[tilespmem:v15+s7+$0x0] =	vst.idx.msk $0xffff, v13;
	v13 =	vadd.f32 v20, v5  }
.Ltmp2:
0xf8: {  	v22 =	vadd.s32 v1, v8;
	v17 =	vld [tilespmem:s25+$0xFFFFFFA0];
	v15 =	vadd.f32 v18, v5;
	[tilespmem:v23+s7+$0x0] =	vst.idx.msk $0xffff, v14;
	(pc) =	sbr.rel @p0 .LBB2_7-.Ltmp2, $4  }
0xf9: {  	v21 =	vadd.s32 v1, v28;
	v18 =	vadd.f32 v24, v6;
	v16 =	vld [tilespmem:s21+$0xFFFFFF80];
	[tilespmem:v27+s7+$0x0] =	vst.idx.msk $0xffff, v13  }
0xfa: {  	v14 =	vadd.s32 v1, v11;
	v13 =	vmov s0;
	[tilespmem:v25+s7+$0x0] =	vst.idx.msk $0xffff, v15;
	v15 =	vld [tilespmem:s21+$0xFFFFFFC0];
	v27 =	vadd.f32 v29, v4  }
0xfb: {  	s9 =	sadd.s32 $0x3, s0;
	v19 =	vadd.s32 v3, v10;
	v13 =	vand.u32 $0x7C, v13;
	v24 =	vadd.f32 v31, v6;
	[tilespmem:v32+s7+$0x0] =	vst.idx.msk $0xffff, v18;
	v18 =	vld [tilespmem:s21+$0xFFFFFF40];
	s21 =	smov.u32 s25;
	s25 =	sadd.s32 $0x100, s25  }
0xfc: {  	v26 =	vmov s9;
	v10 =	vmovc v28;
	v20 =	vadd.s32 v3, v30;
	s0 =	sadd.s32 $0x4, s0;
	v23 =	vld [tilespmem:s25+$0xFFFFFFD0];
	v25 =	vadd.f32 v33, v6;
	[tilespmem:v34+s7+$0x0] =	vst.idx.msk $0xffff, v27  }
0xfd: {  	s0 =	sadd.s32 $0x1, s29  }
0xfe: {  	v26 =	vand.u32 $0x7F, v26;
	s11 =	sadd.s32 $0x2, s29;
	v28 =	vld [tilespmem:s25+$0xFFFFFF50];
	v27 =	vmov s0  }
0xff: {  	v31 =	vld [tilespmem:s25+$0xFFFFFF90];
	v29 =	vadd.s32 v0, v26;
	v30 =	vmov s11;
	v27 =	vand.u32 $0x7D, v27  }
0x100: {  	v32 =	vld [tilespmem:s25+$0xFFFFFF10];
	v30 =	vand.u32 $0x7E, v30;
	v33 =	vadd.s32 v0, v27  }
0x101: {  	v34 =	vadd.s32 v0, v30  }
0x102: {  	[tilespmem:v22+s7+$0x0] =	vst.idx.msk $0xffff, v24;
	v44 =	vadd.s32 v0, v13;
	v23 =	vadd.f32 v23, v9  }
0x103: {  	[tilespmem:v21+s7+$0x0] =	vst.idx.msk $0xffff, v25;
	v45 =	vadd.f32 v28, v9  }
0x104: {  	v46 =	vadd.f32 v31, v9;
	[tilespmem:v29+s7+$0x0] =	vst.idx.msk $0xffff, v23  }
0x105: {  	v47 =	vadd.f32 v32, v9;
	v48 =	vld [tilespmem:s25+$0xFFFFFFE0];
	[tilespmem:v33+s7+$0x0] =	vst.idx.msk $0xffff, v45  }
0x106: {  	v17 =	vadd.f32 v17, v6;
	v12 =	vadd.s32 v3, v12;
	[tilespmem:v34+s7+$0x0] =	vst.idx.msk $0xffff, v46;
	v21 =	vld [tilespmem:s25+$0xFFFFFF60]  }
0x107: {  	v16 =	vadd.f32 v16, v4;
	v49 =	vadd.s32 v1, v26;
	[tilespmem:v44+s7+$0x0] =	vst.idx.msk $0xffff, v47;
	v50 =	vld [tilespmem:s25+$0xFFFFFFA0]  }
0x108: {  	[tilespmem:v14+s7+$0x0] =	vst.idx.msk $0xffff, v17;
	v51 =	vadd.f32 v15, v4;
	v53 =	vadd.s32 v1, v27;
	v52 =	vld [tilespmem:s25+$0xFFFFFF20]  }
0x109: {  	v54 =	vld [tilespmem:s21+$0xFFFFFFF0];
	v18 =	vadd.f32 v18, v4;
	[tilespmem:v19+s7+$0x0] =	vst.idx.msk $0xffff, v16;
	v55 =	vadd.s32 v1, v30  }
0x10a: {  	v57 =	vadd.s32 v1, v13;
	v60 =	vld [tilespmem:s21+$0xFFFFFFB0];
	[tilespmem:v20+s7+$0x0] =	vst.idx.msk $0xffff, v51;
	v58 =	vadd.f32 v48, v6  }
0x10b: {  	v59 =	vadd.s32 v2, v7;
	v56 =	vld [tilespmem:s21+$0xFFFFFF70];
	[tilespmem:v12+s7+$0x0] =	vst.idx.msk $0xffff, v18;
	v61 =	vadd.f32 v21, v6  }
0x10c: {  	v62 =	vld [tilespmem:s21+$0xFFFFFF30];
	v29 =	vadd.s32 v2, v11;
	[tilespmem:v49+s7+$0x0] =	vst.idx.msk $0xffff, v58;
	v28 =	vadd.f32 v50, v6  }
0x10d: {  	v63 =	vadd.s32 v2, v10;
	v31 =	vadd.f32 v52, v6;
	v32 =	vld [tilespmem:s25+$0xFFFFFFF0];
	[tilespmem:v53+s7+$0x0] =	vst.idx.msk $0xffff, v61  }
0x10e: {  	v33 =	vadd.f32 v54, v5;
	v34 =	vadd.s32 v2, v8;
	[tilespmem:v55+s7+$0x0] =	vst.idx.msk $0xffff, v28;
	v35 =	vld [tilespmem:s25+$0xFFFFFF70]  }
0x10f: {  	v37 =	vadd.s32 v2, v26;
	v39 =	vadd.f32 v60, v5;
	[tilespmem:v57+s7+$0x0] =	vst.idx.msk $0xffff, v31;
	v38 =	vld [tilespmem:s25+$0xFFFFFFB0]  }
0x110: {  	v41 =	vadd.s32 v2, v27;
	v36 =	vadd.f32 v56, v5;
	[tilespmem:v59+s7+$0x0] =	vst.idx.msk $0xffff, v33;
	v40 =	vld [tilespmem:s25+$0xFFFFFF30]  }
0x111: {  	v43 =	vadd.s32 v2, v30;
	v18 =	vadd.f32 v62, v5;
	v42 =	vld [tilespmem:s21+$0x0];
	[tilespmem:v29+s7+$0x0] =	vst.idx.msk $0xffff, v39  }
0x112: {  	v45 =	vadd.s32 v2, v13;
	[tilespmem:v63+s7+$0x0] =	vst.idx.msk $0xffff, v36;
	v47 =	vld [tilespmem:s21+$0xFFFFFFC0];
	v44 =	vadd.f32 v32, v5  }
0x113: {  	v46 =	vadd.s32 v3, v7;
	[tilespmem:v34+s7+$0x0] =	vst.idx.msk $0xffff, v18;
	v21 =	vld [tilespmem:s21+$0xFFFFFF80];
	v9 =	vadd.f32 v35, v5  }
0x114: {  	v18 =	vld [tilespmem:s21+$0xFFFFFF40];
	v50 =	vadd.s32 v3, v11;
	[tilespmem:v37+s7+$0x0] =	vst.idx.msk $0xffff, v44;
	v49 =	vadd.f32 v38, v5  }
0x115: {  	v48 =	vadd.s32 v3, v10;
	v5 =	vadd.f32 v40, v5;
	v12 =	vld [tilespmem:s25+$0x0];
	[tilespmem:v41+s7+$0x0] =	vst.idx.msk $0xffff, v9  }
0x116: {  	v52 =	vadd.s32 v3, v8;
	v51 =	vadd.f32 v42, v4;
	[tilespmem:v43+s7+$0x0] =	vst.idx.msk $0xffff, v49;
	v53 =	vld [tilespmem:s25+$0xFFFFFF80]  }
0x117: {  	v55 =	vadd.s32 v3, v26;
	v56 =	vadd.f32 v47, v4;
	[tilespmem:v45+s7+$0x0] =	vst.idx.msk $0xffff, v5;
	v5 =	vld [tilespmem:s25+$0xFFFFFFC0]  }
0x118: {  	v58 =	vadd.s32 v3, v27;
	[tilespmem:v46+s7+$0x0] =	vst.idx.msk $0xffff, v51;
	v54 =	vadd.f32 v21, v4;
	v57 =	vld [tilespmem:s25+$0xFFFFFF40]  }
0x119: {  	v60 =	vadd.s32 v3, v30;
	v59 =	vadd.f32 v18, v4;
	[tilespmem:v50+s7+$0x0] =	vst.idx.msk $0xffff, v56  }
0x11a: {  	v62 =	vadd.s32 v3, v13;
	[tilespmem:v48+s7+$0x0] =	vst.idx.msk $0xffff, v54;
	v61 =	vadd.f32 v12, v4  }
0x11b: {  	[tilespmem:v52+s7+$0x0] =	vst.idx.msk $0xffff, v59;
	v63 =	vadd.f32 v53, v4  }
0x11c: {  	s8 =	sshll.u32 s8, $0x12;
	[tilespmem:v55+s7+$0x0] =	vst.idx.msk $0xffff, v61;
	v5 =	vadd.f32 v5, v4  }
0x11d: {  	s0 =	sor.u32 s5, s8;
	v4 =	vadd.f32 v57, v4;
	[tilespmem:v58+s7+$0x0] =	vst.idx.msk $0xffff, v63  }
0x11e: {  	s0 =	sshrl.u32 s0, $0x3;
	[tilespmem:v60+s7+$0x0] =	vst.idx.msk $0xffff, v5  }
0x11f: {  	s9 =	simm.s32 $0xF680;
	s8 =	sadd.s32 s3, s0;
	[tilespmem:v62+s7+$0x0] =	vst.idx.msk $0xffff, v4  }
0x120: {  	[hbm4b:s8+s4] =	stream.linear.scatter [tilespmem:s9], [sflag:$0xC], $0x80, $0x38;
	[tilespmem:$0x17E80] =	vst v63  }
0x121: {  	s11 =	simm.s32 $0xF708;
	s9 =	sadd.s32 $0x10, s8  }
0x122: {  	[hbm4b:s9+s4] =	stream.linear.scatter [tilespmem:s11], [sflag:$0xC], $0x80, $0x38;
	[tilespmem:$0x17E80] =	vst v63  }
0x123: {  	s21 =	simm.s32 $0xF790;
	s25 =	sadd.s32 $0x20, s8  }
0x124: {  	[hbm4b:s25+s4] =	stream.linear.scatter [tilespmem:s21], [sflag:$0xC], $0x80, $0x38;
	[tilespmem:$0x17E80] =	vst v63  }
0x125: {  	s9 =	simm.s32 $0xF818;
	s11 =	sadd.s32 $0x30, s8  }
0x126: {  	[hbm4b:s11+s4] =	stream.linear.scatter [tilespmem:s9], [sflag:$0xC], $0x80, $0x38;
	[tilespmem:$0x17E80] =	vst v63  }
0x127: {  	s21 =	simm.s32 $0xF8A0;
	s25 =	sadd.s32 $0x40, s8  }
0x128: {  	[hbm4b:s25+s4] =	stream.linear.scatter [tilespmem:s21], [sflag:$0xC], $0x80, $0x38;
	[tilespmem:$0x17E80] =	vst v63  }
0x129: {  	s0 =	simm.s32 $0x440;
	s9 =	simm.s32 $0xF928;
	s11 =	sadd.s32 $0x50, s8  }
0x12a: {  	[hbm4b:s11+s4] =	stream.linear.scatter [tilespmem:s9], [sflag:$0xC], $0x80, $0x38;
	[tilespmem:$0x17E80] =	vst v63  }
0x12b: {  	s29 =	sadd.s32 $0x70, s8;
	s21 =	simm.s32 $0xF9B0;
	s25 =	sadd.s32 $0x60, s8  }
0x12c: {  	[hbm4b:s25+s4] =	stream.linear.scatter [tilespmem:s21], [sflag:$0xC], $0x80, $0x38;
	[tilespmem:$0x17E80] =	vst v63  }
0x12d: {  	s8 =	sadd.s32 $0x1000, s8;
	s21 =	simm.s32 $0x2200;
	s25 =	simm.s32 $0xFA38  }
.LBB2_9:
0x12e: {  	[hbm4b:s29+s4] =	stream.linear.scatter [tilespmem:s25], [sflag:$0xC], $0x80, $0x38;
	[tilespmem:$0x17E80] =	vst v63  }
0x12f: {  	s9 =	smov.u32 s0;
	s0 =	smov.u32 s21  }
0x130: {  	s11 =	sadd.s32 $0x1100, s21;
	s0 =	sshra.s32 s0, $0x2;
	s25 =	sadd.s32 $0xF680, s9  }
0x131: {  	[hbm4b:s8+s4] =	stream.linear.scatter [tilespmem:s25], [sflag:$0xC], $0x80, $0x38;
	[tilespmem:$0x17E80] =	vst v63  }
0x132: {  	p0 =	sne.s32 s21, $0x7700;
	s21 =	sadd.s32 $0xF708, s9;
	s25 =	sadd.s32 $0x10, s8  }
0x133: {  	[hbm4b:s25+s4] =	stream.linear.scatter [tilespmem:s21], [sflag:$0xC], $0x80, $0x38;
	[tilespmem:$0x17E80] =	vst v63  }
0x134: {  	s21 =	sadd.s32 $0xF790, s9;
	s25 =	sadd.s32 $0x20, s8  }
0x135: {  	[hbm4b:s25+s4] =	stream.linear.scatter [tilespmem:s21], [sflag:$0xC], $0x80, $0x38;
	[tilespmem:$0x17E80] =	vst v63  }
0x136: {  	s21 =	sadd.s32 $0xF818, s9;
	s25 =	sadd.s32 $0x30, s8  }
0x137: {  	[hbm4b:s25+s4] =	stream.linear.scatter [tilespmem:s21], [sflag:$0xC], $0x80, $0x38;
	[tilespmem:$0x17E80] =	vst v63  }
0x138: {  	s21 =	sadd.s32 $0xF8A0, s9;
	s25 =	sadd.s32 $0x40, s8  }
0x139: {  	[hbm4b:s25+s4] =	stream.linear.scatter [tilespmem:s21], [sflag:$0xC], $0x80, $0x38;
	[tilespmem:$0x17E80] =	vst v63  }
.Ltmp3:
0x13a: {  	s21 =	sadd.s32 $0xF928, s9;
	s25 =	sadd.s32 $0x50, s8;
	(pc) =	sbr.rel @p0 .LBB2_9-.Ltmp3, $4  }
0x13b: {  	[hbm4b:s25+s4] =	stream.linear.scatter [tilespmem:s21], [sflag:$0xC], $0x80, $0x38;
	[tilespmem:$0x17E80] =	vst v63  }
0x13c: {  	s29 =	sadd.s32 $0x70, s8;
	s21 =	sadd.s32 $0xF9B0, s9;
	s25 =	sadd.s32 $0x60, s8  }
0x13d: {  	[hbm4b:s25+s4] =	stream.linear.scatter [tilespmem:s21], [sflag:$0xC], $0x80, $0x38;
	[tilespmem:$0x17E80] =	vst v63  }
0x13e: {  	s8 =	sadd.s32 $0x1000, s8;
	s25 =	sadd.s32 $0xFA38, s9;
	s21 =	smov.u32 s11  }
0x13f: {  	[hbm4b:s29+s4] =	stream.linear.scatter [tilespmem:s25], [sflag:$0xC], $0x80, $0x38;
	[tilespmem:$0x17E80] =	vst v63  }
0x140: {  	s9 =	sadd.s32 $0xF680, s0  }
0x141: {  	[hbm4b:s8+s4] =	stream.linear.scatter [tilespmem:s9], [sflag:$0xC], $0x80, $0x38;
	[tilespmem:$0x17E80] =	vst v63  }
0x142: {  	s25 =	sadd.s32 $0xF708, s0;
	s11 =	sadd.s32 $0x10, s8  }
0x143: {  	[hbm4b:s11+s4] =	stream.linear.scatter [tilespmem:s25], [sflag:$0xC], $0x80, $0x38;
	[tilespmem:$0x17E80] =	vst v63  }
0x144: {  	s21 =	sadd.s32 $0xF790, s0;
	s25 =	sadd.s32 $0x20, s8  }
0x145: {  	[hbm4b:s25+s4] =	stream.linear.scatter [tilespmem:s21], [sflag:$0xC], $0x80, $0x38;
	[tilespmem:$0x17E80] =	vst v63  }
0x146: {  	s21 =	sadd.s32 $0xF818, s0;
	s25 =	sadd.s32 $0x30, s8  }
0x147: {  	[hbm4b:s25+s4] =	stream.linear.scatter [tilespmem:s21], [sflag:$0xC], $0x80, $0x38;
	[tilespmem:$0x17E80] =	vst v63  }
0x148: {  	s21 =	sadd.s32 $0xF8A0, s0;
	s25 =	sadd.s32 $0x40, s8  }
0x149: {  	[hbm4b:s25+s4] =	stream.linear.scatter [tilespmem:s21], [sflag:$0xC], $0x80, $0x38;
	[tilespmem:$0x17E80] =	vst v63  }
0x14a: {  	s21 =	sadd.s32 $0xF928, s0;
	s25 =	sadd.s32 $0x50, s8  }
0x14b: {  	[hbm4b:s25+s4] =	stream.linear.scatter [tilespmem:s21], [sflag:$0xC], $0x80, $0x38;
	[tilespmem:$0x17E80] =	vst v63  }
0x14c: {  	s21 =	sadd.s32 $0xF9B0, s0;
	s25 =	sadd.s32 $0x60, s8  }
0x14d: {  	[hbm4b:s25+s4] =	stream.linear.scatter [tilespmem:s21], [sflag:$0xC], $0x80, $0x38;
	[tilespmem:$0x17E80] =	vst v63  }
0x14e: {  	s9 =	sadd.s32 $0xFA38, s0;
	s11 =	sadd.s32 $0x70, s8;
	s21 =	simm.s32 $0xB  }
0x14f: {  	[hbm4b:s11+s4] =	stream.linear.scatter [tilespmem:s9], [sflag:$0xC], $0x80, $0x38;
	[tilespmem:$0x17E80] =	vst v63  }
0x150: {  	_ =	swait.ge [sflag:s21], $0x2000  }
0x151: {  	[sflag:s21] =	ssyncset.done $0x0  }
0x152: {  	s25 =	simm.s32 $0x1;
	[sflag:s21] =	ssyncadd.s32 $0xFFFFE000  }
0x153: {  	_ =	swait.ge [sflag:s25], $0x80  }
0x154: {  	s8 =	simm.s32 $0x3480;
	s9 =	sadd.s32 $0x6, s31;
	[sflag:s25] =	ssyncset.done $0x0  }
0x155: {  	s11 =	sshll.u32 s9, $0x7;
	s0 =	sshll.u32 s9, $0xC;
	[sflag:s25] =	ssyncadd.s32 $0xFFFFFF80  }
0x156: {  	[tilespmem:s8], [sflag:$0x6] =	stream.indirect.gather [hbm4b:s6+s22], $0x40, s18, s22, $0xb8;
	[tilespmem:$0x17E80] =	vst v63  }
0x157: {  	s0 =	sand.u32 $0x3F8000, s0;
	s8 =	sand.u32 $0x380, s11  }
0x158: {  	s0 =	sor.u32 s0, s8  }
0x159: {  	s0 =	sor.u32 s5, s0  }
0x15a: {  	s0 =	sshrl.u32 s0, $0x3  }
0x15b: {  	s9 =	simm.s32 $0x0;
	s21 =	simm.s32 $0x8;
	s0 =	sadd.s32 s1, s0  }
0x15c: {  	[tilespmem:s19], [sflag:$0x2] =	stream.linear.gather [hbm4b:s0+s9], $0x80, $0x38;
	[tilespmem:$0x17E80] =	vst v63  }
0x15d: {  	s8 =	sadd.s32 $0x2, s31;
	_ =	swait.ge [sflag:s21], $0x2000  }
0x15e: {  	s25 =	sshll.u32 s8, $0x6;
	[sflag:s21] =	ssyncset.done $0x0  }
0x15f: {  	s11 =	sand.u32 $0x3FFFFFC0, s25;
	[sflag:s21] =	ssyncadd.s32 $0xFFFFE000  }
0x160: {  	s0 =	simm.s32 $0x7570;
	s21 =	simm.s32 $0x3;
	v9 =	vld [tilespmem:s11+$0x0]  }
0x161: {  	v4 =	vmov s21;
	v7 =	vld [tilespmem:s0+$0xFFFFFFD0]  }
0x162: {  	v13 =	vand.u32 $0x7F, v4  }
0x163: {  	v6 =	vld [tilespmem:s11+$0x10];
	v8 =	vadd.s32 v0, v13  }
0x164: {  	s25 =	simm.s32 $0x2;
	s21 =	simm.s32 $0x1;
	v10 =	vld [tilespmem:s0+$0xFFFFFF10];
	v4 =	vmov s9  }
0x165: {  	v14 =	vmov s25;
	v11 =	vld [tilespmem:s0+$0xFFFFFF50];
	v12 =	vand.u32 $0x7C, v4;
	v4 =	vmov s21  }
0x166: {  	v16 =	vld [tilespmem:s0+$0xFFFFFF90];
	v15 =	vadd.s32 v0, v12;
	v19 =	vand.u32 $0x7D, v4;
	v7 =	vadd.f32 v7, v9  }
0x167: {  	v20 =	vand.u32 $0x7E, v14;
	v5 =	vld [tilespmem:s11+$0x20];
	v17 =	vadd.s32 v0, v19  }
0x168: {  	v14 =	vadd.s32 v0, v20;
	v4 =	vld [tilespmem:s11+$0x30];
	[tilespmem:v8+s15+$0x0] =	vst.idx.msk $0xffff, v7  }
0x169: {  	v7 =	vadd.f32 v10, v9;
	v8 =	vld [tilespmem:s0+$0xFFFFFFE0]  }
0x16a: {  	v10 =	vadd.f32 v11, v9  }
0x16b: {  	v11 =	vadd.s32 v1, v13;
	[tilespmem:v15+s15+$0x0] =	vst.idx.msk $0xffff, v7;
	v7 =	vadd.f32 v16, v9  }
0x16c: {  	[tilespmem:v17+s15+$0x0] =	vst.idx.msk $0xffff, v10;
	v15 =	vld [tilespmem:s0+$0xFFFFFF20]  }
0x16d: {  	v10 =	vld [tilespmem:s0+$0xFFFFFF60];
	[tilespmem:v14+s15+$0x0] =	vst.idx.msk $0xffff, v7  }
0x16e: {  	v14 =	vld [tilespmem:s0+$0xFFFFFFA0];
	v7 =	vadd.f32 v8, v6  }
0x16f: {  	s25 =	simm.s32 $0x7;
	s21 =	simm.s32 $0x7670;
	v16 =	vadd.s32 v1, v19  }
0x170: {  	v26 =	vadd.s32 v2, v13;
	s11 =	simm.s32 $0x4;
	v18 =	vld [tilespmem:s21+$0xFFFFFFD0];
	v17 =	vadd.s32 v1, v20;
	[tilespmem:v11+s15+$0x0] =	vst.idx.msk $0xffff, v7;
	v7 =	vmov s25  }
0x171: {  	v21 =	vadd.s32 v1, v12;
	v8 =	vmov s11;
	v7 =	vand.u32 $0x7F, v7;
	v22 =	vld [tilespmem:s0+$0xFFFFFFF0]  }
0x172: {  	v23 =	vld [tilespmem:s21+$0xFFFFFF10];
	s11 =	simm.s32 $0x5;
	v8 =	vand.u32 $0x7C, v8;
	v10 =	vadd.f32 v10, v6;
	v24 =	vadd.s32 v0, v7  }
0x173: {  	v25 =	vld [tilespmem:s21+$0xFFFFFF50];
	v15 =	vadd.f32 v15, v6;
	s25 =	simm.s32 $0x6;
	v11 =	vadd.f32 v14, v6;
	v14 =	vmov s11  }
0x174: {  	v27 =	vadd.s32 v0, v8;
	[tilespmem:v16+s15+$0x0] =	vst.idx.msk $0xffff, v10;
	v16 =	vmov s25;
	v10 =	vand.u32 $0x7D, v14;
	v14 =	vld [tilespmem:s21+$0xFFFFFF90]  }
0x175: {  	[tilespmem:v17+s15+$0x0] =	vst.idx.msk $0xffff, v11;
	v17 =	vadd.s32 v0, v10;
	v11 =	vand.u32 $0x7E, v16;
	v16 =	vadd.f32 v18, v9;
	v18 =	vld [tilespmem:s0+$0xFFFFFF70]  }
0x176: {  	[tilespmem:v21+s15+$0x0] =	vst.idx.msk $0xffff, v15;
	v15 =	vadd.s32 v0, v11;
	v21 =	vld [tilespmem:s0+$0xFFFFFFB0];
	v22 =	vadd.f32 v22, v5  }
0x177: {  	v23 =	vadd.f32 v23, v9;
	[tilespmem:v24+s15+$0x0] =	vst.idx.msk $0xffff, v16;
	v16 =	vld [tilespmem:s0+$0xFFFFFF30];
	v24 =	vadd.s32 v2, v19  }
0x178: {  	v29 =	vadd.s32 v2, v20;
	v25 =	vadd.f32 v25, v9;
	v28 =	vld [tilespmem:s21+$0xFFFFFFE0];
	[tilespmem:v26+s15+$0x0] =	vst.idx.msk $0xffff, v22  }
0x179: {  	[tilespmem:v27+s15+$0x0] =	vst.idx.msk $0xffff, v23;
	v23 =	vadd.s32 v2, v12;
	v14 =	vadd.f32 v14, v9;
	v26 =	vld [tilespmem:s0+$0x0]  }
0x17a: {  	v27 =	vld [tilespmem:s21+$0xFFFFFF20];
	[tilespmem:v17+s15+$0x0] =	vst.idx.msk $0xffff, v25;
	v25 =	vadd.s32 v1, v7;
	v18 =	vadd.f32 v18, v5  }
0x17b: {  	v31 =	vadd.s32 v3, v13;
	v30 =	vld [tilespmem:s21+$0xFFFFFF60];
	[tilespmem:v15+s15+$0x0] =	vst.idx.msk $0xffff, v14;
	v14 =	vadd.f32 v21, v5  }
0x17c: {  	v22 =	vadd.s32 v1, v8;
	v17 =	vld [tilespmem:s21+$0xFFFFFFA0];
	v13 =	vadd.f32 v16, v5;
	[tilespmem:v24+s15+$0x0] =	vst.idx.msk $0xffff, v18  }
0x17d: {  	s29 =	simm.s32 $0x8;
	v21 =	vadd.s32 v1, v10;
	[tilespmem:v29+s15+$0x0] =	vst.idx.msk $0xffff, v14;
	v18 =	vadd.f32 v28, v6;
	v16 =	vld [tilespmem:s0+$0xFFFFFF80]  }
0x17e: {  	v24 =	vmov s29;
	v14 =	vadd.s32 v1, v11;
	v15 =	vld [tilespmem:s0+$0xFFFFFFC0];
	[tilespmem:v23+s15+$0x0] =	vst.idx.msk $0xffff, v13;
	v63 =	vadd.f32 v26, v4  }
0x17f: {  	s11 =	simm.s32 $0xB;
	s25 =	simm.s32 $0x7770;
	v19 =	vadd.s32 v3, v19;
	v13 =	vand.u32 $0x7C, v24;
	v24 =	vadd.f32 v27, v6;
	[tilespmem:v25+s15+$0x0] =	vst.idx.msk $0xffff, v18;
	v18 =	vld [tilespmem:s0+$0xFFFFFF40]  }
0x180: {  	v20 =	vadd.s32 v3, v20;
	v26 =	vmov s11;
	v23 =	vld [tilespmem:s25+$0xFFFFFFD0];
	s0 =	simm.s32 $0xC;
	v25 =	vadd.f32 v30, v6;
	[tilespmem:v31+s15+$0x0] =	vst.idx.msk $0xffff, v63  }
.LBB2_11:
0x181: {  	p0 =	slt.u32 s0, $0x7C;
	s9 =	sadd.s32 $0x1, s29;
	v26 =	vand.u32 $0x7F, v26;
	[tilespmem:v22+s15+$0x0] =	vst.idx.msk $0xffff, v24;
	v17 =	vadd.f32 v17, v6;
	v22 =	vld [tilespmem:s21+$0xFFFFFFF0];
	v24 =	vadd.s32 v3, v12  }
0x182: {  	v30 =	vmovc v11;
	v27 =	vld [tilespmem:s25+$0xFFFFFF10];
	v28 =	vmov s9;
	s9 =	sadd.s32 $0x2, s29;
	v29 =	vadd.s32 v0, v26;
	[tilespmem:v21+s15+$0x0] =	vst.idx.msk $0xffff, v25;
	v16 =	vadd.f32 v16, v4;
	s29 =	smov.u32 s0  }
0x183: {  	v12 =	vmovc v8;
	v21 =	vld [tilespmem:s25+$0xFFFFFF50];
	v11 =	vmov s9;
	[tilespmem:v14+s15+$0x0] =	vst.idx.msk $0xffff, v17;
	v14 =	vadd.s32 v2, v7;
	v15 =	vadd.f32 v15, v4  }
0x184: {  	v17 =	vadd.s32 v0, v13;
	v28 =	vand.u32 $0x7D, v28;
	v25 =	vld [tilespmem:s25+$0xFFFFFF90];
	v31 =	vadd.f32 v18, v4;
	[tilespmem:v19+s15+$0x0] =	vst.idx.msk $0xffff, v16  }
0x185: {  	v16 =	vadd.s32 v0, v28;
	v11 =	vand.u32 $0x7E, v11;
	v18 =	vadd.f32 v23, v9;
	v19 =	vld [tilespmem:s21+$0xFFFFFF70];
	[tilespmem:v20+s15+$0x0] =	vst.idx.msk $0xffff, v15  }
0x186: {  	v8 =	vmov v13;
	v15 =	vadd.s32 v0, v11;
	v20 =	vld [tilespmem:s21+$0xFFFFFFB0];
	v22 =	vadd.f32 v22, v5;
	[tilespmem:v24+s15+$0x0] =	vst.idx.msk $0xffff, v31  }
0x187: {  	v23 =	vadd.s32 v2, v10;
	v13 =	vadd.f32 v27, v9;
	[tilespmem:v29+s15+$0x0] =	vst.idx.msk $0xffff, v18;
	v18 =	vld [tilespmem:s21+$0xFFFFFF30]  }
0x188: {  	v27 =	vadd.s32 v2, v30;
	v21 =	vadd.f32 v21, v9;
	v24 =	vld [tilespmem:s25+$0xFFFFFFE0];
	[tilespmem:v14+s15+$0x0] =	vst.idx.msk $0xffff, v22  }
0x189: {  	[tilespmem:v17+s15+$0x0] =	vst.idx.msk $0xffff, v13;
	v13 =	vadd.f32 v25, v9;
	v25 =	vadd.s32 v2, v12;
	v29 =	vld [tilespmem:s21+$0x0]  }
0x18a: {  	v32 =	vadd.s32 v1, v26;
	v31 =	vld [tilespmem:s25+$0xFFFFFF20];
	[tilespmem:v16+s15+$0x0] =	vst.idx.msk $0xffff, v21;
	v14 =	vadd.f32 v19, v5  }
0x18b: {  	v34 =	vadd.s32 v3, v7;
	v7 =	vmov v26;
	v33 =	vld [tilespmem:s25+$0xFFFFFF60];
	[tilespmem:v15+s15+$0x0] =	vst.idx.msk $0xffff, v13;
	v13 =	vadd.f32 v20, v5  }
.Ltmp4:
0x18c: {  	v22 =	vadd.s32 v1, v8;
	v17 =	vld [tilespmem:s25+$0xFFFFFFA0];
	v15 =	vadd.f32 v18, v5;
	[tilespmem:v23+s15+$0x0] =	vst.idx.msk $0xffff, v14;
	(pc) =	sbr.rel @p0 .LBB2_11-.Ltmp4, $4  }
0x18d: {  	v21 =	vadd.s32 v1, v28;
	v18 =	vadd.f32 v24, v6;
	v16 =	vld [tilespmem:s21+$0xFFFFFF80];
	[tilespmem:v27+s15+$0x0] =	vst.idx.msk $0xffff, v13  }
0x18e: {  	v14 =	vadd.s32 v1, v11;
	v13 =	vmov s0;
	[tilespmem:v25+s15+$0x0] =	vst.idx.msk $0xffff, v15;
	v15 =	vld [tilespmem:s21+$0xFFFFFFC0];
	v27 =	vadd.f32 v29, v4  }
0x18f: {  	s9 =	sadd.s32 $0x3, s0;
	v19 =	vadd.s32 v3, v10;
	v13 =	vand.u32 $0x7C, v13;
	v24 =	vadd.f32 v31, v6;
	[tilespmem:v32+s15+$0x0] =	vst.idx.msk $0xffff, v18;
	v18 =	vld [tilespmem:s21+$0xFFFFFF40];
	s21 =	smov.u32 s25;
	s25 =	sadd.s32 $0x100, s25  }
0x190: {  	v26 =	vmov s9;
	v10 =	vmovc v28;
	v20 =	vadd.s32 v3, v30;
	s0 =	sadd.s32 $0x4, s0;
	v23 =	vld [tilespmem:s25+$0xFFFFFFD0];
	v25 =	vadd.f32 v33, v6;
	[tilespmem:v34+s15+$0x0] =	vst.idx.msk $0xffff, v27  }
0x191: {  	s0 =	sadd.s32 $0x1, s29  }
0x192: {  	v26 =	vand.u32 $0x7F, v26;
	s11 =	sadd.s32 $0x2, s29;
	v28 =	vld [tilespmem:s25+$0xFFFFFF50];
	v27 =	vmov s0  }
0x193: {  	v31 =	vld [tilespmem:s25+$0xFFFFFF90];
	v29 =	vadd.s32 v0, v26;
	v30 =	vmov s11;
	v27 =	vand.u32 $0x7D, v27  }
0x194: {  	v32 =	vld [tilespmem:s25+$0xFFFFFF10];
	v30 =	vand.u32 $0x7E, v30;
	v33 =	vadd.s32 v0, v27  }
0x195: {  	v34 =	vadd.s32 v0, v30  }
0x196: {  	[tilespmem:v22+s15+$0x0] =	vst.idx.msk $0xffff, v24;
	v44 =	vadd.s32 v0, v13;
	v23 =	vadd.f32 v23, v9  }
0x197: {  	[tilespmem:v21+s15+$0x0] =	vst.idx.msk $0xffff, v25;
	v45 =	vadd.f32 v28, v9  }
0x198: {  	v46 =	vadd.f32 v31, v9;
	[tilespmem:v29+s15+$0x0] =	vst.idx.msk $0xffff, v23  }
0x199: {  	v47 =	vadd.f32 v32, v9;
	v48 =	vld [tilespmem:s25+$0xFFFFFFE0];
	[tilespmem:v33+s15+$0x0] =	vst.idx.msk $0xffff, v45  }
0x19a: {  	v17 =	vadd.f32 v17, v6;
	v12 =	vadd.s32 v3, v12;
	[tilespmem:v34+s15+$0x0] =	vst.idx.msk $0xffff, v46;
	v21 =	vld [tilespmem:s25+$0xFFFFFF60]  }
0x19b: {  	v16 =	vadd.f32 v16, v4;
	v49 =	vadd.s32 v1, v26;
	[tilespmem:v44+s15+$0x0] =	vst.idx.msk $0xffff, v47;
	v50 =	vld [tilespmem:s25+$0xFFFFFFA0]  }
0x19c: {  	[tilespmem:v14+s15+$0x0] =	vst.idx.msk $0xffff, v17;
	v51 =	vadd.f32 v15, v4;
	v53 =	vadd.s32 v1, v27;
	v52 =	vld [tilespmem:s25+$0xFFFFFF20]  }
0x19d: {  	v54 =	vld [tilespmem:s21+$0xFFFFFFF0];
	v18 =	vadd.f32 v18, v4;
	[tilespmem:v19+s15+$0x0] =	vst.idx.msk $0xffff, v16;
	v55 =	vadd.s32 v1, v30  }
0x19e: {  	v57 =	vadd.s32 v1, v13;
	v60 =	vld [tilespmem:s21+$0xFFFFFFB0];
	[tilespmem:v20+s15+$0x0] =	vst.idx.msk $0xffff, v51;
	v58 =	vadd.f32 v48, v6  }
0x19f: {  	v59 =	vadd.s32 v2, v7;
	v56 =	vld [tilespmem:s21+$0xFFFFFF70];
	[tilespmem:v12+s15+$0x0] =	vst.idx.msk $0xffff, v18;
	v61 =	vadd.f32 v21, v6  }
0x1a0: {  	v62 =	vld [tilespmem:s21+$0xFFFFFF30];
	v29 =	vadd.s32 v2, v11;
	[tilespmem:v49+s15+$0x0] =	vst.idx.msk $0xffff, v58;
	v28 =	vadd.f32 v50, v6  }
0x1a1: {  	v63 =	vadd.s32 v2, v10;
	v31 =	vadd.f32 v52, v6;
	v32 =	vld [tilespmem:s25+$0xFFFFFFF0];
	[tilespmem:v53+s15+$0x0] =	vst.idx.msk $0xffff, v61  }
0x1a2: {  	v33 =	vadd.f32 v54, v5;
	v34 =	vadd.s32 v2, v8;
	[tilespmem:v55+s15+$0x0] =	vst.idx.msk $0xffff, v28;
	v35 =	vld [tilespmem:s25+$0xFFFFFF70]  }
0x1a3: {  	v37 =	vadd.s32 v2, v26;
	v39 =	vadd.f32 v60, v5;
	[tilespmem:v57+s15+$0x0] =	vst.idx.msk $0xffff, v31;
	v38 =	vld [tilespmem:s25+$0xFFFFFFB0]  }
0x1a4: {  	v41 =	vadd.s32 v2, v27;
	v36 =	vadd.f32 v56, v5;
	[tilespmem:v59+s15+$0x0] =	vst.idx.msk $0xffff, v33;
	v40 =	vld [tilespmem:s25+$0xFFFFFF30]  }
0x1a5: {  	v43 =	vadd.s32 v2, v30;
	v18 =	vadd.f32 v62, v5;
	v42 =	vld [tilespmem:s21+$0x0];
	[tilespmem:v29+s15+$0x0] =	vst.idx.msk $0xffff, v39  }
0x1a6: {  	v45 =	vadd.s32 v2, v13;
	[tilespmem:v63+s15+$0x0] =	vst.idx.msk $0xffff, v36;
	v47 =	vld [tilespmem:s21+$0xFFFFFFC0];
	v44 =	vadd.f32 v32, v5  }
0x1a7: {  	v46 =	vadd.s32 v3, v7;
	[tilespmem:v34+s15+$0x0] =	vst.idx.msk $0xffff, v18;
	v21 =	vld [tilespmem:s21+$0xFFFFFF80];
	v9 =	vadd.f32 v35, v5  }
0x1a8: {  	v18 =	vld [tilespmem:s21+$0xFFFFFF40];
	v50 =	vadd.s32 v3, v11;
	[tilespmem:v37+s15+$0x0] =	vst.idx.msk $0xffff, v44;
	v49 =	vadd.f32 v38, v5  }
0x1a9: {  	v48 =	vadd.s32 v3, v10;
	v5 =	vadd.f32 v40, v5;
	v12 =	vld [tilespmem:s25+$0x0];
	[tilespmem:v41+s15+$0x0] =	vst.idx.msk $0xffff, v9  }
0x1aa: {  	v52 =	vadd.s32 v3, v8;
	v51 =	vadd.f32 v42, v4;
	[tilespmem:v43+s15+$0x0] =	vst.idx.msk $0xffff, v49;
	v53 =	vld [tilespmem:s25+$0xFFFFFF80]  }
0x1ab: {  	v55 =	vadd.s32 v3, v26;
	v56 =	vadd.f32 v47, v4;
	[tilespmem:v45+s15+$0x0] =	vst.idx.msk $0xffff, v5;
	v5 =	vld [tilespmem:s25+$0xFFFFFFC0]  }
0x1ac: {  	v58 =	vadd.s32 v3, v27;
	[tilespmem:v46+s15+$0x0] =	vst.idx.msk $0xffff, v51;
	v54 =	vadd.f32 v21, v4;
	v57 =	vld [tilespmem:s25+$0xFFFFFF40]  }
0x1ad: {  	v60 =	vadd.s32 v3, v30;
	v59 =	vadd.f32 v18, v4;
	[tilespmem:v50+s15+$0x0] =	vst.idx.msk $0xffff, v56  }
0x1ae: {  	v62 =	vadd.s32 v3, v13;
	[tilespmem:v48+s15+$0x0] =	vst.idx.msk $0xffff, v54;
	v61 =	vadd.f32 v12, v4  }
0x1af: {  	[tilespmem:v52+s15+$0x0] =	vst.idx.msk $0xffff, v59;
	v63 =	vadd.f32 v53, v4  }
0x1b0: {  	s8 =	sshll.u32 s8, $0x12;
	[tilespmem:v55+s15+$0x0] =	vst.idx.msk $0xffff, v61;
	v5 =	vadd.f32 v5, v4  }
0x1b1: {  	s0 =	sor.u32 s5, s8;
	v4 =	vadd.f32 v57, v4;
	[tilespmem:v58+s15+$0x0] =	vst.idx.msk $0xffff, v63  }
0x1b2: {  	s0 =	sshrl.u32 s0, $0x3;
	[tilespmem:v60+s15+$0x0] =	vst.idx.msk $0xffff, v5  }
0x1b3: {  	s9 =	simm.s32 $0x11880;
	s8 =	sadd.s32 s3, s0;
	[tilespmem:v62+s15+$0x0] =	vst.idx.msk $0xffff, v4  }
0x1b4: {  	[hbm4b:s8+s4] =	stream.linear.scatter [tilespmem:s9], [sflag:$0xD], $0x80, $0x38;
	[tilespmem:$0x17E80] =	vst v63  }
0x1b5: {  	s11 =	simm.s32 $0x11908;
	s9 =	sadd.s32 $0x10, s8  }
0x1b6: {  	[hbm4b:s9+s4] =	stream.linear.scatter [tilespmem:s11], [sflag:$0xD], $0x80, $0x38;
	[tilespmem:$0x17E80] =	vst v63  }
0x1b7: {  	s21 =	simm.s32 $0x11990;
	s25 =	sadd.s32 $0x20, s8  }
0x1b8: {  	[hbm4b:s25+s4] =	stream.linear.scatter [tilespmem:s21], [sflag:$0xD], $0x80, $0x38;
	[tilespmem:$0x17E80] =	vst v63  }
0x1b9: {  	s9 =	simm.s32 $0x11A18;
	s11 =	sadd.s32 $0x30, s8  }
0x1ba: {  	[hbm4b:s11+s4] =	stream.linear.scatter [tilespmem:s9], [sflag:$0xD], $0x80, $0x38;
	[tilespmem:$0x17E80] =	vst v63  }
0x1bb: {  	s21 =	simm.s32 $0x11AA0;
	s25 =	sadd.s32 $0x40, s8  }
0x1bc: {  	[hbm4b:s25+s4] =	stream.linear.scatter [tilespmem:s21], [sflag:$0xD], $0x80, $0x38;
	[tilespmem:$0x17E80] =	vst v63  }
0x1bd: {  	s0 =	simm.s32 $0x440;
	s9 =	simm.s32 $0x11B28;
	s11 =	sadd.s32 $0x50, s8  }
0x1be: {  	[hbm4b:s11+s4] =	stream.linear.scatter [tilespmem:s9], [sflag:$0xD], $0x80, $0x38;
	[tilespmem:$0x17E80] =	vst v63  }
0x1bf: {  	s29 =	sadd.s32 $0x70, s8;
	s21 =	simm.s32 $0x11BB0;
	s25 =	sadd.s32 $0x60, s8  }
0x1c0: {  	[hbm4b:s25+s4] =	stream.linear.scatter [tilespmem:s21], [sflag:$0xD], $0x80, $0x38;
	[tilespmem:$0x17E80] =	vst v63  }
0x1c1: {  	s8 =	sadd.s32 $0x1000, s8;
	s21 =	simm.s32 $0x2200;
	s25 =	simm.s32 $0x11C38  }
.LBB2_13:
0x1c2: {  	[hbm4b:s29+s4] =	stream.linear.scatter [tilespmem:s25], [sflag:$0xD], $0x80, $0x38;
	[tilespmem:$0x17E80] =	vst v63  }
0x1c3: {  	s9 =	smov.u32 s0;
	s0 =	smov.u32 s21  }
0x1c4: {  	s11 =	sadd.s32 $0x1100, s21;
	s0 =	sshra.s32 s0, $0x2;
	s25 =	sadd.s32 $0x11880, s9  }
0x1c5: {  	[hbm4b:s8+s4] =	stream.linear.scatter [tilespmem:s25], [sflag:$0xD], $0x80, $0x38;
	[tilespmem:$0x17E80] =	vst v63  }
0x1c6: {  	p0 =	sne.s32 s21, $0x7700;
	s21 =	sadd.s32 $0x11908, s9;
	s25 =	sadd.s32 $0x10, s8  }
0x1c7: {  	[hbm4b:s25+s4] =	stream.linear.scatter [tilespmem:s21], [sflag:$0xD], $0x80, $0x38;
	[tilespmem:$0x17E80] =	vst v63  }
0x1c8: {  	s21 =	sadd.s32 $0x11990, s9;
	s25 =	sadd.s32 $0x20, s8  }
0x1c9: {  	[hbm4b:s25+s4] =	stream.linear.scatter [tilespmem:s21], [sflag:$0xD], $0x80, $0x38;
	[tilespmem:$0x17E80] =	vst v63  }
0x1ca: {  	s21 =	sadd.s32 $0x11A18, s9;
	s25 =	sadd.s32 $0x30, s8  }
0x1cb: {  	[hbm4b:s25+s4] =	stream.linear.scatter [tilespmem:s21], [sflag:$0xD], $0x80, $0x38;
	[tilespmem:$0x17E80] =	vst v63  }
0x1cc: {  	s21 =	sadd.s32 $0x11AA0, s9;
	s25 =	sadd.s32 $0x40, s8  }
0x1cd: {  	[hbm4b:s25+s4] =	stream.linear.scatter [tilespmem:s21], [sflag:$0xD], $0x80, $0x38;
	[tilespmem:$0x17E80] =	vst v63  }
.Ltmp5:
0x1ce: {  	s21 =	sadd.s32 $0x11B28, s9;
	s25 =	sadd.s32 $0x50, s8;
	(pc) =	sbr.rel @p0 .LBB2_13-.Ltmp5, $4  }
0x1cf: {  	[hbm4b:s25+s4] =	stream.linear.scatter [tilespmem:s21], [sflag:$0xD], $0x80, $0x38;
	[tilespmem:$0x17E80] =	vst v63  }
0x1d0: {  	s29 =	sadd.s32 $0x70, s8;
	s21 =	sadd.s32 $0x11BB0, s9;
	s25 =	sadd.s32 $0x60, s8  }
0x1d1: {  	[hbm4b:s25+s4] =	stream.linear.scatter [tilespmem:s21], [sflag:$0xD], $0x80, $0x38;
	[tilespmem:$0x17E80] =	vst v63  }
0x1d2: {  	s8 =	sadd.s32 $0x1000, s8;
	s25 =	sadd.s32 $0x11C38, s9;
	s21 =	smov.u32 s11  }
0x1d3: {  	[hbm4b:s29+s4] =	stream.linear.scatter [tilespmem:s25], [sflag:$0xD], $0x80, $0x38;
	[tilespmem:$0x17E80] =	vst v63  }
0x1d4: {  	s9 =	sadd.s32 $0x11880, s0  }
0x1d5: {  	[hbm4b:s8+s4] =	stream.linear.scatter [tilespmem:s9], [sflag:$0xD], $0x80, $0x38;
	[tilespmem:$0x17E80] =	vst v63  }
0x1d6: {  	s25 =	sadd.s32 $0x11908, s0;
	s11 =	sadd.s32 $0x10, s8  }
0x1d7: {  	[hbm4b:s11+s4] =	stream.linear.scatter [tilespmem:s25], [sflag:$0xD], $0x80, $0x38;
	[tilespmem:$0x17E80] =	vst v63  }
0x1d8: {  	s21 =	sadd.s32 $0x11990, s0;
	s25 =	sadd.s32 $0x20, s8  }
0x1d9: {  	[hbm4b:s25+s4] =	stream.linear.scatter [tilespmem:s21], [sflag:$0xD], $0x80, $0x38;
	[tilespmem:$0x17E80] =	vst v63  }
0x1da: {  	s21 =	sadd.s32 $0x11A18, s0;
	s25 =	sadd.s32 $0x30, s8  }
0x1db: {  	[hbm4b:s25+s4] =	stream.linear.scatter [tilespmem:s21], [sflag:$0xD], $0x80, $0x38;
	[tilespmem:$0x17E80] =	vst v63  }
0x1dc: {  	s21 =	sadd.s32 $0x11AA0, s0;
	s25 =	sadd.s32 $0x40, s8  }
0x1dd: {  	[hbm4b:s25+s4] =	stream.linear.scatter [tilespmem:s21], [sflag:$0xD], $0x80, $0x38;
	[tilespmem:$0x17E80] =	vst v63  }
0x1de: {  	s21 =	sadd.s32 $0x11B28, s0;
	s25 =	sadd.s32 $0x50, s8  }
0x1df: {  	[hbm4b:s25+s4] =	stream.linear.scatter [tilespmem:s21], [sflag:$0xD], $0x80, $0x38;
	[tilespmem:$0x17E80] =	vst v63  }
0x1e0: {  	s21 =	sadd.s32 $0x11BB0, s0;
	s25 =	sadd.s32 $0x60, s8  }
0x1e1: {  	[hbm4b:s25+s4] =	stream.linear.scatter [tilespmem:s21], [sflag:$0xD], $0x80, $0x38;
	[tilespmem:$0x17E80] =	vst v63  }
0x1e2: {  	s11 =	sadd.s32 $0x11C38, s0;
	s21 =	sadd.s32 $0x70, s8;
	s25 =	simm.s32 $0xC  }
0x1e3: {  	[hbm4b:s21+s4] =	stream.linear.scatter [tilespmem:s11], [sflag:$0xD], $0x80, $0x38;
	[tilespmem:$0x17E80] =	vst v63  }
0x1e4: {  	_ =	swait.ge [sflag:s25], $0x2000  }
0x1e5: {  	[sflag:s25] =	ssyncset.done $0x0  }
0x1e6: {  	s8 =	simm.s32 $0x2;
	[sflag:s25] =	ssyncadd.s32 $0xFFFFE000  }
0x1e7: {  	s9 =	simm.s32 $0x5480;
	s11 =	sadd.s32 $0x7, s31;
	_ =	swait.ge [sflag:s8], $0x80  }
0x1e8: {  	s21 =	sshll.u32 s11, $0x7;
	s0 =	sshll.u32 s11, $0xC;
	[sflag:s8] =	ssyncset.done $0x0  }
0x1e9: {  	s0 =	sand.u32 $0x3F8000, s0;
	[sflag:s8] =	ssyncadd.s32 $0xFFFFFF80;
	s8 =	sand.u32 $0x380, s21  }
0x1ea: {  	[tilespmem:s9], [sflag:$0x7] =	stream.indirect.gather [hbm4b:s6+s22], $0x40, s19, s22, $0xb8;
	[tilespmem:$0x17E80] =	vst v63  }
0x1eb: {  	s0 =	sor.u32 s0, s8  }
0x1ec: {  	s0 =	sor.u32 s5, s0  }
0x1ed: {  	s0 =	sshrl.u32 s0, $0x3  }
0x1ee: {  	s25 =	simm.s32 $0x0;
	s0 =	sadd.s32 s1, s0  }
0x1ef: {  	[tilespmem:s14], [sflag:$0x3] =	stream.linear.gather [hbm4b:s0+s25], $0x80, $0x38;
	[tilespmem:$0x17E80] =	vst v63  }
0x1f0: {  	s8 =	sadd.s32 $0x3, s31;
	_ =	swait.ge [sflag:s17], $0x2000  }
0x1f1: {  	s11 =	sshll.u32 s8, $0x6;
	[sflag:s17] =	ssyncset.done $0x0  }
0x1f2: {  	s11 =	sand.u32 $0x3FFFFFC0, s11;
	[sflag:s17] =	ssyncadd.s32 $0xFFFFE000  }
0x1f3: {  	s21 =	simm.s32 $0x3;
	s0 =	simm.s32 $0x9570;
	v9 =	vld [tilespmem:s11+$0x0]  }
0x1f4: {  	v4 =	vmov s21;
	v7 =	vld [tilespmem:s0+$0xFFFFFFD0]  }
0x1f5: {  	v13 =	vand.u32 $0x7F, v4  }
0x1f6: {  	v4 =	vmov s25;
	v8 =	vadd.s32 v0, v13;
	v6 =	vld [tilespmem:s11+$0x10]  }
0x1f7: {  	s21 =	simm.s32 $0x1;
	v12 =	vand.u32 $0x7C, v4;
	v10 =	vld [tilespmem:s0+$0xFFFFFF10]  }
0x1f8: {  	v4 =	vmov s21;
	v15 =	vadd.s32 v0, v12;
	s25 =	simm.s32 $0x2;
	v11 =	vld [tilespmem:s0+$0xFFFFFF50]  }
0x1f9: {  	v19 =	vand.u32 $0x7D, v4;
	v14 =	vmov s25;
	v16 =	vld [tilespmem:s0+$0xFFFFFF90];
	v7 =	vadd.f32 v7, v9  }
0x1fa: {  	v17 =	vadd.s32 v0, v19;
	v20 =	vand.u32 $0x7E, v14;
	v5 =	vld [tilespmem:s11+$0x20]  }
0x1fb: {  	v14 =	vadd.s32 v0, v20;
	v4 =	vld [tilespmem:s11+$0x30];
	[tilespmem:v8+s12+$0x0] =	vst.idx.msk $0xffff, v7  }
0x1fc: {  	v7 =	vadd.f32 v10, v9;
	v8 =	vld [tilespmem:s0+$0xFFFFFFE0]  }
0x1fd: {  	v10 =	vadd.f32 v11, v9  }
0x1fe: {  	v11 =	vadd.s32 v1, v13;
	[tilespmem:v15+s12+$0x0] =	vst.idx.msk $0xffff, v7;
	v7 =	vadd.f32 v16, v9  }
0x1ff: {  	[tilespmem:v17+s12+$0x0] =	vst.idx.msk $0xffff, v10;
	v15 =	vld [tilespmem:s0+$0xFFFFFF20]  }
0x200: {  	v10 =	vld [tilespmem:s0+$0xFFFFFF60];
	[tilespmem:v14+s12+$0x0] =	vst.idx.msk $0xffff, v7  }
0x201: {  	v14 =	vld [tilespmem:s0+$0xFFFFFFA0];
	v7 =	vadd.f32 v8, v6  }
0x202: {  	s21 =	simm.s32 $0x9670;
	s25 =	simm.s32 $0x7;
	v16 =	vadd.s32 v1, v19  }
0x203: {  	v26 =	vadd.s32 v2, v13;
	s11 =	simm.s32 $0x4;
	v18 =	vld [tilespmem:s21+$0xFFFFFFD0];
	v17 =	vadd.s32 v1, v20;
	[tilespmem:v11+s12+$0x0] =	vst.idx.msk $0xffff, v7;
	v7 =	vmov s25  }
0x204: {  	v21 =	vadd.s32 v1, v12;
	v8 =	vmov s11;
	v7 =	vand.u32 $0x7F, v7;
	v22 =	vld [tilespmem:s0+$0xFFFFFFF0]  }
0x205: {  	v23 =	vld [tilespmem:s21+$0xFFFFFF10];
	s11 =	simm.s32 $0x5;
	v8 =	vand.u32 $0x7C, v8;
	v10 =	vadd.f32 v10, v6;
	v24 =	vadd.s32 v0, v7  }
0x206: {  	v25 =	vld [tilespmem:s21+$0xFFFFFF50];
	v15 =	vadd.f32 v15, v6;
	s25 =	simm.s32 $0x6;
	v11 =	vadd.f32 v14, v6;
	v14 =	vmov s11  }
0x207: {  	v27 =	vadd.s32 v0, v8;
	[tilespmem:v16+s12+$0x0] =	vst.idx.msk $0xffff, v10;
	v16 =	vmov s25;
	v10 =	vand.u32 $0x7D, v14;
	v14 =	vld [tilespmem:s21+$0xFFFFFF90]  }
0x208: {  	[tilespmem:v17+s12+$0x0] =	vst.idx.msk $0xffff, v11;
	v17 =	vadd.s32 v0, v10;
	v11 =	vand.u32 $0x7E, v16;
	v16 =	vadd.f32 v18, v9;
	v18 =	vld [tilespmem:s0+$0xFFFFFF70]  }
0x209: {  	[tilespmem:v21+s12+$0x0] =	vst.idx.msk $0xffff, v15;
	v15 =	vadd.s32 v0, v11;
	v21 =	vld [tilespmem:s0+$0xFFFFFFB0];
	v22 =	vadd.f32 v22, v5  }
0x20a: {  	v23 =	vadd.f32 v23, v9;
	[tilespmem:v24+s12+$0x0] =	vst.idx.msk $0xffff, v16;
	v16 =	vld [tilespmem:s0+$0xFFFFFF30];
	v24 =	vadd.s32 v2, v19  }
0x20b: {  	v29 =	vadd.s32 v2, v20;
	v25 =	vadd.f32 v25, v9;
	v28 =	vld [tilespmem:s21+$0xFFFFFFE0];
	[tilespmem:v26+s12+$0x0] =	vst.idx.msk $0xffff, v22  }
0x20c: {  	[tilespmem:v27+s12+$0x0] =	vst.idx.msk $0xffff, v23;
	v23 =	vadd.s32 v2, v12;
	v14 =	vadd.f32 v14, v9;
	v26 =	vld [tilespmem:s0+$0x0]  }
0x20d: {  	v27 =	vld [tilespmem:s21+$0xFFFFFF20];
	[tilespmem:v17+s12+$0x0] =	vst.idx.msk $0xffff, v25;
	v25 =	vadd.s32 v1, v7;
	v18 =	vadd.f32 v18, v5  }
0x20e: {  	v31 =	vadd.s32 v3, v13;
	v30 =	vld [tilespmem:s21+$0xFFFFFF60];
	[tilespmem:v15+s12+$0x0] =	vst.idx.msk $0xffff, v14;
	v14 =	vadd.f32 v21, v5  }
0x20f: {  	v22 =	vadd.s32 v1, v8;
	v17 =	vld [tilespmem:s21+$0xFFFFFFA0];
	v13 =	vadd.f32 v16, v5;
	[tilespmem:v24+s12+$0x0] =	vst.idx.msk $0xffff, v18  }
0x210: {  	s29 =	simm.s32 $0x8;
	v21 =	vadd.s32 v1, v10;
	[tilespmem:v29+s12+$0x0] =	vst.idx.msk $0xffff, v14;
	v18 =	vadd.f32 v28, v6;
	v16 =	vld [tilespmem:s0+$0xFFFFFF80]  }
0x211: {  	v24 =	vmov s29;
	v14 =	vadd.s32 v1, v11;
	v15 =	vld [tilespmem:s0+$0xFFFFFFC0];
	[tilespmem:v23+s12+$0x0] =	vst.idx.msk $0xffff, v13;
	v63 =	vadd.f32 v26, v4  }
0x212: {  	s11 =	simm.s32 $0xB;
	s25 =	simm.s32 $0x9770;
	v19 =	vadd.s32 v3, v19;
	v13 =	vand.u32 $0x7C, v24;
	v24 =	vadd.f32 v27, v6;
	[tilespmem:v25+s12+$0x0] =	vst.idx.msk $0xffff, v18;
	v18 =	vld [tilespmem:s0+$0xFFFFFF40]  }
0x213: {  	v20 =	vadd.s32 v3, v20;
	v26 =	vmov s11;
	v23 =	vld [tilespmem:s25+$0xFFFFFFD0];
	s0 =	simm.s32 $0xC;
	v25 =	vadd.f32 v30, v6;
	[tilespmem:v31+s12+$0x0] =	vst.idx.msk $0xffff, v63  }
.LBB2_15:
0x214: {  	p0 =	slt.u32 s0, $0x7C;
	s9 =	sadd.s32 $0x1, s29;
	v26 =	vand.u32 $0x7F, v26;
	[tilespmem:v22+s12+$0x0] =	vst.idx.msk $0xffff, v24;
	v17 =	vadd.f32 v17, v6;
	v22 =	vld [tilespmem:s21+$0xFFFFFFF0];
	v24 =	vadd.s32 v3, v12  }
0x215: {  	v30 =	vmovc v11;
	v27 =	vld [tilespmem:s25+$0xFFFFFF10];
	v28 =	vmov s9;
	s9 =	sadd.s32 $0x2, s29;
	v29 =	vadd.s32 v0, v26;
	[tilespmem:v21+s12+$0x0] =	vst.idx.msk $0xffff, v25;
	v16 =	vadd.f32 v16, v4;
	s29 =	smov.u32 s0  }
0x216: {  	v12 =	vmovc v8;
	v21 =	vld [tilespmem:s25+$0xFFFFFF50];
	v11 =	vmov s9;
	[tilespmem:v14+s12+$0x0] =	vst.idx.msk $0xffff, v17;
	v14 =	vadd.s32 v2, v7;
	v15 =	vadd.f32 v15, v4  }
0x217: {  	v17 =	vadd.s32 v0, v13;
	v28 =	vand.u32 $0x7D, v28;
	v25 =	vld [tilespmem:s25+$0xFFFFFF90];
	v31 =	vadd.f32 v18, v4;
	[tilespmem:v19+s12+$0x0] =	vst.idx.msk $0xffff, v16  }
0x218: {  	v16 =	vadd.s32 v0, v28;
	v11 =	vand.u32 $0x7E, v11;
	v18 =	vadd.f32 v23, v9;
	v19 =	vld [tilespmem:s21+$0xFFFFFF70];
	[tilespmem:v20+s12+$0x0] =	vst.idx.msk $0xffff, v15  }
0x219: {  	v8 =	vmov v13;
	v15 =	vadd.s32 v0, v11;
	v20 =	vld [tilespmem:s21+$0xFFFFFFB0];
	v22 =	vadd.f32 v22, v5;
	[tilespmem:v24+s12+$0x0] =	vst.idx.msk $0xffff, v31  }
0x21a: {  	v23 =	vadd.s32 v2, v10;
	v13 =	vadd.f32 v27, v9;
	[tilespmem:v29+s12+$0x0] =	vst.idx.msk $0xffff, v18;
	v18 =	vld [tilespmem:s21+$0xFFFFFF30]  }
0x21b: {  	v27 =	vadd.s32 v2, v30;
	v21 =	vadd.f32 v21, v9;
	v24 =	vld [tilespmem:s25+$0xFFFFFFE0];
	[tilespmem:v14+s12+$0x0] =	vst.idx.msk $0xffff, v22  }
0x21c: {  	[tilespmem:v17+s12+$0x0] =	vst.idx.msk $0xffff, v13;
	v13 =	vadd.f32 v25, v9;
	v25 =	vadd.s32 v2, v12;
	v29 =	vld [tilespmem:s21+$0x0]  }
0x21d: {  	v32 =	vadd.s32 v1, v26;
	v31 =	vld [tilespmem:s25+$0xFFFFFF20];
	[tilespmem:v16+s12+$0x0] =	vst.idx.msk $0xffff, v21;
	v14 =	vadd.f32 v19, v5  }
0x21e: {  	v34 =	vadd.s32 v3, v7;
	v7 =	vmov v26;
	v33 =	vld [tilespmem:s25+$0xFFFFFF60];
	[tilespmem:v15+s12+$0x0] =	vst.idx.msk $0xffff, v13;
	v13 =	vadd.f32 v20, v5  }
.Ltmp6:
0x21f: {  	v22 =	vadd.s32 v1, v8;
	v17 =	vld [tilespmem:s25+$0xFFFFFFA0];
	v15 =	vadd.f32 v18, v5;
	[tilespmem:v23+s12+$0x0] =	vst.idx.msk $0xffff, v14;
	(pc) =	sbr.rel @p0 .LBB2_15-.Ltmp6, $4  }
0x220: {  	v21 =	vadd.s32 v1, v28;
	v18 =	vadd.f32 v24, v6;
	v16 =	vld [tilespmem:s21+$0xFFFFFF80];
	[tilespmem:v27+s12+$0x0] =	vst.idx.msk $0xffff, v13  }
0x221: {  	v14 =	vadd.s32 v1, v11;
	v13 =	vmov s0;
	[tilespmem:v25+s12+$0x0] =	vst.idx.msk $0xffff, v15;
	v15 =	vld [tilespmem:s21+$0xFFFFFFC0];
	v27 =	vadd.f32 v29, v4  }
0x222: {  	s9 =	sadd.s32 $0x3, s0;
	v19 =	vadd.s32 v3, v10;
	v13 =	vand.u32 $0x7C, v13;
	v24 =	vadd.f32 v31, v6;
	[tilespmem:v32+s12+$0x0] =	vst.idx.msk $0xffff, v18;
	v18 =	vld [tilespmem:s21+$0xFFFFFF40];
	s21 =	smov.u32 s25;
	s25 =	sadd.s32 $0x100, s25  }
0x223: {  	v26 =	vmov s9;
	v10 =	vmovc v28;
	v20 =	vadd.s32 v3, v30;
	s0 =	sadd.s32 $0x4, s0;
	v23 =	vld [tilespmem:s25+$0xFFFFFFD0];
	v25 =	vadd.f32 v33, v6;
	[tilespmem:v34+s12+$0x0] =	vst.idx.msk $0xffff, v27  }
0x224: {  	s0 =	sadd.s32 $0x1, s29  }
0x225: {  	v26 =	vand.u32 $0x7F, v26;
	s11 =	sadd.s32 $0x2, s29;
	v28 =	vld [tilespmem:s25+$0xFFFFFF50];
	v27 =	vmov s0  }
0x226: {  	v31 =	vld [tilespmem:s25+$0xFFFFFF90];
	v29 =	vadd.s32 v0, v26;
	v30 =	vmov s11;
	v27 =	vand.u32 $0x7D, v27  }
0x227: {  	v32 =	vld [tilespmem:s25+$0xFFFFFF10];
	v30 =	vand.u32 $0x7E, v30;
	v33 =	vadd.s32 v0, v27  }
0x228: {  	v34 =	vadd.s32 v0, v30  }
0x229: {  	[tilespmem:v22+s12+$0x0] =	vst.idx.msk $0xffff, v24;
	v44 =	vadd.s32 v0, v13;
	v23 =	vadd.f32 v23, v9  }
0x22a: {  	[tilespmem:v21+s12+$0x0] =	vst.idx.msk $0xffff, v25;
	v45 =	vadd.f32 v28, v9  }
0x22b: {  	v46 =	vadd.f32 v31, v9;
	[tilespmem:v29+s12+$0x0] =	vst.idx.msk $0xffff, v23  }
0x22c: {  	v47 =	vadd.f32 v32, v9;
	v48 =	vld [tilespmem:s25+$0xFFFFFFE0];
	[tilespmem:v33+s12+$0x0] =	vst.idx.msk $0xffff, v45  }
0x22d: {  	v17 =	vadd.f32 v17, v6;
	v12 =	vadd.s32 v3, v12;
	[tilespmem:v34+s12+$0x0] =	vst.idx.msk $0xffff, v46;
	v21 =	vld [tilespmem:s25+$0xFFFFFF60]  }
0x22e: {  	v16 =	vadd.f32 v16, v4;
	v49 =	vadd.s32 v1, v26;
	[tilespmem:v44+s12+$0x0] =	vst.idx.msk $0xffff, v47;
	v50 =	vld [tilespmem:s25+$0xFFFFFFA0]  }
0x22f: {  	[tilespmem:v14+s12+$0x0] =	vst.idx.msk $0xffff, v17;
	v51 =	vadd.f32 v15, v4;
	v53 =	vadd.s32 v1, v27;
	v52 =	vld [tilespmem:s25+$0xFFFFFF20]  }
0x230: {  	v54 =	vld [tilespmem:s21+$0xFFFFFFF0];
	v18 =	vadd.f32 v18, v4;
	[tilespmem:v19+s12+$0x0] =	vst.idx.msk $0xffff, v16;
	v55 =	vadd.s32 v1, v30  }
0x231: {  	v57 =	vadd.s32 v1, v13;
	v60 =	vld [tilespmem:s21+$0xFFFFFFB0];
	[tilespmem:v20+s12+$0x0] =	vst.idx.msk $0xffff, v51;
	v58 =	vadd.f32 v48, v6  }
0x232: {  	v59 =	vadd.s32 v2, v7;
	v56 =	vld [tilespmem:s21+$0xFFFFFF70];
	[tilespmem:v12+s12+$0x0] =	vst.idx.msk $0xffff, v18;
	v61 =	vadd.f32 v21, v6  }
0x233: {  	v62 =	vld [tilespmem:s21+$0xFFFFFF30];
	v29 =	vadd.s32 v2, v11;
	[tilespmem:v49+s12+$0x0] =	vst.idx.msk $0xffff, v58;
	v28 =	vadd.f32 v50, v6  }
0x234: {  	v63 =	vadd.s32 v2, v10;
	v31 =	vadd.f32 v52, v6;
	v32 =	vld [tilespmem:s25+$0xFFFFFFF0];
	[tilespmem:v53+s12+$0x0] =	vst.idx.msk $0xffff, v61  }
0x235: {  	v33 =	vadd.f32 v54, v5;
	v34 =	vadd.s32 v2, v8;
	[tilespmem:v55+s12+$0x0] =	vst.idx.msk $0xffff, v28;
	v35 =	vld [tilespmem:s25+$0xFFFFFF70]  }
0x236: {  	v37 =	vadd.s32 v2, v26;
	v39 =	vadd.f32 v60, v5;
	[tilespmem:v57+s12+$0x0] =	vst.idx.msk $0xffff, v31;
	v38 =	vld [tilespmem:s25+$0xFFFFFFB0]  }
0x237: {  	v41 =	vadd.s32 v2, v27;
	v36 =	vadd.f32 v56, v5;
	[tilespmem:v59+s12+$0x0] =	vst.idx.msk $0xffff, v33;
	v40 =	vld [tilespmem:s25+$0xFFFFFF30]  }
0x238: {  	v43 =	vadd.s32 v2, v30;
	v18 =	vadd.f32 v62, v5;
	v42 =	vld [tilespmem:s21+$0x0];
	[tilespmem:v29+s12+$0x0] =	vst.idx.msk $0xffff, v39  }
0x239: {  	v45 =	vadd.s32 v2, v13;
	[tilespmem:v63+s12+$0x0] =	vst.idx.msk $0xffff, v36;
	v47 =	vld [tilespmem:s21+$0xFFFFFFC0];
	v44 =	vadd.f32 v32, v5  }
0x23a: {  	v46 =	vadd.s32 v3, v7;
	[tilespmem:v34+s12+$0x0] =	vst.idx.msk $0xffff, v18;
	v21 =	vld [tilespmem:s21+$0xFFFFFF80];
	v9 =	vadd.f32 v35, v5  }
0x23b: {  	v18 =	vld [tilespmem:s21+$0xFFFFFF40];
	v50 =	vadd.s32 v3, v11;
	[tilespmem:v37+s12+$0x0] =	vst.idx.msk $0xffff, v44;
	v49 =	vadd.f32 v38, v5  }
0x23c: {  	v48 =	vadd.s32 v3, v10;
	v5 =	vadd.f32 v40, v5;
	v12 =	vld [tilespmem:s25+$0x0];
	[tilespmem:v41+s12+$0x0] =	vst.idx.msk $0xffff, v9  }
0x23d: {  	v52 =	vadd.s32 v3, v8;
	v51 =	vadd.f32 v42, v4;
	[tilespmem:v43+s12+$0x0] =	vst.idx.msk $0xffff, v49;
	v53 =	vld [tilespmem:s25+$0xFFFFFF80]  }
0x23e: {  	v55 =	vadd.s32 v3, v26;
	v56 =	vadd.f32 v47, v4;
	[tilespmem:v45+s12+$0x0] =	vst.idx.msk $0xffff, v5;
	v5 =	vld [tilespmem:s25+$0xFFFFFFC0]  }
0x23f: {  	v58 =	vadd.s32 v3, v27;
	[tilespmem:v46+s12+$0x0] =	vst.idx.msk $0xffff, v51;
	v54 =	vadd.f32 v21, v4;
	v57 =	vld [tilespmem:s25+$0xFFFFFF40]  }
0x240: {  	v60 =	vadd.s32 v3, v30;
	v59 =	vadd.f32 v18, v4;
	[tilespmem:v50+s12+$0x0] =	vst.idx.msk $0xffff, v56  }
0x241: {  	v62 =	vadd.s32 v3, v13;
	[tilespmem:v48+s12+$0x0] =	vst.idx.msk $0xffff, v54;
	v61 =	vadd.f32 v12, v4  }
0x242: {  	[tilespmem:v52+s12+$0x0] =	vst.idx.msk $0xffff, v59;
	v63 =	vadd.f32 v53, v4  }
0x243: {  	s8 =	sshll.u32 s8, $0x12;
	[tilespmem:v55+s12+$0x0] =	vst.idx.msk $0xffff, v61;
	v5 =	vadd.f32 v5, v4  }
0x244: {  	s0 =	sor.u32 s5, s8;
	v4 =	vadd.f32 v57, v4;
	[tilespmem:v58+s12+$0x0] =	vst.idx.msk $0xffff, v63  }
0x245: {  	s0 =	sshrl.u32 s0, $0x3;
	[tilespmem:v60+s12+$0x0] =	vst.idx.msk $0xffff, v5  }
0x246: {  	s9 =	simm.s32 $0x13A80;
	s8 =	sadd.s32 s3, s0;
	[tilespmem:v62+s12+$0x0] =	vst.idx.msk $0xffff, v4  }
0x247: {  	[hbm4b:s8+s4] =	stream.linear.scatter [tilespmem:s9], [sflag:$0xE], $0x80, $0x38;
	[tilespmem:$0x17E80] =	vst v63  }
0x248: {  	s11 =	simm.s32 $0x13B08;
	s9 =	sadd.s32 $0x10, s8  }
0x249: {  	[hbm4b:s9+s4] =	stream.linear.scatter [tilespmem:s11], [sflag:$0xE], $0x80, $0x38;
	[tilespmem:$0x17E80] =	vst v63  }
0x24a: {  	s21 =	simm.s32 $0x13B90;
	s25 =	sadd.s32 $0x20, s8  }
0x24b: {  	[hbm4b:s25+s4] =	stream.linear.scatter [tilespmem:s21], [sflag:$0xE], $0x80, $0x38;
	[tilespmem:$0x17E80] =	vst v63  }
0x24c: {  	s9 =	simm.s32 $0x13C18;
	s11 =	sadd.s32 $0x30, s8  }
0x24d: {  	[hbm4b:s11+s4] =	stream.linear.scatter [tilespmem:s9], [sflag:$0xE], $0x80, $0x38;
	[tilespmem:$0x17E80] =	vst v63  }
0x24e: {  	s21 =	simm.s32 $0x13CA0;
	s25 =	sadd.s32 $0x40, s8  }
0x24f: {  	[hbm4b:s25+s4] =	stream.linear.scatter [tilespmem:s21], [sflag:$0xE], $0x80, $0x38;
	[tilespmem:$0x17E80] =	vst v63  }
0x250: {  	s0 =	simm.s32 $0x440;
	s9 =	simm.s32 $0x13D28;
	s11 =	sadd.s32 $0x50, s8  }
0x251: {  	[hbm4b:s11+s4] =	stream.linear.scatter [tilespmem:s9], [sflag:$0xE], $0x80, $0x38;
	[tilespmem:$0x17E80] =	vst v63  }
0x252: {  	s29 =	sadd.s32 $0x70, s8;
	s21 =	simm.s32 $0x13DB0;
	s25 =	sadd.s32 $0x60, s8  }
0x253: {  	[hbm4b:s25+s4] =	stream.linear.scatter [tilespmem:s21], [sflag:$0xE], $0x80, $0x38;
	[tilespmem:$0x17E80] =	vst v63  }
0x254: {  	s8 =	sadd.s32 $0x1000, s8;
	s21 =	simm.s32 $0x2200;
	s25 =	simm.s32 $0x13E38  }
.LBB2_17:
0x255: {  	[hbm4b:s29+s4] =	stream.linear.scatter [tilespmem:s25], [sflag:$0xE], $0x80, $0x38;
	[tilespmem:$0x17E80] =	vst v63  }
0x256: {  	s9 =	smov.u32 s0;
	s0 =	smov.u32 s21  }
0x257: {  	s11 =	sadd.s32 $0x1100, s21;
	s0 =	sshra.s32 s0, $0x2;
	s25 =	sadd.s32 $0x13A80, s9  }
0x258: {  	[hbm4b:s8+s4] =	stream.linear.scatter [tilespmem:s25], [sflag:$0xE], $0x80, $0x38;
	[tilespmem:$0x17E80] =	vst v63  }
0x259: {  	p0 =	sne.s32 s21, $0x7700;
	s21 =	sadd.s32 $0x13B08, s9;
	s25 =	sadd.s32 $0x10, s8  }
0x25a: {  	[hbm4b:s25+s4] =	stream.linear.scatter [tilespmem:s21], [sflag:$0xE], $0x80, $0x38;
	[tilespmem:$0x17E80] =	vst v63  }
0x25b: {  	s21 =	sadd.s32 $0x13B90, s9;
	s25 =	sadd.s32 $0x20, s8  }
0x25c: {  	[hbm4b:s25+s4] =	stream.linear.scatter [tilespmem:s21], [sflag:$0xE], $0x80, $0x38;
	[tilespmem:$0x17E80] =	vst v63  }
0x25d: {  	s21 =	sadd.s32 $0x13C18, s9;
	s25 =	sadd.s32 $0x30, s8  }
0x25e: {  	[hbm4b:s25+s4] =	stream.linear.scatter [tilespmem:s21], [sflag:$0xE], $0x80, $0x38;
	[tilespmem:$0x17E80] =	vst v63  }
0x25f: {  	s21 =	sadd.s32 $0x13CA0, s9;
	s25 =	sadd.s32 $0x40, s8  }
0x260: {  	[hbm4b:s25+s4] =	stream.linear.scatter [tilespmem:s21], [sflag:$0xE], $0x80, $0x38;
	[tilespmem:$0x17E80] =	vst v63  }
.Ltmp7:
0x261: {  	s21 =	sadd.s32 $0x13D28, s9;
	s25 =	sadd.s32 $0x50, s8;
	(pc) =	sbr.rel @p0 .LBB2_17-.Ltmp7, $4  }
0x262: {  	[hbm4b:s25+s4] =	stream.linear.scatter [tilespmem:s21], [sflag:$0xE], $0x80, $0x38;
	[tilespmem:$0x17E80] =	vst v63  }
0x263: {  	s29 =	sadd.s32 $0x70, s8;
	s21 =	sadd.s32 $0x13DB0, s9;
	s25 =	sadd.s32 $0x60, s8  }
0x264: {  	[hbm4b:s25+s4] =	stream.linear.scatter [tilespmem:s21], [sflag:$0xE], $0x80, $0x38;
	[tilespmem:$0x17E80] =	vst v63  }
0x265: {  	s8 =	sadd.s32 $0x1000, s8;
	s25 =	sadd.s32 $0x13E38, s9;
	s21 =	smov.u32 s11  }
0x266: {  	[hbm4b:s29+s4] =	stream.linear.scatter [tilespmem:s25], [sflag:$0xE], $0x80, $0x38;
	[tilespmem:$0x17E80] =	vst v63  }
0x267: {  	s9 =	sadd.s32 $0x13A80, s0  }
0x268: {  	[hbm4b:s8+s4] =	stream.linear.scatter [tilespmem:s9], [sflag:$0xE], $0x80, $0x38;
	[tilespmem:$0x17E80] =	vst v63  }
0x269: {  	s25 =	sadd.s32 $0x13B08, s0;
	s11 =	sadd.s32 $0x10, s8  }
0x26a: {  	[hbm4b:s11+s4] =	stream.linear.scatter [tilespmem:s25], [sflag:$0xE], $0x80, $0x38;
	[tilespmem:$0x17E80] =	vst v63  }
0x26b: {  	s21 =	sadd.s32 $0x13B90, s0;
	s25 =	sadd.s32 $0x20, s8  }
0x26c: {  	[hbm4b:s25+s4] =	stream.linear.scatter [tilespmem:s21], [sflag:$0xE], $0x80, $0x38;
	[tilespmem:$0x17E80] =	vst v63  }
0x26d: {  	s21 =	sadd.s32 $0x13C18, s0;
	s25 =	sadd.s32 $0x30, s8  }
0x26e: {  	[hbm4b:s25+s4] =	stream.linear.scatter [tilespmem:s21], [sflag:$0xE], $0x80, $0x38;
	[tilespmem:$0x17E80] =	vst v63  }
0x26f: {  	s21 =	sadd.s32 $0x13CA0, s0;
	s25 =	sadd.s32 $0x40, s8  }
0x270: {  	[hbm4b:s25+s4] =	stream.linear.scatter [tilespmem:s21], [sflag:$0xE], $0x80, $0x38;
	[tilespmem:$0x17E80] =	vst v63  }
0x271: {  	s21 =	sadd.s32 $0x13D28, s0;
	s25 =	sadd.s32 $0x50, s8  }
0x272: {  	[hbm4b:s25+s4] =	stream.linear.scatter [tilespmem:s21], [sflag:$0xE], $0x80, $0x38;
	[tilespmem:$0x17E80] =	vst v63  }
0x273: {  	s21 =	sadd.s32 $0x13DB0, s0;
	s25 =	sadd.s32 $0x60, s8  }
0x274: {  	[hbm4b:s25+s4] =	stream.linear.scatter [tilespmem:s21], [sflag:$0xE], $0x80, $0x38;
	[tilespmem:$0x17E80] =	vst v63  }
0x275: {  	s21 =	sadd.s32 $0x13E38, s0;
	s25 =	sadd.s32 $0x70, s8  }
0x276: {  	[hbm4b:s25+s4] =	stream.linear.scatter [tilespmem:s21], [sflag:$0xE], $0x80, $0x38;
	[tilespmem:$0x17E80] =	vst v63  }
0x277: {  	_ =	swait.ge [sflag:s23], $0x2000  }
0x278: {  	[sflag:s23] =	ssyncset.done $0x0  }
0x279: {  	s11 =	smul.u32 $0x5000, s24;
	s8 =	simm.s32 $0x3;
	[sflag:s23] =	ssyncadd.s32 $0xFFFFE000  }
0x27a: {  	s21 =	smul.u32 $0x280, s24;
	_ =	swait.ge [sflag:s8], $0x80  }
0x27b: {  	s9 =	simm.s32 $0x7480;
	s0 =	sadd.s32 $0x8000, s11;
	[sflag:s8] =	ssyncset.done $0x0  }
0x27c: {  	s0 =	sand.u32 $0x3F8000, s0;
	[sflag:s8] =	ssyncadd.s32 $0xFFFFFF80;
	s8 =	sand.u32 $0x380, s21  }
0x27d: {  	[tilespmem:s9], [sflag:$0x8] =	stream.indirect.gather [hbm4b:s6+s22], $0x40, s14, s22, $0xb8;
	[tilespmem:$0x17E80] =	vst v63  }
0x27e: {  	s0 =	sor.u32 s0, s8  }
0x27f: {  	s0 =	sor.u32 s5, s0  }
0x280: {  	s0 =	sshrl.u32 s0, $0x3  }
0x281: {  	s25 =	simm.s32 $0x0;
	s0 =	sadd.s32 s1, s0  }
0x282: {  	[tilespmem:s16], [sflag:$0x4] =	stream.linear.gather [hbm4b:s0+s25], $0x80, $0x38;
	[tilespmem:$0x17E80] =	vst v63  }
0x283: {  	s8 =	sadd.s32 $0x4, s31;
	_ =	swait.ge [sflag:s26], $0x2000  }
0x284: {  	s11 =	sshll.u32 s8, $0x6;
	[sflag:s26] =	ssyncset.done $0x0  }
0x285: {  	s11 =	sand.u32 $0x3FFFFFC0, s11;
	[sflag:s26] =	ssyncadd.s32 $0xFFFFE000  }
0x286: {  	s21 =	simm.s32 $0x3;
	s0 =	simm.s32 $0xB570;
	v9 =	vld [tilespmem:s11+$0x0]  }
0x287: {  	v4 =	vmov s21;
	v7 =	vld [tilespmem:s0+$0xFFFFFFD0]  }
0x288: {  	v13 =	vand.u32 $0x7F, v4  }
0x289: {  	v4 =	vmov s25;
	v8 =	vadd.s32 v0, v13;
	v6 =	vld [tilespmem:s11+$0x10]  }
0x28a: {  	s21 =	simm.s32 $0x1;
	v12 =	vand.u32 $0x7C, v4;
	v10 =	vld [tilespmem:s0+$0xFFFFFF10]  }
0x28b: {  	v4 =	vmov s21;
	v15 =	vadd.s32 v0, v12;
	s25 =	simm.s32 $0x2;
	v11 =	vld [tilespmem:s0+$0xFFFFFF50]  }
0x28c: {  	v19 =	vand.u32 $0x7D, v4;
	v14 =	vmov s25;
	v16 =	vld [tilespmem:s0+$0xFFFFFF90];
	v7 =	vadd.f32 v7, v9  }
0x28d: {  	v17 =	vadd.s32 v0, v19;
	v20 =	vand.u32 $0x7E, v14;
	v5 =	vld [tilespmem:s11+$0x20]  }
0x28e: {  	v14 =	vadd.s32 v0, v20;
	v4 =	vld [tilespmem:s11+$0x30];
	[tilespmem:v8+s30+$0x0] =	vst.idx.msk $0xffff, v7  }
0x28f: {  	v7 =	vadd.f32 v10, v9;
	v8 =	vld [tilespmem:s0+$0xFFFFFFE0]  }
0x290: {  	v10 =	vadd.f32 v11, v9  }
0x291: {  	v11 =	vadd.s32 v1, v13;
	[tilespmem:v15+s30+$0x0] =	vst.idx.msk $0xffff, v7;
	v7 =	vadd.f32 v16, v9  }
0x292: {  	[tilespmem:v17+s30+$0x0] =	vst.idx.msk $0xffff, v10;
	v15 =	vld [tilespmem:s0+$0xFFFFFF20]  }
0x293: {  	v10 =	vld [tilespmem:s0+$0xFFFFFF60];
	[tilespmem:v14+s30+$0x0] =	vst.idx.msk $0xffff, v7  }
0x294: {  	v14 =	vld [tilespmem:s0+$0xFFFFFFA0];
	v7 =	vadd.f32 v8, v6  }
0x295: {  	s21 =	simm.s32 $0xB670;
	s25 =	simm.s32 $0x7;
	v16 =	vadd.s32 v1, v19  }
0x296: {  	v26 =	vadd.s32 v2, v13;
	s11 =	simm.s32 $0x4;
	v18 =	vld [tilespmem:s21+$0xFFFFFFD0];
	v17 =	vadd.s32 v1, v20;
	[tilespmem:v11+s30+$0x0] =	vst.idx.msk $0xffff, v7;
	v7 =	vmov s25  }
0x297: {  	v21 =	vadd.s32 v1, v12;
	v8 =	vmov s11;
	v7 =	vand.u32 $0x7F, v7;
	v22 =	vld [tilespmem:s0+$0xFFFFFFF0]  }
0x298: {  	v23 =	vld [tilespmem:s21+$0xFFFFFF10];
	s11 =	simm.s32 $0x5;
	v8 =	vand.u32 $0x7C, v8;
	v10 =	vadd.f32 v10, v6;
	v24 =	vadd.s32 v0, v7  }
0x299: {  	v25 =	vld [tilespmem:s21+$0xFFFFFF50];
	v15 =	vadd.f32 v15, v6;
	s25 =	simm.s32 $0x6;
	v11 =	vadd.f32 v14, v6;
	v14 =	vmov s11  }
0x29a: {  	v27 =	vadd.s32 v0, v8;
	[tilespmem:v16+s30+$0x0] =	vst.idx.msk $0xffff, v10;
	v16 =	vmov s25;
	v10 =	vand.u32 $0x7D, v14;
	v14 =	vld [tilespmem:s21+$0xFFFFFF90]  }
0x29b: {  	[tilespmem:v17+s30+$0x0] =	vst.idx.msk $0xffff, v11;
	v17 =	vadd.s32 v0, v10;
	v11 =	vand.u32 $0x7E, v16;
	v16 =	vadd.f32 v18, v9;
	v18 =	vld [tilespmem:s0+$0xFFFFFF70]  }
0x29c: {  	[tilespmem:v21+s30+$0x0] =	vst.idx.msk $0xffff, v15;
	v15 =	vadd.s32 v0, v11;
	v21 =	vld [tilespmem:s0+$0xFFFFFFB0];
	v22 =	vadd.f32 v22, v5  }
0x29d: {  	v23 =	vadd.f32 v23, v9;
	[tilespmem:v24+s30+$0x0] =	vst.idx.msk $0xffff, v16;
	v16 =	vld [tilespmem:s0+$0xFFFFFF30];
	v24 =	vadd.s32 v2, v19  }
0x29e: {  	v29 =	vadd.s32 v2, v20;
	v25 =	vadd.f32 v25, v9;
	v28 =	vld [tilespmem:s21+$0xFFFFFFE0];
	[tilespmem:v26+s30+$0x0] =	vst.idx.msk $0xffff, v22  }
0x29f: {  	[tilespmem:v27+s30+$0x0] =	vst.idx.msk $0xffff, v23;
	v23 =	vadd.s32 v2, v12;
	v14 =	vadd.f32 v14, v9;
	v26 =	vld [tilespmem:s0+$0x0]  }
0x2a0: {  	v27 =	vld [tilespmem:s21+$0xFFFFFF20];
	[tilespmem:v17+s30+$0x0] =	vst.idx.msk $0xffff, v25;
	v25 =	vadd.s32 v1, v7;
	v18 =	vadd.f32 v18, v5  }
0x2a1: {  	v31 =	vadd.s32 v3, v13;
	v30 =	vld [tilespmem:s21+$0xFFFFFF60];
	[tilespmem:v15+s30+$0x0] =	vst.idx.msk $0xffff, v14;
	v14 =	vadd.f32 v21, v5  }
0x2a2: {  	v22 =	vadd.s32 v1, v8;
	v17 =	vld [tilespmem:s21+$0xFFFFFFA0];
	v13 =	vadd.f32 v16, v5;
	[tilespmem:v24+s30+$0x0] =	vst.idx.msk $0xffff, v18  }
0x2a3: {  	s29 =	simm.s32 $0x8;
	v21 =	vadd.s32 v1, v10;
	[tilespmem:v29+s30+$0x0] =	vst.idx.msk $0xffff, v14;
	v18 =	vadd.f32 v28, v6;
	v16 =	vld [tilespmem:s0+$0xFFFFFF80]  }
0x2a4: {  	v24 =	vmov s29;
	v14 =	vadd.s32 v1, v11;
	v15 =	vld [tilespmem:s0+$0xFFFFFFC0];
	[tilespmem:v23+s30+$0x0] =	vst.idx.msk $0xffff, v13;
	v63 =	vadd.f32 v26, v4  }
0x2a5: {  	s11 =	simm.s32 $0xB;
	s25 =	simm.s32 $0xB770;
	v19 =	vadd.s32 v3, v19;
	v13 =	vand.u32 $0x7C, v24;
	v24 =	vadd.f32 v27, v6;
	[tilespmem:v25+s30+$0x0] =	vst.idx.msk $0xffff, v18;
	v18 =	vld [tilespmem:s0+$0xFFFFFF40]  }
0x2a6: {  	v20 =	vadd.s32 v3, v20;
	v26 =	vmov s11;
	v23 =	vld [tilespmem:s25+$0xFFFFFFD0];
	s0 =	simm.s32 $0xC;
	v25 =	vadd.f32 v30, v6;
	[tilespmem:v31+s30+$0x0] =	vst.idx.msk $0xffff, v63  }
.LBB2_19:
0x2a7: {  	p0 =	slt.u32 s0, $0x7C;
	s9 =	sadd.s32 $0x1, s29;
	v26 =	vand.u32 $0x7F, v26;
	[tilespmem:v22+s30+$0x0] =	vst.idx.msk $0xffff, v24;
	v17 =	vadd.f32 v17, v6;
	v22 =	vld [tilespmem:s21+$0xFFFFFFF0];
	v24 =	vadd.s32 v3, v12  }
0x2a8: {  	v30 =	vmovc v11;
	v27 =	vld [tilespmem:s25+$0xFFFFFF10];
	v28 =	vmov s9;
	s9 =	sadd.s32 $0x2, s29;
	v29 =	vadd.s32 v0, v26;
	[tilespmem:v21+s30+$0x0] =	vst.idx.msk $0xffff, v25;
	v16 =	vadd.f32 v16, v4;
	s29 =	smov.u32 s0  }
0x2a9: {  	v12 =	vmovc v8;
	v21 =	vld [tilespmem:s25+$0xFFFFFF50];
	v11 =	vmov s9;
	[tilespmem:v14+s30+$0x0] =	vst.idx.msk $0xffff, v17;
	v14 =	vadd.s32 v2, v7;
	v15 =	vadd.f32 v15, v4  }
0x2aa: {  	v17 =	vadd.s32 v0, v13;
	v28 =	vand.u32 $0x7D, v28;
	v25 =	vld [tilespmem:s25+$0xFFFFFF90];
	v31 =	vadd.f32 v18, v4;
	[tilespmem:v19+s30+$0x0] =	vst.idx.msk $0xffff, v16  }
0x2ab: {  	v16 =	vadd.s32 v0, v28;
	v11 =	vand.u32 $0x7E, v11;
	v18 =	vadd.f32 v23, v9;
	v19 =	vld [tilespmem:s21+$0xFFFFFF70];
	[tilespmem:v20+s30+$0x0] =	vst.idx.msk $0xffff, v15  }
0x2ac: {  	v8 =	vmov v13;
	v15 =	vadd.s32 v0, v11;
	v20 =	vld [tilespmem:s21+$0xFFFFFFB0];
	v22 =	vadd.f32 v22, v5;
	[tilespmem:v24+s30+$0x0] =	vst.idx.msk $0xffff, v31  }
0x2ad: {  	v23 =	vadd.s32 v2, v10;
	v13 =	vadd.f32 v27, v9;
	[tilespmem:v29+s30+$0x0] =	vst.idx.msk $0xffff, v18;
	v18 =	vld [tilespmem:s21+$0xFFFFFF30]  }
0x2ae: {  	v27 =	vadd.s32 v2, v30;
	v21 =	vadd.f32 v21, v9;
	v24 =	vld [tilespmem:s25+$0xFFFFFFE0];
	[tilespmem:v14+s30+$0x0] =	vst.idx.msk $0xffff, v22  }
0x2af: {  	[tilespmem:v17+s30+$0x0] =	vst.idx.msk $0xffff, v13;
	v13 =	vadd.f32 v25, v9;
	v25 =	vadd.s32 v2, v12;
	v29 =	vld [tilespmem:s21+$0x0]  }
0x2b0: {  	v32 =	vadd.s32 v1, v26;
	v31 =	vld [tilespmem:s25+$0xFFFFFF20];
	[tilespmem:v16+s30+$0x0] =	vst.idx.msk $0xffff, v21;
	v14 =	vadd.f32 v19, v5  }
0x2b1: {  	v34 =	vadd.s32 v3, v7;
	v7 =	vmov v26;
	v33 =	vld [tilespmem:s25+$0xFFFFFF60];
	[tilespmem:v15+s30+$0x0] =	vst.idx.msk $0xffff, v13;
	v13 =	vadd.f32 v20, v5  }
.Ltmp8:
0x2b2: {  	v22 =	vadd.s32 v1, v8;
	v17 =	vld [tilespmem:s25+$0xFFFFFFA0];
	v15 =	vadd.f32 v18, v5;
	[tilespmem:v23+s30+$0x0] =	vst.idx.msk $0xffff, v14;
	(pc) =	sbr.rel @p0 .LBB2_19-.Ltmp8, $4  }
0x2b3: {  	v21 =	vadd.s32 v1, v28;
	v18 =	vadd.f32 v24, v6;
	v16 =	vld [tilespmem:s21+$0xFFFFFF80];
	[tilespmem:v27+s30+$0x0] =	vst.idx.msk $0xffff, v13  }
0x2b4: {  	v14 =	vadd.s32 v1, v11;
	v13 =	vmov s0;
	[tilespmem:v25+s30+$0x0] =	vst.idx.msk $0xffff, v15;
	v15 =	vld [tilespmem:s21+$0xFFFFFFC0];
	v27 =	vadd.f32 v29, v4  }
0x2b5: {  	s9 =	sadd.s32 $0x3, s0;
	v19 =	vadd.s32 v3, v10;
	v13 =	vand.u32 $0x7C, v13;
	v24 =	vadd.f32 v31, v6;
	[tilespmem:v32+s30+$0x0] =	vst.idx.msk $0xffff, v18;
	v18 =	vld [tilespmem:s21+$0xFFFFFF40];
	s21 =	smov.u32 s25;
	s25 =	sadd.s32 $0x100, s25  }
0x2b6: {  	v26 =	vmov s9;
	v10 =	vmovc v28;
	v20 =	vadd.s32 v3, v30;
	s0 =	sadd.s32 $0x4, s0;
	v23 =	vld [tilespmem:s25+$0xFFFFFFD0];
	v25 =	vadd.f32 v33, v6;
	[tilespmem:v34+s30+$0x0] =	vst.idx.msk $0xffff, v27  }
0x2b7: {  	s0 =	sadd.s32 $0x1, s29  }
0x2b8: {  	v26 =	vand.u32 $0x7F, v26;
	s11 =	sadd.s32 $0x2, s29;
	v28 =	vld [tilespmem:s25+$0xFFFFFF50];
	v27 =	vmov s0  }
0x2b9: {  	v31 =	vld [tilespmem:s25+$0xFFFFFF90];
	v29 =	vadd.s32 v0, v26;
	v30 =	vmov s11;
	v27 =	vand.u32 $0x7D, v27  }
0x2ba: {  	v32 =	vld [tilespmem:s25+$0xFFFFFF10];
	v30 =	vand.u32 $0x7E, v30;
	v33 =	vadd.s32 v0, v27  }
0x2bb: {  	v34 =	vadd.s32 v0, v30  }
0x2bc: {  	[tilespmem:v22+s30+$0x0] =	vst.idx.msk $0xffff, v24;
	v44 =	vadd.s32 v0, v13;
	v23 =	vadd.f32 v23, v9  }
0x2bd: {  	[tilespmem:v21+s30+$0x0] =	vst.idx.msk $0xffff, v25;
	v45 =	vadd.f32 v28, v9  }
0x2be: {  	v46 =	vadd.f32 v31, v9;
	[tilespmem:v29+s30+$0x0] =	vst.idx.msk $0xffff, v23  }
0x2bf: {  	v47 =	vadd.f32 v32, v9;
	v48 =	vld [tilespmem:s25+$0xFFFFFFE0];
	[tilespmem:v33+s30+$0x0] =	vst.idx.msk $0xffff, v45  }
0x2c0: {  	v17 =	vadd.f32 v17, v6;
	v12 =	vadd.s32 v3, v12;
	[tilespmem:v34+s30+$0x0] =	vst.idx.msk $0xffff, v46;
	v21 =	vld [tilespmem:s25+$0xFFFFFF60]  }
0x2c1: {  	v16 =	vadd.f32 v16, v4;
	v49 =	vadd.s32 v1, v26;
	[tilespmem:v44+s30+$0x0] =	vst.idx.msk $0xffff, v47;
	v50 =	vld [tilespmem:s25+$0xFFFFFFA0]  }
0x2c2: {  	[tilespmem:v14+s30+$0x0] =	vst.idx.msk $0xffff, v17;
	v51 =	vadd.f32 v15, v4;
	v53 =	vadd.s32 v1, v27;
	v52 =	vld [tilespmem:s25+$0xFFFFFF20]  }
0x2c3: {  	v54 =	vld [tilespmem:s21+$0xFFFFFFF0];
	v18 =	vadd.f32 v18, v4;
	[tilespmem:v19+s30+$0x0] =	vst.idx.msk $0xffff, v16;
	v55 =	vadd.s32 v1, v30  }
0x2c4: {  	v57 =	vadd.s32 v1, v13;
	v60 =	vld [tilespmem:s21+$0xFFFFFFB0];
	[tilespmem:v20+s30+$0x0] =	vst.idx.msk $0xffff, v51;
	v58 =	vadd.f32 v48, v6  }
0x2c5: {  	v59 =	vadd.s32 v2, v7;
	v56 =	vld [tilespmem:s21+$0xFFFFFF70];
	[tilespmem:v12+s30+$0x0] =	vst.idx.msk $0xffff, v18;
	v61 =	vadd.f32 v21, v6  }
0x2c6: {  	v62 =	vld [tilespmem:s21+$0xFFFFFF30];
	v29 =	vadd.s32 v2, v11;
	[tilespmem:v49+s30+$0x0] =	vst.idx.msk $0xffff, v58;
	v28 =	vadd.f32 v50, v6  }
0x2c7: {  	v63 =	vadd.s32 v2, v10;
	v31 =	vadd.f32 v52, v6;
	v32 =	vld [tilespmem:s25+$0xFFFFFFF0];
	[tilespmem:v53+s30+$0x0] =	vst.idx.msk $0xffff, v61  }
0x2c8: {  	v33 =	vadd.f32 v54, v5;
	v34 =	vadd.s32 v2, v8;
	[tilespmem:v55+s30+$0x0] =	vst.idx.msk $0xffff, v28;
	v35 =	vld [tilespmem:s25+$0xFFFFFF70]  }
0x2c9: {  	v37 =	vadd.s32 v2, v26;
	v39 =	vadd.f32 v60, v5;
	[tilespmem:v57+s30+$0x0] =	vst.idx.msk $0xffff, v31;
	v38 =	vld [tilespmem:s25+$0xFFFFFFB0]  }
0x2ca: {  	v41 =	vadd.s32 v2, v27;
	v36 =	vadd.f32 v56, v5;
	[tilespmem:v59+s30+$0x0] =	vst.idx.msk $0xffff, v33;
	v40 =	vld [tilespmem:s25+$0xFFFFFF30]  }
0x2cb: {  	v43 =	vadd.s32 v2, v30;
	v18 =	vadd.f32 v62, v5;
	v42 =	vld [tilespmem:s21+$0x0];
	[tilespmem:v29+s30+$0x0] =	vst.idx.msk $0xffff, v39  }
0x2cc: {  	v45 =	vadd.s32 v2, v13;
	[tilespmem:v63+s30+$0x0] =	vst.idx.msk $0xffff, v36;
	v47 =	vld [tilespmem:s21+$0xFFFFFFC0];
	v44 =	vadd.f32 v32, v5  }
0x2cd: {  	v46 =	vadd.s32 v3, v7;
	[tilespmem:v34+s30+$0x0] =	vst.idx.msk $0xffff, v18;
	v21 =	vld [tilespmem:s21+$0xFFFFFF80];
	v9 =	vadd.f32 v35, v5  }
0x2ce: {  	v18 =	vld [tilespmem:s21+$0xFFFFFF40];
	v50 =	vadd.s32 v3, v11;
	[tilespmem:v37+s30+$0x0] =	vst.idx.msk $0xffff, v44;
	v49 =	vadd.f32 v38, v5  }
0x2cf: {  	v48 =	vadd.s32 v3, v10;
	v5 =	vadd.f32 v40, v5;
	v12 =	vld [tilespmem:s25+$0x0];
	[tilespmem:v41+s30+$0x0] =	vst.idx.msk $0xffff, v9  }
0x2d0: {  	v52 =	vadd.s32 v3, v8;
	v51 =	vadd.f32 v42, v4;
	[tilespmem:v43+s30+$0x0] =	vst.idx.msk $0xffff, v49;
	v53 =	vld [tilespmem:s25+$0xFFFFFF80]  }
0x2d1: {  	v55 =	vadd.s32 v3, v26;
	v56 =	vadd.f32 v47, v4;
	[tilespmem:v45+s30+$0x0] =	vst.idx.msk $0xffff, v5;
	v5 =	vld [tilespmem:s25+$0xFFFFFFC0]  }
0x2d2: {  	v58 =	vadd.s32 v3, v27;
	[tilespmem:v46+s30+$0x0] =	vst.idx.msk $0xffff, v51;
	v54 =	vadd.f32 v21, v4;
	v57 =	vld [tilespmem:s25+$0xFFFFFF40]  }
0x2d3: {  	v60 =	vadd.s32 v3, v30;
	v59 =	vadd.f32 v18, v4;
	[tilespmem:v50+s30+$0x0] =	vst.idx.msk $0xffff, v56  }
0x2d4: {  	v62 =	vadd.s32 v3, v13;
	[tilespmem:v48+s30+$0x0] =	vst.idx.msk $0xffff, v54;
	v61 =	vadd.f32 v12, v4  }
0x2d5: {  	[tilespmem:v52+s30+$0x0] =	vst.idx.msk $0xffff, v59;
	v63 =	vadd.f32 v53, v4  }
0x2d6: {  	s8 =	sshll.u32 s8, $0x12;
	[tilespmem:v55+s30+$0x0] =	vst.idx.msk $0xffff, v61;
	v5 =	vadd.f32 v5, v4  }
0x2d7: {  	s0 =	sor.u32 s5, s8;
	v4 =	vadd.f32 v57, v4;
	[tilespmem:v58+s30+$0x0] =	vst.idx.msk $0xffff, v63  }
0x2d8: {  	s0 =	sshrl.u32 s0, $0x3;
	[tilespmem:v60+s30+$0x0] =	vst.idx.msk $0xffff, v5  }
0x2d9: {  	s9 =	simm.s32 $0x15C80;
	s8 =	sadd.s32 s3, s0;
	[tilespmem:v62+s30+$0x0] =	vst.idx.msk $0xffff, v4  }
0x2da: {  	[hbm4b:s8+s4] =	stream.linear.scatter [tilespmem:s9], [sflag:$0xF], $0x80, $0x38;
	[tilespmem:$0x17E80] =	vst v63  }
0x2db: {  	s11 =	simm.s32 $0x15D08;
	s9 =	sadd.s32 $0x10, s8  }
0x2dc: {  	[hbm4b:s9+s4] =	stream.linear.scatter [tilespmem:s11], [sflag:$0xF], $0x80, $0x38;
	[tilespmem:$0x17E80] =	vst v63  }
0x2dd: {  	s21 =	simm.s32 $0x15D90;
	s25 =	sadd.s32 $0x20, s8  }
0x2de: {  	[hbm4b:s25+s4] =	stream.linear.scatter [tilespmem:s21], [sflag:$0xF], $0x80, $0x38;
	[tilespmem:$0x17E80] =	vst v63  }
0x2df: {  	s9 =	simm.s32 $0x15E18;
	s11 =	sadd.s32 $0x30, s8  }
0x2e0: {  	[hbm4b:s11+s4] =	stream.linear.scatter [tilespmem:s9], [sflag:$0xF], $0x80, $0x38;
	[tilespmem:$0x17E80] =	vst v63  }
0x2e1: {  	s21 =	simm.s32 $0x15EA0;
	s25 =	sadd.s32 $0x40, s8  }
0x2e2: {  	[hbm4b:s25+s4] =	stream.linear.scatter [tilespmem:s21], [sflag:$0xF], $0x80, $0x38;
	[tilespmem:$0x17E80] =	vst v63  }
0x2e3: {  	s0 =	simm.s32 $0x440;
	s9 =	simm.s32 $0x15F28;
	s11 =	sadd.s32 $0x50, s8  }
0x2e4: {  	[hbm4b:s11+s4] =	stream.linear.scatter [tilespmem:s9], [sflag:$0xF], $0x80, $0x38;
	[tilespmem:$0x17E80] =	vst v63  }
0x2e5: {  	s29 =	sadd.s32 $0x70, s8;
	s21 =	simm.s32 $0x15FB0;
	s25 =	sadd.s32 $0x60, s8  }
0x2e6: {  	[hbm4b:s25+s4] =	stream.linear.scatter [tilespmem:s21], [sflag:$0xF], $0x80, $0x38;
	[tilespmem:$0x17E80] =	vst v63  }
0x2e7: {  	s8 =	sadd.s32 $0x1000, s8;
	s21 =	simm.s32 $0x2200;
	s25 =	simm.s32 $0x16038  }
.LBB2_21:
0x2e8: {  	[hbm4b:s29+s4] =	stream.linear.scatter [tilespmem:s25], [sflag:$0xF], $0x80, $0x38;
	[tilespmem:$0x17E80] =	vst v63  }
0x2e9: {  	s9 =	smov.u32 s0;
	s0 =	smov.u32 s21  }
0x2ea: {  	s11 =	sadd.s32 $0x1100, s21;
	s0 =	sshra.s32 s0, $0x2;
	s25 =	sadd.s32 $0x15C80, s9  }
0x2eb: {  	[hbm4b:s8+s4] =	stream.linear.scatter [tilespmem:s25], [sflag:$0xF], $0x80, $0x38;
	[tilespmem:$0x17E80] =	vst v63  }
0x2ec: {  	p0 =	sne.s32 s21, $0x7700;
	s21 =	sadd.s32 $0x15D08, s9;
	s25 =	sadd.s32 $0x10, s8  }
0x2ed: {  	[hbm4b:s25+s4] =	stream.linear.scatter [tilespmem:s21], [sflag:$0xF], $0x80, $0x38;
	[tilespmem:$0x17E80] =	vst v63  }
0x2ee: {  	s21 =	sadd.s32 $0x15D90, s9;
	s25 =	sadd.s32 $0x20, s8  }
0x2ef: {  	[hbm4b:s25+s4] =	stream.linear.scatter [tilespmem:s21], [sflag:$0xF], $0x80, $0x38;
	[tilespmem:$0x17E80] =	vst v63  }
0x2f0: {  	s21 =	sadd.s32 $0x15E18, s9;
	s25 =	sadd.s32 $0x30, s8  }
0x2f1: {  	[hbm4b:s25+s4] =	stream.linear.scatter [tilespmem:s21], [sflag:$0xF], $0x80, $0x38;
	[tilespmem:$0x17E80] =	vst v63  }
0x2f2: {  	s21 =	sadd.s32 $0x15EA0, s9;
	s25 =	sadd.s32 $0x40, s8  }
0x2f3: {  	[hbm4b:s25+s4] =	stream.linear.scatter [tilespmem:s21], [sflag:$0xF], $0x80, $0x38;
	[tilespmem:$0x17E80] =	vst v63  }
.Ltmp9:
0x2f4: {  	s21 =	sadd.s32 $0x15F28, s9;
	s25 =	sadd.s32 $0x50, s8;
	(pc) =	sbr.rel @p0 .LBB2_21-.Ltmp9, $4  }
0x2f5: {  	[hbm4b:s25+s4] =	stream.linear.scatter [tilespmem:s21], [sflag:$0xF], $0x80, $0x38;
	[tilespmem:$0x17E80] =	vst v63  }
0x2f6: {  	s29 =	sadd.s32 $0x70, s8;
	s21 =	sadd.s32 $0x15FB0, s9;
	s25 =	sadd.s32 $0x60, s8  }
0x2f7: {  	[hbm4b:s25+s4] =	stream.linear.scatter [tilespmem:s21], [sflag:$0xF], $0x80, $0x38;
	[tilespmem:$0x17E80] =	vst v63  }
0x2f8: {  	s8 =	sadd.s32 $0x1000, s8;
	s25 =	sadd.s32 $0x16038, s9;
	s21 =	smov.u32 s11  }
0x2f9: {  	[hbm4b:s29+s4] =	stream.linear.scatter [tilespmem:s25], [sflag:$0xF], $0x80, $0x38;
	[tilespmem:$0x17E80] =	vst v63  }
0x2fa: {  	s9 =	sadd.s32 $0x15C80, s0  }
0x2fb: {  	[hbm4b:s8+s4] =	stream.linear.scatter [tilespmem:s9], [sflag:$0xF], $0x80, $0x38;
	[tilespmem:$0x17E80] =	vst v63  }
0x2fc: {  	s25 =	sadd.s32 $0x15D08, s0;
	s11 =	sadd.s32 $0x10, s8  }
0x2fd: {  	[hbm4b:s11+s4] =	stream.linear.scatter [tilespmem:s25], [sflag:$0xF], $0x80, $0x38;
	[tilespmem:$0x17E80] =	vst v63  }
0x2fe: {  	s21 =	sadd.s32 $0x15D90, s0;
	s25 =	sadd.s32 $0x20, s8  }
0x2ff: {  	[hbm4b:s25+s4] =	stream.linear.scatter [tilespmem:s21], [sflag:$0xF], $0x80, $0x38;
	[tilespmem:$0x17E80] =	vst v63  }
0x300: {  	s21 =	sadd.s32 $0x15E18, s0;
	s25 =	sadd.s32 $0x30, s8  }
0x301: {  	[hbm4b:s25+s4] =	stream.linear.scatter [tilespmem:s21], [sflag:$0xF], $0x80, $0x38;
	[tilespmem:$0x17E80] =	vst v63  }
0x302: {  	s21 =	sadd.s32 $0x15EA0, s0;
	s25 =	sadd.s32 $0x40, s8  }
0x303: {  	[hbm4b:s25+s4] =	stream.linear.scatter [tilespmem:s21], [sflag:$0xF], $0x80, $0x38;
	[tilespmem:$0x17E80] =	vst v63  }
0x304: {  	s21 =	sadd.s32 $0x15F28, s0;
	s25 =	sadd.s32 $0x50, s8  }
0x305: {  	[hbm4b:s25+s4] =	stream.linear.scatter [tilespmem:s21], [sflag:$0xF], $0x80, $0x38;
	[tilespmem:$0x17E80] =	vst v63  }
0x306: {  	s21 =	sadd.s32 $0x15FB0, s0;
	s25 =	sadd.s32 $0x60, s8  }
0x307: {  	[hbm4b:s25+s4] =	stream.linear.scatter [tilespmem:s21], [sflag:$0xF], $0x80, $0x38;
	[tilespmem:$0x17E80] =	vst v63  }
0x308: {  	s9 =	sadd.s32 $0x16038, s0;
	s11 =	sadd.s32 $0x70, s8;
	s8 =	sadd.s32 $0x9, s31  }
0x309: {  	[hbm4b:s11+s4] =	stream.linear.scatter [tilespmem:s9], [sflag:$0xF], $0x80, $0x38;
	[tilespmem:$0x17E80] =	vst v63  }
0x30a: {  	s0 =	sshll.u32 s8, $0xC;
	_ =	swait.ge [sflag:s2], $0x2000  }
0x30b: {  	s21 =	simm.s32 $0x4;
	s9 =	sshll.u32 s8, $0x7;
	[sflag:s2] =	ssyncset.done $0x0  }
0x30c: {  	s0 =	sand.u32 $0x3F8000, s0;
	s8 =	sand.u32 $0x380, s9;
	[sflag:s2] =	ssyncadd.s32 $0xFFFFE000  }
0x30d: {  	s0 =	sor.u32 s0, s8;
	_ =	swait.ge [sflag:s21], $0x80  }
0x30e: {  	s29 =	simm.s32 $0x3400;
	s0 =	sor.u32 s5, s0;
	[sflag:s21] =	ssyncset.done $0x0  }
0x30f: {  	s25 =	simm.s32 $0x9480;
	s0 =	sshrl.u32 s0, $0x3;
	[sflag:s21] =	ssyncadd.s32 $0xFFFFFF80  }
0x310: {  	[tilespmem:s25], [sflag:$0x9] =	stream.indirect.gather [hbm4b:s6+s22], $0x40, s16, s22, $0xb8;
	[tilespmem:$0x17E80] =	vst v63  }
0x311: {  	s11 =	simm.s32 $0x6;
	s8 =	simm.s32 $0x0;
	s0 =	sadd.s32 s1, s0  }
0x312: {  	[tilespmem:s29], [sflag:$0x5] =	stream.linear.gather [hbm4b:s0+s8], $0x80, $0x38;
	[tilespmem:$0x17E80] =	vst v63  }
0x313: {  	_ =	swait.ge [sflag:s11], $0x2000  }
0x314: {  	s21 =	sshll.u32 s28, $0x6;
	[sflag:s11] =	ssyncset.done $0x0  }
0x315: {  	s25 =	sand.u32 $0x3FFFFFC0, s21;
	[sflag:s11] =	ssyncadd.s32 $0xFFFFE000  }
0x316: {  	s31 =	simm.s32 $0x3;
	s0 =	simm.s32 $0x3500;
	v9 =	vld [tilespmem:s25+$0x0]  }
0x317: {  	v4 =	vmov s31;
	v7 =	vld [tilespmem:s0+$0x40]  }
0x318: {  	v13 =	vand.u32 $0x7F, v4  }
0x319: {  	v8 =	vadd.s32 v0, v13;
	v4 =	vmov s8;
	v6 =	vld [tilespmem:s25+$0x10]  }
0x31a: {  	v12 =	vand.u32 $0x7C, v4;
	s11 =	simm.s32 $0x1;
	v10 =	vld [tilespmem:s0+$0xFFFFFF80]  }
0x31b: {  	v15 =	vadd.s32 v0, v12;
	s21 =	simm.s32 $0x2;
	v4 =	vmov s11;
	v11 =	vld [tilespmem:s0+$0xFFFFFFC0]  }
0x31c: {  	v14 =	vmov s21;
	v16 =	vld [tilespmem:s0+$0x0];
	v19 =	vand.u32 $0x7D, v4;
	v7 =	vadd.f32 v7, v9  }
0x31d: {  	v20 =	vand.u32 $0x7E, v14;
	v5 =	vld [tilespmem:s25+$0x20];
	v17 =	vadd.s32 v0, v19  }
0x31e: {  	v14 =	vadd.s32 v0, v20;
	v4 =	vld [tilespmem:s25+$0x30];
	[tilespmem:v8+s10+$0x0] =	vst.idx.msk $0xffff, v7  }
0x31f: {  	v7 =	vadd.f32 v10, v9;
	v8 =	vld [tilespmem:s0+$0x50]  }
0x320: {  	v10 =	vadd.f32 v11, v9  }
0x321: {  	v11 =	vadd.s32 v1, v13;
	[tilespmem:v15+s10+$0x0] =	vst.idx.msk $0xffff, v7;
	v7 =	vadd.f32 v16, v9  }
0x322: {  	[tilespmem:v17+s10+$0x0] =	vst.idx.msk $0xffff, v10;
	v15 =	vld [tilespmem:s0+$0xFFFFFF90]  }
0x323: {  	v10 =	vld [tilespmem:s0+$0xFFFFFFD0];
	[tilespmem:v14+s10+$0x0] =	vst.idx.msk $0xffff, v7  }
0x324: {  	v14 =	vld [tilespmem:s0+$0x10];
	v7 =	vadd.f32 v8, v6  }
0x325: {  	s31 =	simm.s32 $0x7;
	s8 =	simm.s32 $0x3600;
	v16 =	vadd.s32 v1, v19  }
0x326: {  	v26 =	vadd.s32 v2, v13;
	v18 =	vld [tilespmem:s8+$0x40];
	s25 =	simm.s32 $0x4;
	v17 =	vadd.s32 v1, v20;
	[tilespmem:v11+s10+$0x0] =	vst.idx.msk $0xffff, v7;
	v7 =	vmov s31  }
0x327: {  	v21 =	vadd.s32 v1, v12;
	v8 =	vmov s25;
	v7 =	vand.u32 $0x7F, v7;
	v22 =	vld [tilespmem:s0+$0x60]  }
0x328: {  	s21 =	simm.s32 $0x5;
	v23 =	vld [tilespmem:s8+$0xFFFFFF80];
	v8 =	vand.u32 $0x7C, v8;
	v10 =	vadd.f32 v10, v6;
	v24 =	vadd.s32 v0, v7  }
0x329: {  	v25 =	vld [tilespmem:s8+$0xFFFFFFC0];
	s25 =	simm.s32 $0x6;
	v15 =	vadd.f32 v15, v6;
	v11 =	vadd.f32 v14, v6;
	v14 =	vmov s21  }
0x32a: {  	v27 =	vadd.s32 v0, v8;
	[tilespmem:v16+s10+$0x0] =	vst.idx.msk $0xffff, v10;
	v16 =	vmov s25;
	v10 =	vand.u32 $0x7D, v14;
	v14 =	vld [tilespmem:s8+$0x0]  }
0x32b: {  	[tilespmem:v17+s10+$0x0] =	vst.idx.msk $0xffff, v11;
	v17 =	vadd.s32 v0, v10;
	v11 =	vand.u32 $0x7E, v16;
	v16 =	vadd.f32 v18, v9;
	v18 =	vld [tilespmem:s0+$0xFFFFFFE0]  }
0x32c: {  	[tilespmem:v21+s10+$0x0] =	vst.idx.msk $0xffff, v15;
	v15 =	vadd.s32 v0, v11;
	v21 =	vld [tilespmem:s0+$0x20];
	v22 =	vadd.f32 v22, v5  }
0x32d: {  	v23 =	vadd.f32 v23, v9;
	[tilespmem:v24+s10+$0x0] =	vst.idx.msk $0xffff, v16;
	v16 =	vld [tilespmem:s0+$0xFFFFFFA0];
	v24 =	vadd.s32 v2, v19  }
0x32e: {  	v29 =	vadd.s32 v2, v20;
	v25 =	vadd.f32 v25, v9;
	v28 =	vld [tilespmem:s8+$0x50];
	[tilespmem:v26+s10+$0x0] =	vst.idx.msk $0xffff, v22  }
0x32f: {  	[tilespmem:v27+s10+$0x0] =	vst.idx.msk $0xffff, v23;
	v23 =	vadd.s32 v2, v12;
	v14 =	vadd.f32 v14, v9;
	v26 =	vld [tilespmem:s0+$0x70]  }
0x330: {  	v27 =	vld [tilespmem:s8+$0xFFFFFF90];
	[tilespmem:v17+s10+$0x0] =	vst.idx.msk $0xffff, v25;
	v25 =	vadd.s32 v1, v7;
	v18 =	vadd.f32 v18, v5  }
0x331: {  	v31 =	vadd.s32 v3, v13;
	v30 =	vld [tilespmem:s8+$0xFFFFFFD0];
	[tilespmem:v15+s10+$0x0] =	vst.idx.msk $0xffff, v14;
	v14 =	vadd.f32 v21, v5  }
0x332: {  	v22 =	vadd.s32 v1, v8;
	v17 =	vld [tilespmem:s8+$0x10];
	v13 =	vadd.f32 v16, v5;
	[tilespmem:v24+s10+$0x0] =	vst.idx.msk $0xffff, v18  }
0x333: {  	s25 =	simm.s32 $0x8;
	v21 =	vadd.s32 v1, v10;
	[tilespmem:v29+s10+$0x0] =	vst.idx.msk $0xffff, v14;
	v18 =	vadd.f32 v28, v6;
	v16 =	vld [tilespmem:s0+$0xFFFFFFF0]  }
0x334: {  	v24 =	vmov s25;
	v14 =	vadd.s32 v1, v11;
	v15 =	vld [tilespmem:s0+$0x30];
	[tilespmem:v23+s10+$0x0] =	vst.idx.msk $0xffff, v13;
	v63 =	vadd.f32 v26, v4  }
0x335: {  	s31 =	simm.s32 $0xB;
	s21 =	simm.s32 $0x3700;
	v19 =	vadd.s32 v3, v19;
	v13 =	vand.u32 $0x7C, v24;
	v24 =	vadd.f32 v27, v6;
	[tilespmem:v25+s10+$0x0] =	vst.idx.msk $0xffff, v18;
	v18 =	vld [tilespmem:s0+$0xFFFFFFB0]  }
0x336: {  	v20 =	vadd.s32 v3, v20;
	v26 =	vmov s31;
	v23 =	vld [tilespmem:s21+$0x40];
	s0 =	simm.s32 $0xC;
	v25 =	vadd.f32 v30, v6;
	[tilespmem:v31+s10+$0x0] =	vst.idx.msk $0xffff, v63  }
.LBB2_23:
0x337: {  	p0 =	slt.u32 s0, $0x7C;
	s9 =	sadd.s32 $0x1, s25;
	v26 =	vand.u32 $0x7F, v26;
	[tilespmem:v22+s10+$0x0] =	vst.idx.msk $0xffff, v24;
	v17 =	vadd.f32 v17, v6;
	v22 =	vld [tilespmem:s8+$0x60];
	v24 =	vadd.s32 v3, v12  }
0x338: {  	v30 =	vmovc v11;
	v27 =	vld [tilespmem:s21+$0xFFFFFF80];
	v28 =	vmov s9;
	s9 =	sadd.s32 $0x2, s25;
	v29 =	vadd.s32 v0, v26;
	[tilespmem:v21+s10+$0x0] =	vst.idx.msk $0xffff, v25;
	v16 =	vadd.f32 v16, v4;
	s25 =	smov.u32 s0  }
0x339: {  	v12 =	vmovc v8;
	v21 =	vld [tilespmem:s21+$0xFFFFFFC0];
	v11 =	vmov s9;
	[tilespmem:v14+s10+$0x0] =	vst.idx.msk $0xffff, v17;
	v14 =	vadd.s32 v2, v7;
	v15 =	vadd.f32 v15, v4  }
0x33a: {  	v17 =	vadd.s32 v0, v13;
	v28 =	vand.u32 $0x7D, v28;
	v25 =	vld [tilespmem:s21+$0x0];
	v31 =	vadd.f32 v18, v4;
	[tilespmem:v19+s10+$0x0] =	vst.idx.msk $0xffff, v16  }
0x33b: {  	v16 =	vadd.s32 v0, v28;
	v11 =	vand.u32 $0x7E, v11;
	v18 =	vadd.f32 v23, v9;
	v19 =	vld [tilespmem:s8+$0xFFFFFFE0];
	[tilespmem:v20+s10+$0x0] =	vst.idx.msk $0xffff, v15  }
0x33c: {  	v8 =	vmov v13;
	v15 =	vadd.s32 v0, v11;
	v20 =	vld [tilespmem:s8+$0x20];
	v22 =	vadd.f32 v22, v5;
	[tilespmem:v24+s10+$0x0] =	vst.idx.msk $0xffff, v31  }
0x33d: {  	v23 =	vadd.s32 v2, v10;
	v13 =	vadd.f32 v27, v9;
	[tilespmem:v29+s10+$0x0] =	vst.idx.msk $0xffff, v18;
	v18 =	vld [tilespmem:s8+$0xFFFFFFA0]  }
0x33e: {  	v27 =	vadd.s32 v2, v30;
	v21 =	vadd.f32 v21, v9;
	v24 =	vld [tilespmem:s21+$0x50];
	[tilespmem:v14+s10+$0x0] =	vst.idx.msk $0xffff, v22  }
0x33f: {  	[tilespmem:v17+s10+$0x0] =	vst.idx.msk $0xffff, v13;
	v13 =	vadd.f32 v25, v9;
	v25 =	vadd.s32 v2, v12;
	v29 =	vld [tilespmem:s8+$0x70]  }
0x340: {  	v32 =	vadd.s32 v1, v26;
	v31 =	vld [tilespmem:s21+$0xFFFFFF90];
	[tilespmem:v16+s10+$0x0] =	vst.idx.msk $0xffff, v21;
	v14 =	vadd.f32 v19, v5  }
0x341: {  	v34 =	vadd.s32 v3, v7;
	v7 =	vmov v26;
	v33 =	vld [tilespmem:s21+$0xFFFFFFD0];
	[tilespmem:v15+s10+$0x0] =	vst.idx.msk $0xffff, v13;
	v13 =	vadd.f32 v20, v5  }
.Ltmp10:
0x342: {  	v22 =	vadd.s32 v1, v8;
	v17 =	vld [tilespmem:s21+$0x10];
	v15 =	vadd.f32 v18, v5;
	[tilespmem:v23+s10+$0x0] =	vst.idx.msk $0xffff, v14;
	(pc) =	sbr.rel @p0 .LBB2_23-.Ltmp10, $4  }
0x343: {  	v21 =	vadd.s32 v1, v28;
	v18 =	vadd.f32 v24, v6;
	v16 =	vld [tilespmem:s8+$0xFFFFFFF0];
	[tilespmem:v27+s10+$0x0] =	vst.idx.msk $0xffff, v13  }
0x344: {  	v14 =	vadd.s32 v1, v11;
	v13 =	vmov s0;
	[tilespmem:v25+s10+$0x0] =	vst.idx.msk $0xffff, v15;
	v15 =	vld [tilespmem:s8+$0x30];
	v27 =	vadd.f32 v29, v4  }
0x345: {  	s9 =	sadd.s32 $0x3, s0;
	v19 =	vadd.s32 v3, v10;
	v13 =	vand.u32 $0x7C, v13;
	v24 =	vadd.f32 v31, v6;
	[tilespmem:v32+s10+$0x0] =	vst.idx.msk $0xffff, v18;
	v18 =	vld [tilespmem:s8+$0xFFFFFFB0];
	s8 =	smov.u32 s21;
	s21 =	sadd.s32 $0x100, s21  }
0x346: {  	v26 =	vmov s9;
	v10 =	vmovc v28;
	v20 =	vadd.s32 v3, v30;
	s0 =	sadd.s32 $0x4, s0;
	v23 =	vld [tilespmem:s21+$0x40];
	v25 =	vadd.f32 v33, v6;
	[tilespmem:v34+s10+$0x0] =	vst.idx.msk $0xffff, v27  }
0x347: {  	s0 =	sadd.s32 $0x1, s25  }
0x348: {  	v26 =	vand.u32 $0x7F, v26;
	s31 =	sadd.s32 $0x2, s25;
	v28 =	vld [tilespmem:s21+$0xFFFFFFC0];
	v27 =	vmov s0  }
0x349: {  	v31 =	vld [tilespmem:s21+$0x0];
	v29 =	vadd.s32 v0, v26;
	v30 =	vmov s31;
	v27 =	vand.u32 $0x7D, v27  }
0x34a: {  	v32 =	vld [tilespmem:s21+$0xFFFFFF80];
	v30 =	vand.u32 $0x7E, v30;
	v33 =	vadd.s32 v0, v27  }
0x34b: {  	v34 =	vadd.s32 v0, v30  }
0x34c: {  	[tilespmem:v22+s10+$0x0] =	vst.idx.msk $0xffff, v24;
	v44 =	vadd.s32 v0, v13;
	v23 =	vadd.f32 v23, v9  }
0x34d: {  	[tilespmem:v21+s10+$0x0] =	vst.idx.msk $0xffff, v25;
	v45 =	vadd.f32 v28, v9  }
0x34e: {  	v46 =	vadd.f32 v31, v9;
	[tilespmem:v29+s10+$0x0] =	vst.idx.msk $0xffff, v23  }
0x34f: {  	v47 =	vadd.f32 v32, v9;
	v48 =	vld [tilespmem:s21+$0x50];
	[tilespmem:v33+s10+$0x0] =	vst.idx.msk $0xffff, v45  }
0x350: {  	v17 =	vadd.f32 v17, v6;
	v12 =	vadd.s32 v3, v12;
	[tilespmem:v34+s10+$0x0] =	vst.idx.msk $0xffff, v46;
	v21 =	vld [tilespmem:s21+$0xFFFFFFD0]  }
0x351: {  	v16 =	vadd.f32 v16, v4;
	v49 =	vadd.s32 v1, v26;
	[tilespmem:v44+s10+$0x0] =	vst.idx.msk $0xffff, v47;
	v50 =	vld [tilespmem:s21+$0x10]  }
0x352: {  	[tilespmem:v14+s10+$0x0] =	vst.idx.msk $0xffff, v17;
	v51 =	vadd.f32 v15, v4;
	v53 =	vadd.s32 v1, v27;
	v52 =	vld [tilespmem:s21+$0xFFFFFF90]  }
0x353: {  	v54 =	vld [tilespmem:s8+$0x60];
	v18 =	vadd.f32 v18, v4;
	[tilespmem:v19+s10+$0x0] =	vst.idx.msk $0xffff, v16;
	v55 =	vadd.s32 v1, v30  }
0x354: {  	v57 =	vadd.s32 v1, v13;
	v60 =	vld [tilespmem:s8+$0x20];
	[tilespmem:v20+s10+$0x0] =	vst.idx.msk $0xffff, v51;
	v58 =	vadd.f32 v48, v6  }
0x355: {  	v59 =	vadd.s32 v2, v7;
	v56 =	vld [tilespmem:s8+$0xFFFFFFE0];
	[tilespmem:v12+s10+$0x0] =	vst.idx.msk $0xffff, v18;
	v61 =	vadd.f32 v21, v6  }
0x356: {  	v62 =	vld [tilespmem:s8+$0xFFFFFFA0];
	v29 =	vadd.s32 v2, v11;
	[tilespmem:v49+s10+$0x0] =	vst.idx.msk $0xffff, v58;
	v28 =	vadd.f32 v50, v6  }
0x357: {  	v63 =	vadd.s32 v2, v10;
	v31 =	vadd.f32 v52, v6;
	v32 =	vld [tilespmem:s21+$0x60];
	[tilespmem:v53+s10+$0x0] =	vst.idx.msk $0xffff, v61  }
0x358: {  	v33 =	vadd.f32 v54, v5;
	v34 =	vadd.s32 v2, v8;
	[tilespmem:v55+s10+$0x0] =	vst.idx.msk $0xffff, v28;
	v35 =	vld [tilespmem:s21+$0xFFFFFFE0]  }
0x359: {  	v37 =	vadd.s32 v2, v26;
	v39 =	vadd.f32 v60, v5;
	[tilespmem:v57+s10+$0x0] =	vst.idx.msk $0xffff, v31;
	v38 =	vld [tilespmem:s21+$0x20]  }
0x35a: {  	v41 =	vadd.s32 v2, v27;
	v36 =	vadd.f32 v56, v5;
	[tilespmem:v59+s10+$0x0] =	vst.idx.msk $0xffff, v33;
	v40 =	vld [tilespmem:s21+$0xFFFFFFA0]  }
0x35b: {  	v43 =	vadd.s32 v2, v30;
	v18 =	vadd.f32 v62, v5;
	v42 =	vld [tilespmem:s8+$0x70];
	[tilespmem:v29+s10+$0x0] =	vst.idx.msk $0xffff, v39  }
0x35c: {  	v45 =	vadd.s32 v2, v13;
	[tilespmem:v63+s10+$0x0] =	vst.idx.msk $0xffff, v36;
	v47 =	vld [tilespmem:s8+$0x30];
	v44 =	vadd.f32 v32, v5  }
0x35d: {  	v46 =	vadd.s32 v3, v7;
	[tilespmem:v34+s10+$0x0] =	vst.idx.msk $0xffff, v18;
	v21 =	vld [tilespmem:s8+$0xFFFFFFF0];
	v9 =	vadd.f32 v35, v5  }
0x35e: {  	v18 =	vld [tilespmem:s8+$0xFFFFFFB0];
	v50 =	vadd.s32 v3, v11;
	[tilespmem:v37+s10+$0x0] =	vst.idx.msk $0xffff, v44;
	v49 =	vadd.f32 v38, v5  }
0x35f: {  	v48 =	vadd.s32 v3, v10;
	v5 =	vadd.f32 v40, v5;
	v12 =	vld [tilespmem:s21+$0x70];
	[tilespmem:v41+s10+$0x0] =	vst.idx.msk $0xffff, v9  }
0x360: {  	v52 =	vadd.s32 v3, v8;
	v51 =	vadd.f32 v42, v4;
	[tilespmem:v43+s10+$0x0] =	vst.idx.msk $0xffff, v49;
	v53 =	vld [tilespmem:s21+$0xFFFFFFF0]  }
0x361: {  	v55 =	vadd.s32 v3, v26;
	v56 =	vadd.f32 v47, v4;
	[tilespmem:v45+s10+$0x0] =	vst.idx.msk $0xffff, v5;
	v5 =	vld [tilespmem:s21+$0x30]  }
0x362: {  	v58 =	vadd.s32 v3, v27;
	[tilespmem:v46+s10+$0x0] =	vst.idx.msk $0xffff, v51;
	v54 =	vadd.f32 v21, v4;
	v57 =	vld [tilespmem:s21+$0xFFFFFFB0]  }
0x363: {  	v60 =	vadd.s32 v3, v30;
	v59 =	vadd.f32 v18, v4;
	[tilespmem:v50+s10+$0x0] =	vst.idx.msk $0xffff, v56  }
0x364: {  	v62 =	vadd.s32 v3, v13;
	[tilespmem:v48+s10+$0x0] =	vst.idx.msk $0xffff, v54;
	v61 =	vadd.f32 v12, v4  }
0x365: {  	[tilespmem:v52+s10+$0x0] =	vst.idx.msk $0xffff, v59;
	v63 =	vadd.f32 v53, v4  }
0x366: {  	s9 =	sshll.u32 s28, $0x12;
	[tilespmem:v55+s10+$0x0] =	vst.idx.msk $0xffff, v61;
	v5 =	vadd.f32 v5, v4  }
0x367: {  	s0 =	sor.u32 s5, s9;
	v4 =	vadd.f32 v57, v4;
	[tilespmem:v58+s10+$0x0] =	vst.idx.msk $0xffff, v63  }
0x368: {  	s0 =	sshrl.u32 s0, $0x3;
	[tilespmem:v60+s10+$0x0] =	vst.idx.msk $0xffff, v5  }
0x369: {  	s11 =	simm.s32 $0xD480;
	s8 =	sadd.s32 s3, s0;
	[tilespmem:v62+s10+$0x0] =	vst.idx.msk $0xffff, v4  }
0x36a: {  	[hbm4b:s8+s4] =	stream.linear.scatter [tilespmem:s11], [sflag:$0xB], $0x80, $0x38;
	[tilespmem:$0x17E80] =	vst v63  }
0x36b: {  	s9 =	sadd.s32 $0x10, s8;
	s21 =	simm.s32 $0xD508  }
0x36c: {  	[hbm4b:s9+s4] =	stream.linear.scatter [tilespmem:s21], [sflag:$0xB], $0x80, $0x38;
	[tilespmem:$0x17E80] =	vst v63  }
0x36d: {  	s25 =	simm.s32 $0xD590;
	s31 =	sadd.s32 $0x20, s8  }
0x36e: {  	[hbm4b:s31+s4] =	stream.linear.scatter [tilespmem:s25], [sflag:$0xB], $0x80, $0x38;
	[tilespmem:$0x17E80] =	vst v63  }
0x36f: {  	s11 =	simm.s32 $0xD618;
	s21 =	sadd.s32 $0x30, s8  }
0x370: {  	[hbm4b:s21+s4] =	stream.linear.scatter [tilespmem:s11], [sflag:$0xB], $0x80, $0x38;
	[tilespmem:$0x17E80] =	vst v63  }
0x371: {  	s25 =	simm.s32 $0xD6A0;
	s31 =	sadd.s32 $0x40, s8  }
0x372: {  	[hbm4b:s31+s4] =	stream.linear.scatter [tilespmem:s25], [sflag:$0xB], $0x80, $0x38;
	[tilespmem:$0x17E80] =	vst v63  }
0x373: {  	s0 =	simm.s32 $0x440;
	s11 =	simm.s32 $0xD728;
	s21 =	sadd.s32 $0x50, s8  }
0x374: {  	[hbm4b:s21+s4] =	stream.linear.scatter [tilespmem:s11], [sflag:$0xB], $0x80, $0x38;
	[tilespmem:$0x17E80] =	vst v63  }
0x375: {  	s28 =	sadd.s32 $0x70, s8;
	s25 =	simm.s32 $0xD7B0;
	s31 =	sadd.s32 $0x60, s8  }
0x376: {  	[hbm4b:s31+s4] =	stream.linear.scatter [tilespmem:s25], [sflag:$0xB], $0x80, $0x38;
	[tilespmem:$0x17E80] =	vst v63  }
0x377: {  	s8 =	sadd.s32 $0x1000, s8;
	s21 =	simm.s32 $0x2200;
	s25 =	simm.s32 $0xD838  }
.LBB2_25:
0x378: {  	[hbm4b:s28+s4] =	stream.linear.scatter [tilespmem:s25], [sflag:$0xB], $0x80, $0x38;
	[tilespmem:$0x17E80] =	vst v63  }
0x379: {  	s9 =	smov.u32 s0;
	s0 =	smov.u32 s21  }
0x37a: {  	s11 =	sadd.s32 $0x1100, s21;
	s0 =	sshra.s32 s0, $0x2;
	s25 =	sadd.s32 $0xD480, s9  }
0x37b: {  	[hbm4b:s8+s4] =	stream.linear.scatter [tilespmem:s25], [sflag:$0xB], $0x80, $0x38;
	[tilespmem:$0x17E80] =	vst v63  }
0x37c: {  	p0 =	sne.s32 s21, $0x7700;
	s21 =	sadd.s32 $0xD508, s9;
	s25 =	sadd.s32 $0x10, s8  }
0x37d: {  	[hbm4b:s25+s4] =	stream.linear.scatter [tilespmem:s21], [sflag:$0xB], $0x80, $0x38;
	[tilespmem:$0x17E80] =	vst v63  }
0x37e: {  	s21 =	sadd.s32 $0xD590, s9;
	s25 =	sadd.s32 $0x20, s8  }
0x37f: {  	[hbm4b:s25+s4] =	stream.linear.scatter [tilespmem:s21], [sflag:$0xB], $0x80, $0x38;
	[tilespmem:$0x17E80] =	vst v63  }
0x380: {  	s21 =	sadd.s32 $0xD618, s9;
	s25 =	sadd.s32 $0x30, s8  }
0x381: {  	[hbm4b:s25+s4] =	stream.linear.scatter [tilespmem:s21], [sflag:$0xB], $0x80, $0x38;
	[tilespmem:$0x17E80] =	vst v63  }
0x382: {  	s21 =	sadd.s32 $0xD6A0, s9;
	s25 =	sadd.s32 $0x40, s8  }
0x383: {  	[hbm4b:s25+s4] =	stream.linear.scatter [tilespmem:s21], [sflag:$0xB], $0x80, $0x38;
	[tilespmem:$0x17E80] =	vst v63  }
.Ltmp11:
0x384: {  	s21 =	sadd.s32 $0xD728, s9;
	s25 =	sadd.s32 $0x50, s8;
	(pc) =	sbr.rel @p0 .LBB2_25-.Ltmp11, $4  }
0x385: {  	[hbm4b:s25+s4] =	stream.linear.scatter [tilespmem:s21], [sflag:$0xB], $0x80, $0x38;
	[tilespmem:$0x17E80] =	vst v63  }
0x386: {  	s28 =	sadd.s32 $0x70, s8;
	s21 =	sadd.s32 $0xD7B0, s9;
	s25 =	sadd.s32 $0x60, s8  }
0x387: {  	[hbm4b:s25+s4] =	stream.linear.scatter [tilespmem:s21], [sflag:$0xB], $0x80, $0x38;
	[tilespmem:$0x17E80] =	vst v63  }
0x388: {  	s8 =	sadd.s32 $0x1000, s8;
	s25 =	sadd.s32 $0xD838, s9;
	s21 =	smov.u32 s11  }
0x389: {  	[hbm4b:s28+s4] =	stream.linear.scatter [tilespmem:s25], [sflag:$0xB], $0x80, $0x38;
	[tilespmem:$0x17E80] =	vst v63  }
0x38a: {  	s9 =	sadd.s32 $0xD480, s0  }
0x38b: {  	[hbm4b:s8+s4] =	stream.linear.scatter [tilespmem:s9], [sflag:$0xB], $0x80, $0x38;
	[tilespmem:$0x17E80] =	vst v63  }
0x38c: {  	s25 =	sadd.s32 $0xD508, s0;
	s11 =	sadd.s32 $0x10, s8  }
0x38d: {  	[hbm4b:s11+s4] =	stream.linear.scatter [tilespmem:s25], [sflag:$0xB], $0x80, $0x38;
	[tilespmem:$0x17E80] =	vst v63  }
0x38e: {  	s28 =	sadd.s32 $0xD590, s0;
	s31 =	sadd.s32 $0x20, s8  }
0x38f: {  	[hbm4b:s31+s4] =	stream.linear.scatter [tilespmem:s28], [sflag:$0xB], $0x80, $0x38;
	[tilespmem:$0x17E80] =	vst v63  }
0x390: {  	s21 =	sadd.s32 $0xD618, s0;
	s25 =	sadd.s32 $0x30, s8  }
0x391: {  	[hbm4b:s25+s4] =	stream.linear.scatter [tilespmem:s21], [sflag:$0xB], $0x80, $0x38;
	[tilespmem:$0x17E80] =	vst v63  }
0x392: {  	s28 =	sadd.s32 $0xD6A0, s0;
	s31 =	sadd.s32 $0x40, s8  }
0x393: {  	[hbm4b:s31+s4] =	stream.linear.scatter [tilespmem:s28], [sflag:$0xB], $0x80, $0x38;
	[tilespmem:$0x17E80] =	vst v63  }
0x394: {  	s21 =	sadd.s32 $0xD728, s0;
	s25 =	sadd.s32 $0x50, s8  }
0x395: {  	[hbm4b:s25+s4] =	stream.linear.scatter [tilespmem:s21], [sflag:$0xB], $0x80, $0x38;
	[tilespmem:$0x17E80] =	vst v63  }
0x396: {  	s28 =	sadd.s32 $0xD7B0, s0;
	s31 =	sadd.s32 $0x60, s8  }
0x397: {  	[hbm4b:s31+s4] =	stream.linear.scatter [tilespmem:s28], [sflag:$0xB], $0x80, $0x38;
	[tilespmem:$0x17E80] =	vst v63  }
0x398: {  	s21 =	sadd.s32 $0xD838, s0;
	s25 =	sadd.s32 $0x70, s8  }
0x399: {  	[hbm4b:s25+s4] =	stream.linear.scatter [tilespmem:s21], [sflag:$0xB], $0x80, $0x38;
	[tilespmem:$0x17E80] =	vst v63  }
0x39a: {  	s24 =	sadd.s32 $0x1, s24;
	_ =	swait.ge [sflag:s13], $0x2000  }
0x39b: {  	p0 =	sne.s32 s24, $0x27;
	[sflag:s13] =	ssyncset.done $0x0  }
.Ltmp12:
0x39c: {  	s28 =	simm.s32 $0x5;
	[sflag:s13] =	ssyncadd.s32 $0xFFFFE000;
	(pc) =	sbr.rel @p0 .LBB2_6-.Ltmp12, $4  }
0x39d: {  	_ =	swait.ge [sflag:s28], $0x80  }
0x39e: {  	[sflag:s28] =	ssyncset.done $0x0  }
0x39f: {  	s31 =	simm.s32 $0xB480;
	[sflag:s28] =	ssyncadd.s32 $0xFFFFFF80  }
0x3a0: {  	[tilespmem:s31], [sflag:$0xA] =	stream.indirect.gather [hbm4b:s6+s22], $0x40, s29, s22, $0xb8;
	[tilespmem:$0x17E80] =	vst v63  }
0x3a1: {  	s0 =	simm.s32 $0x7  }
0x3a2: {  	_ =	swait.ge [sflag:s0], $0x2000  }
0x3a3: {  	[sflag:s0] =	ssyncset.done $0x0  }
0x3a4: {  	[sflag:s0] =	ssyncadd.s32 $0xFFFFE000  }
0x3a5: {  	s24 =	simm.s32 $0x5570;
	s9 =	simm.s32 $0x3;
	v9 =	vld [tilespmem:$0x3100]  }
0x3a6: {  	v4 =	vmov s9;
	v7 =	vld [tilespmem:s24+$0xFFFFFFD0]  }
0x3a7: {  	v13 =	vand.u32 $0x7F, v4  }
0x3a8: {  	s11 =	simm.s32 $0x0;
	v8 =	vadd.s32 v0, v13;
	v6 =	vld [tilespmem:$0x3110]  }
0x3a9: {  	s20 =	simm.s32 $0x1;
	s8 =	simm.s32 $0x2;
	v4 =	vmov s11;
	v10 =	vld [tilespmem:s24+$0xFFFFFF10]  }
0x3aa: {  	v14 =	vmov s8;
	v12 =	vand.u32 $0x7C, v4;
	v4 =	vmov s20;
	v11 =	vld [tilespmem:s24+$0xFFFFFF50]  }
0x3ab: {  	v15 =	vadd.s32 v0, v12;
	v19 =	vand.u32 $0x7D, v4;
	v16 =	vld [tilespmem:s24+$0xFFFFFF90];
	v7 =	vadd.f32 v7, v9  }
0x3ac: {  	v20 =	vand.u32 $0x7E, v14;
	v5 =	vld [tilespmem:$0x3120];
	v17 =	vadd.s32 v0, v19  }
0x3ad: {  	v14 =	vadd.s32 v0, v20;
	v4 =	vld [tilespmem:$0x3130];
	[tilespmem:v8+s7+$0x0] =	vst.idx.msk $0xffff, v7  }
0x3ae: {  	v7 =	vadd.f32 v10, v9;
	v8 =	vld [tilespmem:s24+$0xFFFFFFE0]  }
0x3af: {  	v10 =	vadd.f32 v11, v9  }
0x3b0: {  	v11 =	vadd.s32 v1, v13;
	[tilespmem:v15+s7+$0x0] =	vst.idx.msk $0xffff, v7;
	v7 =	vadd.f32 v16, v9  }
0x3b1: {  	[tilespmem:v17+s7+$0x0] =	vst.idx.msk $0xffff, v10;
	v15 =	vld [tilespmem:s24+$0xFFFFFF20]  }
0x3b2: {  	v10 =	vld [tilespmem:s24+$0xFFFFFF60];
	[tilespmem:v14+s7+$0x0] =	vst.idx.msk $0xffff, v7  }
0x3b3: {  	v14 =	vld [tilespmem:s24+$0xFFFFFFA0];
	v7 =	vadd.f32 v8, v6  }
0x3b4: {  	s9 =	simm.s32 $0x7;
	s8 =	simm.s32 $0x5670;
	v16 =	vadd.s32 v1, v19  }
0x3b5: {  	s21 =	simm.s32 $0x4;
	v26 =	vadd.s32 v2, v13;
	v18 =	vld [tilespmem:s8+$0xFFFFFFD0];
	v17 =	vadd.s32 v1, v20;
	[tilespmem:v11+s7+$0x0] =	vst.idx.msk $0xffff, v7;
	v7 =	vmov s9  }
0x3b6: {  	v21 =	vadd.s32 v1, v12;
	v8 =	vmov s21;
	v7 =	vand.u32 $0x7F, v7;
	v22 =	vld [tilespmem:s24+$0xFFFFFFF0]  }
0x3b7: {  	s25 =	simm.s32 $0x5;
	v23 =	vld [tilespmem:s8+$0xFFFFFF10];
	v8 =	vand.u32 $0x7C, v8;
	v10 =	vadd.f32 v10, v6;
	v24 =	vadd.s32 v0, v7  }
0x3b8: {  	s28 =	simm.s32 $0x6;
	v25 =	vld [tilespmem:s8+$0xFFFFFF50];
	v15 =	vadd.f32 v15, v6;
	v11 =	vadd.f32 v14, v6;
	v14 =	vmov s25  }
0x3b9: {  	v27 =	vadd.s32 v0, v8;
	[tilespmem:v16+s7+$0x0] =	vst.idx.msk $0xffff, v10;
	v16 =	vmov s28;
	v10 =	vand.u32 $0x7D, v14;
	v14 =	vld [tilespmem:s8+$0xFFFFFF90]  }
0x3ba: {  	[tilespmem:v17+s7+$0x0] =	vst.idx.msk $0xffff, v11;
	v17 =	vadd.s32 v0, v10;
	v11 =	vand.u32 $0x7E, v16;
	v16 =	vadd.f32 v18, v9;
	v18 =	vld [tilespmem:s24+$0xFFFFFF70]  }
0x3bb: {  	[tilespmem:v21+s7+$0x0] =	vst.idx.msk $0xffff, v15;
	v15 =	vadd.s32 v0, v11;
	v21 =	vld [tilespmem:s24+$0xFFFFFFB0];
	v22 =	vadd.f32 v22, v5  }
0x3bc: {  	v23 =	vadd.f32 v23, v9;
	[tilespmem:v24+s7+$0x0] =	vst.idx.msk $0xffff, v16;
	v16 =	vld [tilespmem:s24+$0xFFFFFF30];
	v24 =	vadd.s32 v2, v19  }
0x3bd: {  	v29 =	vadd.s32 v2, v20;
	v25 =	vadd.f32 v25, v9;
	v28 =	vld [tilespmem:s8+$0xFFFFFFE0];
	[tilespmem:v26+s7+$0x0] =	vst.idx.msk $0xffff, v22  }
0x3be: {  	[tilespmem:v27+s7+$0x0] =	vst.idx.msk $0xffff, v23;
	v23 =	vadd.s32 v2, v12;
	v14 =	vadd.f32 v14, v9;
	v26 =	vld [tilespmem:s24+$0x0]  }
0x3bf: {  	v27 =	vld [tilespmem:s8+$0xFFFFFF20];
	[tilespmem:v17+s7+$0x0] =	vst.idx.msk $0xffff, v25;
	v25 =	vadd.s32 v1, v7;
	v18 =	vadd.f32 v18, v5  }
0x3c0: {  	v31 =	vadd.s32 v3, v13;
	v30 =	vld [tilespmem:s8+$0xFFFFFF60];
	[tilespmem:v15+s7+$0x0] =	vst.idx.msk $0xffff, v14;
	v14 =	vadd.f32 v21, v5  }
0x3c1: {  	v22 =	vadd.s32 v1, v8;
	v17 =	vld [tilespmem:s8+$0xFFFFFFA0];
	v13 =	vadd.f32 v16, v5;
	[tilespmem:v24+s7+$0x0] =	vst.idx.msk $0xffff, v18  }
0x3c2: {  	s21 =	simm.s32 $0x8;
	v21 =	vadd.s32 v1, v10;
	[tilespmem:v29+s7+$0x0] =	vst.idx.msk $0xffff, v14;
	v18 =	vadd.f32 v28, v6;
	v16 =	vld [tilespmem:s24+$0xFFFFFF80]  }
0x3c3: {  	v24 =	vmov s21;
	v14 =	vadd.s32 v1, v11;
	v15 =	vld [tilespmem:s24+$0xFFFFFFC0];
	[tilespmem:v23+s7+$0x0] =	vst.idx.msk $0xffff, v13;
	v63 =	vadd.f32 v26, v4  }
0x3c4: {  	s31 =	simm.s32 $0xB;
	s20 =	simm.s32 $0x5770;
	v19 =	vadd.s32 v3, v19;
	v13 =	vand.u32 $0x7C, v24;
	v24 =	vadd.f32 v27, v6;
	[tilespmem:v25+s7+$0x0] =	vst.idx.msk $0xffff, v18;
	v18 =	vld [tilespmem:s24+$0xFFFFFF40]  }
0x3c5: {  	s0 =	simm.s32 $0xC;
	v20 =	vadd.s32 v3, v20;
	v26 =	vmov s31;
	v23 =	vld [tilespmem:s20+$0xFFFFFFD0];
	v25 =	vadd.f32 v30, v6;
	[tilespmem:v31+s7+$0x0] =	vst.idx.msk $0xffff, v63  }
.LBB2_28:
0x3c6: {  	p0 =	slt.u32 s0, $0x7C;
	s9 =	sadd.s32 $0x1, s21;
	v26 =	vand.u32 $0x7F, v26;
	[tilespmem:v22+s7+$0x0] =	vst.idx.msk $0xffff, v24;
	v17 =	vadd.f32 v17, v6;
	v22 =	vld [tilespmem:s8+$0xFFFFFFF0];
	v24 =	vadd.s32 v3, v12  }
0x3c7: {  	v30 =	vmovc v11;
	v27 =	vld [tilespmem:s20+$0xFFFFFF10];
	v28 =	vmov s9;
	s9 =	sadd.s32 $0x2, s21;
	v29 =	vadd.s32 v0, v26;
	[tilespmem:v21+s7+$0x0] =	vst.idx.msk $0xffff, v25;
	v16 =	vadd.f32 v16, v4;
	s21 =	smov.u32 s0  }
0x3c8: {  	v12 =	vmovc v8;
	v21 =	vld [tilespmem:s20+$0xFFFFFF50];
	v11 =	vmov s9;
	[tilespmem:v14+s7+$0x0] =	vst.idx.msk $0xffff, v17;
	v14 =	vadd.s32 v2, v7;
	v15 =	vadd.f32 v15, v4  }
0x3c9: {  	v17 =	vadd.s32 v0, v13;
	v28 =	vand.u32 $0x7D, v28;
	v25 =	vld [tilespmem:s20+$0xFFFFFF90];
	v31 =	vadd.f32 v18, v4;
	[tilespmem:v19+s7+$0x0] =	vst.idx.msk $0xffff, v16  }
0x3ca: {  	v16 =	vadd.s32 v0, v28;
	v11 =	vand.u32 $0x7E, v11;
	v18 =	vadd.f32 v23, v9;
	v19 =	vld [tilespmem:s8+$0xFFFFFF70];
	[tilespmem:v20+s7+$0x0] =	vst.idx.msk $0xffff, v15  }
0x3cb: {  	v8 =	vmov v13;
	v15 =	vadd.s32 v0, v11;
	v20 =	vld [tilespmem:s8+$0xFFFFFFB0];
	v22 =	vadd.f32 v22, v5;
	[tilespmem:v24+s7+$0x0] =	vst.idx.msk $0xffff, v31  }
0x3cc: {  	v23 =	vadd.s32 v2, v10;
	v13 =	vadd.f32 v27, v9;
	[tilespmem:v29+s7+$0x0] =	vst.idx.msk $0xffff, v18;
	v18 =	vld [tilespmem:s8+$0xFFFFFF30]  }
0x3cd: {  	v27 =	vadd.s32 v2, v30;
	v21 =	vadd.f32 v21, v9;
	v24 =	vld [tilespmem:s20+$0xFFFFFFE0];
	[tilespmem:v14+s7+$0x0] =	vst.idx.msk $0xffff, v22  }
0x3ce: {  	[tilespmem:v17+s7+$0x0] =	vst.idx.msk $0xffff, v13;
	v13 =	vadd.f32 v25, v9;
	v25 =	vadd.s32 v2, v12;
	v29 =	vld [tilespmem:s8+$0x0]  }
0x3cf: {  	v32 =	vadd.s32 v1, v26;
	v31 =	vld [tilespmem:s20+$0xFFFFFF20];
	[tilespmem:v16+s7+$0x0] =	vst.idx.msk $0xffff, v21;
	v14 =	vadd.f32 v19, v5  }
0x3d0: {  	v34 =	vadd.s32 v3, v7;
	v7 =	vmov v26;
	v33 =	vld [tilespmem:s20+$0xFFFFFF60];
	[tilespmem:v15+s7+$0x0] =	vst.idx.msk $0xffff, v13;
	v13 =	vadd.f32 v20, v5  }
.Ltmp13:
0x3d1: {  	v22 =	vadd.s32 v1, v8;
	v17 =	vld [tilespmem:s20+$0xFFFFFFA0];
	v15 =	vadd.f32 v18, v5;
	[tilespmem:v23+s7+$0x0] =	vst.idx.msk $0xffff, v14;
	(pc) =	sbr.rel @p0 .LBB2_28-.Ltmp13, $4  }
0x3d2: {  	v21 =	vadd.s32 v1, v28;
	v18 =	vadd.f32 v24, v6;
	v16 =	vld [tilespmem:s8+$0xFFFFFF80];
	[tilespmem:v27+s7+$0x0] =	vst.idx.msk $0xffff, v13  }
0x3d3: {  	v14 =	vadd.s32 v1, v11;
	v13 =	vmov s0;
	[tilespmem:v25+s7+$0x0] =	vst.idx.msk $0xffff, v15;
	v15 =	vld [tilespmem:s8+$0xFFFFFFC0];
	v27 =	vadd.f32 v29, v4  }
0x3d4: {  	s9 =	sadd.s32 $0x3, s0;
	v19 =	vadd.s32 v3, v10;
	v13 =	vand.u32 $0x7C, v13;
	v24 =	vadd.f32 v31, v6;
	[tilespmem:v32+s7+$0x0] =	vst.idx.msk $0xffff, v18;
	v18 =	vld [tilespmem:s8+$0xFFFFFF40];
	s8 =	smov.u32 s20;
	s20 =	sadd.s32 $0x100, s20  }
0x3d5: {  	v26 =	vmov s9;
	v10 =	vmovc v28;
	v20 =	vadd.s32 v3, v30;
	s0 =	sadd.s32 $0x4, s0;
	v23 =	vld [tilespmem:s20+$0xFFFFFFD0];
	v25 =	vadd.f32 v33, v6;
	[tilespmem:v34+s7+$0x0] =	vst.idx.msk $0xffff, v27  }
0x3d6: {  	s0 =	sadd.s32 $0x1, s21  }
0x3d7: {  	v26 =	vand.u32 $0x7F, v26;
	s11 =	sadd.s32 $0x2, s21;
	v28 =	vld [tilespmem:s20+$0xFFFFFF50];
	v27 =	vmov s0  }
0x3d8: {  	v31 =	vld [tilespmem:s20+$0xFFFFFF90];
	v29 =	vadd.s32 v0, v26;
	v30 =	vmov s11;
	v27 =	vand.u32 $0x7D, v27  }
0x3d9: {  	v32 =	vld [tilespmem:s20+$0xFFFFFF10];
	v30 =	vand.u32 $0x7E, v30;
	v33 =	vadd.s32 v0, v27  }
0x3da: {  	v34 =	vadd.s32 v0, v30  }
0x3db: {  	[tilespmem:v22+s7+$0x0] =	vst.idx.msk $0xffff, v24;
	v44 =	vadd.s32 v0, v13;
	v23 =	vadd.f32 v23, v9  }
0x3dc: {  	[tilespmem:v21+s7+$0x0] =	vst.idx.msk $0xffff, v25;
	v45 =	vadd.f32 v28, v9  }
0x3dd: {  	v46 =	vadd.f32 v31, v9;
	[tilespmem:v29+s7+$0x0] =	vst.idx.msk $0xffff, v23  }
0x3de: {  	v47 =	vadd.f32 v32, v9;
	v48 =	vld [tilespmem:s20+$0xFFFFFFE0];
	[tilespmem:v33+s7+$0x0] =	vst.idx.msk $0xffff, v45  }
0x3df: {  	v17 =	vadd.f32 v17, v6;
	v12 =	vadd.s32 v3, v12;
	[tilespmem:v34+s7+$0x0] =	vst.idx.msk $0xffff, v46;
	v21 =	vld [tilespmem:s20+$0xFFFFFF60]  }
0x3e0: {  	v16 =	vadd.f32 v16, v4;
	v49 =	vadd.s32 v1, v26;
	[tilespmem:v44+s7+$0x0] =	vst.idx.msk $0xffff, v47;
	v50 =	vld [tilespmem:s20+$0xFFFFFFA0]  }
0x3e1: {  	[tilespmem:v14+s7+$0x0] =	vst.idx.msk $0xffff, v17;
	v51 =	vadd.f32 v15, v4;
	v53 =	vadd.s32 v1, v27;
	v52 =	vld [tilespmem:s20+$0xFFFFFF20]  }
0x3e2: {  	v54 =	vld [tilespmem:s8+$0xFFFFFFF0];
	v18 =	vadd.f32 v18, v4;
	[tilespmem:v19+s7+$0x0] =	vst.idx.msk $0xffff, v16;
	v55 =	vadd.s32 v1, v30  }
0x3e3: {  	v57 =	vadd.s32 v1, v13;
	v60 =	vld [tilespmem:s8+$0xFFFFFFB0];
	[tilespmem:v20+s7+$0x0] =	vst.idx.msk $0xffff, v51;
	v58 =	vadd.f32 v48, v6  }
0x3e4: {  	v59 =	vadd.s32 v2, v7;
	v56 =	vld [tilespmem:s8+$0xFFFFFF70];
	[tilespmem:v12+s7+$0x0] =	vst.idx.msk $0xffff, v18;
	v61 =	vadd.f32 v21, v6  }
0x3e5: {  	v62 =	vld [tilespmem:s8+$0xFFFFFF30];
	v29 =	vadd.s32 v2, v11;
	[tilespmem:v49+s7+$0x0] =	vst.idx.msk $0xffff, v58;
	v28 =	vadd.f32 v50, v6  }
0x3e6: {  	v63 =	vadd.s32 v2, v10;
	v31 =	vadd.f32 v52, v6;
	v32 =	vld [tilespmem:s20+$0xFFFFFFF0];
	[tilespmem:v53+s7+$0x0] =	vst.idx.msk $0xffff, v61  }
0x3e7: {  	v33 =	vadd.f32 v54, v5;
	v34 =	vadd.s32 v2, v8;
	[tilespmem:v55+s7+$0x0] =	vst.idx.msk $0xffff, v28;
	v35 =	vld [tilespmem:s20+$0xFFFFFF70]  }
0x3e8: {  	v37 =	vadd.s32 v2, v26;
	v39 =	vadd.f32 v60, v5;
	[tilespmem:v57+s7+$0x0] =	vst.idx.msk $0xffff, v31;
	v38 =	vld [tilespmem:s20+$0xFFFFFFB0]  }
0x3e9: {  	v41 =	vadd.s32 v2, v27;
	v36 =	vadd.f32 v56, v5;
	[tilespmem:v59+s7+$0x0] =	vst.idx.msk $0xffff, v33;
	v40 =	vld [tilespmem:s20+$0xFFFFFF30]  }
0x3ea: {  	v43 =	vadd.s32 v2, v30;
	v18 =	vadd.f32 v62, v5;
	v42 =	vld [tilespmem:s8+$0x0];
	[tilespmem:v29+s7+$0x0] =	vst.idx.msk $0xffff, v39  }
0x3eb: {  	v45 =	vadd.s32 v2, v13;
	[tilespmem:v63+s7+$0x0] =	vst.idx.msk $0xffff, v36;
	v47 =	vld [tilespmem:s8+$0xFFFFFFC0];
	v44 =	vadd.f32 v32, v5  }
0x3ec: {  	v46 =	vadd.s32 v3, v7;
	[tilespmem:v34+s7+$0x0] =	vst.idx.msk $0xffff, v18;
	v21 =	vld [tilespmem:s8+$0xFFFFFF80];
	v9 =	vadd.f32 v35, v5  }
0x3ed: {  	v18 =	vld [tilespmem:s8+$0xFFFFFF40];
	v50 =	vadd.s32 v3, v11;
	[tilespmem:v37+s7+$0x0] =	vst.idx.msk $0xffff, v44;
	v49 =	vadd.f32 v38, v5  }
0x3ee: {  	v48 =	vadd.s32 v3, v10;
	v5 =	vadd.f32 v40, v5;
	v12 =	vld [tilespmem:s20+$0x0];
	[tilespmem:v41+s7+$0x0] =	vst.idx.msk $0xffff, v9  }
0x3ef: {  	v52 =	vadd.s32 v3, v8;
	v51 =	vadd.f32 v42, v4;
	[tilespmem:v43+s7+$0x0] =	vst.idx.msk $0xffff, v49;
	v53 =	vld [tilespmem:s20+$0xFFFFFF80]  }
0x3f0: {  	v55 =	vadd.s32 v3, v26;
	v56 =	vadd.f32 v47, v4;
	[tilespmem:v45+s7+$0x0] =	vst.idx.msk $0xffff, v5;
	v5 =	vld [tilespmem:s20+$0xFFFFFFC0]  }
0x3f1: {  	v58 =	vadd.s32 v3, v27;
	[tilespmem:v46+s7+$0x0] =	vst.idx.msk $0xffff, v51;
	v54 =	vadd.f32 v21, v4;
	v57 =	vld [tilespmem:s20+$0xFFFFFF40]  }
0x3f2: {  	v60 =	vadd.s32 v3, v30;
	v59 =	vadd.f32 v18, v4;
	[tilespmem:v50+s7+$0x0] =	vst.idx.msk $0xffff, v56  }
0x3f3: {  	v62 =	vadd.s32 v3, v13;
	[tilespmem:v48+s7+$0x0] =	vst.idx.msk $0xffff, v54;
	v61 =	vadd.f32 v12, v4  }
0x3f4: {  	[tilespmem:v52+s7+$0x0] =	vst.idx.msk $0xffff, v59;
	v63 =	vadd.f32 v53, v4  }
0x3f5: {  	[tilespmem:v55+s7+$0x0] =	vst.idx.msk $0xffff, v61;
	v5 =	vadd.f32 v5, v4  }
0x3f6: {  	v4 =	vadd.f32 v57, v4;
	[tilespmem:v58+s7+$0x0] =	vst.idx.msk $0xffff, v63  }
0x3f7: {  	[tilespmem:v60+s7+$0x0] =	vst.idx.msk $0xffff, v5  }
0x3f8: {  	[tilespmem:v62+s7+$0x0] =	vst.idx.msk $0xffff, v4  }
0x3f9: {  	s21 =	simm.s32 $0xF680;
	s9 =	rddreg [dreg:$0xb]  }
0x3fa: {  	[hbm4b:s9+s4] =	stream.linear.scatter [tilespmem:s21], [sflag:$0xC], $0x80, $0x38;
	[tilespmem:$0x17E80] =	vst v63  }
0x3fb: {  	s24 =	simm.s32 $0xF708;
	s25 =	sadd.s32 $0x10, s9  }
0x3fc: {  	[hbm4b:s25+s4] =	stream.linear.scatter [tilespmem:s24], [sflag:$0xC], $0x80, $0x38;
	[tilespmem:$0x17E80] =	vst v63  }
0x3fd: {  	s28 =	simm.s32 $0xF790;
	s0 =	simm.s32 $0x440;
	s31 =	sadd.s32 $0x20, s9  }
0x3fe: {  	[hbm4b:s31+s4] =	stream.linear.scatter [tilespmem:s28], [sflag:$0xC], $0x80, $0x38;
	[tilespmem:$0x17E80] =	vst v63  }
0x3ff: {  	s8 =	simm.s32 $0xF818;
	s20 =	simm.s32 $0xF8A0;
	s11 =	sadd.s32 $0x30, s9  }
0x400: {  	[hbm4b:s11+s4] =	stream.linear.scatter [tilespmem:s8], [sflag:$0xC], $0x80, $0x38;
	[tilespmem:$0x17E80] =	vst v63  }
0x401: {  	s21 =	sadd.s32 $0x40, s9;
	s24 =	simm.s32 $0xF928;
	s25 =	sadd.s32 $0x50, s9  }
0x402: {  	[hbm4b:s21+s4] =	stream.linear.scatter [tilespmem:s20], [sflag:$0xC], $0x80, $0x38;
	[tilespmem:$0x17E80] =	vst v63  }
0x403: {  	s28 =	simm.s32 $0xF9B0;
	s31 =	sadd.s32 $0x60, s9;
	s8 =	sadd.s32 $0x1000, s9  }
0x404: {  	[hbm4b:s25+s4] =	stream.linear.scatter [tilespmem:s24], [sflag:$0xC], $0x80, $0x38;
	[tilespmem:$0x17E80] =	vst v63  }
0x405: {  	s20 =	simm.s32 $0x2200;
	s21 =	simm.s32 $0xFA38;
	s24 =	sadd.s32 $0x70, s9  }
0x406: {  	[hbm4b:s31+s4] =	stream.linear.scatter [tilespmem:s28], [sflag:$0xC], $0x80, $0x38;
	[tilespmem:$0x17E80] =	vst v63  }
.LBB2_30:
0x407: {  	[hbm4b:s24+s4] =	stream.linear.scatter [tilespmem:s21], [sflag:$0xC], $0x80, $0x38;
	[tilespmem:$0x17E80] =	vst v63  }
0x408: {  	s9 =	smov.u32 s0;
	s0 =	smov.u32 s20  }
0x409: {  	s11 =	sadd.s32 $0x1100, s20;
	s0 =	sshra.s32 s0, $0x2;
	s21 =	sadd.s32 $0xF680, s9  }
0x40a: {  	[hbm4b:s8+s4] =	stream.linear.scatter [tilespmem:s21], [sflag:$0xC], $0x80, $0x38;
	[tilespmem:$0x17E80] =	vst v63  }
0x40b: {  	p0 =	sne.s32 s20, $0x7700;
	s20 =	sadd.s32 $0xF708, s9;
	s21 =	sadd.s32 $0x10, s8  }
0x40c: {  	[hbm4b:s21+s4] =	stream.linear.scatter [tilespmem:s20], [sflag:$0xC], $0x80, $0x38;
	[tilespmem:$0x17E80] =	vst v63  }
0x40d: {  	s20 =	sadd.s32 $0xF790, s9;
	s21 =	sadd.s32 $0x20, s8  }
0x40e: {  	[hbm4b:s21+s4] =	stream.linear.scatter [tilespmem:s20], [sflag:$0xC], $0x80, $0x38;
	[tilespmem:$0x17E80] =	vst v63  }
0x40f: {  	s20 =	sadd.s32 $0xF818, s9;
	s21 =	sadd.s32 $0x30, s8  }
0x410: {  	[hbm4b:s21+s4] =	stream.linear.scatter [tilespmem:s20], [sflag:$0xC], $0x80, $0x38;
	[tilespmem:$0x17E80] =	vst v63  }
0x411: {  	s20 =	sadd.s32 $0xF8A0, s9;
	s21 =	sadd.s32 $0x40, s8  }
0x412: {  	[hbm4b:s21+s4] =	stream.linear.scatter [tilespmem:s20], [sflag:$0xC], $0x80, $0x38;
	[tilespmem:$0x17E80] =	vst v63  }
.Ltmp14:
0x413: {  	s20 =	sadd.s32 $0xF928, s9;
	s21 =	sadd.s32 $0x50, s8;
	(pc) =	sbr.rel @p0 .LBB2_30-.Ltmp14, $4  }
0x414: {  	[hbm4b:s21+s4] =	stream.linear.scatter [tilespmem:s20], [sflag:$0xC], $0x80, $0x38;
	[tilespmem:$0x17E80] =	vst v63  }
0x415: {  	s24 =	sadd.s32 $0x70, s8;
	s20 =	sadd.s32 $0xF9B0, s9;
	s21 =	sadd.s32 $0x60, s8  }
0x416: {  	[hbm4b:s21+s4] =	stream.linear.scatter [tilespmem:s20], [sflag:$0xC], $0x80, $0x38;
	[tilespmem:$0x17E80] =	vst v63  }
0x417: {  	s8 =	sadd.s32 $0x1000, s8;
	s21 =	sadd.s32 $0xFA38, s9;
	s20 =	smov.u32 s11  }
0x418: {  	[hbm4b:s24+s4] =	stream.linear.scatter [tilespmem:s21], [sflag:$0xC], $0x80, $0x38;
	[tilespmem:$0x17E80] =	vst v63  }
0x419: {  	s9 =	sadd.s32 $0xF680, s0  }
0x41a: {  	[hbm4b:s8+s4] =	stream.linear.scatter [tilespmem:s9], [sflag:$0xC], $0x80, $0x38;
	[tilespmem:$0x17E80] =	vst v63  }
0x41b: {  	s25 =	sadd.s32 $0xF708, s0;
	s11 =	sadd.s32 $0x10, s8  }
0x41c: {  	[hbm4b:s11+s4] =	stream.linear.scatter [tilespmem:s25], [sflag:$0xC], $0x80, $0x38;
	[tilespmem:$0x17E80] =	vst v63  }
0x41d: {  	s28 =	sadd.s32 $0xF790, s0;
	s31 =	sadd.s32 $0x20, s8  }
0x41e: {  	[hbm4b:s31+s4] =	stream.linear.scatter [tilespmem:s28], [sflag:$0xC], $0x80, $0x38;
	[tilespmem:$0x17E80] =	vst v63  }
0x41f: {  	s20 =	sadd.s32 $0xF818, s0;
	s21 =	sadd.s32 $0x30, s8  }
0x420: {  	[hbm4b:s21+s4] =	stream.linear.scatter [tilespmem:s20], [sflag:$0xC], $0x80, $0x38;
	[tilespmem:$0x17E80] =	vst v63  }
0x421: {  	s24 =	sadd.s32 $0xF8A0, s0;
	s25 =	sadd.s32 $0x40, s8  }
0x422: {  	[hbm4b:s25+s4] =	stream.linear.scatter [tilespmem:s24], [sflag:$0xC], $0x80, $0x38;
	[tilespmem:$0x17E80] =	vst v63  }
0x423: {  	s28 =	sadd.s32 $0xF928, s0;
	s31 =	sadd.s32 $0x50, s8  }
0x424: {  	[hbm4b:s31+s4] =	stream.linear.scatter [tilespmem:s28], [sflag:$0xC], $0x80, $0x38;
	[tilespmem:$0x17E80] =	vst v63  }
0x425: {  	s20 =	sadd.s32 $0xF9B0, s0;
	s21 =	sadd.s32 $0x60, s8  }
0x426: {  	[hbm4b:s21+s4] =	stream.linear.scatter [tilespmem:s20], [sflag:$0xC], $0x80, $0x38;
	[tilespmem:$0x17E80] =	vst v63  }
0x427: {  	s24 =	sadd.s32 $0xFA38, s0;
	s25 =	sadd.s32 $0x70, s8;
	s28 =	simm.s32 $0x8  }
0x428: {  	[hbm4b:s25+s4] =	stream.linear.scatter [tilespmem:s24], [sflag:$0xC], $0x80, $0x38;
	[tilespmem:$0x17E80] =	vst v63  }
0x429: {  	_ =	swait.ge [sflag:s28], $0x2000  }
0x42a: {  	[sflag:s28] =	ssyncset.done $0x0  }
0x42b: {  	[sflag:s28] =	ssyncadd.s32 $0xFFFFE000  }
0x42c: {  	s31 =	simm.s32 $0x3;
	s24 =	simm.s32 $0x7570;
	v9 =	vld [tilespmem:$0x3140]  }
0x42d: {  	v4 =	vmov s31;
	v7 =	vld [tilespmem:s24+$0xFFFFFFD0]  }
0x42e: {  	v13 =	vand.u32 $0x7F, v4  }
0x42f: {  	s8 =	simm.s32 $0x0;
	v8 =	vadd.s32 v0, v13;
	v6 =	vld [tilespmem:$0x3150]  }
0x430: {  	s9 =	simm.s32 $0x1;
	s11 =	simm.s32 $0x2;
	v4 =	vmov s8;
	v10 =	vld [tilespmem:s24+$0xFFFFFF10]  }
0x431: {  	v14 =	vmov s11;
	v12 =	vand.u32 $0x7C, v4;
	v4 =	vmov s9;
	v11 =	vld [tilespmem:s24+$0xFFFFFF50]  }
0x432: {  	v15 =	vadd.s32 v0, v12;
	v19 =	vand.u32 $0x7D, v4;
	v16 =	vld [tilespmem:s24+$0xFFFFFF90];
	v7 =	vadd.f32 v7, v9  }
0x433: {  	v20 =	vand.u32 $0x7E, v14;
	v17 =	vadd.s32 v0, v19;
	v5 =	vld [tilespmem:$0x3160]  }
0x434: {  	v14 =	vadd.s32 v0, v20;
	v4 =	vld [tilespmem:$0x3170];
	[tilespmem:v8+s15+$0x0] =	vst.idx.msk $0xffff, v7  }
0x435: {  	v7 =	vadd.f32 v10, v9;
	v8 =	vld [tilespmem:s24+$0xFFFFFFE0]  }
0x436: {  	v10 =	vadd.f32 v11, v9  }
0x437: {  	v11 =	vadd.s32 v1, v13;
	[tilespmem:v15+s15+$0x0] =	vst.idx.msk $0xffff, v7;
	v7 =	vadd.f32 v16, v9  }
0x438: {  	[tilespmem:v17+s15+$0x0] =	vst.idx.msk $0xffff, v10;
	v15 =	vld [tilespmem:s24+$0xFFFFFF20]  }
0x439: {  	v10 =	vld [tilespmem:s24+$0xFFFFFF60];
	[tilespmem:v14+s15+$0x0] =	vst.idx.msk $0xffff, v7  }
0x43a: {  	v14 =	vld [tilespmem:s24+$0xFFFFFFA0];
	v7 =	vadd.f32 v8, v6  }
0x43b: {  	s21 =	simm.s32 $0x7;
	s8 =	simm.s32 $0x7670;
	v16 =	vadd.s32 v1, v19  }
0x43c: {  	s20 =	simm.s32 $0x4;
	v26 =	vadd.s32 v2, v13;
	v18 =	vld [tilespmem:s8+$0xFFFFFFD0];
	v17 =	vadd.s32 v1, v20;
	[tilespmem:v11+s15+$0x0] =	vst.idx.msk $0xffff, v7;
	v7 =	vmov s21  }
0x43d: {  	v21 =	vadd.s32 v1, v12;
	v8 =	vmov s20;
	v7 =	vand.u32 $0x7F, v7;
	v22 =	vld [tilespmem:s24+$0xFFFFFFF0]  }
0x43e: {  	s25 =	simm.s32 $0x5;
	v23 =	vld [tilespmem:s8+$0xFFFFFF10];
	v8 =	vand.u32 $0x7C, v8;
	v10 =	vadd.f32 v10, v6;
	v24 =	vadd.s32 v0, v7  }
0x43f: {  	s28 =	simm.s32 $0x6;
	v25 =	vld [tilespmem:s8+$0xFFFFFF50];
	v15 =	vadd.f32 v15, v6;
	v11 =	vadd.f32 v14, v6;
	v14 =	vmov s25  }
0x440: {  	v27 =	vadd.s32 v0, v8;
	[tilespmem:v16+s15+$0x0] =	vst.idx.msk $0xffff, v10;
	v16 =	vmov s28;
	v10 =	vand.u32 $0x7D, v14;
	v14 =	vld [tilespmem:s8+$0xFFFFFF90]  }
0x441: {  	[tilespmem:v17+s15+$0x0] =	vst.idx.msk $0xffff, v11;
	v17 =	vadd.s32 v0, v10;
	v11 =	vand.u32 $0x7E, v16;
	v16 =	vadd.f32 v18, v9;
	v18 =	vld [tilespmem:s24+$0xFFFFFF70]  }
0x442: {  	[tilespmem:v21+s15+$0x0] =	vst.idx.msk $0xffff, v15;
	v15 =	vadd.s32 v0, v11;
	v21 =	vld [tilespmem:s24+$0xFFFFFFB0];
	v22 =	vadd.f32 v22, v5  }
0x443: {  	v23 =	vadd.f32 v23, v9;
	[tilespmem:v24+s15+$0x0] =	vst.idx.msk $0xffff, v16;
	v16 =	vld [tilespmem:s24+$0xFFFFFF30];
	v24 =	vadd.s32 v2, v19  }
0x444: {  	v29 =	vadd.s32 v2, v20;
	v25 =	vadd.f32 v25, v9;
	v28 =	vld [tilespmem:s8+$0xFFFFFFE0];
	[tilespmem:v26+s15+$0x0] =	vst.idx.msk $0xffff, v22  }
0x445: {  	[tilespmem:v27+s15+$0x0] =	vst.idx.msk $0xffff, v23;
	v23 =	vadd.s32 v2, v12;
	v14 =	vadd.f32 v14, v9;
	v26 =	vld [tilespmem:s24+$0x0]  }
0x446: {  	v27 =	vld [tilespmem:s8+$0xFFFFFF20];
	[tilespmem:v17+s15+$0x0] =	vst.idx.msk $0xffff, v25;
	v25 =	vadd.s32 v1, v7;
	v18 =	vadd.f32 v18, v5  }
0x447: {  	v31 =	vadd.s32 v3, v13;
	v30 =	vld [tilespmem:s8+$0xFFFFFF60];
	[tilespmem:v15+s15+$0x0] =	vst.idx.msk $0xffff, v14;
	v14 =	vadd.f32 v21, v5  }
0x448: {  	v22 =	vadd.s32 v1, v8;
	v17 =	vld [tilespmem:s8+$0xFFFFFFA0];
	v13 =	vadd.f32 v16, v5;
	[tilespmem:v24+s15+$0x0] =	vst.idx.msk $0xffff, v18  }
0x449: {  	s21 =	simm.s32 $0x8;
	v21 =	vadd.s32 v1, v10;
	[tilespmem:v29+s15+$0x0] =	vst.idx.msk $0xffff, v14;
	v18 =	vadd.f32 v28, v6;
	v16 =	vld [tilespmem:s24+$0xFFFFFF80]  }
0x44a: {  	v24 =	vmov s21;
	v14 =	vadd.s32 v1, v11;
	v15 =	vld [tilespmem:s24+$0xFFFFFFC0];
	[tilespmem:v23+s15+$0x0] =	vst.idx.msk $0xffff, v13;
	v63 =	vadd.f32 v26, v4  }
0x44b: {  	s31 =	simm.s32 $0xB;
	s20 =	simm.s32 $0x7770;
	v19 =	vadd.s32 v3, v19;
	v13 =	vand.u32 $0x7C, v24;
	v24 =	vadd.f32 v27, v6;
	[tilespmem:v25+s15+$0x0] =	vst.idx.msk $0xffff, v18;
	v18 =	vld [tilespmem:s24+$0xFFFFFF40]  }
0x44c: {  	s0 =	simm.s32 $0xC;
	v20 =	vadd.s32 v3, v20;
	v26 =	vmov s31;
	v23 =	vld [tilespmem:s20+$0xFFFFFFD0];
	v25 =	vadd.f32 v30, v6;
	[tilespmem:v31+s15+$0x0] =	vst.idx.msk $0xffff, v63  }
.LBB2_32:
0x44d: {  	p0 =	slt.u32 s0, $0x7C;
	s9 =	sadd.s32 $0x1, s21;
	v26 =	vand.u32 $0x7F, v26;
	[tilespmem:v22+s15+$0x0] =	vst.idx.msk $0xffff, v24;
	v17 =	vadd.f32 v17, v6;
	v22 =	vld [tilespmem:s8+$0xFFFFFFF0];
	v24 =	vadd.s32 v3, v12  }
0x44e: {  	v30 =	vmovc v11;
	v27 =	vld [tilespmem:s20+$0xFFFFFF10];
	v28 =	vmov s9;
	s9 =	sadd.s32 $0x2, s21;
	v29 =	vadd.s32 v0, v26;
	[tilespmem:v21+s15+$0x0] =	vst.idx.msk $0xffff, v25;
	v16 =	vadd.f32 v16, v4;
	s21 =	smov.u32 s0  }
0x44f: {  	v12 =	vmovc v8;
	v21 =	vld [tilespmem:s20+$0xFFFFFF50];
	v11 =	vmov s9;
	[tilespmem:v14+s15+$0x0] =	vst.idx.msk $0xffff, v17;
	v14 =	vadd.s32 v2, v7;
	v15 =	vadd.f32 v15, v4  }
0x450: {  	v17 =	vadd.s32 v0, v13;
	v28 =	vand.u32 $0x7D, v28;
	v25 =	vld [tilespmem:s20+$0xFFFFFF90];
	v31 =	vadd.f32 v18, v4;
	[tilespmem:v19+s15+$0x0] =	vst.idx.msk $0xffff, v16  }
0x451: {  	v16 =	vadd.s32 v0, v28;
	v11 =	vand.u32 $0x7E, v11;
	v18 =	vadd.f32 v23, v9;
	v19 =	vld [tilespmem:s8+$0xFFFFFF70];
	[tilespmem:v20+s15+$0x0] =	vst.idx.msk $0xffff, v15  }
0x452: {  	v8 =	vmov v13;
	v15 =	vadd.s32 v0, v11;
	v20 =	vld [tilespmem:s8+$0xFFFFFFB0];
	v22 =	vadd.f32 v22, v5;
	[tilespmem:v24+s15+$0x0] =	vst.idx.msk $0xffff, v31  }
0x453: {  	v23 =	vadd.s32 v2, v10;
	v13 =	vadd.f32 v27, v9;
	[tilespmem:v29+s15+$0x0] =	vst.idx.msk $0xffff, v18;
	v18 =	vld [tilespmem:s8+$0xFFFFFF30]  }
0x454: {  	v27 =	vadd.s32 v2, v30;
	v21 =	vadd.f32 v21, v9;
	v24 =	vld [tilespmem:s20+$0xFFFFFFE0];
	[tilespmem:v14+s15+$0x0] =	vst.idx.msk $0xffff, v22  }
0x455: {  	[tilespmem:v17+s15+$0x0] =	vst.idx.msk $0xffff, v13;
	v13 =	vadd.f32 v25, v9;
	v25 =	vadd.s32 v2, v12;
	v29 =	vld [tilespmem:s8+$0x0]  }
0x456: {  	v32 =	vadd.s32 v1, v26;
	v31 =	vld [tilespmem:s20+$0xFFFFFF20];
	[tilespmem:v16+s15+$0x0] =	vst.idx.msk $0xffff, v21;
	v14 =	vadd.f32 v19, v5  }
0x457: {  	v34 =	vadd.s32 v3, v7;
	v7 =	vmov v26;
	v33 =	vld [tilespmem:s20+$0xFFFFFF60];
	[tilespmem:v15+s15+$0x0] =	vst.idx.msk $0xffff, v13;
	v13 =	vadd.f32 v20, v5  }
.Ltmp15:
0x458: {  	v22 =	vadd.s32 v1, v8;
	v17 =	vld [tilespmem:s20+$0xFFFFFFA0];
	v15 =	vadd.f32 v18, v5;
	[tilespmem:v23+s15+$0x0] =	vst.idx.msk $0xffff, v14;
	(pc) =	sbr.rel @p0 .LBB2_32-.Ltmp15, $4  }
0x459: {  	v21 =	vadd.s32 v1, v28;
	v18 =	vadd.f32 v24, v6;
	v16 =	vld [tilespmem:s8+$0xFFFFFF80];
	[tilespmem:v27+s15+$0x0] =	vst.idx.msk $0xffff, v13  }
0x45a: {  	v14 =	vadd.s32 v1, v11;
	v13 =	vmov s0;
	[tilespmem:v25+s15+$0x0] =	vst.idx.msk $0xffff, v15;
	v15 =	vld [tilespmem:s8+$0xFFFFFFC0];
	v27 =	vadd.f32 v29, v4  }
0x45b: {  	s9 =	sadd.s32 $0x3, s0;
	v19 =	vadd.s32 v3, v10;
	v13 =	vand.u32 $0x7C, v13;
	v24 =	vadd.f32 v31, v6;
	[tilespmem:v32+s15+$0x0] =	vst.idx.msk $0xffff, v18;
	v18 =	vld [tilespmem:s8+$0xFFFFFF40];
	s8 =	smov.u32 s20;
	s20 =	sadd.s32 $0x100, s20  }
0x45c: {  	v26 =	vmov s9;
	v10 =	vmovc v28;
	v20 =	vadd.s32 v3, v30;
	s0 =	sadd.s32 $0x4, s0;
	v23 =	vld [tilespmem:s20+$0xFFFFFFD0];
	v25 =	vadd.f32 v33, v6;
	[tilespmem:v34+s15+$0x0] =	vst.idx.msk $0xffff, v27  }
0x45d: {  	s0 =	sadd.s32 $0x1, s21  }
0x45e: {  	v26 =	vand.u32 $0x7F, v26;
	s11 =	sadd.s32 $0x2, s21;
	v28 =	vld [tilespmem:s20+$0xFFFFFF50];
	v27 =	vmov s0  }
0x45f: {  	v31 =	vld [tilespmem:s20+$0xFFFFFF90];
	v29 =	vadd.s32 v0, v26;
	v30 =	vmov s11;
	v27 =	vand.u32 $0x7D, v27  }
0x460: {  	v32 =	vld [tilespmem:s20+$0xFFFFFF10];
	v30 =	vand.u32 $0x7E, v30;
	v33 =	vadd.s32 v0, v27  }
0x461: {  	v34 =	vadd.s32 v0, v30  }
0x462: {  	[tilespmem:v22+s15+$0x0] =	vst.idx.msk $0xffff, v24;
	v44 =	vadd.s32 v0, v13;
	v23 =	vadd.f32 v23, v9  }
0x463: {  	[tilespmem:v21+s15+$0x0] =	vst.idx.msk $0xffff, v25;
	v45 =	vadd.f32 v28, v9  }
0x464: {  	v46 =	vadd.f32 v31, v9;
	[tilespmem:v29+s15+$0x0] =	vst.idx.msk $0xffff, v23  }
0x465: {  	v47 =	vadd.f32 v32, v9;
	v48 =	vld [tilespmem:s20+$0xFFFFFFE0];
	[tilespmem:v33+s15+$0x0] =	vst.idx.msk $0xffff, v45  }
0x466: {  	v17 =	vadd.f32 v17, v6;
	v12 =	vadd.s32 v3, v12;
	[tilespmem:v34+s15+$0x0] =	vst.idx.msk $0xffff, v46;
	v21 =	vld [tilespmem:s20+$0xFFFFFF60]  }
0x467: {  	v16 =	vadd.f32 v16, v4;
	v49 =	vadd.s32 v1, v26;
	[tilespmem:v44+s15+$0x0] =	vst.idx.msk $0xffff, v47;
	v50 =	vld [tilespmem:s20+$0xFFFFFFA0]  }
0x468: {  	[tilespmem:v14+s15+$0x0] =	vst.idx.msk $0xffff, v17;
	v51 =	vadd.f32 v15, v4;
	v53 =	vadd.s32 v1, v27;
	v52 =	vld [tilespmem:s20+$0xFFFFFF20]  }
0x469: {  	v54 =	vld [tilespmem:s8+$0xFFFFFFF0];
	v18 =	vadd.f32 v18, v4;
	[tilespmem:v19+s15+$0x0] =	vst.idx.msk $0xffff, v16;
	v55 =	vadd.s32 v1, v30  }
0x46a: {  	v57 =	vadd.s32 v1, v13;
	v60 =	vld [tilespmem:s8+$0xFFFFFFB0];
	[tilespmem:v20+s15+$0x0] =	vst.idx.msk $0xffff, v51;
	v58 =	vadd.f32 v48, v6  }
0x46b: {  	v59 =	vadd.s32 v2, v7;
	v56 =	vld [tilespmem:s8+$0xFFFFFF70];
	[tilespmem:v12+s15+$0x0] =	vst.idx.msk $0xffff, v18;
	v61 =	vadd.f32 v21, v6  }
0x46c: {  	v62 =	vld [tilespmem:s8+$0xFFFFFF30];
	v29 =	vadd.s32 v2, v11;
	[tilespmem:v49+s15+$0x0] =	vst.idx.msk $0xffff, v58;
	v28 =	vadd.f32 v50, v6  }
0x46d: {  	v63 =	vadd.s32 v2, v10;
	v31 =	vadd.f32 v52, v6;
	v32 =	vld [tilespmem:s20+$0xFFFFFFF0];
	[tilespmem:v53+s15+$0x0] =	vst.idx.msk $0xffff, v61  }
0x46e: {  	v33 =	vadd.f32 v54, v5;
	v34 =	vadd.s32 v2, v8;
	[tilespmem:v55+s15+$0x0] =	vst.idx.msk $0xffff, v28;
	v35 =	vld [tilespmem:s20+$0xFFFFFF70]  }
0x46f: {  	v37 =	vadd.s32 v2, v26;
	v39 =	vadd.f32 v60, v5;
	[tilespmem:v57+s15+$0x0] =	vst.idx.msk $0xffff, v31;
	v38 =	vld [tilespmem:s20+$0xFFFFFFB0]  }
0x470: {  	v41 =	vadd.s32 v2, v27;
	v36 =	vadd.f32 v56, v5;
	[tilespmem:v59+s15+$0x0] =	vst.idx.msk $0xffff, v33;
	v40 =	vld [tilespmem:s20+$0xFFFFFF30]  }
0x471: {  	v43 =	vadd.s32 v2, v30;
	v18 =	vadd.f32 v62, v5;
	v42 =	vld [tilespmem:s8+$0x0];
	[tilespmem:v29+s15+$0x0] =	vst.idx.msk $0xffff, v39  }
0x472: {  	v45 =	vadd.s32 v2, v13;
	[tilespmem:v63+s15+$0x0] =	vst.idx.msk $0xffff, v36;
	v47 =	vld [tilespmem:s8+$0xFFFFFFC0];
	v44 =	vadd.f32 v32, v5  }
0x473: {  	v46 =	vadd.s32 v3, v7;
	[tilespmem:v34+s15+$0x0] =	vst.idx.msk $0xffff, v18;
	v21 =	vld [tilespmem:s8+$0xFFFFFF80];
	v9 =	vadd.f32 v35, v5  }
0x474: {  	v18 =	vld [tilespmem:s8+$0xFFFFFF40];
	v50 =	vadd.s32 v3, v11;
	[tilespmem:v37+s15+$0x0] =	vst.idx.msk $0xffff, v44;
	v49 =	vadd.f32 v38, v5  }
0x475: {  	v48 =	vadd.s32 v3, v10;
	v5 =	vadd.f32 v40, v5;
	v12 =	vld [tilespmem:s20+$0x0];
	[tilespmem:v41+s15+$0x0] =	vst.idx.msk $0xffff, v9  }
0x476: {  	v52 =	vadd.s32 v3, v8;
	v51 =	vadd.f32 v42, v4;
	[tilespmem:v43+s15+$0x0] =	vst.idx.msk $0xffff, v49;
	v53 =	vld [tilespmem:s20+$0xFFFFFF80]  }
0x477: {  	v55 =	vadd.s32 v3, v26;
	v56 =	vadd.f32 v47, v4;
	[tilespmem:v45+s15+$0x0] =	vst.idx.msk $0xffff, v5;
	v5 =	vld [tilespmem:s20+$0xFFFFFFC0]  }
0x478: {  	v58 =	vadd.s32 v3, v27;
	[tilespmem:v46+s15+$0x0] =	vst.idx.msk $0xffff, v51;
	v54 =	vadd.f32 v21, v4;
	v57 =	vld [tilespmem:s20+$0xFFFFFF40]  }
0x479: {  	v60 =	vadd.s32 v3, v30;
	v59 =	vadd.f32 v18, v4;
	[tilespmem:v50+s15+$0x0] =	vst.idx.msk $0xffff, v56  }
0x47a: {  	v62 =	vadd.s32 v3, v13;
	[tilespmem:v48+s15+$0x0] =	vst.idx.msk $0xffff, v54;
	v61 =	vadd.f32 v12, v4  }
0x47b: {  	[tilespmem:v52+s15+$0x0] =	vst.idx.msk $0xffff, v59;
	v63 =	vadd.f32 v53, v4  }
0x47c: {  	[tilespmem:v55+s15+$0x0] =	vst.idx.msk $0xffff, v61;
	v5 =	vadd.f32 v5, v4  }
0x47d: {  	v4 =	vadd.f32 v57, v4;
	[tilespmem:v58+s15+$0x0] =	vst.idx.msk $0xffff, v63  }
0x47e: {  	[tilespmem:v60+s15+$0x0] =	vst.idx.msk $0xffff, v5  }
0x47f: {  	[tilespmem:v62+s15+$0x0] =	vst.idx.msk $0xffff, v4  }
0x480: {  	s21 =	simm.s32 $0x11880;
	s9 =	rddreg [dreg:$0xc]  }
0x481: {  	[hbm4b:s9+s4] =	stream.linear.scatter [tilespmem:s21], [sflag:$0xD], $0x80, $0x38;
	[tilespmem:$0x17E80] =	vst v63  }
0x482: {  	s24 =	simm.s32 $0x11908;
	s25 =	sadd.s32 $0x10, s9  }
0x483: {  	[hbm4b:s25+s4] =	stream.linear.scatter [tilespmem:s24], [sflag:$0xD], $0x80, $0x38;
	[tilespmem:$0x17E80] =	vst v63  }
0x484: {  	s28 =	simm.s32 $0x11990;
	s0 =	simm.s32 $0x440;
	s31 =	sadd.s32 $0x20, s9  }
0x485: {  	[hbm4b:s31+s4] =	stream.linear.scatter [tilespmem:s28], [sflag:$0xD], $0x80, $0x38;
	[tilespmem:$0x17E80] =	vst v63  }
0x486: {  	s8 =	simm.s32 $0x11A18;
	s20 =	simm.s32 $0x11AA0;
	s11 =	sadd.s32 $0x30, s9  }
0x487: {  	[hbm4b:s11+s4] =	stream.linear.scatter [tilespmem:s8], [sflag:$0xD], $0x80, $0x38;
	[tilespmem:$0x17E80] =	vst v63  }
0x488: {  	s21 =	sadd.s32 $0x40, s9;
	s24 =	simm.s32 $0x11B28;
	s25 =	sadd.s32 $0x50, s9  }
0x489: {  	[hbm4b:s21+s4] =	stream.linear.scatter [tilespmem:s20], [sflag:$0xD], $0x80, $0x38;
	[tilespmem:$0x17E80] =	vst v63  }
0x48a: {  	s28 =	simm.s32 $0x11BB0;
	s31 =	sadd.s32 $0x60, s9;
	s8 =	sadd.s32 $0x1000, s9  }
0x48b: {  	[hbm4b:s25+s4] =	stream.linear.scatter [tilespmem:s24], [sflag:$0xD], $0x80, $0x38;
	[tilespmem:$0x17E80] =	vst v63  }
0x48c: {  	s20 =	simm.s32 $0x2200;
	s21 =	simm.s32 $0x11C38;
	s24 =	sadd.s32 $0x70, s9  }
0x48d: {  	[hbm4b:s31+s4] =	stream.linear.scatter [tilespmem:s28], [sflag:$0xD], $0x80, $0x38;
	[tilespmem:$0x17E80] =	vst v63  }
.LBB2_34:
0x48e: {  	[hbm4b:s24+s4] =	stream.linear.scatter [tilespmem:s21], [sflag:$0xD], $0x80, $0x38;
	[tilespmem:$0x17E80] =	vst v63  }
0x48f: {  	s9 =	smov.u32 s0;
	s0 =	smov.u32 s20  }
0x490: {  	s11 =	sadd.s32 $0x1100, s20;
	s0 =	sshra.s32 s0, $0x2;
	s21 =	sadd.s32 $0x11880, s9  }
0x491: {  	[hbm4b:s8+s4] =	stream.linear.scatter [tilespmem:s21], [sflag:$0xD], $0x80, $0x38;
	[tilespmem:$0x17E80] =	vst v63  }
0x492: {  	p0 =	sne.s32 s20, $0x7700;
	s20 =	sadd.s32 $0x11908, s9;
	s21 =	sadd.s32 $0x10, s8  }
0x493: {  	[hbm4b:s21+s4] =	stream.linear.scatter [tilespmem:s20], [sflag:$0xD], $0x80, $0x38;
	[tilespmem:$0x17E80] =	vst v63  }
0x494: {  	s20 =	sadd.s32 $0x11990, s9;
	s21 =	sadd.s32 $0x20, s8  }
0x495: {  	[hbm4b:s21+s4] =	stream.linear.scatter [tilespmem:s20], [sflag:$0xD], $0x80, $0x38;
	[tilespmem:$0x17E80] =	vst v63  }
0x496: {  	s20 =	sadd.s32 $0x11A18, s9;
	s21 =	sadd.s32 $0x30, s8  }
0x497: {  	[hbm4b:s21+s4] =	stream.linear.scatter [tilespmem:s20], [sflag:$0xD], $0x80, $0x38;
	[tilespmem:$0x17E80] =	vst v63  }
0x498: {  	s20 =	sadd.s32 $0x11AA0, s9;
	s21 =	sadd.s32 $0x40, s8  }
0x499: {  	[hbm4b:s21+s4] =	stream.linear.scatter [tilespmem:s20], [sflag:$0xD], $0x80, $0x38;
	[tilespmem:$0x17E80] =	vst v63  }
.Ltmp16:
0x49a: {  	s20 =	sadd.s32 $0x11B28, s9;
	s21 =	sadd.s32 $0x50, s8;
	(pc) =	sbr.rel @p0 .LBB2_34-.Ltmp16, $4  }
0x49b: {  	[hbm4b:s21+s4] =	stream.linear.scatter [tilespmem:s20], [sflag:$0xD], $0x80, $0x38;
	[tilespmem:$0x17E80] =	vst v63  }
0x49c: {  	s24 =	sadd.s32 $0x70, s8;
	s20 =	sadd.s32 $0x11BB0, s9;
	s21 =	sadd.s32 $0x60, s8  }
0x49d: {  	[hbm4b:s21+s4] =	stream.linear.scatter [tilespmem:s20], [sflag:$0xD], $0x80, $0x38;
	[tilespmem:$0x17E80] =	vst v63  }
0x49e: {  	s8 =	sadd.s32 $0x1000, s8;
	s21 =	sadd.s32 $0x11C38, s9;
	s20 =	smov.u32 s11  }
0x49f: {  	[hbm4b:s24+s4] =	stream.linear.scatter [tilespmem:s21], [sflag:$0xD], $0x80, $0x38;
	[tilespmem:$0x17E80] =	vst v63  }
0x4a0: {  	s9 =	sadd.s32 $0x11880, s0  }
0x4a1: {  	[hbm4b:s8+s4] =	stream.linear.scatter [tilespmem:s9], [sflag:$0xD], $0x80, $0x38;
	[tilespmem:$0x17E80] =	vst v63  }
0x4a2: {  	s31 =	sadd.s32 $0x11908, s0;
	s11 =	sadd.s32 $0x10, s8  }
0x4a3: {  	[hbm4b:s11+s4] =	stream.linear.scatter [tilespmem:s31], [sflag:$0xD], $0x80, $0x38;
	[tilespmem:$0x17E80] =	vst v63  }
0x4a4: {  	s20 =	sadd.s32 $0x11990, s0;
	s21 =	sadd.s32 $0x20, s8  }
0x4a5: {  	[hbm4b:s21+s4] =	stream.linear.scatter [tilespmem:s20], [sflag:$0xD], $0x80, $0x38;
	[tilespmem:$0x17E80] =	vst v63  }
0x4a6: {  	s24 =	sadd.s32 $0x11A18, s0;
	s25 =	sadd.s32 $0x30, s8  }
0x4a7: {  	[hbm4b:s25+s4] =	stream.linear.scatter [tilespmem:s24], [sflag:$0xD], $0x80, $0x38;
	[tilespmem:$0x17E80] =	vst v63  }
0x4a8: {  	s28 =	sadd.s32 $0x11AA0, s0;
	s31 =	sadd.s32 $0x40, s8  }
0x4a9: {  	[hbm4b:s31+s4] =	stream.linear.scatter [tilespmem:s28], [sflag:$0xD], $0x80, $0x38;
	[tilespmem:$0x17E80] =	vst v63  }
0x4aa: {  	s11 =	sadd.s32 $0x11B28, s0;
	s20 =	sadd.s32 $0x50, s8  }
0x4ab: {  	[hbm4b:s20+s4] =	stream.linear.scatter [tilespmem:s11], [sflag:$0xD], $0x80, $0x38;
	[tilespmem:$0x17E80] =	vst v63  }
0x4ac: {  	s21 =	sadd.s32 $0x11BB0, s0;
	s24 =	sadd.s32 $0x60, s8  }
0x4ad: {  	[hbm4b:s24+s4] =	stream.linear.scatter [tilespmem:s21], [sflag:$0xD], $0x80, $0x38;
	[tilespmem:$0x17E80] =	vst v63  }
0x4ae: {  	s25 =	sadd.s32 $0x11C38, s0;
	s28 =	sadd.s32 $0x70, s8  }
0x4af: {  	[hbm4b:s28+s4] =	stream.linear.scatter [tilespmem:s25], [sflag:$0xD], $0x80, $0x38;
	[tilespmem:$0x17E80] =	vst v63  }
0x4b0: {  	_ =	swait.ge [sflag:s17], $0x2000  }
0x4b1: {  	[sflag:s17] =	ssyncset.done $0x0  }
0x4b2: {  	[sflag:s17] =	ssyncadd.s32 $0xFFFFE000  }
0x4b3: {  	s31 =	simm.s32 $0x3;
	s24 =	simm.s32 $0x9570;
	v9 =	vld [tilespmem:$0x3180]  }
0x4b4: {  	v4 =	vmov s31;
	v7 =	vld [tilespmem:s24+$0xFFFFFFD0]  }
0x4b5: {  	v13 =	vand.u32 $0x7F, v4  }
0x4b6: {  	s8 =	simm.s32 $0x0;
	v8 =	vadd.s32 v0, v13;
	v6 =	vld [tilespmem:$0x3190]  }
0x4b7: {  	s9 =	simm.s32 $0x1;
	v4 =	vmov s8;
	s11 =	simm.s32 $0x2;
	v10 =	vld [tilespmem:s24+$0xFFFFFF10]  }
0x4b8: {  	v12 =	vand.u32 $0x7C, v4;
	v4 =	vmov s9;
	v14 =	vmov s11;
	v11 =	vld [tilespmem:s24+$0xFFFFFF50]  }
0x4b9: {  	v15 =	vadd.s32 v0, v12;
	v19 =	vand.u32 $0x7D, v4;
	v16 =	vld [tilespmem:s24+$0xFFFFFF90];
	v7 =	vadd.f32 v7, v9  }
0x4ba: {  	v20 =	vand.u32 $0x7E, v14;
	v17 =	vadd.s32 v0, v19;
	v5 =	vld [tilespmem:$0x31A0]  }
0x4bb: {  	v14 =	vadd.s32 v0, v20;
	v4 =	vld [tilespmem:$0x31B0];
	[tilespmem:v8+s12+$0x0] =	vst.idx.msk $0xffff, v7  }
0x4bc: {  	v7 =	vadd.f32 v10, v9;
	v8 =	vld [tilespmem:s24+$0xFFFFFFE0]  }
0x4bd: {  	v10 =	vadd.f32 v11, v9  }
0x4be: {  	v11 =	vadd.s32 v1, v13;
	[tilespmem:v15+s12+$0x0] =	vst.idx.msk $0xffff, v7;
	v7 =	vadd.f32 v16, v9  }
0x4bf: {  	[tilespmem:v17+s12+$0x0] =	vst.idx.msk $0xffff, v10;
	v15 =	vld [tilespmem:s24+$0xFFFFFF20]  }
0x4c0: {  	v10 =	vld [tilespmem:s24+$0xFFFFFF60];
	[tilespmem:v14+s12+$0x0] =	vst.idx.msk $0xffff, v7  }
0x4c1: {  	v14 =	vld [tilespmem:s24+$0xFFFFFFA0];
	v7 =	vadd.f32 v8, v6  }
0x4c2: {  	s8 =	simm.s32 $0x9670;
	s21 =	simm.s32 $0x7;
	v16 =	vadd.s32 v1, v19  }
0x4c3: {  	s20 =	simm.s32 $0x4;
	v26 =	vadd.s32 v2, v13;
	v18 =	vld [tilespmem:s8+$0xFFFFFFD0];
	v17 =	vadd.s32 v1, v20;
	[tilespmem:v11+s12+$0x0] =	vst.idx.msk $0xffff, v7;
	v7 =	vmov s21  }
0x4c4: {  	v21 =	vadd.s32 v1, v12;
	v8 =	vmov s20;
	v7 =	vand.u32 $0x7F, v7;
	v22 =	vld [tilespmem:s24+$0xFFFFFFF0]  }
0x4c5: {  	s25 =	simm.s32 $0x5;
	v23 =	vld [tilespmem:s8+$0xFFFFFF10];
	v8 =	vand.u32 $0x7C, v8;
	v10 =	vadd.f32 v10, v6;
	v24 =	vadd.s32 v0, v7  }
0x4c6: {  	s28 =	simm.s32 $0x6;
	v25 =	vld [tilespmem:s8+$0xFFFFFF50];
	v15 =	vadd.f32 v15, v6;
	v11 =	vadd.f32 v14, v6;
	v14 =	vmov s25  }
0x4c7: {  	v27 =	vadd.s32 v0, v8;
	[tilespmem:v16+s12+$0x0] =	vst.idx.msk $0xffff, v10;
	v16 =	vmov s28;
	v10 =	vand.u32 $0x7D, v14;
	v14 =	vld [tilespmem:s8+$0xFFFFFF90]  }
0x4c8: {  	[tilespmem:v17+s12+$0x0] =	vst.idx.msk $0xffff, v11;
	v17 =	vadd.s32 v0, v10;
	v11 =	vand.u32 $0x7E, v16;
	v16 =	vadd.f32 v18, v9;
	v18 =	vld [tilespmem:s24+$0xFFFFFF70]  }
0x4c9: {  	[tilespmem:v21+s12+$0x0] =	vst.idx.msk $0xffff, v15;
	v15 =	vadd.s32 v0, v11;
	v21 =	vld [tilespmem:s24+$0xFFFFFFB0];
	v22 =	vadd.f32 v22, v5  }
0x4ca: {  	v23 =	vadd.f32 v23, v9;
	[tilespmem:v24+s12+$0x0] =	vst.idx.msk $0xffff, v16;
	v16 =	vld [tilespmem:s24+$0xFFFFFF30];
	v24 =	vadd.s32 v2, v19  }
0x4cb: {  	v29 =	vadd.s32 v2, v20;
	v25 =	vadd.f32 v25, v9;
	v28 =	vld [tilespmem:s8+$0xFFFFFFE0];
	[tilespmem:v26+s12+$0x0] =	vst.idx.msk $0xffff, v22  }
0x4cc: {  	[tilespmem:v27+s12+$0x0] =	vst.idx.msk $0xffff, v23;
	v23 =	vadd.s32 v2, v12;
	v14 =	vadd.f32 v14, v9;
	v26 =	vld [tilespmem:s24+$0x0]  }
0x4cd: {  	v27 =	vld [tilespmem:s8+$0xFFFFFF20];
	[tilespmem:v17+s12+$0x0] =	vst.idx.msk $0xffff, v25;
	v25 =	vadd.s32 v1, v7;
	v18 =	vadd.f32 v18, v5  }
0x4ce: {  	v31 =	vadd.s32 v3, v13;
	v30 =	vld [tilespmem:s8+$0xFFFFFF60];
	[tilespmem:v15+s12+$0x0] =	vst.idx.msk $0xffff, v14;
	v14 =	vadd.f32 v21, v5  }
0x4cf: {  	v22 =	vadd.s32 v1, v8;
	v17 =	vld [tilespmem:s8+$0xFFFFFFA0];
	v13 =	vadd.f32 v16, v5;
	[tilespmem:v24+s12+$0x0] =	vst.idx.msk $0xffff, v18  }
0x4d0: {  	s21 =	simm.s32 $0x8;
	v21 =	vadd.s32 v1, v10;
	[tilespmem:v29+s12+$0x0] =	vst.idx.msk $0xffff, v14;
	v18 =	vadd.f32 v28, v6;
	v16 =	vld [tilespmem:s24+$0xFFFFFF80]  }
0x4d1: {  	v24 =	vmov s21;
	v14 =	vadd.s32 v1, v11;
	v15 =	vld [tilespmem:s24+$0xFFFFFFC0];
	[tilespmem:v23+s12+$0x0] =	vst.idx.msk $0xffff, v13;
	v63 =	vadd.f32 v26, v4  }
0x4d2: {  	s31 =	simm.s32 $0xB;
	s20 =	simm.s32 $0x9770;
	v19 =	vadd.s32 v3, v19;
	v13 =	vand.u32 $0x7C, v24;
	v24 =	vadd.f32 v27, v6;
	[tilespmem:v25+s12+$0x0] =	vst.idx.msk $0xffff, v18;
	v18 =	vld [tilespmem:s24+$0xFFFFFF40]  }
0x4d3: {  	s0 =	simm.s32 $0xC;
	v20 =	vadd.s32 v3, v20;
	v26 =	vmov s31;
	v23 =	vld [tilespmem:s20+$0xFFFFFFD0];
	v25 =	vadd.f32 v30, v6;
	[tilespmem:v31+s12+$0x0] =	vst.idx.msk $0xffff, v63  }
.LBB2_36:
0x4d4: {  	p0 =	slt.u32 s0, $0x7C;
	s9 =	sadd.s32 $0x1, s21;
	v26 =	vand.u32 $0x7F, v26;
	[tilespmem:v22+s12+$0x0] =	vst.idx.msk $0xffff, v24;
	v17 =	vadd.f32 v17, v6;
	v22 =	vld [tilespmem:s8+$0xFFFFFFF0];
	v24 =	vadd.s32 v3, v12  }
0x4d5: {  	v30 =	vmovc v11;
	v27 =	vld [tilespmem:s20+$0xFFFFFF10];
	v28 =	vmov s9;
	s9 =	sadd.s32 $0x2, s21;
	v29 =	vadd.s32 v0, v26;
	[tilespmem:v21+s12+$0x0] =	vst.idx.msk $0xffff, v25;
	v16 =	vadd.f32 v16, v4;
	s21 =	smov.u32 s0  }
0x4d6: {  	v12 =	vmovc v8;
	v21 =	vld [tilespmem:s20+$0xFFFFFF50];
	v11 =	vmov s9;
	[tilespmem:v14+s12+$0x0] =	vst.idx.msk $0xffff, v17;
	v14 =	vadd.s32 v2, v7;
	v15 =	vadd.f32 v15, v4  }
0x4d7: {  	v17 =	vadd.s32 v0, v13;
	v28 =	vand.u32 $0x7D, v28;
	v25 =	vld [tilespmem:s20+$0xFFFFFF90];
	v31 =	vadd.f32 v18, v4;
	[tilespmem:v19+s12+$0x0] =	vst.idx.msk $0xffff, v16  }
0x4d8: {  	v16 =	vadd.s32 v0, v28;
	v11 =	vand.u32 $0x7E, v11;
	v18 =	vadd.f32 v23, v9;
	v19 =	vld [tilespmem:s8+$0xFFFFFF70];
	[tilespmem:v20+s12+$0x0] =	vst.idx.msk $0xffff, v15  }
0x4d9: {  	v8 =	vmov v13;
	v15 =	vadd.s32 v0, v11;
	v20 =	vld [tilespmem:s8+$0xFFFFFFB0];
	v22 =	vadd.f32 v22, v5;
	[tilespmem:v24+s12+$0x0] =	vst.idx.msk $0xffff, v31  }
0x4da: {  	v23 =	vadd.s32 v2, v10;
	v13 =	vadd.f32 v27, v9;
	[tilespmem:v29+s12+$0x0] =	vst.idx.msk $0xffff, v18;
	v18 =	vld [tilespmem:s8+$0xFFFFFF30]  }
0x4db: {  	v27 =	vadd.s32 v2, v30;
	v21 =	vadd.f32 v21, v9;
	v24 =	vld [tilespmem:s20+$0xFFFFFFE0];
	[tilespmem:v14+s12+$0x0] =	vst.idx.msk $0xffff, v22  }
0x4dc: {  	[tilespmem:v17+s12+$0x0] =	vst.idx.msk $0xffff, v13;
	v13 =	vadd.f32 v25, v9;
	v25 =	vadd.s32 v2, v12;
	v29 =	vld [tilespmem:s8+$0x0]  }
0x4dd: {  	v32 =	vadd.s32 v1, v26;
	v31 =	vld [tilespmem:s20+$0xFFFFFF20];
	[tilespmem:v16+s12+$0x0] =	vst.idx.msk $0xffff, v21;
	v14 =	vadd.f32 v19, v5  }
0x4de: {  	v34 =	vadd.s32 v3, v7;
	v7 =	vmov v26;
	v33 =	vld [tilespmem:s20+$0xFFFFFF60];
	[tilespmem:v15+s12+$0x0] =	vst.idx.msk $0xffff, v13;
	v13 =	vadd.f32 v20, v5  }
.Ltmp17:
0x4df: {  	v22 =	vadd.s32 v1, v8;
	v17 =	vld [tilespmem:s20+$0xFFFFFFA0];
	v15 =	vadd.f32 v18, v5;
	[tilespmem:v23+s12+$0x0] =	vst.idx.msk $0xffff, v14;
	(pc) =	sbr.rel @p0 .LBB2_36-.Ltmp17, $4  }
0x4e0: {  	v21 =	vadd.s32 v1, v28;
	v18 =	vadd.f32 v24, v6;
	v16 =	vld [tilespmem:s8+$0xFFFFFF80];
	[tilespmem:v27+s12+$0x0] =	vst.idx.msk $0xffff, v13  }
0x4e1: {  	v14 =	vadd.s32 v1, v11;
	v13 =	vmov s0;
	[tilespmem:v25+s12+$0x0] =	vst.idx.msk $0xffff, v15;
	v15 =	vld [tilespmem:s8+$0xFFFFFFC0];
	v27 =	vadd.f32 v29, v4  }
0x4e2: {  	s9 =	sadd.s32 $0x3, s0;
	v19 =	vadd.s32 v3, v10;
	v13 =	vand.u32 $0x7C, v13;
	v24 =	vadd.f32 v31, v6;
	[tilespmem:v32+s12+$0x0] =	vst.idx.msk $0xffff, v18;
	v18 =	vld [tilespmem:s8+$0xFFFFFF40];
	s8 =	smov.u32 s20;
	s20 =	sadd.s32 $0x100, s20  }
0x4e3: {  	v26 =	vmov s9;
	v10 =	vmovc v28;
	v20 =	vadd.s32 v3, v30;
	s0 =	sadd.s32 $0x4, s0;
	v23 =	vld [tilespmem:s20+$0xFFFFFFD0];
	v25 =	vadd.f32 v33, v6;
	[tilespmem:v34+s12+$0x0] =	vst.idx.msk $0xffff, v27  }
0x4e4: {  	s0 =	sadd.s32 $0x1, s21  }
0x4e5: {  	v26 =	vand.u32 $0x7F, v26;
	s11 =	sadd.s32 $0x2, s21;
	v28 =	vld [tilespmem:s20+$0xFFFFFF50];
	v27 =	vmov s0  }
0x4e6: {  	v31 =	vld [tilespmem:s20+$0xFFFFFF90];
	v29 =	vadd.s32 v0, v26;
	v30 =	vmov s11;
	v27 =	vand.u32 $0x7D, v27  }
0x4e7: {  	v32 =	vld [tilespmem:s20+$0xFFFFFF10];
	v30 =	vand.u32 $0x7E, v30;
	v33 =	vadd.s32 v0, v27  }
0x4e8: {  	v34 =	vadd.s32 v0, v30  }
0x4e9: {  	[tilespmem:v22+s12+$0x0] =	vst.idx.msk $0xffff, v24;
	v44 =	vadd.s32 v0, v13;
	v23 =	vadd.f32 v23, v9  }
0x4ea: {  	[tilespmem:v21+s12+$0x0] =	vst.idx.msk $0xffff, v25;
	v45 =	vadd.f32 v28, v9  }
0x4eb: {  	v46 =	vadd.f32 v31, v9;
	[tilespmem:v29+s12+$0x0] =	vst.idx.msk $0xffff, v23  }
0x4ec: {  	v47 =	vadd.f32 v32, v9;
	v48 =	vld [tilespmem:s20+$0xFFFFFFE0];
	[tilespmem:v33+s12+$0x0] =	vst.idx.msk $0xffff, v45  }
0x4ed: {  	v17 =	vadd.f32 v17, v6;
	v12 =	vadd.s32 v3, v12;
	[tilespmem:v34+s12+$0x0] =	vst.idx.msk $0xffff, v46;
	v21 =	vld [tilespmem:s20+$0xFFFFFF60]  }
0x4ee: {  	v16 =	vadd.f32 v16, v4;
	v49 =	vadd.s32 v1, v26;
	[tilespmem:v44+s12+$0x0] =	vst.idx.msk $0xffff, v47;
	v50 =	vld [tilespmem:s20+$0xFFFFFFA0]  }
0x4ef: {  	[tilespmem:v14+s12+$0x0] =	vst.idx.msk $0xffff, v17;
	v51 =	vadd.f32 v15, v4;
	v53 =	vadd.s32 v1, v27;
	v52 =	vld [tilespmem:s20+$0xFFFFFF20]  }
0x4f0: {  	v54 =	vld [tilespmem:s8+$0xFFFFFFF0];
	v18 =	vadd.f32 v18, v4;
	[tilespmem:v19+s12+$0x0] =	vst.idx.msk $0xffff, v16;
	v55 =	vadd.s32 v1, v30  }
0x4f1: {  	v57 =	vadd.s32 v1, v13;
	v60 =	vld [tilespmem:s8+$0xFFFFFFB0];
	[tilespmem:v20+s12+$0x0] =	vst.idx.msk $0xffff, v51;
	v58 =	vadd.f32 v48, v6  }
0x4f2: {  	v59 =	vadd.s32 v2, v7;
	v56 =	vld [tilespmem:s8+$0xFFFFFF70];
	[tilespmem:v12+s12+$0x0] =	vst.idx.msk $0xffff, v18;
	v61 =	vadd.f32 v21, v6  }
0x4f3: {  	v62 =	vld [tilespmem:s8+$0xFFFFFF30];
	v29 =	vadd.s32 v2, v11;
	[tilespmem:v49+s12+$0x0] =	vst.idx.msk $0xffff, v58;
	v28 =	vadd.f32 v50, v6  }
0x4f4: {  	v63 =	vadd.s32 v2, v10;
	v31 =	vadd.f32 v52, v6;
	v32 =	vld [tilespmem:s20+$0xFFFFFFF0];
	[tilespmem:v53+s12+$0x0] =	vst.idx.msk $0xffff, v61  }
0x4f5: {  	v33 =	vadd.f32 v54, v5;
	v34 =	vadd.s32 v2, v8;
	[tilespmem:v55+s12+$0x0] =	vst.idx.msk $0xffff, v28;
	v35 =	vld [tilespmem:s20+$0xFFFFFF70]  }
0x4f6: {  	v37 =	vadd.s32 v2, v26;
	v39 =	vadd.f32 v60, v5;
	[tilespmem:v57+s12+$0x0] =	vst.idx.msk $0xffff, v31;
	v38 =	vld [tilespmem:s20+$0xFFFFFFB0]  }
0x4f7: {  	v41 =	vadd.s32 v2, v27;
	v36 =	vadd.f32 v56, v5;
	[tilespmem:v59+s12+$0x0] =	vst.idx.msk $0xffff, v33;
	v40 =	vld [tilespmem:s20+$0xFFFFFF30]  }
0x4f8: {  	v43 =	vadd.s32 v2, v30;
	v18 =	vadd.f32 v62, v5;
	v42 =	vld [tilespmem:s8+$0x0];
	[tilespmem:v29+s12+$0x0] =	vst.idx.msk $0xffff, v39  }
0x4f9: {  	v45 =	vadd.s32 v2, v13;
	[tilespmem:v63+s12+$0x0] =	vst.idx.msk $0xffff, v36;
	v47 =	vld [tilespmem:s8+$0xFFFFFFC0];
	v44 =	vadd.f32 v32, v5  }
0x4fa: {  	v46 =	vadd.s32 v3, v7;
	[tilespmem:v34+s12+$0x0] =	vst.idx.msk $0xffff, v18;
	v21 =	vld [tilespmem:s8+$0xFFFFFF80];
	v9 =	vadd.f32 v35, v5  }
0x4fb: {  	v18 =	vld [tilespmem:s8+$0xFFFFFF40];
	v50 =	vadd.s32 v3, v11;
	[tilespmem:v37+s12+$0x0] =	vst.idx.msk $0xffff, v44;
	v49 =	vadd.f32 v38, v5  }
0x4fc: {  	v48 =	vadd.s32 v3, v10;
	v5 =	vadd.f32 v40, v5;
	v12 =	vld [tilespmem:s20+$0x0];
	[tilespmem:v41+s12+$0x0] =	vst.idx.msk $0xffff, v9  }
0x4fd: {  	v52 =	vadd.s32 v3, v8;
	v51 =	vadd.f32 v42, v4;
	[tilespmem:v43+s12+$0x0] =	vst.idx.msk $0xffff, v49;
	v53 =	vld [tilespmem:s20+$0xFFFFFF80]  }
0x4fe: {  	v55 =	vadd.s32 v3, v26;
	v56 =	vadd.f32 v47, v4;
	[tilespmem:v45+s12+$0x0] =	vst.idx.msk $0xffff, v5;
	v5 =	vld [tilespmem:s20+$0xFFFFFFC0]  }
0x4ff: {  	v58 =	vadd.s32 v3, v27;
	[tilespmem:v46+s12+$0x0] =	vst.idx.msk $0xffff, v51;
	v54 =	vadd.f32 v21, v4;
	v57 =	vld [tilespmem:s20+$0xFFFFFF40]  }
0x500: {  	v60 =	vadd.s32 v3, v30;
	v59 =	vadd.f32 v18, v4;
	[tilespmem:v50+s12+$0x0] =	vst.idx.msk $0xffff, v56  }
0x501: {  	v62 =	vadd.s32 v3, v13;
	[tilespmem:v48+s12+$0x0] =	vst.idx.msk $0xffff, v54;
	v61 =	vadd.f32 v12, v4  }
0x502: {  	[tilespmem:v52+s12+$0x0] =	vst.idx.msk $0xffff, v59;
	v63 =	vadd.f32 v53, v4  }
0x503: {  	[tilespmem:v55+s12+$0x0] =	vst.idx.msk $0xffff, v61;
	v5 =	vadd.f32 v5, v4  }
0x504: {  	v4 =	vadd.f32 v57, v4;
	[tilespmem:v58+s12+$0x0] =	vst.idx.msk $0xffff, v63  }
0x505: {  	[tilespmem:v60+s12+$0x0] =	vst.idx.msk $0xffff, v5  }
0x506: {  	[tilespmem:v62+s12+$0x0] =	vst.idx.msk $0xffff, v4  }
0x507: {  	s21 =	simm.s32 $0x13A80;
	s9 =	rddreg [dreg:$0xd]  }
0x508: {  	[hbm4b:s9+s4] =	stream.linear.scatter [tilespmem:s21], [sflag:$0xE], $0x80, $0x38;
	[tilespmem:$0x17E80] =	vst v63  }
0x509: {  	s24 =	simm.s32 $0x13B08;
	s25 =	sadd.s32 $0x10, s9  }
0x50a: {  	[hbm4b:s25+s4] =	stream.linear.scatter [tilespmem:s24], [sflag:$0xE], $0x80, $0x38;
	[tilespmem:$0x17E80] =	vst v63  }
0x50b: {  	s28 =	simm.s32 $0x13B90;
	s0 =	simm.s32 $0x440;
	s31 =	sadd.s32 $0x20, s9  }
0x50c: {  	[hbm4b:s31+s4] =	stream.linear.scatter [tilespmem:s28], [sflag:$0xE], $0x80, $0x38;
	[tilespmem:$0x17E80] =	vst v63  }
0x50d: {  	s8 =	simm.s32 $0x13C18;
	s20 =	simm.s32 $0x13CA0;
	s11 =	sadd.s32 $0x30, s9  }
0x50e: {  	[hbm4b:s11+s4] =	stream.linear.scatter [tilespmem:s8], [sflag:$0xE], $0x80, $0x38;
	[tilespmem:$0x17E80] =	vst v63  }
0x50f: {  	s21 =	sadd.s32 $0x40, s9;
	s24 =	simm.s32 $0x13D28;
	s25 =	sadd.s32 $0x50, s9  }
0x510: {  	[hbm4b:s21+s4] =	stream.linear.scatter [tilespmem:s20], [sflag:$0xE], $0x80, $0x38;
	[tilespmem:$0x17E80] =	vst v63  }
0x511: {  	s28 =	simm.s32 $0x13DB0;
	s31 =	sadd.s32 $0x60, s9;
	s8 =	sadd.s32 $0x1000, s9  }
0x512: {  	[hbm4b:s25+s4] =	stream.linear.scatter [tilespmem:s24], [sflag:$0xE], $0x80, $0x38;
	[tilespmem:$0x17E80] =	vst v63  }
0x513: {  	s20 =	simm.s32 $0x2200;
	s21 =	simm.s32 $0x13E38;
	s24 =	sadd.s32 $0x70, s9  }
0x514: {  	[hbm4b:s31+s4] =	stream.linear.scatter [tilespmem:s28], [sflag:$0xE], $0x80, $0x38;
	[tilespmem:$0x17E80] =	vst v63  }
.LBB2_38:
0x515: {  	[hbm4b:s24+s4] =	stream.linear.scatter [tilespmem:s21], [sflag:$0xE], $0x80, $0x38;
	[tilespmem:$0x17E80] =	vst v63  }
0x516: {  	s9 =	smov.u32 s0;
	s0 =	smov.u32 s20  }
0x517: {  	s11 =	sadd.s32 $0x1100, s20;
	s0 =	sshra.s32 s0, $0x2;
	s21 =	sadd.s32 $0x13A80, s9  }
0x518: {  	[hbm4b:s8+s4] =	stream.linear.scatter [tilespmem:s21], [sflag:$0xE], $0x80, $0x38;
	[tilespmem:$0x17E80] =	vst v63  }
0x519: {  	p0 =	sne.s32 s20, $0x7700;
	s20 =	sadd.s32 $0x13B08, s9;
	s21 =	sadd.s32 $0x10, s8  }
0x51a: {  	[hbm4b:s21+s4] =	stream.linear.scatter [tilespmem:s20], [sflag:$0xE], $0x80, $0x38;
	[tilespmem:$0x17E80] =	vst v63  }
0x51b: {  	s20 =	sadd.s32 $0x13B90, s9;
	s21 =	sadd.s32 $0x20, s8  }
0x51c: {  	[hbm4b:s21+s4] =	stream.linear.scatter [tilespmem:s20], [sflag:$0xE], $0x80, $0x38;
	[tilespmem:$0x17E80] =	vst v63  }
0x51d: {  	s20 =	sadd.s32 $0x13C18, s9;
	s21 =	sadd.s32 $0x30, s8  }
0x51e: {  	[hbm4b:s21+s4] =	stream.linear.scatter [tilespmem:s20], [sflag:$0xE], $0x80, $0x38;
	[tilespmem:$0x17E80] =	vst v63  }
0x51f: {  	s20 =	sadd.s32 $0x13CA0, s9;
	s21 =	sadd.s32 $0x40, s8  }
0x520: {  	[hbm4b:s21+s4] =	stream.linear.scatter [tilespmem:s20], [sflag:$0xE], $0x80, $0x38;
	[tilespmem:$0x17E80] =	vst v63  }
.Ltmp18:
0x521: {  	s20 =	sadd.s32 $0x13D28, s9;
	s21 =	sadd.s32 $0x50, s8;
	(pc) =	sbr.rel @p0 .LBB2_38-.Ltmp18, $4  }
0x522: {  	[hbm4b:s21+s4] =	stream.linear.scatter [tilespmem:s20], [sflag:$0xE], $0x80, $0x38;
	[tilespmem:$0x17E80] =	vst v63  }
0x523: {  	s24 =	sadd.s32 $0x70, s8;
	s20 =	sadd.s32 $0x13DB0, s9;
	s21 =	sadd.s32 $0x60, s8  }
0x524: {  	[hbm4b:s21+s4] =	stream.linear.scatter [tilespmem:s20], [sflag:$0xE], $0x80, $0x38;
	[tilespmem:$0x17E80] =	vst v63  }
0x525: {  	s8 =	sadd.s32 $0x1000, s8;
	s21 =	sadd.s32 $0x13E38, s9;
	s20 =	smov.u32 s11  }
0x526: {  	[hbm4b:s24+s4] =	stream.linear.scatter [tilespmem:s21], [sflag:$0xE], $0x80, $0x38;
	[tilespmem:$0x17E80] =	vst v63  }
0x527: {  	s9 =	sadd.s32 $0x13A80, s0  }
0x528: {  	[hbm4b:s8+s4] =	stream.linear.scatter [tilespmem:s9], [sflag:$0xE], $0x80, $0x38;
	[tilespmem:$0x17E80] =	vst v63  }
0x529: {  	s31 =	sadd.s32 $0x13B08, s0;
	s11 =	sadd.s32 $0x10, s8  }
0x52a: {  	[hbm4b:s11+s4] =	stream.linear.scatter [tilespmem:s31], [sflag:$0xE], $0x80, $0x38;
	[tilespmem:$0x17E80] =	vst v63  }
0x52b: {  	s20 =	sadd.s32 $0x13B90, s0;
	s21 =	sadd.s32 $0x20, s8  }
0x52c: {  	[hbm4b:s21+s4] =	stream.linear.scatter [tilespmem:s20], [sflag:$0xE], $0x80, $0x38;
	[tilespmem:$0x17E80] =	vst v63  }
0x52d: {  	s24 =	sadd.s32 $0x13C18, s0;
	s25 =	sadd.s32 $0x30, s8  }
0x52e: {  	[hbm4b:s25+s4] =	stream.linear.scatter [tilespmem:s24], [sflag:$0xE], $0x80, $0x38;
	[tilespmem:$0x17E80] =	vst v63  }
0x52f: {  	s28 =	sadd.s32 $0x13CA0, s0;
	s31 =	sadd.s32 $0x40, s8  }
0x530: {  	[hbm4b:s31+s4] =	stream.linear.scatter [tilespmem:s28], [sflag:$0xE], $0x80, $0x38;
	[tilespmem:$0x17E80] =	vst v63  }
0x531: {  	s11 =	sadd.s32 $0x13D28, s0;
	s20 =	sadd.s32 $0x50, s8  }
0x532: {  	[hbm4b:s20+s4] =	stream.linear.scatter [tilespmem:s11], [sflag:$0xE], $0x80, $0x38;
	[tilespmem:$0x17E80] =	vst v63  }
0x533: {  	s21 =	sadd.s32 $0x13DB0, s0;
	s24 =	sadd.s32 $0x60, s8  }
0x534: {  	[hbm4b:s24+s4] =	stream.linear.scatter [tilespmem:s21], [sflag:$0xE], $0x80, $0x38;
	[tilespmem:$0x17E80] =	vst v63  }
0x535: {  	s25 =	sadd.s32 $0x13E38, s0;
	s28 =	sadd.s32 $0x70, s8  }
0x536: {  	[hbm4b:s28+s4] =	stream.linear.scatter [tilespmem:s25], [sflag:$0xE], $0x80, $0x38;
	[tilespmem:$0x17E80] =	vst v63  }
0x537: {  	_ =	swait.ge [sflag:s26], $0x2000  }
0x538: {  	[sflag:s26] =	ssyncset.done $0x0  }
0x539: {  	[sflag:s26] =	ssyncadd.s32 $0xFFFFE000  }
0x53a: {  	s31 =	simm.s32 $0x3;
	s24 =	simm.s32 $0xB570;
	v9 =	vld [tilespmem:$0x31C0]  }
0x53b: {  	v4 =	vmov s31;
	v7 =	vld [tilespmem:s24+$0xFFFFFFD0]  }
0x53c: {  	v13 =	vand.u32 $0x7F, v4  }
0x53d: {  	s8 =	simm.s32 $0x0;
	v8 =	vadd.s32 v0, v13;
	v6 =	vld [tilespmem:$0x31D0]  }
0x53e: {  	s9 =	simm.s32 $0x1;
	v4 =	vmov s8;
	s11 =	simm.s32 $0x2;
	v10 =	vld [tilespmem:s24+$0xFFFFFF10]  }
0x53f: {  	v12 =	vand.u32 $0x7C, v4;
	v4 =	vmov s9;
	v14 =	vmov s11;
	v11 =	vld [tilespmem:s24+$0xFFFFFF50]  }
0x540: {  	v15 =	vadd.s32 v0, v12;
	v19 =	vand.u32 $0x7D, v4;
	v16 =	vld [tilespmem:s24+$0xFFFFFF90];
	v7 =	vadd.f32 v7, v9  }
0x541: {  	v20 =	vand.u32 $0x7E, v14;
	v17 =	vadd.s32 v0, v19;
	v5 =	vld [tilespmem:$0x31E0]  }
0x542: {  	v14 =	vadd.s32 v0, v20;
	v4 =	vld [tilespmem:$0x31F0];
	[tilespmem:v8+s30+$0x0] =	vst.idx.msk $0xffff, v7  }
0x543: {  	v7 =	vadd.f32 v10, v9;
	v8 =	vld [tilespmem:s24+$0xFFFFFFE0]  }
0x544: {  	v10 =	vadd.f32 v11, v9  }
0x545: {  	v11 =	vadd.s32 v1, v13;
	[tilespmem:v15+s30+$0x0] =	vst.idx.msk $0xffff, v7;
	v7 =	vadd.f32 v16, v9  }
0x546: {  	[tilespmem:v17+s30+$0x0] =	vst.idx.msk $0xffff, v10;
	v15 =	vld [tilespmem:s24+$0xFFFFFF20]  }
0x547: {  	v10 =	vld [tilespmem:s24+$0xFFFFFF60];
	[tilespmem:v14+s30+$0x0] =	vst.idx.msk $0xffff, v7  }
0x548: {  	v14 =	vld [tilespmem:s24+$0xFFFFFFA0];
	v7 =	vadd.f32 v8, v6  }
0x549: {  	s8 =	simm.s32 $0xB670;
	s21 =	simm.s32 $0x7;
	v16 =	vadd.s32 v1, v19  }
0x54a: {  	s20 =	simm.s32 $0x4;
	v26 =	vadd.s32 v2, v13;
	v18 =	vld [tilespmem:s8+$0xFFFFFFD0];
	v17 =	vadd.s32 v1, v20;
	[tilespmem:v11+s30+$0x0] =	vst.idx.msk $0xffff, v7;
	v7 =	vmov s21  }
0x54b: {  	v21 =	vadd.s32 v1, v12;
	v8 =	vmov s20;
	v7 =	vand.u32 $0x7F, v7;
	v22 =	vld [tilespmem:s24+$0xFFFFFFF0]  }
0x54c: {  	s25 =	simm.s32 $0x5;
	v23 =	vld [tilespmem:s8+$0xFFFFFF10];
	v8 =	vand.u32 $0x7C, v8;
	v10 =	vadd.f32 v10, v6;
	v24 =	vadd.s32 v0, v7  }
0x54d: {  	s28 =	simm.s32 $0x6;
	v25 =	vld [tilespmem:s8+$0xFFFFFF50];
	v15 =	vadd.f32 v15, v6;
	v11 =	vadd.f32 v14, v6;
	v14 =	vmov s25  }
0x54e: {  	v27 =	vadd.s32 v0, v8;
	[tilespmem:v16+s30+$0x0] =	vst.idx.msk $0xffff, v10;
	v16 =	vmov s28;
	v10 =	vand.u32 $0x7D, v14;
	v14 =	vld [tilespmem:s8+$0xFFFFFF90]  }
0x54f: {  	[tilespmem:v17+s30+$0x0] =	vst.idx.msk $0xffff, v11;
	v17 =	vadd.s32 v0, v10;
	v11 =	vand.u32 $0x7E, v16;
	v16 =	vadd.f32 v18, v9;
	v18 =	vld [tilespmem:s24+$0xFFFFFF70]  }
0x550: {  	[tilespmem:v21+s30+$0x0] =	vst.idx.msk $0xffff, v15;
	v15 =	vadd.s32 v0, v11;
	v21 =	vld [tilespmem:s24+$0xFFFFFFB0];
	v22 =	vadd.f32 v22, v5  }
0x551: {  	v23 =	vadd.f32 v23, v9;
	[tilespmem:v24+s30+$0x0] =	vst.idx.msk $0xffff, v16;
	v16 =	vld [tilespmem:s24+$0xFFFFFF30];
	v24 =	vadd.s32 v2, v19  }
0x552: {  	v29 =	vadd.s32 v2, v20;
	v25 =	vadd.f32 v25, v9;
	v28 =	vld [tilespmem:s8+$0xFFFFFFE0];
	[tilespmem:v26+s30+$0x0] =	vst.idx.msk $0xffff, v22  }
0x553: {  	[tilespmem:v27+s30+$0x0] =	vst.idx.msk $0xffff, v23;
	v23 =	vadd.s32 v2, v12;
	v14 =	vadd.f32 v14, v9;
	v26 =	vld [tilespmem:s24+$0x0]  }
0x554: {  	v27 =	vld [tilespmem:s8+$0xFFFFFF20];
	[tilespmem:v17+s30+$0x0] =	vst.idx.msk $0xffff, v25;
	v25 =	vadd.s32 v1, v7;
	v18 =	vadd.f32 v18, v5  }
0x555: {  	v31 =	vadd.s32 v3, v13;
	v30 =	vld [tilespmem:s8+$0xFFFFFF60];
	[tilespmem:v15+s30+$0x0] =	vst.idx.msk $0xffff, v14;
	v14 =	vadd.f32 v21, v5  }
0x556: {  	v22 =	vadd.s32 v1, v8;
	v17 =	vld [tilespmem:s8+$0xFFFFFFA0];
	v13 =	vadd.f32 v16, v5;
	[tilespmem:v24+s30+$0x0] =	vst.idx.msk $0xffff, v18  }
0x557: {  	s21 =	simm.s32 $0x8;
	v21 =	vadd.s32 v1, v10;
	[tilespmem:v29+s30+$0x0] =	vst.idx.msk $0xffff, v14;
	v18 =	vadd.f32 v28, v6;
	v16 =	vld [tilespmem:s24+$0xFFFFFF80]  }
0x558: {  	v24 =	vmov s21;
	v14 =	vadd.s32 v1, v11;
	v15 =	vld [tilespmem:s24+$0xFFFFFFC0];
	[tilespmem:v23+s30+$0x0] =	vst.idx.msk $0xffff, v13;
	v63 =	vadd.f32 v26, v4  }
0x559: {  	s31 =	simm.s32 $0xB;
	s20 =	simm.s32 $0xB770;
	v19 =	vadd.s32 v3, v19;
	v13 =	vand.u32 $0x7C, v24;
	v24 =	vadd.f32 v27, v6;
	[tilespmem:v25+s30+$0x0] =	vst.idx.msk $0xffff, v18;
	v18 =	vld [tilespmem:s24+$0xFFFFFF40]  }
0x55a: {  	s0 =	simm.s32 $0xC;
	v20 =	vadd.s32 v3, v20;
	v26 =	vmov s31;
	v23 =	vld [tilespmem:s20+$0xFFFFFFD0];
	v25 =	vadd.f32 v30, v6;
	[tilespmem:v31+s30+$0x0] =	vst.idx.msk $0xffff, v63  }
.LBB2_40:
0x55b: {  	p0 =	slt.u32 s0, $0x7C;
	s9 =	sadd.s32 $0x1, s21;
	v26 =	vand.u32 $0x7F, v26;
	[tilespmem:v22+s30+$0x0] =	vst.idx.msk $0xffff, v24;
	v17 =	vadd.f32 v17, v6;
	v22 =	vld [tilespmem:s8+$0xFFFFFFF0];
	v24 =	vadd.s32 v3, v12  }
0x55c: {  	v30 =	vmovc v11;
	v27 =	vld [tilespmem:s20+$0xFFFFFF10];
	v28 =	vmov s9;
	s9 =	sadd.s32 $0x2, s21;
	v29 =	vadd.s32 v0, v26;
	[tilespmem:v21+s30+$0x0] =	vst.idx.msk $0xffff, v25;
	v16 =	vadd.f32 v16, v4;
	s21 =	smov.u32 s0  }
0x55d: {  	v12 =	vmovc v8;
	v21 =	vld [tilespmem:s20+$0xFFFFFF50];
	v11 =	vmov s9;
	[tilespmem:v14+s30+$0x0] =	vst.idx.msk $0xffff, v17;
	v14 =	vadd.s32 v2, v7;
	v15 =	vadd.f32 v15, v4  }
0x55e: {  	v17 =	vadd.s32 v0, v13;
	v28 =	vand.u32 $0x7D, v28;
	v25 =	vld [tilespmem:s20+$0xFFFFFF90];
	v31 =	vadd.f32 v18, v4;
	[tilespmem:v19+s30+$0x0] =	vst.idx.msk $0xffff, v16  }
0x55f: {  	v16 =	vadd.s32 v0, v28;
	v11 =	vand.u32 $0x7E, v11;
	v18 =	vadd.f32 v23, v9;
	v19 =	vld [tilespmem:s8+$0xFFFFFF70];
	[tilespmem:v20+s30+$0x0] =	vst.idx.msk $0xffff, v15  }
0x560: {  	v8 =	vmov v13;
	v15 =	vadd.s32 v0, v11;
	v20 =	vld [tilespmem:s8+$0xFFFFFFB0];
	v22 =	vadd.f32 v22, v5;
	[tilespmem:v24+s30+$0x0] =	vst.idx.msk $0xffff, v31  }
0x561: {  	v23 =	vadd.s32 v2, v10;
	v13 =	vadd.f32 v27, v9;
	[tilespmem:v29+s30+$0x0] =	vst.idx.msk $0xffff, v18;
	v18 =	vld [tilespmem:s8+$0xFFFFFF30]  }
0x562: {  	v27 =	vadd.s32 v2, v30;
	v21 =	vadd.f32 v21, v9;
	v24 =	vld [tilespmem:s20+$0xFFFFFFE0];
	[tilespmem:v14+s30+$0x0] =	vst.idx.msk $0xffff, v22  }
0x563: {  	[tilespmem:v17+s30+$0x0] =	vst.idx.msk $0xffff, v13;
	v13 =	vadd.f32 v25, v9;
	v25 =	vadd.s32 v2, v12;
	v29 =	vld [tilespmem:s8+$0x0]  }
0x564: {  	v32 =	vadd.s32 v1, v26;
	v31 =	vld [tilespmem:s20+$0xFFFFFF20];
	[tilespmem:v16+s30+$0x0] =	vst.idx.msk $0xffff, v21;
	v14 =	vadd.f32 v19, v5  }
0x565: {  	v34 =	vadd.s32 v3, v7;
	v7 =	vmov v26;
	v33 =	vld [tilespmem:s20+$0xFFFFFF60];
	[tilespmem:v15+s30+$0x0] =	vst.idx.msk $0xffff, v13;
	v13 =	vadd.f32 v20, v5  }
.Ltmp19:
0x566: {  	v22 =	vadd.s32 v1, v8;
	v17 =	vld [tilespmem:s20+$0xFFFFFFA0];
	v15 =	vadd.f32 v18, v5;
	[tilespmem:v23+s30+$0x0] =	vst.idx.msk $0xffff, v14;
	(pc) =	sbr.rel @p0 .LBB2_40-.Ltmp19, $4  }
0x567: {  	v21 =	vadd.s32 v1, v28;
	v18 =	vadd.f32 v24, v6;
	v16 =	vld [tilespmem:s8+$0xFFFFFF80];
	[tilespmem:v27+s30+$0x0] =	vst.idx.msk $0xffff, v13  }
0x568: {  	v14 =	vadd.s32 v1, v11;
	v13 =	vmov s0;
	[tilespmem:v25+s30+$0x0] =	vst.idx.msk $0xffff, v15;
	v15 =	vld [tilespmem:s8+$0xFFFFFFC0];
	v27 =	vadd.f32 v29, v4  }
0x569: {  	s9 =	sadd.s32 $0x3, s0;
	v19 =	vadd.s32 v3, v10;
	v13 =	vand.u32 $0x7C, v13;
	v24 =	vadd.f32 v31, v6;
	[tilespmem:v32+s30+$0x0] =	vst.idx.msk $0xffff, v18;
	v18 =	vld [tilespmem:s8+$0xFFFFFF40];
	s8 =	smov.u32 s20;
	s20 =	sadd.s32 $0x100, s20  }
0x56a: {  	v26 =	vmov s9;
	v10 =	vmovc v28;
	v20 =	vadd.s32 v3, v30;
	s0 =	sadd.s32 $0x4, s0;
	v23 =	vld [tilespmem:s20+$0xFFFFFFD0];
	v25 =	vadd.f32 v33, v6;
	[tilespmem:v34+s30+$0x0] =	vst.idx.msk $0xffff, v27  }
0x56b: {  	s0 =	sadd.s32 $0x1, s21  }
0x56c: {  	v26 =	vand.u32 $0x7F, v26;
	s11 =	sadd.s32 $0x2, s21;
	v28 =	vld [tilespmem:s20+$0xFFFFFF50];
	v27 =	vmov s0  }
0x56d: {  	v31 =	vld [tilespmem:s20+$0xFFFFFF90];
	v29 =	vadd.s32 v0, v26;
	v30 =	vmov s11;
	v27 =	vand.u32 $0x7D, v27  }
0x56e: {  	v32 =	vld [tilespmem:s20+$0xFFFFFF10];
	v30 =	vand.u32 $0x7E, v30;
	v33 =	vadd.s32 v0, v27  }
0x56f: {  	v34 =	vadd.s32 v0, v30  }
0x570: {  	[tilespmem:v22+s30+$0x0] =	vst.idx.msk $0xffff, v24;
	v44 =	vadd.s32 v0, v13;
	v23 =	vadd.f32 v23, v9  }
0x571: {  	[tilespmem:v21+s30+$0x0] =	vst.idx.msk $0xffff, v25;
	v45 =	vadd.f32 v28, v9  }
0x572: {  	v46 =	vadd.f32 v31, v9;
	[tilespmem:v29+s30+$0x0] =	vst.idx.msk $0xffff, v23  }
0x573: {  	v47 =	vadd.f32 v32, v9;
	v48 =	vld [tilespmem:s20+$0xFFFFFFE0];
	[tilespmem:v33+s30+$0x0] =	vst.idx.msk $0xffff, v45  }
0x574: {  	v17 =	vadd.f32 v17, v6;
	v12 =	vadd.s32 v3, v12;
	[tilespmem:v34+s30+$0x0] =	vst.idx.msk $0xffff, v46;
	v21 =	vld [tilespmem:s20+$0xFFFFFF60]  }
0x575: {  	v16 =	vadd.f32 v16, v4;
	v49 =	vadd.s32 v1, v26;
	[tilespmem:v44+s30+$0x0] =	vst.idx.msk $0xffff, v47;
	v50 =	vld [tilespmem:s20+$0xFFFFFFA0]  }
0x576: {  	[tilespmem:v14+s30+$0x0] =	vst.idx.msk $0xffff, v17;
	v51 =	vadd.f32 v15, v4;
	v53 =	vadd.s32 v1, v27;
	v52 =	vld [tilespmem:s20+$0xFFFFFF20]  }
0x577: {  	v54 =	vld [tilespmem:s8+$0xFFFFFFF0];
	v18 =	vadd.f32 v18, v4;
	[tilespmem:v19+s30+$0x0] =	vst.idx.msk $0xffff, v16;
	v55 =	vadd.s32 v1, v30  }
0x578: {  	v57 =	vadd.s32 v1, v13;
	v60 =	vld [tilespmem:s8+$0xFFFFFFB0];
	[tilespmem:v20+s30+$0x0] =	vst.idx.msk $0xffff, v51;
	v58 =	vadd.f32 v48, v6  }
0x579: {  	v59 =	vadd.s32 v2, v7;
	v56 =	vld [tilespmem:s8+$0xFFFFFF70];
	[tilespmem:v12+s30+$0x0] =	vst.idx.msk $0xffff, v18;
	v61 =	vadd.f32 v21, v6  }
0x57a: {  	v62 =	vld [tilespmem:s8+$0xFFFFFF30];
	v29 =	vadd.s32 v2, v11;
	[tilespmem:v49+s30+$0x0] =	vst.idx.msk $0xffff, v58;
	v28 =	vadd.f32 v50, v6  }
0x57b: {  	v63 =	vadd.s32 v2, v10;
	v31 =	vadd.f32 v52, v6;
	v32 =	vld [tilespmem:s20+$0xFFFFFFF0];
	[tilespmem:v53+s30+$0x0] =	vst.idx.msk $0xffff, v61  }
0x57c: {  	v33 =	vadd.f32 v54, v5;
	v34 =	vadd.s32 v2, v8;
	[tilespmem:v55+s30+$0x0] =	vst.idx.msk $0xffff, v28;
	v35 =	vld [tilespmem:s20+$0xFFFFFF70]  }
0x57d: {  	v37 =	vadd.s32 v2, v26;
	v39 =	vadd.f32 v60, v5;
	[tilespmem:v57+s30+$0x0] =	vst.idx.msk $0xffff, v31;
	v38 =	vld [tilespmem:s20+$0xFFFFFFB0]  }
0x57e: {  	v41 =	vadd.s32 v2, v27;
	v36 =	vadd.f32 v56, v5;
	[tilespmem:v59+s30+$0x0] =	vst.idx.msk $0xffff, v33;
	v40 =	vld [tilespmem:s20+$0xFFFFFF30]  }
0x57f: {  	v43 =	vadd.s32 v2, v30;
	v18 =	vadd.f32 v62, v5;
	v42 =	vld [tilespmem:s8+$0x0];
	[tilespmem:v29+s30+$0x0] =	vst.idx.msk $0xffff, v39  }
0x580: {  	v45 =	vadd.s32 v2, v13;
	[tilespmem:v63+s30+$0x0] =	vst.idx.msk $0xffff, v36;
	v47 =	vld [tilespmem:s8+$0xFFFFFFC0];
	v44 =	vadd.f32 v32, v5  }
0x581: {  	v46 =	vadd.s32 v3, v7;
	[tilespmem:v34+s30+$0x0] =	vst.idx.msk $0xffff, v18;
	v21 =	vld [tilespmem:s8+$0xFFFFFF80];
	v9 =	vadd.f32 v35, v5  }
0x582: {  	v18 =	vld [tilespmem:s8+$0xFFFFFF40];
	v50 =	vadd.s32 v3, v11;
	[tilespmem:v37+s30+$0x0] =	vst.idx.msk $0xffff, v44;
	v49 =	vadd.f32 v38, v5  }
0x583: {  	v48 =	vadd.s32 v3, v10;
	v5 =	vadd.f32 v40, v5;
	v12 =	vld [tilespmem:s20+$0x0];
	[tilespmem:v41+s30+$0x0] =	vst.idx.msk $0xffff, v9  }
0x584: {  	v52 =	vadd.s32 v3, v8;
	v51 =	vadd.f32 v42, v4;
	[tilespmem:v43+s30+$0x0] =	vst.idx.msk $0xffff, v49;
	v53 =	vld [tilespmem:s20+$0xFFFFFF80]  }
0x585: {  	v55 =	vadd.s32 v3, v26;
	v56 =	vadd.f32 v47, v4;
	[tilespmem:v45+s30+$0x0] =	vst.idx.msk $0xffff, v5;
	v5 =	vld [tilespmem:s20+$0xFFFFFFC0]  }
0x586: {  	v58 =	vadd.s32 v3, v27;
	[tilespmem:v46+s30+$0x0] =	vst.idx.msk $0xffff, v51;
	v54 =	vadd.f32 v21, v4;
	v57 =	vld [tilespmem:s20+$0xFFFFFF40]  }
0x587: {  	v60 =	vadd.s32 v3, v30;
	v59 =	vadd.f32 v18, v4;
	[tilespmem:v50+s30+$0x0] =	vst.idx.msk $0xffff, v56  }
0x588: {  	v62 =	vadd.s32 v3, v13;
	[tilespmem:v48+s30+$0x0] =	vst.idx.msk $0xffff, v54;
	v61 =	vadd.f32 v12, v4  }
0x589: {  	[tilespmem:v52+s30+$0x0] =	vst.idx.msk $0xffff, v59;
	v63 =	vadd.f32 v53, v4  }
0x58a: {  	[tilespmem:v55+s30+$0x0] =	vst.idx.msk $0xffff, v61;
	v5 =	vadd.f32 v5, v4  }
0x58b: {  	v4 =	vadd.f32 v57, v4;
	[tilespmem:v58+s30+$0x0] =	vst.idx.msk $0xffff, v63  }
0x58c: {  	[tilespmem:v60+s30+$0x0] =	vst.idx.msk $0xffff, v5  }
0x58d: {  	[tilespmem:v62+s30+$0x0] =	vst.idx.msk $0xffff, v4  }
0x58e: {  	s21 =	simm.s32 $0x15C80;
	s9 =	rddreg [dreg:$0xe]  }
0x58f: {  	[hbm4b:s9+s4] =	stream.linear.scatter [tilespmem:s21], [sflag:$0xF], $0x80, $0x38;
	[tilespmem:$0x17E80] =	vst v63  }
0x590: {  	s24 =	simm.s32 $0x15D08;
	s25 =	sadd.s32 $0x10, s9  }
0x591: {  	[hbm4b:s25+s4] =	stream.linear.scatter [tilespmem:s24], [sflag:$0xF], $0x80, $0x38;
	[tilespmem:$0x17E80] =	vst v63  }
0x592: {  	s28 =	simm.s32 $0x15D90;
	s0 =	simm.s32 $0x440;
	s31 =	sadd.s32 $0x20, s9  }
0x593: {  	[hbm4b:s31+s4] =	stream.linear.scatter [tilespmem:s28], [sflag:$0xF], $0x80, $0x38;
	[tilespmem:$0x17E80] =	vst v63  }
0x594: {  	s8 =	simm.s32 $0x15E18;
	s20 =	simm.s32 $0x15EA0;
	s11 =	sadd.s32 $0x30, s9  }
0x595: {  	[hbm4b:s11+s4] =	stream.linear.scatter [tilespmem:s8], [sflag:$0xF], $0x80, $0x38;
	[tilespmem:$0x17E80] =	vst v63  }
0x596: {  	s21 =	sadd.s32 $0x40, s9;
	s24 =	simm.s32 $0x15F28;
	s25 =	sadd.s32 $0x50, s9  }
0x597: {  	[hbm4b:s21+s4] =	stream.linear.scatter [tilespmem:s20], [sflag:$0xF], $0x80, $0x38;
	[tilespmem:$0x17E80] =	vst v63  }
0x598: {  	s28 =	simm.s32 $0x15FB0;
	s31 =	sadd.s32 $0x60, s9;
	s8 =	sadd.s32 $0x1000, s9  }
0x599: {  	[hbm4b:s25+s4] =	stream.linear.scatter [tilespmem:s24], [sflag:$0xF], $0x80, $0x38;
	[tilespmem:$0x17E80] =	vst v63  }
0x59a: {  	s20 =	simm.s32 $0x2200;
	s21 =	simm.s32 $0x16038;
	s24 =	sadd.s32 $0x70, s9  }
0x59b: {  	[hbm4b:s31+s4] =	stream.linear.scatter [tilespmem:s28], [sflag:$0xF], $0x80, $0x38;
	[tilespmem:$0x17E80] =	vst v63  }
.LBB2_42:
0x59c: {  	[hbm4b:s24+s4] =	stream.linear.scatter [tilespmem:s21], [sflag:$0xF], $0x80, $0x38;
	[tilespmem:$0x17E80] =	vst v63  }
0x59d: {  	s9 =	smov.u32 s0;
	s0 =	smov.u32 s20  }
0x59e: {  	s11 =	sadd.s32 $0x1100, s20;
	s0 =	sshra.s32 s0, $0x2;
	s21 =	sadd.s32 $0x15C80, s9  }
0x59f: {  	[hbm4b:s8+s4] =	stream.linear.scatter [tilespmem:s21], [sflag:$0xF], $0x80, $0x38;
	[tilespmem:$0x17E80] =	vst v63  }
0x5a0: {  	p0 =	sne.s32 s20, $0x7700;
	s20 =	sadd.s32 $0x15D08, s9;
	s21 =	sadd.s32 $0x10, s8  }
0x5a1: {  	[hbm4b:s21+s4] =	stream.linear.scatter [tilespmem:s20], [sflag:$0xF], $0x80, $0x38;
	[tilespmem:$0x17E80] =	vst v63  }
0x5a2: {  	s20 =	sadd.s32 $0x15D90, s9;
	s21 =	sadd.s32 $0x20, s8  }
0x5a3: {  	[hbm4b:s21+s4] =	stream.linear.scatter [tilespmem:s20], [sflag:$0xF], $0x80, $0x38;
	[tilespmem:$0x17E80] =	vst v63  }
0x5a4: {  	s20 =	sadd.s32 $0x15E18, s9;
	s21 =	sadd.s32 $0x30, s8  }
0x5a5: {  	[hbm4b:s21+s4] =	stream.linear.scatter [tilespmem:s20], [sflag:$0xF], $0x80, $0x38;
	[tilespmem:$0x17E80] =	vst v63  }
0x5a6: {  	s20 =	sadd.s32 $0x15EA0, s9;
	s21 =	sadd.s32 $0x40, s8  }
0x5a7: {  	[hbm4b:s21+s4] =	stream.linear.scatter [tilespmem:s20], [sflag:$0xF], $0x80, $0x38;
	[tilespmem:$0x17E80] =	vst v63  }
.Ltmp20:
0x5a8: {  	s20 =	sadd.s32 $0x15F28, s9;
	s21 =	sadd.s32 $0x50, s8;
	(pc) =	sbr.rel @p0 .LBB2_42-.Ltmp20, $4  }
0x5a9: {  	[hbm4b:s21+s4] =	stream.linear.scatter [tilespmem:s20], [sflag:$0xF], $0x80, $0x38;
	[tilespmem:$0x17E80] =	vst v63  }
0x5aa: {  	s24 =	sadd.s32 $0x70, s8;
	s20 =	sadd.s32 $0x15FB0, s9;
	s21 =	sadd.s32 $0x60, s8  }
0x5ab: {  	[hbm4b:s21+s4] =	stream.linear.scatter [tilespmem:s20], [sflag:$0xF], $0x80, $0x38;
	[tilespmem:$0x17E80] =	vst v63  }
0x5ac: {  	s8 =	sadd.s32 $0x1000, s8;
	s21 =	sadd.s32 $0x16038, s9;
	s20 =	smov.u32 s11  }
0x5ad: {  	[hbm4b:s24+s4] =	stream.linear.scatter [tilespmem:s21], [sflag:$0xF], $0x80, $0x38;
	[tilespmem:$0x17E80] =	vst v63  }
0x5ae: {  	s9 =	sadd.s32 $0x15C80, s0  }
0x5af: {  	[hbm4b:s8+s4] =	stream.linear.scatter [tilespmem:s9], [sflag:$0xF], $0x80, $0x38;
	[tilespmem:$0x17E80] =	vst v63  }
0x5b0: {  	s21 =	sadd.s32 $0x15D08, s0;
	s11 =	sadd.s32 $0x10, s8  }
0x5b1: {  	[hbm4b:s11+s4] =	stream.linear.scatter [tilespmem:s21], [sflag:$0xF], $0x80, $0x38;
	[tilespmem:$0x17E80] =	vst v63  }
0x5b2: {  	s24 =	sadd.s32 $0x15D90, s0;
	s25 =	sadd.s32 $0x20, s8  }
0x5b3: {  	[hbm4b:s25+s4] =	stream.linear.scatter [tilespmem:s24], [sflag:$0xF], $0x80, $0x38;
	[tilespmem:$0x17E80] =	vst v63  }
0x5b4: {  	s28 =	sadd.s32 $0x15E18, s0;
	s31 =	sadd.s32 $0x30, s8  }
0x5b5: {  	[hbm4b:s31+s4] =	stream.linear.scatter [tilespmem:s28], [sflag:$0xF], $0x80, $0x38;
	[tilespmem:$0x17E80] =	vst v63  }
0x5b6: {  	s20 =	sadd.s32 $0x15EA0, s0;
	s21 =	sadd.s32 $0x40, s8  }
0x5b7: {  	[hbm4b:s21+s4] =	stream.linear.scatter [tilespmem:s20], [sflag:$0xF], $0x80, $0x38;
	[tilespmem:$0x17E80] =	vst v63  }
0x5b8: {  	s24 =	sadd.s32 $0x15F28, s0;
	s25 =	sadd.s32 $0x50, s8  }
0x5b9: {  	[hbm4b:s25+s4] =	stream.linear.scatter [tilespmem:s24], [sflag:$0xF], $0x80, $0x38;
	[tilespmem:$0x17E80] =	vst v63  }
0x5ba: {  	s28 =	sadd.s32 $0x15FB0, s0;
	s31 =	sadd.s32 $0x60, s8  }
0x5bb: {  	[hbm4b:s31+s4] =	stream.linear.scatter [tilespmem:s28], [sflag:$0xF], $0x80, $0x38;
	[tilespmem:$0x17E80] =	vst v63  }
0x5bc: {  	s20 =	sadd.s32 $0x16038, s0;
	s21 =	sadd.s32 $0x70, s8;
	s24 =	simm.s32 $0xB  }
0x5bd: {  	[hbm4b:s21+s4] =	stream.linear.scatter [tilespmem:s20], [sflag:$0xF], $0x80, $0x38;
	[tilespmem:$0x17E80] =	vst v63  }
0x5be: {  	_ =	swait.ge [sflag:s24], $0x2000  }
0x5bf: {  	[sflag:s24] =	ssyncset.done $0x0  }
0x5c0: {  	s25 =	simm.s32 $0xC;
	[sflag:s24] =	ssyncadd.s32 $0xFFFFE000  }
0x5c1: {  	_ =	swait.ge [sflag:s25], $0x2000  }
0x5c2: {  	[sflag:s25] =	ssyncset.done $0x0  }
0x5c3: {  	[sflag:s25] =	ssyncadd.s32 $0xFFFFE000  }
0x5c4: {  	_ =	swait.ge [sflag:s23], $0x2000  }
0x5c5: {  	[sflag:s23] =	ssyncset.done $0x0  }
0x5c6: {  	[sflag:s23] =	ssyncadd.s32 $0xFFFFE000  }
0x5c7: {  	_ =	swait.ge [sflag:s2], $0x2000  }
0x5c8: {  	[sflag:s2] =	ssyncset.done $0x0  }
0x5c9: {  	[sflag:s2] =	ssyncadd.s32 $0xFFFFE000  }
0x5ca: {  	_ =	swait.ge [sflag:s13], $0x2000  }
0x5cb: {  	s28 =	rddreg [dreg:$0x10]  }
0x5cc: {  	s31 =	rddreg [dreg:$0xf];
	s8 =	sadd.s32 $0x1, s28  }
0x5cd: {  	p0 =	sne.s32 s8, s31  }
.Ltmp21:
0x5ce: {  	_ = 	snop;
	(pc) =	sbr.rel @p0 .LBB2_1-.Ltmp21, $3  }
0x5cf: {  	_ =	sdelay $0x1  }
0x5d0: {  	[sflag:s13] =	ssyncset.done $0x0  }
0x5d1: {  	[sflag:s13] =	ssyncadd.s32 $0xFFFFE000  }
0x5d2: {  	_ =	sfence.sel $0x180000  }
0x5d3: {  	[bflag:$0x0] =	sbarrier.arrive $0xFFFF  }
0x5d4: {  	_ =	strace $0x90000047  }
0x5d5: {  	s0 =	stileid.u32;
	[bflag:$0x2] =	sbarrier.arrive $0xFFFF  }
0x5d6: {  	p0 =	sne.s32 s0, $0x0;
	s0 =	rddreg [dreg:$0x3]  }
0x5d7: {  	s0 =	sadd.s32 @!p0 $0x100000, s0  }
0x5d8: {  	[sflag:s0] =	ssyncadd.tile.s32 @!p0 $0x1;
	_ =	shalt  }
.Lfunc_end2:
_tile_overlayer_lowered:
.L_overlay_start_2:
0x5d9: {  	(tag) =	ssettag $0x2  }
0x5da: {  	s0 =	rddreg [dreg:$0x0];
	s2 =	stileid.u32  }
0x5db: {  	s1 =	rddreg [dreg:$0x1];
	p0 =	sne.s32 s2, $0x0  }
0x5dc: {  	s3 =	rddreg [dreg:$0x2];
	[bflag:$0x3] =	sbarrier.arrive $0xFFFF;
	s2 =	simm.s32 @!p0 $0x1C10  }
0x5dd: {  	[timem:s3], [sflag:s2] =	dma.local @!p0 [hbm:s0], s1  }
0x5de: {  	s0 =	simm.s32 @!p0 $0x10  }
0x5df: {  	_ =	swait.ge @!p0 [sflag:s0], s1  }
0x5e0: {  	s1 =	ssub.s32 @!p0 $0x0, s1;
	[sflag:s0] =	ssyncset.done @!p0 $0x0  }
0x5e1: {  	[sflag:s0] =	ssyncadd.s32 @!p0 s1  }
0x5e2: {  	[bflag:$0x3] =	sbarrier.arrive $0xFFFF  }
0x5e3: {  	_ =	shalt  }

</sc_bundles>
